<compile_context>
chip_gen: v7x
topology: tpu7x:2x2x1
jax: 0.10.2.dev20260603
libtpu: 0.0.44.dev20260713+nightly
codegen_flags: <defaults>
</compile_context>

<pallas_src>
import functools
import math

import jax
import jax.numpy as jnp
import numpy as np
from jax import lax
from jax.experimental import pallas as pl
from jax.experimental.pallas import tpu as pltpu
from jax.experimental.pallas import tpu_sc as plsc

_N = 10000
_E = 320000
_H = 128
_NRBF = 64
_NB = 64
_CUTOFF = 5.0

_NC = 2
_NS = 16
_NW = _NC * _NS

_E_PAD = 327680
_EW = _E_PAD // _NW
_KE = 128
_EBLK = _EW // _KE

_N_PAD = 10240
_KN = 40
_NBLK = (_N_PAD // _NW) // _KN

_STRIPE = _N_PAD // _NS

_TN = 2000
_TE = 1024

_OFFS = np.linspace(0.0, _CUTOFF, _NRBF).astype(np.float32)
_COEFF = float(-0.5 / (_OFFS[1] - _OFFS[0]) ** 2)

_NBUF = 4
_NBUF_SC = 2


def _sc_mesh():
    return plsc.VectorSubcoreMesh(core_axis_name="c", subcore_axis_name="s")


_SC_PARAMS = pltpu.CompilerParams(needs_layout_passes=False)


def _sc_edge_d2(posx, posy, posz, src, dst):

    @functools.partial(
        pl.kernel,
        mesh=_sc_mesh(),
        compiler_params=_SC_PARAMS,
        out_type=jax.ShapeDtypeStruct((_E_PAD,), jnp.float32),
        scratch_types=[
            pltpu.VMEM((_N_PAD,), jnp.float32),
            pltpu.VMEM((_N_PAD,), jnp.float32),
            pltpu.VMEM((_N_PAD,), jnp.float32),
            pltpu.VMEM((_EW,), jnp.int32),
            pltpu.VMEM((_EW,), jnp.int32),
            pltpu.VMEM((_EW,), jnp.float32),
        ],
    )
    def k(px_h, py_h, pz_h, src_h, dst_h, out_h, px, py, pz, sb, db, d2b):
        cid = lax.axis_index("c")
        sid = lax.axis_index("s")
        base = (cid * _NS + sid) * _EW
        pltpu.sync_copy(px_h, px)
        pltpu.sync_copy(py_h, py)
        pltpu.sync_copy(pz_h, pz)
        pltpu.sync_copy(src_h.at[pl.ds(base, _EW)], sb)
        pltpu.sync_copy(dst_h.at[pl.ds(base, _EW)], db)

        def body(j, carry):
            o = j * 16
            si = sb[pl.ds(o, 16)]
            di = db[pl.ds(o, 16)]
            dx = plsc.load_gather(px, [di]) - plsc.load_gather(px, [si])
            dy = plsc.load_gather(py, [di]) - plsc.load_gather(py, [si])
            dz = plsc.load_gather(pz, [di]) - plsc.load_gather(pz, [si])
            d2b[pl.ds(o, 16)] = dx * dx + dy * dy + dz * dz
            return carry

        lax.fori_loop(0, _EW // 16, body, 0)
        pltpu.sync_copy(d2b, out_h.at[pl.ds(base, _EW)])

    return k(posx, posy, posz, src, dst)


def _sc_gather_rows(table, idx, nblocks, k_rows):
    total = _NW * nblocks * k_rows
    per_w = nblocks * k_rows
    nsteps = nblocks // _NBUF

    @functools.partial(
        pl.kernel,
        mesh=_sc_mesh(),
        compiler_params=_SC_PARAMS,
        out_type=jax.ShapeDtypeStruct((total, _H), jnp.float32),
        scratch_types=[
            pltpu.VMEM((per_w,), jnp.int32),
            pltpu.VMEM((_NBUF, k_rows, _H), jnp.float32),
        ] + [pltpu.SemaphoreType.DMA] * (2 * _NBUF),
    )
    def k(table_h, idx_h, out_h, idx_v, bufs, *sems):
        gsem = sems[:_NBUF]
        ssem = sems[_NBUF:]
        cid = lax.axis_index("c")
        sid = lax.axis_index("s")
        wid = cid * _NS + sid
        base = wid * per_w
        pltpu.sync_copy(idx_h.at[pl.ds(base, per_w)], idx_v)

        def fire(blk, s):
            pltpu.async_copy(
                table_h.at[idx_v.at[pl.ds(blk * k_rows, k_rows)]],
                bufs.at[s], gsem[s])

        for s in range(_NBUF):
            fire(s, s)

        def body(kk, carry):
            for s in range(_NBUF):
                blk = kk * _NBUF + s
                pltpu.make_async_copy(
                    table_h.at[idx_v.at[pl.ds(0, k_rows)]],
                    bufs.at[s], gsem[s]).wait()
                pltpu.async_copy(
                    bufs.at[s],
                    out_h.at[pl.ds(base + blk * k_rows, k_rows)], ssem[s])
                pltpu.make_async_copy(
                    bufs.at[s],
                    out_h.at[pl.ds(base, k_rows)], ssem[s]).wait()
                nxt = blk + _NBUF

                @pl.when(nxt < nblocks)
                def _():
                    fire(nxt, s)
            return carry

        lax.fori_loop(0, nsteps, body, 0)

    return k(table, idx)


_KG = 64
_GBLK = _EW // _KG
_YSTRIPE = _N // _NS


def _sc_gather_edges(table, idx):

    @functools.partial(
        pl.kernel,
        mesh=_sc_mesh(),
        compiler_params=_SC_PARAMS,
        out_type=jax.ShapeDtypeStruct((_E_PAD, _H), jnp.float32),
        scratch_types=[
            pltpu.VMEM((_EW,), jnp.int32),
            pltpu.VMEM((_NBUF, _KG, _H), jnp.float32),
            pltpu.VMEM_SHARED((_N, _H), jnp.float32),
        ] + [pltpu.SemaphoreType.DMA] * (2 * _NBUF),
    )
    def k(table_h, idx_h, out_h, idx_v, bufs, ytab, *sems):
        gsem = sems[:_NBUF]
        ssem = sems[_NBUF:]
        cid = lax.axis_index("c")
        sid = lax.axis_index("s")
        wid = cid * _NS + sid
        base = wid * _EW

        @pl.when(sid < 15)
        def _():
            pltpu.sync_copy(table_h.at[pl.ds(sid * 640, 640)],
                            ytab.at[pl.ds(sid * 640, 640)])

        @pl.when(sid == 15)
        def _():
            pltpu.sync_copy(table_h.at[pl.ds(9600, _N - 9600)],
                            ytab.at[pl.ds(9600, _N - 9600)])

        pltpu.sync_copy(idx_h.at[pl.ds(base, _EW)], idx_v)
        plsc.subcore_barrier()

        def fire(blk, s):
            pltpu.async_copy(
                ytab.at[idx_v.at[pl.ds(blk * _KG, _KG)]],
                bufs.at[s], gsem[s])

        for s in range(_NBUF):
            fire(s, s)

        def body(kk, carry):
            for s in range(_NBUF):
                blk = kk * _NBUF + s
                pltpu.make_async_copy(
                    table_h.at[pl.ds(0, _KG)],
                    bufs.at[s], gsem[s]).wait()
                pltpu.async_copy(
                    bufs.at[s],
                    out_h.at[pl.ds(base + blk * _KG, _KG)], ssem[s])
                pltpu.make_async_copy(
                    bufs.at[s],
                    out_h.at[pl.ds(0, _KG)], ssem[s]).wait()
                nxt = blk + _NBUF

                @pl.when(nxt < _GBLK)
                def _():
                    fire(nxt, s)
            return carry

        lax.fori_loop(0, _GBLK // _NBUF, body, 0)

    return k(table, idx)


def _sc_scatter_add(msg, dst, zeros_pad):

    nsteps = _EBLK // _NBUF_SC

    @functools.partial(
        pl.kernel,
        mesh=_sc_mesh(),
        compiler_params=_SC_PARAMS,
        out_type=jax.ShapeDtypeStruct((2 * _N_PAD, _H), jnp.float32),
        scratch_types=[
            pltpu.VMEM((_EBLK, _KE), jnp.int32),
            pltpu.VMEM((_NBUF_SC, _KE, _H), jnp.float32),
            pltpu.VMEM_SHARED((_N_PAD, _H), jnp.float32),
        ] + [pltpu.SemaphoreType.DMA] * (2 * _NBUF_SC),
    )
    def k(msg_h, dst_h, z_h, out_h, idx_v, bufs, agg, *sems):
        lsem = sems[:_NBUF_SC]
        csem = sems[_NBUF_SC:]
        cid = lax.axis_index("c")
        sid = lax.axis_index("s")
        wid = cid * _NS + sid
        pltpu.sync_copy(z_h.at[pl.ds(sid * _STRIPE, _STRIPE)],
                        agg.at[pl.ds(sid * _STRIPE, _STRIPE)])
        pltpu.sync_copy(dst_h.at[pl.ds(wid * _EBLK, _EBLK)], idx_v)
        plsc.subcore_barrier()

        def fire(blk, s):
            pltpu.async_copy(
                msg_h.at[pl.ds((wid * _EBLK + blk) * _KE, _KE)],
                bufs.at[s], lsem[s])

        for s in range(_NBUF_SC):
            fire(s, s)

        def body(kk, carry):
            for s in range(_NBUF_SC):
                blk = kk * _NBUF_SC + s
                pltpu.make_async_copy(
                    msg_h.at[pl.ds(0, _KE)], bufs.at[s], lsem[s]).wait()
                pltpu.async_copy(bufs.at[s], agg.at[idx_v.at[blk]],
                                 csem[s], add=True)
                pltpu.make_async_copy(
                    bufs.at[s], agg.at[idx_v.at[0]], csem[s]).wait()
                nxt = blk + _NBUF_SC

                @pl.when(nxt < _EBLK)
                def _():
                    fire(nxt, s)
            return carry

        lax.fori_loop(0, nsteps, body, 0)
        plsc.subcore_barrier()
        pltpu.sync_copy(agg.at[pl.ds(sid * _STRIPE, _STRIPE)],
                        out_h.at[pl.ds(cid * _N_PAD + sid * _STRIPE, _STRIPE)])

    return k(msg, dst, zeros_pad)


def _tc_node_linear(x, w):
    def body(x_ref, w_ref, o_ref):
        o_ref[...] = jnp.dot(x_ref[...], w_ref[...],
                             preferred_element_type=jnp.float32)

    return pl.pallas_call(
        body,
        grid=(_N // _TN,),
        in_specs=[pl.BlockSpec((_TN, _H), lambda i: (i, 0)),
                  pl.BlockSpec((_H, _H), lambda i: (0, 0))],
        out_specs=pl.BlockSpec((_TN, _H), lambda i: (i, 0)),
        out_shape=jax.ShapeDtypeStruct((_N, _H), jnp.float32),
    )(x, w)


def _tc_filter_msg(d2, ys, w1, b1, w2, b2):
    step = _CUTOFF / (_NRBF - 1)

    def body(d2_ref, ys_ref, w1_ref, b1_ref, w2_ref, b2_ref, o_ref):
        offs = lax.broadcasted_iota(jnp.int32, (1, _NRBF), 1).astype(
            jnp.float32) * step
        d = jnp.sqrt(d2_ref[...] + 1e-12)
        rbf = jnp.exp(_COEFF * (d - offs) ** 2)
        t = jnp.tanh(jnp.dot(rbf, w1_ref[...],
                             preferred_element_type=jnp.float32) + b1_ref[...])
        wf = jnp.dot(t, w2_ref[...],
                     preferred_element_type=jnp.float32) + b2_ref[...]
        cc = 0.5 * (jnp.cos(d * (math.pi / _CUTOFF)) + 1.0)
        cc = cc * (d < _CUTOFF).astype(jnp.float32)
        o_ref[...] = wf * cc * ys_ref[...]

    return pl.pallas_call(
        body,
        grid=(_E_PAD // _TE,),
        in_specs=[pl.BlockSpec((_TE, 1), lambda i: (i, 0)),
                  pl.BlockSpec((_TE, _H), lambda i: (i, 0)),
                  pl.BlockSpec((_NRBF, _H), lambda i: (0, 0)),
                  pl.BlockSpec((1, _H), lambda i: (0, 0)),
                  pl.BlockSpec((_H, _H), lambda i: (0, 0)),
                  pl.BlockSpec((1, _H), lambda i: (0, 0))],
        out_specs=pl.BlockSpec((_TE, _H), lambda i: (i, 0)),
        out_shape=jax.ShapeDtypeStruct((_E_PAD, _H), jnp.float32),
    )(d2, ys, w1, b1, w2, b2)


def _tc_update(agg_a, agg_b, x, w_out, b_out, w_lin, b_lin):
    def body(a_ref, b_ref, x_ref, wo_ref, bo_ref, wl_ref, bl_ref, o_ref):
        agg = a_ref[...] + b_ref[...]
        h = jnp.tanh(jnp.dot(agg, wo_ref[...],
                             preferred_element_type=jnp.float32) + bo_ref[...])
        h = jnp.dot(h, wl_ref[...],
                    preferred_element_type=jnp.float32) + bl_ref[...]
        o_ref[...] = x_ref[...] + h

    return pl.pallas_call(
        body,
        grid=(_N // _TN,),
        in_specs=[pl.BlockSpec((_TN, _H), lambda i: (i, 0)),
                  pl.BlockSpec((_TN, _H), lambda i: (i, 0)),
                  pl.BlockSpec((_TN, _H), lambda i: (i, 0)),
                  pl.BlockSpec((_H, _H), lambda i: (0, 0)),
                  pl.BlockSpec((1, _H), lambda i: (0, 0)),
                  pl.BlockSpec((_H, _H), lambda i: (0, 0)),
                  pl.BlockSpec((1, _H), lambda i: (0, 0))],
        out_specs=pl.BlockSpec((_TN, _H), lambda i: (i, 0)),
        out_shape=jax.ShapeDtypeStruct((_N, _H), jnp.float32),
    )(agg_a, agg_b, x, w_out, b_out, w_lin, b_lin)


def _tc_update_ylin(agg_a, agg_b, x, w_out, b_out, w_lin, b_lin, w_next):

    def body(a_ref, b_ref, x_ref, wo_ref, bo_ref, wl_ref, bl_ref, wn_ref,
             o_ref, y_ref):
        agg = a_ref[...] + b_ref[...]
        h = jnp.tanh(jnp.dot(agg, wo_ref[...],
                             preferred_element_type=jnp.float32) + bo_ref[...])
        h = jnp.dot(h, wl_ref[...],
                    preferred_element_type=jnp.float32) + bl_ref[...]
        xn = x_ref[...] + h
        o_ref[...] = xn
        y_ref[...] = jnp.dot(xn, wn_ref[...],
                             preferred_element_type=jnp.float32)

    return pl.pallas_call(
        body,
        grid=(_N // _TN,),
        in_specs=[pl.BlockSpec((_TN, _H), lambda i: (i, 0)),
                  pl.BlockSpec((_TN, _H), lambda i: (i, 0)),
                  pl.BlockSpec((_TN, _H), lambda i: (i, 0)),
                  pl.BlockSpec((_H, _H), lambda i: (0, 0)),
                  pl.BlockSpec((1, _H), lambda i: (0, 0)),
                  pl.BlockSpec((_H, _H), lambda i: (0, 0)),
                  pl.BlockSpec((1, _H), lambda i: (0, 0)),
                  pl.BlockSpec((_H, _H), lambda i: (0, 0))],
        out_specs=[pl.BlockSpec((_TN, _H), lambda i: (i, 0)),
                   pl.BlockSpec((_TN, _H), lambda i: (i, 0))],
        out_shape=[jax.ShapeDtypeStruct((_N, _H), jnp.float32),
                   jax.ShapeDtypeStruct((_N, _H), jnp.float32)],
    )(agg_a, agg_b, x, w_out, b_out, w_lin, b_lin, w_next)


def _tc_readout(x, seg, w1, b1, w2, b2):
    def body(x_ref, s_ref, w1_ref, b1_ref, w2_ref, b2_ref, o_ref):
        t = jnp.tanh(jnp.dot(x_ref[...], w1_ref[...],
                             preferred_element_type=jnp.float32) + b1_ref[...])
        e = jnp.dot(t, w2_ref[...],
                    preferred_element_type=jnp.float32) + b2_ref[...]
        cols = lax.broadcasted_iota(jnp.int32, (1, _NB), 1)
        m = (s_ref[...] == cols).astype(jnp.float32)
        part = jnp.sum(e * m, axis=0, keepdims=True)

        @pl.when(pl.program_id(0) == 0)
        def _():
            o_ref[...] = jnp.zeros_like(o_ref)

        o_ref[...] += part

    return pl.pallas_call(
        body,
        grid=(_N // _TN,),
        in_specs=[pl.BlockSpec((_TN, _H), lambda i: (i, 0)),
                  pl.BlockSpec((_TN, 1), lambda i: (i, 0)),
                  pl.BlockSpec((_H, _H // 2), lambda i: (0, 0)),
                  pl.BlockSpec((1, _H // 2), lambda i: (0, 0)),
                  pl.BlockSpec((_H // 2, 1), lambda i: (0, 0)),
                  pl.BlockSpec((1, 1), lambda i: (0, 0))],
        out_specs=pl.BlockSpec((1, _NB), lambda i: (0, 0)),
        out_shape=jax.ShapeDtypeStruct((1, _NB), jnp.float32),
    )(x, seg, w1, b1, w2, b2)


def kernel(pos, emb, filt_W1, filt_b1, filt_W2, filt_b2, lin_in_W, lin_out_W,
           lin_out_b, lin_W, lin_b, out1_W, out1_b, out2_W, out2_b,
           atom_types, edge_index, batch):
    f32 = jnp.float32
    pos = pos.astype(f32)
    src = edge_index[0].astype(jnp.int32)
    dst = edge_index[1].astype(jnp.int32)
    src_p = jnp.pad(src, (0, _E_PAD - _E))
    dst_p = jnp.pad(dst, (0, _E_PAD - _E), constant_values=_N)
    dst_blk = dst_p.reshape(_NW * _EBLK, _KE)
    posx = jnp.pad(pos[:, 0], (0, _N_PAD - _N))
    posy = jnp.pad(pos[:, 1], (0, _N_PAD - _N))
    posz = jnp.pad(pos[:, 2], (0, _N_PAD - _N))
    types_p = jnp.pad(atom_types.astype(jnp.int32), (0, _N_PAD - _N))
    zeros_pad = jnp.zeros((_N_PAD, _H), f32)
    seg = batch.astype(jnp.int32).reshape(_N, 1)

    d2 = _sc_edge_d2(posx, posy, posz, src_p, dst_p).reshape(_E_PAD, 1)
    x = _sc_gather_rows(emb.astype(f32), types_p, _NBLK, _KN)[:_N]
    y = _tc_node_linear(x, lin_in_W[0].astype(f32))

    for i in range(3):
        ys = _sc_gather_edges(y, src_p)
        msg = _tc_filter_msg(d2, ys,
                             filt_W1[i].astype(f32),
                             filt_b1[i].astype(f32).reshape(1, _H),
                             filt_W2[i].astype(f32),
                             filt_b2[i].astype(f32).reshape(1, _H))
        agg2 = _sc_scatter_add(msg, dst_blk, zeros_pad)
        args = (agg2[:_N], agg2[_N_PAD:_N_PAD + _N], x,
                lin_out_W[i].astype(f32),
                lin_out_b[i].astype(f32).reshape(1, _H),
                lin_W[i].astype(f32),
                lin_b[i].astype(f32).reshape(1, _H))
        if i < 2:
            x, y = _tc_update_ylin(*args, lin_in_W[i + 1].astype(f32))
        else:
            x = _tc_update(*args)

    energy = _tc_readout(x, seg,
                         out1_W.astype(f32),
                         out1_b.astype(f32).reshape(1, _H // 2),
                         out2_W.astype(f32),
                         out2_b.astype(f32).reshape(1, 1))
    return energy.reshape(_NB)

# --- scband reference (transcript-rebuilt; emitter-appended) ---
"""Pipeline reference for scband-sch-net-6820408066708 (READ-ONLY COPY).

The authoritative reference and input builder live on the scoring server;
editing this copy changes nothing except your own understanding.
"""

import jax, jax.numpy as jnp
import numpy as np

N = 10000
E = 320000
H = 128
NRBF = 64
L = 3
NZ = 100
NB = 64
CUTOFF = 5.0


def setup_inputs(seed: int = 0) -> dict:
    key = jax.random.key(seed)
    ks = jax.random.split(key, 20)
    pos = jax.random.normal(ks[0], (N, 3), dtype=jnp.float32)
    atom_types = jax.random.randint(ks[1], (N,), 0, NZ)
    edge_index = jax.random.randint(ks[2], (2, E), 0, N)
    batch = jnp.sort(jax.random.randint(ks[3], (N,), 0, NB))
    s = 0.05
    emb = jax.random.normal(ks[4], (NZ, H), dtype=jnp.float32) * s
    filt_W1 = jax.random.normal(ks[5], (L, NRBF, H), dtype=jnp.float32) * s
    filt_b1 = jnp.zeros((L, H), dtype=jnp.float32)
    filt_W2 = jax.random.normal(ks[6], (L, H, H), dtype=jnp.float32) * s
    filt_b2 = jnp.zeros((L, H), dtype=jnp.float32)
    lin_in_W = jax.random.normal(ks[7], (L, H, H), dtype=jnp.float32) * s
    lin_out_W = jax.random.normal(ks[8], (L, H, H), dtype=jnp.float32) * s
    lin_out_b = jnp.zeros((L, H), dtype=jnp.float32)
    lin_W = jax.random.normal(ks[9], (L, H, H), dtype=jnp.float32) * s
    lin_b = jnp.zeros((L, H), dtype=jnp.float32)
    out1_W = jax.random.normal(ks[10], (H, H // 2), dtype=jnp.float32) * s
    out1_b = jnp.zeros((H // 2,), dtype=jnp.float32)
    out2_W = jax.random.normal(ks[11], (H // 2, 1), dtype=jnp.float32) * s
    out2_b = jnp.zeros((1,), dtype=jnp.float32)
    return {
        "pos": pos, "emb": emb,
        "filt_W1": filt_W1, "filt_b1": filt_b1, "filt_W2": filt_W2, "filt_b2": filt_b2,
        "lin_in_W": lin_in_W, "lin_out_W": lin_out_W, "lin_out_b": lin_out_b,
        "lin_W": lin_W, "lin_b": lin_b,
        "out1_W": out1_W, "out1_b": out1_b, "out2_W": out2_W, "out2_b": out2_b,
        "atom_types": atom_types, "edge_index": edge_index, "batch": batch,
    }


def reference(pos, emb, filt_W1, filt_b1, filt_W2, filt_b2, lin_in_W, lin_out_W,
              lin_out_b, lin_W, lin_b, out1_W, out1_b, out2_W, out2_b,
              atom_types, edge_index, batch):
    src = edge_index[0]
    dst = edge_index[1]
    # pairwise distances along edges (compute_distances)
    diff = pos[dst] - pos[src]
    d = jnp.sqrt(jnp.sum(diff * diff, axis=1) + 1e-12)
    # Gaussian RBF expansion (rbf_layer)
    offsets = jnp.linspace(0.0, CUTOFF, NRBF)
    coeff = -0.5 / (offsets[1] - offsets[0]) ** 2
    rbf = jnp.exp(coeff * (d[:, None] - offsets[None, :]) ** 2)
    # cosine cutoff envelope
    C = 0.5 * (jnp.cos(d * jnp.pi / CUTOFF) + 1.0) * (d < CUTOFF).astype(pos.dtype)
    # atom-type embedding (embedding_layer)
    x = emb[atom_types]
    # interaction blocks with residual connections
    for i in range(L):
        # filter network on expanded distances (CFConv filter MLP)
        Wf = jnp.tanh(rbf @ filt_W1[i] + filt_b1[i]) @ filt_W2[i] + filt_b2[i]
        Wf = Wf * C[:, None]
        # continuous-filter convolution: gather, modulate, scatter-add
        xj = x[src] @ lin_in_W[i]
        agg = jnp.zeros_like(x).at[dst].add(xj * Wf)
        h = jnp.tanh(agg @ lin_out_W[i] + lin_out_b[i])
        h = h @ lin_W[i] + lin_b[i]
        x = x + h
    # output network -> per-atom energy, then scatter-sum per molecule
    e = jnp.tanh(x @ out1_W + out1_b) @ out2_W + out2_b
    energy = jax.ops.segment_sum(e, batch, num_segments=NB)
    return energy.flatten()

if __name__ == "__main__":
    import jax
    _d = setup_inputs()
    print(jax.jit(kernel)(*tuple(_d.values())))

</pallas_src>

<mosaic_0001>
#map = affine_map<(d0, d1) -> (0, 0)>
#map1 = affine_map<(d0, d1) -> (0)>
module attributes {stable_mosaic.version = 14 : i64} {
  func.func @k(%arg0: i32, %arg1: i32, %arg2: memref<100x128xf32, #tpu.memory_space<hbm>>, %arg3: memref<10240xi32, #tpu.memory_space<hbm>>, %arg4: memref<10240x128xf32, #tpu.memory_space<hbm>>, %arg5: memref<320xi32, #tpu.memory_space<vmem>>, %arg6: memref<4x40x128xf32, #tpu.memory_space<vmem>>, %arg7: memref<!tpu.dma_semaphore, #tpu.memory_space<semaphore_mem>>, %arg8: memref<!tpu.dma_semaphore, #tpu.memory_space<semaphore_mem>>, %arg9: memref<!tpu.dma_semaphore, #tpu.memory_space<semaphore_mem>>, %arg10: memref<!tpu.dma_semaphore, #tpu.memory_space<semaphore_mem>>, %arg11: memref<!tpu.dma_semaphore, #tpu.memory_space<semaphore_mem>>, %arg12: memref<!tpu.dma_semaphore, #tpu.memory_space<semaphore_mem>>, %arg13: memref<!tpu.dma_semaphore, #tpu.memory_space<semaphore_mem>>, %arg14: memref<!tpu.dma_semaphore, #tpu.memory_space<semaphore_mem>>) attributes {dimension_semantics = [#tpu.dimension_semantics<core_parallel>, #tpu.dimension_semantics<subcore_parallel>], iteration_bounds = array<i64: 2, 16>, scalar_prefetch = 0 : i64, scratch_operands = 10 : i64, tpu.core_type = #tpu.core_type<sc_vector_subcore>, window_params = [{transform_indices = #map}, {transform_indices = #map1}, {transform_indices = #map}]} {
    %mul3A = arith.constant 16 : i32
    %mul3A_0 = arith.muli %arg0, %mul3A : i32
    %add3A = arith.addi %mul3A_0, %arg1 : i32
    %mul3A_1 = arith.constant 320 : i32
    %mul3A_2 = arith.muli %add3A, %mul3A_1 : i32
    "tpu.region"() ({
      %run_scoped3A = tpu.sem_alloc : memref<!tpu.dma_semaphore, #tpu.memory_space<semaphore_mem>>
      %dma_start3A_47 = tpu.memref_slice %arg3[%mul3A_2] : memref<10240xi32, #tpu.memory_space<hbm>> -> memref<320xi32, #tpu.memory_space<hbm>>
      %dma_start3A_48 = tpu.memref_slice %arg3[%mul3A_2] : memref<10240xi32, #tpu.memory_space<hbm>> -> memref<320xi32, #tpu.memory_space<hbm>>
      tpu.enqueue_dma source(%dma_start3A_48 : memref<320xi32, #tpu.memory_space<hbm>>) target(%arg5 : memref<320xi32, #tpu.memory_space<vmem>>) target_semaphore(%run_scoped3A : memref<!tpu.dma_semaphore, #tpu.memory_space<semaphore_mem>>)
      %dma_wait3A = tpu.memref_slice %arg3[%mul3A_2] : memref<10240xi32, #tpu.memory_space<hbm>> -> memref<320xi32, #tpu.memory_space<hbm>>
      %dma_wait3A_49 = tpu.memref_slice %arg3[%mul3A_2] : memref<10240xi32, #tpu.memory_space<hbm>> -> memref<320xi32, #tpu.memory_space<hbm>>
      tpu.wait_dma2 semaphore(%run_scoped3A : memref<!tpu.dma_semaphore, #tpu.memory_space<semaphore_mem>>) src(%dma_wait3A_49 : memref<320xi32, #tpu.memory_space<hbm>>) dst(%arg5 : memref<320xi32, #tpu.memory_space<vmem>>)
      tpu.yield
    }) : () -> ()
    %dma_start3A = arith.constant 0 : i32
    %dma_start3A_3 = arith.constant 0 : i32
    %dma_start3A_4 = arith.constant 0 : i32
    %dma_start3A_5 = tpu.memref_slice %arg6[%dma_start3A, %dma_start3A_3, %dma_start3A_4] : memref<4x40x128xf32, #tpu.memory_space<vmem>> -> memref<1x40x128xf32, #tpu.memory_space<vmem>>
    %dma_start3A_6 = tpu.memref_squeeze %dma_start3A_5 : memref<1x40x128xf32, #tpu.memory_space<vmem>> -> memref<40x128xf32, #tpu.memory_space<vmem>>
    %dma_start3A_7 = arith.constant 0 : i32
    %dma_start3A_8 = tpu.memref_slice %arg5[%dma_start3A_7] : memref<320xi32, #tpu.memory_space<vmem>> -> memref<40xi32, #tpu.memory_space<vmem>>
    %dma_start3A_9 = arith.constant 0 : i32
    %dma_start3A_10 = arith.constant 0 : i32
    %dma_start3A_11 = tpu.memref_slice %arg2[%dma_start3A_9, %dma_start3A_10] : memref<100x128xf32, #tpu.memory_space<hbm>> -> memref<100x128xf32, #tpu.memory_space<hbm>>
    tpu.enqueue_indirect_dma source(%dma_start3A_11 : memref<100x128xf32, #tpu.memory_space<hbm>>) target(%dma_start3A_6 : memref<40x128xf32, #tpu.memory_space<vmem>>) offsets(%dma_start3A_8 : memref<40xi32, #tpu.memory_space<vmem>>) semaphore(%arg7 : memref<!tpu.dma_semaphore, #tpu.memory_space<semaphore_mem>>)
    %dma_start3A_12 = arith.constant 1 : i32
    %dma_start3A_13 = arith.constant 0 : i32
    %dma_start3A_14 = arith.constant 0 : i32
    %dma_start3A_15 = tpu.memref_slice %arg6[%dma_start3A_12, %dma_start3A_13, %dma_start3A_14] : memref<4x40x128xf32, #tpu.memory_space<vmem>> -> memref<1x40x128xf32, #tpu.memory_space<vmem>>
    %dma_start3A_16 = tpu.memref_squeeze %dma_start3A_15 : memref<1x40x128xf32, #tpu.memory_space<vmem>> -> memref<40x128xf32, #tpu.memory_space<vmem>>
    %dma_start3A_17 = arith.constant 40 : i32
    %dma_start3A_18 = tpu.memref_slice %arg5[%dma_start3A_17] : memref<320xi32, #tpu.memory_space<vmem>> -> memref<40xi32, #tpu.memory_space<vmem>>
    %dma_start3A_19 = arith.constant 0 : i32
    %dma_start3A_20 = arith.constant 0 : i32
    %dma_start3A_21 = tpu.memref_slice %arg2[%dma_start3A_19, %dma_start3A_20] : memref<100x128xf32, #tpu.memory_space<hbm>> -> memref<100x128xf32, #tpu.memory_space<hbm>>
    tpu.enqueue_indirect_dma source(%dma_start3A_21 : memref<100x128xf32, #tpu.memory_space<hbm>>) target(%dma_start3A_16 : memref<40x128xf32, #tpu.memory_space<vmem>>) offsets(%dma_start3A_18 : memref<40xi32, #tpu.memory_space<vmem>>) semaphore(%arg8 : memref<!tpu.dma_semaphore, #tpu.memory_space<semaphore_mem>>)
    %dma_start3A_22 = arith.constant 2 : i32
    %dma_start3A_23 = arith.constant 0 : i32
    %dma_start3A_24 = arith.constant 0 : i32
    %dma_start3A_25 = tpu.memref_slice %arg6[%dma_start3A_22, %dma_start3A_23, %dma_start3A_24] : memref<4x40x128xf32, #tpu.memory_space<vmem>> -> memref<1x40x128xf32, #tpu.memory_space<vmem>>
    %dma_start3A_26 = tpu.memref_squeeze %dma_start3A_25 : memref<1x40x128xf32, #tpu.memory_space<vmem>> -> memref<40x128xf32, #tpu.memory_space<vmem>>
    %dma_start3A_27 = arith.constant 80 : i32
    %dma_start3A_28 = tpu.memref_slice %arg5[%dma_start3A_27] : memref<320xi32, #tpu.memory_space<vmem>> -> memref<40xi32, #tpu.memory_space<vmem>>
    %dma_start3A_29 = arith.constant 0 : i32
    %dma_start3A_30 = arith.constant 0 : i32
    %dma_start3A_31 = tpu.memref_slice %arg2[%dma_start3A_29, %dma_start3A_30] : memref<100x128xf32, #tpu.memory_space<hbm>> -> memref<100x128xf32, #tpu.memory_space<hbm>>
    tpu.enqueue_indirect_dma source(%dma_start3A_31 : memref<100x128xf32, #tpu.memory_space<hbm>>) target(%dma_start3A_26 : memref<40x128xf32, #tpu.memory_space<vmem>>) offsets(%dma_start3A_28 : memref<40xi32, #tpu.memory_space<vmem>>) semaphore(%arg9 : memref<!tpu.dma_semaphore, #tpu.memory_space<semaphore_mem>>)
    %dma_start3A_32 = arith.constant 3 : i32
    %dma_start3A_33 = arith.constant 0 : i32
    %dma_start3A_34 = arith.constant 0 : i32
    %dma_start3A_35 = tpu.memref_slice %arg6[%dma_start3A_32, %dma_start3A_33, %dma_start3A_34] : memref<4x40x128xf32, #tpu.memory_space<vmem>> -> memref<1x40x128xf32, #tpu.memory_space<vmem>>
    %dma_start3A_36 = tpu.memref_squeeze %dma_start3A_35 : memref<1x40x128xf32, #tpu.memory_space<vmem>> -> memref<40x128xf32, #tpu.memory_space<vmem>>
    %dma_start3A_37 = arith.constant 120 : i32
    %dma_start3A_38 = tpu.memref_slice %arg5[%dma_start3A_37] : memref<320xi32, #tpu.memory_space<vmem>> -> memref<40xi32, #tpu.memory_space<vmem>>
    %dma_start3A_39 = arith.constant 0 : i32
    %dma_start3A_40 = arith.constant 0 : i32
    %dma_start3A_41 = tpu.memref_slice %arg2[%dma_start3A_39, %dma_start3A_40] : memref<100x128xf32, #tpu.memory_space<hbm>> -> memref<100x128xf32, #tpu.memory_space<hbm>>
    tpu.enqueue_indirect_dma source(%dma_start3A_41 : memref<100x128xf32, #tpu.memory_space<hbm>>) target(%dma_start3A_36 : memref<40x128xf32, #tpu.memory_space<vmem>>) offsets(%dma_start3A_38 : memref<40xi32, #tpu.memory_space<vmem>>) semaphore(%arg10 : memref<!tpu.dma_semaphore, #tpu.memory_space<semaphore_mem>>)
    %scan3A = arith.constant 0 : i32
    %scan3A_42 = arith.constant 0 : i32
    %scan3A_43 = arith.constant 2 : i32
    %scan3A_44 = arith.addi %scan3A_42, %scan3A_43 : i32
    %scan3A_45 = arith.constant 1 : i32
    scf.for %scan3A_47 = %scan3A_42 to %scan3A_44 step %scan3A_45  : i32 {
      %mul3A_48 = arith.constant 4 : i32
      %mul3A_49 = arith.muli %scan3A_47, %mul3A_48 : i32
      %add3A_50 = arith.constant 0 : i32
      %add3A_51 = arith.addi %mul3A_49, %add3A_50 : i32
      %dma_wait3A = arith.constant 0 : i32
      %dma_wait3A_52 = arith.constant 0 : i32
      %dma_wait3A_53 = arith.constant 0 : i32
      %dma_wait3A_54 = tpu.memref_slice %arg6[%dma_wait3A, %dma_wait3A_52, %dma_wait3A_53] : memref<4x40x128xf32, #tpu.memory_space<vmem>> -> memref<1x40x128xf32, #tpu.memory_space<vmem>>
      %dma_wait3A_55 = tpu.memref_squeeze %dma_wait3A_54 : memref<1x40x128xf32, #tpu.memory_space<vmem>> -> memref<40x128xf32, #tpu.memory_space<vmem>>
      %dma_wait3A_56 = arith.constant 0 : i32
      %dma_wait3A_57 = tpu.memref_slice %arg5[%dma_wait3A_56] : memref<320xi32, #tpu.memory_space<vmem>> -> memref<40xi32, #tpu.memory_space<vmem>>
      %dma_wait3A_58 = arith.constant 0 : i32
      %dma_wait3A_59 = arith.constant 0 : i32
      %dma_wait3A_60 = tpu.memref_slice %arg2[%dma_wait3A_58, %dma_wait3A_59] : memref<100x128xf32, #tpu.memory_space<hbm>> -> memref<100x128xf32, #tpu.memory_space<hbm>>
      tpu.wait_indirect_dma semaphore(%arg7 : memref<!tpu.dma_semaphore, #tpu.memory_space<semaphore_mem>>) src(%dma_wait3A_60 : memref<100x128xf32, #tpu.memory_space<hbm>>) dst(%dma_wait3A_55 : memref<40x128xf32, #tpu.memory_space<vmem>>)
      %mul3A_61 = arith.constant 40 : i32
      %mul3A_62 = arith.muli %add3A_51, %mul3A_61 : i32
      %add3A_63 = arith.addi %mul3A_2, %mul3A_62 : i32
      %dma_start3A_64 = arith.constant 0 : i32
      %dma_start3A_65 = arith.constant 0 : i32
      %dma_start3A_66 = arith.constant 0 : i32
      %dma_start3A_67 = tpu.memref_slice %arg6[%dma_start3A_64, %dma_start3A_65, %dma_start3A_66] : memref<4x40x128xf32, #tpu.memory_space<vmem>> -> memref<1x40x128xf32, #tpu.memory_space<vmem>>
      %dma_start3A_68 = tpu.memref_squeeze %dma_start3A_67 : memref<1x40x128xf32, #tpu.memory_space<vmem>> -> memref<40x128xf32, #tpu.memory_space<vmem>>
      %dma_start3A_69 = arith.constant 0 : i32
      %dma_start3A_70 = tpu.memref_slice %arg4[%add3A_63, %dma_start3A_69] : memref<10240x128xf32, #tpu.memory_space<hbm>> -> memref<40x128xf32, #tpu.memory_space<hbm>>
      %dma_start3A_71 = arith.constant 0 : i32
      %dma_start3A_72 = tpu.memref_slice %arg4[%add3A_63, %dma_start3A_71] : memref<10240x128xf32, #tpu.memory_space<hbm>> -> memref<40x128xf32, #tpu.memory_space<hbm>>
      %dma_start3A_73 = arith.constant 0 : i32
      %dma_start3A_74 = arith.constant 0 : i32
      %dma_start3A_75 = tpu.memref_slice %arg6[%dma_start3A_64, %dma_start3A_73, %dma_start3A_74] : memref<4x40x128xf32, #tpu.memory_space<vmem>> -> memref<1x40x128xf32, #tpu.memory_space<vmem>>
      %dma_start3A_76 = tpu.memref_squeeze %dma_start3A_75 : memref<1x40x128xf32, #tpu.memory_space<vmem>> -> memref<40x128xf32, #tpu.memory_space<vmem>>
      tpu.enqueue_dma source(%dma_start3A_76 : memref<40x128xf32, #tpu.memory_space<vmem>>) target(%dma_start3A_72 : memref<40x128xf32, #tpu.memory_space<hbm>>) target_semaphore(%arg11 : memref<!tpu.dma_semaphore, #tpu.memory_space<semaphore_mem>>)
      %dma_wait3A_77 = arith.constant 0 : i32
      %dma_wait3A_78 = arith.constant 0 : i32
      %dma_wait3A_79 = arith.constant 0 : i32
      %dma_wait3A_80 = tpu.memref_slice %arg6[%dma_wait3A_77, %dma_wait3A_78, %dma_wait3A_79] : memref<4x40x128xf32, #tpu.memory_space<vmem>> -> memref<1x40x128xf32, #tpu.memory_space<vmem>>
      %dma_wait3A_81 = tpu.memref_squeeze %dma_wait3A_80 : memref<1x40x128xf32, #tpu.memory_space<vmem>> -> memref<40x128xf32, #tpu.memory_space<vmem>>
      %dma_wait3A_82 = arith.constant 0 : i32
      %dma_wait3A_83 = tpu.memref_slice %arg4[%mul3A_2, %dma_wait3A_82] : memref<10240x128xf32, #tpu.memory_space<hbm>> -> memref<40x128xf32, #tpu.memory_space<hbm>>
      %dma_wait3A_84 = arith.constant 0 : i32
      %dma_wait3A_85 = tpu.memref_slice %arg4[%mul3A_2, %dma_wait3A_84] : memref<10240x128xf32, #tpu.memory_space<hbm>> -> memref<40x128xf32, #tpu.memory_space<hbm>>
      %dma_wait3A_86 = arith.constant 0 : i32
      %dma_wait3A_87 = arith.constant 0 : i32
      %dma_wait3A_88 = tpu.memref_slice %arg6[%dma_wait3A_77, %dma_wait3A_86, %dma_wait3A_87] : memref<4x40x128xf32, #tpu.memory_space<vmem>> -> memref<1x40x128xf32, #tpu.memory_space<vmem>>
      %dma_wait3A_89 = tpu.memref_squeeze %dma_wait3A_88 : memref<1x40x128xf32, #tpu.memory_space<vmem>> -> memref<40x128xf32, #tpu.memory_space<vmem>>
      tpu.wait_dma2 semaphore(%arg11 : memref<!tpu.dma_semaphore, #tpu.memory_space<semaphore_mem>>) src(%dma_wait3A_89 : memref<40x128xf32, #tpu.memory_space<vmem>>) dst(%dma_wait3A_85 : memref<40x128xf32, #tpu.memory_space<hbm>>)
      %add3A_90 = arith.constant 4 : i32
      %add3A_91 = arith.addi %add3A_51, %add3A_90 : i32
      %lt3A = arith.constant 8 : i32
      %lt3A_92 = arith.cmpi slt, %add3A_91, %lt3A : i32
      %convert_element_type3A = arith.extui %lt3A_92 : i1 to i32
      %cond3A = arith.constant 0 : i32
      %cond3A_93 = arith.cmpi ne, %convert_element_type3A, %cond3A : i32
      scf.if %cond3A_93 {
        %mul3A_244 = arith.constant 40 : i32
        %mul3A_245 = arith.muli %add3A_91, %mul3A_244 : i32
        %dma_start3A_246 = arith.constant 0 : i32
        %dma_start3A_247 = arith.constant 0 : i32
        %dma_start3A_248 = arith.constant 0 : i32
        %dma_start3A_249 = tpu.memref_slice %arg6[%dma_start3A_246, %dma_start3A_247, %dma_start3A_248] : memref<4x40x128xf32, #tpu.memory_space<vmem>> -> memref<1x40x128xf32, #tpu.memory_space<vmem>>
        %dma_start3A_250 = tpu.memref_squeeze %dma_start3A_249 : memref<1x40x128xf32, #tpu.memory_space<vmem>> -> memref<40x128xf32, #tpu.memory_space<vmem>>
        %dma_start3A_251 = tpu.memref_slice %arg5[%mul3A_245] : memref<320xi32, #tpu.memory_space<vmem>> -> memref<40xi32, #tpu.memory_space<vmem>>
        %dma_start3A_252 = arith.constant 0 : i32
        %dma_start3A_253 = arith.constant 0 : i32
        %dma_start3A_254 = tpu.memref_slice %arg2[%dma_start3A_252, %dma_start3A_253] : memref<100x128xf32, #tpu.memory_space<hbm>> -> memref<100x128xf32, #tpu.memory_space<hbm>>
        tpu.enqueue_indirect_dma source(%dma_start3A_254 : memref<100x128xf32, #tpu.memory_space<hbm>>) target(%dma_start3A_250 : memref<40x128xf32, #tpu.memory_space<vmem>>) offsets(%dma_start3A_251 : memref<40xi32, #tpu.memory_space<vmem>>) semaphore(%arg7 : memref<!tpu.dma_semaphore, #tpu.memory_space<semaphore_mem>>)
      } else {
      }
      %mul3A_94 = arith.constant 4 : i32
      %mul3A_95 = arith.muli %scan3A_47, %mul3A_94 : i32
      %add3A_96 = arith.constant 1 : i32
      %add3A_97 = arith.addi %mul3A_95, %add3A_96 : i32
      %dma_wait3A_98 = arith.constant 1 : i32
      %dma_wait3A_99 = arith.constant 0 : i32
      %dma_wait3A_100 = arith.constant 0 : i32
      %dma_wait3A_101 = tpu.memref_slice %arg6[%dma_wait3A_98, %dma_wait3A_99, %dma_wait3A_100] : memref<4x40x128xf32, #tpu.memory_space<vmem>> -> memref<1x40x128xf32, #tpu.memory_space<vmem>>
      %dma_wait3A_102 = tpu.memref_squeeze %dma_wait3A_101 : memref<1x40x128xf32, #tpu.memory_space<vmem>> -> memref<40x128xf32, #tpu.memory_space<vmem>>
      %dma_wait3A_103 = arith.constant 0 : i32
      %dma_wait3A_104 = tpu.memref_slice %arg5[%dma_wait3A_103] : memref<320xi32, #tpu.memory_space<vmem>> -> memref<40xi32, #tpu.memory_space<vmem>>
      %dma_wait3A_105 = arith.constant 0 : i32
      %dma_wait3A_106 = arith.constant 0 : i32
      %dma_wait3A_107 = tpu.memref_slice %arg2[%dma_wait3A_105, %dma_wait3A_106] : memref<100x128xf32, #tpu.memory_space<hbm>> -> memref<100x128xf32, #tpu.memory_space<hbm>>
      tpu.wait_indirect_dma semaphore(%arg8 : memref<!tpu.dma_semaphore, #tpu.memory_space<semaphore_mem>>) src(%dma_wait3A_107 : memref<100x128xf32, #tpu.memory_space<hbm>>) dst(%dma_wait3A_102 : memref<40x128xf32, #tpu.memory_space<vmem>>)
      %mul3A_108 = arith.constant 40 : i32
      %mul3A_109 = arith.muli %add3A_97, %mul3A_108 : i32
      %add3A_110 = arith.addi %mul3A_2, %mul3A_109 : i32
      %dma_start3A_111 = arith.constant 1 : i32
      %dma_start3A_112 = arith.constant 0 : i32
      %dma_start3A_113 = arith.constant 0 : i32
      %dma_start3A_114 = tpu.memref_slice %arg6[%dma_start3A_111, %dma_start3A_112, %dma_start3A_113] : memref<4x40x128xf32, #tpu.memory_space<vmem>> -> memref<1x40x128xf32, #tpu.memory_space<vmem>>
      %dma_start3A_115 = tpu.memref_squeeze %dma_start3A_114 : memref<1x40x128xf32, #tpu.memory_space<vmem>> -> memref<40x128xf32, #tpu.memory_space<vmem>>
      %dma_start3A_116 = arith.constant 0 : i32
      %dma_start3A_117 = tpu.memref_slice %arg4[%add3A_110, %dma_start3A_116] : memref<10240x128xf32, #tpu.memory_space<hbm>> -> memref<40x128xf32, #tpu.memory_space<hbm>>
      %dma_start3A_118 = arith.constant 0 : i32
      %dma_start3A_119 = tpu.memref_slice %arg4[%add3A_110, %dma_start3A_118] : memref<10240x128xf32, #tpu.memory_space<hbm>> -> memref<40x128xf32, #tpu.memory_space<hbm>>
      %dma_start3A_120 = arith.constant 0 : i32
      %dma_start3A_121 = arith.constant 0 : i32
      %dma_start3A_122 = tpu.memref_slice %arg6[%dma_start3A_111, %dma_start3A_120, %dma_start3A_121] : memref<4x40x128xf32, #tpu.memory_space<vmem>> -> memref<1x40x128xf32, #tpu.memory_space<vmem>>
      %dma_start3A_123 = tpu.memref_squeeze %dma_start3A_122 : memref<1x40x128xf32, #tpu.memory_space<vmem>> -> memref<40x128xf32, #tpu.memory_space<vmem>>
      tpu.enqueue_dma source(%dma_start3A_123 : memref<40x128xf32, #tpu.memory_space<vmem>>) target(%dma_start3A_119 : memref<40x128xf32, #tpu.memory_space<hbm>>) target_semaphore(%arg12 : memref<!tpu.dma_semaphore, #tpu.memory_space<semaphore_mem>>)
      %dma_wait3A_124 = arith.constant 1 : i32
      %dma_wait3A_125 = arith.constant 0 : i32
      %dma_wait3A_126 = arith.constant 0 : i32
      %dma_wait3A_127 = tpu.memref_slice %arg6[%dma_wait3A_124, %dma_wait3A_125, %dma_wait3A_126] : memref<4x40x128xf32, #tpu.memory_space<vmem>> -> memref<1x40x128xf32, #tpu.memory_space<vmem>>
      %dma_wait3A_128 = tpu.memref_squeeze %dma_wait3A_127 : memref<1x40x128xf32, #tpu.memory_space<vmem>> -> memref<40x128xf32, #tpu.memory_space<vmem>>
      %dma_wait3A_129 = arith.constant 0 : i32
      %dma_wait3A_130 = tpu.memref_slice %arg4[%mul3A_2, %dma_wait3A_129] : memref<10240x128xf32, #tpu.memory_space<hbm>> -> memref<40x128xf32, #tpu.memory_space<hbm>>
      %dma_wait3A_131 = arith.constant 0 : i32
      %dma_wait3A_132 = tpu.memref_slice %arg4[%mul3A_2, %dma_wait3A_131] : memref<10240x128xf32, #tpu.memory_space<hbm>> -> memref<40x128xf32, #tpu.memory_space<hbm>>
      %dma_wait3A_133 = arith.constant 0 : i32
      %dma_wait3A_134 = arith.constant 0 : i32
      %dma_wait3A_135 = tpu.memref_slice %arg6[%dma_wait3A_124, %dma_wait3A_133, %dma_wait3A_134] : memref<4x40x128xf32, #tpu.memory_space<vmem>> -> memref<1x40x128xf32, #tpu.memory_space<vmem>>
      %dma_wait3A_136 = tpu.memref_squeeze %dma_wait3A_135 : memref<1x40x128xf32, #tpu.memory_space<vmem>> -> memref<40x128xf32, #tpu.memory_space<vmem>>
      tpu.wait_dma2 semaphore(%arg12 : memref<!tpu.dma_semaphore, #tpu.memory_space<semaphore_mem>>) src(%dma_wait3A_136 : memref<40x128xf32, #tpu.memory_space<vmem>>) dst(%dma_wait3A_132 : memref<40x128xf32, #tpu.memory_space<hbm>>)
      %add3A_137 = arith.constant 4 : i32
      %add3A_138 = arith.addi %add3A_97, %add3A_137 : i32
      %lt3A_139 = arith.constant 8 : i32
      %lt3A_140 = arith.cmpi slt, %add3A_138, %lt3A_139 : i32
      %convert_element_type3A_141 = arith.extui %lt3A_140 : i1 to i32
      %cond3A_142 = arith.constant 0 : i32
      %cond3A_143 = arith.cmpi ne, %convert_element_type3A_141, %cond3A_142 : i32
      scf.if %cond3A_143 {
        %mul3A_244 = arith.constant 40 : i32
        %mul3A_245 = arith.muli %add3A_138, %mul3A_244 : i32
        %dma_start3A_246 = arith.constant 1 : i32
        %dma_start3A_247 = arith.constant 0 : i32
        %dma_start3A_248 = arith.constant 0 : i32
        %dma_start3A_249 = tpu.memref_slice %arg6[%dma_start3A_246, %dma_start3A_247, %dma_start3A_248] : memref<4x40x128xf32, #tpu.memory_space<vmem>> -> memref<1x40x128xf32, #tpu.memory_space<vmem>>
        %dma_start3A_250 = tpu.memref_squeeze %dma_start3A_249 : memref<1x40x128xf32, #tpu.memory_space<vmem>> -> memref<40x128xf32, #tpu.memory_space<vmem>>
        %dma_start3A_251 = tpu.memref_slice %arg5[%mul3A_245] : memref<320xi32, #tpu.memory_space<vmem>> -> memref<40xi32, #tpu.memory_space<vmem>>
        %dma_start3A_252 = arith.constant 0 : i32
        %dma_start3A_253 = arith.constant 0 : i32
        %dma_start3A_254 = tpu.memref_slice %arg2[%dma_start3A_252, %dma_start3A_253] : memref<100x128xf32, #tpu.memory_space<hbm>> -> memref<100x128xf32, #tpu.memory_space<hbm>>
        tpu.enqueue_indirect_dma source(%dma_start3A_254 : memref<100x128xf32, #tpu.memory_space<hbm>>) target(%dma_start3A_250 : memref<40x128xf32, #tpu.memory_space<vmem>>) offsets(%dma_start3A_251 : memref<40xi32, #tpu.memory_space<vmem>>) semaphore(%arg8 : memref<!tpu.dma_semaphore, #tpu.memory_space<semaphore_mem>>)
      } else {
      }
      %mul3A_144 = arith.constant 4 : i32
      %mul3A_145 = arith.muli %scan3A_47, %mul3A_144 : i32
      %add3A_146 = arith.constant 2 : i32
      %add3A_147 = arith.addi %mul3A_145, %add3A_146 : i32
      %dma_wait3A_148 = arith.constant 2 : i32
      %dma_wait3A_149 = arith.constant 0 : i32
      %dma_wait3A_150 = arith.constant 0 : i32
      %dma_wait3A_151 = tpu.memref_slice %arg6[%dma_wait3A_148, %dma_wait3A_149, %dma_wait3A_150] : memref<4x40x128xf32, #tpu.memory_space<vmem>> -> memref<1x40x128xf32, #tpu.memory_space<vmem>>
      %dma_wait3A_152 = tpu.memref_squeeze %dma_wait3A_151 : memref<1x40x128xf32, #tpu.memory_space<vmem>> -> memref<40x128xf32, #tpu.memory_space<vmem>>
      %dma_wait3A_153 = arith.constant 0 : i32
      %dma_wait3A_154 = tpu.memref_slice %arg5[%dma_wait3A_153] : memref<320xi32, #tpu.memory_space<vmem>> -> memref<40xi32, #tpu.memory_space<vmem>>
      %dma_wait3A_155 = arith.constant 0 : i32
      %dma_wait3A_156 = arith.constant 0 : i32
      %dma_wait3A_157 = tpu.memref_slice %arg2[%dma_wait3A_155, %dma_wait3A_156] : memref<100x128xf32, #tpu.memory_space<hbm>> -> memref<100x128xf32, #tpu.memory_space<hbm>>
      tpu.wait_indirect_dma semaphore(%arg9 : memref<!tpu.dma_semaphore, #tpu.memory_space<semaphore_mem>>) src(%dma_wait3A_157 : memref<100x128xf32, #tpu.memory_space<hbm>>) dst(%dma_wait3A_152 : memref<40x128xf32, #tpu.memory_space<vmem>>)
      %mul3A_158 = arith.constant 40 : i32
      %mul3A_159 = arith.muli %add3A_147, %mul3A_158 : i32
      %add3A_160 = arith.addi %mul3A_2, %mul3A_159 : i32
      %dma_start3A_161 = arith.constant 2 : i32
      %dma_start3A_162 = arith.constant 0 : i32
      %dma_start3A_163 = arith.constant 0 : i32
      %dma_start3A_164 = tpu.memref_slice %arg6[%dma_start3A_161, %dma_start3A_162, %dma_start3A_163] : memref<4x40x128xf32, #tpu.memory_space<vmem>> -> memref<1x40x128xf32, #tpu.memory_space<vmem>>
      %dma_start3A_165 = tpu.memref_squeeze %dma_start3A_164 : memref<1x40x128xf32, #tpu.memory_space<vmem>> -> memref<40x128xf32, #tpu.memory_space<vmem>>
      %dma_start3A_166 = arith.constant 0 : i32
      %dma_start3A_167 = tpu.memref_slice %arg4[%add3A_160, %dma_start3A_166] : memref<10240x128xf32, #tpu.memory_space<hbm>> -> memref<40x128xf32, #tpu.memory_space<hbm>>
      %dma_start3A_168 = arith.constant 0 : i32
      %dma_start3A_169 = tpu.memref_slice %arg4[%add3A_160, %dma_start3A_168] : memref<10240x128xf32, #tpu.memory_space<hbm>> -> memref<40x128xf32, #tpu.memory_space<hbm>>
      %dma_start3A_170 = arith.constant 0 : i32
      %dma_start3A_171 = arith.constant 0 : i32
      %dma_start3A_172 = tpu.memref_slice %arg6[%dma_start3A_161, %dma_start3A_170, %dma_start3A_171] : memref<4x40x128xf32, #tpu.memory_space<vmem>> -> memref<1x40x128xf32, #tpu.memory_space<vmem>>
      %dma_start3A_173 = tpu.memref_squeeze %dma_start3A_172 : memref<1x40x128xf32, #tpu.memory_space<vmem>> -> memref<40x128xf32, #tpu.memory_space<vmem>>
      tpu.enqueue_dma source(%dma_start3A_173 : memref<40x128xf32, #tpu.memory_space<vmem>>) target(%dma_start3A_169 : memref<40x128xf32, #tpu.memory_space<hbm>>) target_semaphore(%arg13 : memref<!tpu.dma_semaphore, #tpu.memory_space<semaphore_mem>>)
      %dma_wait3A_174 = arith.constant 2 : i32
      %dma_wait3A_175 = arith.constant 0 : i32
      %dma_wait3A_176 = arith.constant 0 : i32
      %dma_wait3A_177 = tpu.memref_slice %arg6[%dma_wait3A_174, %dma_wait3A_175, %dma_wait3A_176] : memref<4x40x128xf32, #tpu.memory_space<vmem>> -> memref<1x40x128xf32, #tpu.memory_space<vmem>>
      %dma_wait3A_178 = tpu.memref_squeeze %dma_wait3A_177 : memref<1x40x128xf32, #tpu.memory_space<vmem>> -> memref<40x128xf32, #tpu.memory_space<vmem>>
      %dma_wait3A_179 = arith.constant 0 : i32
      %dma_wait3A_180 = tpu.memref_slice %arg4[%mul3A_2, %dma_wait3A_179] : memref<10240x128xf32, #tpu.memory_space<hbm>> -> memref<40x128xf32, #tpu.memory_space<hbm>>
      %dma_wait3A_181 = arith.constant 0 : i32
      %dma_wait3A_182 = tpu.memref_slice %arg4[%mul3A_2, %dma_wait3A_181] : memref<10240x128xf32, #tpu.memory_space<hbm>> -> memref<40x128xf32, #tpu.memory_space<hbm>>
      %dma_wait3A_183 = arith.constant 0 : i32
      %dma_wait3A_184 = arith.constant 0 : i32
      %dma_wait3A_185 = tpu.memref_slice %arg6[%dma_wait3A_174, %dma_wait3A_183, %dma_wait3A_184] : memref<4x40x128xf32, #tpu.memory_space<vmem>> -> memref<1x40x128xf32, #tpu.memory_space<vmem>>
      %dma_wait3A_186 = tpu.memref_squeeze %dma_wait3A_185 : memref<1x40x128xf32, #tpu.memory_space<vmem>> -> memref<40x128xf32, #tpu.memory_space<vmem>>
      tpu.wait_dma2 semaphore(%arg13 : memref<!tpu.dma_semaphore, #tpu.memory_space<semaphore_mem>>) src(%dma_wait3A_186 : memref<40x128xf32, #tpu.memory_space<vmem>>) dst(%dma_wait3A_182 : memref<40x128xf32, #tpu.memory_space<hbm>>)
      %add3A_187 = arith.constant 4 : i32
      %add3A_188 = arith.addi %add3A_147, %add3A_187 : i32
      %lt3A_189 = arith.constant 8 : i32
      %lt3A_190 = arith.cmpi slt, %add3A_188, %lt3A_189 : i32
      %convert_element_type3A_191 = arith.extui %lt3A_190 : i1 to i32
      %cond3A_192 = arith.constant 0 : i32
      %cond3A_193 = arith.cmpi ne, %convert_element_type3A_191, %cond3A_192 : i32
      scf.if %cond3A_193 {
        %mul3A_244 = arith.constant 40 : i32
        %mul3A_245 = arith.muli %add3A_188, %mul3A_244 : i32
        %dma_start3A_246 = arith.constant 2 : i32
        %dma_start3A_247 = arith.constant 0 : i32
        %dma_start3A_248 = arith.constant 0 : i32
        %dma_start3A_249 = tpu.memref_slice %arg6[%dma_start3A_246, %dma_start3A_247, %dma_start3A_248] : memref<4x40x128xf32, #tpu.memory_space<vmem>> -> memref<1x40x128xf32, #tpu.memory_space<vmem>>
        %dma_start3A_250 = tpu.memref_squeeze %dma_start3A_249 : memref<1x40x128xf32, #tpu.memory_space<vmem>> -> memref<40x128xf32, #tpu.memory_space<vmem>>
        %dma_start3A_251 = tpu.memref_slice %arg5[%mul3A_245] : memref<320xi32, #tpu.memory_space<vmem>> -> memref<40xi32, #tpu.memory_space<vmem>>
        %dma_start3A_252 = arith.constant 0 : i32
        %dma_start3A_253 = arith.constant 0 : i32
        %dma_start3A_254 = tpu.memref_slice %arg2[%dma_start3A_252, %dma_start3A_253] : memref<100x128xf32, #tpu.memory_space<hbm>> -> memref<100x128xf32, #tpu.memory_space<hbm>>
        tpu.enqueue_indirect_dma source(%dma_start3A_254 : memref<100x128xf32, #tpu.memory_space<hbm>>) target(%dma_start3A_250 : memref<40x128xf32, #tpu.memory_space<vmem>>) offsets(%dma_start3A_251 : memref<40xi32, #tpu.memory_space<vmem>>) semaphore(%arg9 : memref<!tpu.dma_semaphore, #tpu.memory_space<semaphore_mem>>)
      } else {
      }
      %mul3A_194 = arith.constant 4 : i32
      %mul3A_195 = arith.muli %scan3A_47, %mul3A_194 : i32
      %add3A_196 = arith.constant 3 : i32
      %add3A_197 = arith.addi %mul3A_195, %add3A_196 : i32
      %dma_wait3A_198 = arith.constant 3 : i32
      %dma_wait3A_199 = arith.constant 0 : i32
      %dma_wait3A_200 = arith.constant 0 : i32
      %dma_wait3A_201 = tpu.memref_slice %arg6[%dma_wait3A_198, %dma_wait3A_199, %dma_wait3A_200] : memref<4x40x128xf32, #tpu.memory_space<vmem>> -> memref<1x40x128xf32, #tpu.memory_space<vmem>>
      %dma_wait3A_202 = tpu.memref_squeeze %dma_wait3A_201 : memref<1x40x128xf32, #tpu.memory_space<vmem>> -> memref<40x128xf32, #tpu.memory_space<vmem>>
      %dma_wait3A_203 = arith.constant 0 : i32
      %dma_wait3A_204 = tpu.memref_slice %arg5[%dma_wait3A_203] : memref<320xi32, #tpu.memory_space<vmem>> -> memref<40xi32, #tpu.memory_space<vmem>>
      %dma_wait3A_205 = arith.constant 0 : i32
      %dma_wait3A_206 = arith.constant 0 : i32
      %dma_wait3A_207 = tpu.memref_slice %arg2[%dma_wait3A_205, %dma_wait3A_206] : memref<100x128xf32, #tpu.memory_space<hbm>> -> memref<100x128xf32, #tpu.memory_space<hbm>>
      tpu.wait_indirect_dma semaphore(%arg10 : memref<!tpu.dma_semaphore, #tpu.memory_space<semaphore_mem>>) src(%dma_wait3A_207 : memref<100x128xf32, #tpu.memory_space<hbm>>) dst(%dma_wait3A_202 : memref<40x128xf32, #tpu.memory_space<vmem>>)
      %mul3A_208 = arith.constant 40 : i32
      %mul3A_209 = arith.muli %add3A_197, %mul3A_208 : i32
      %add3A_210 = arith.addi %mul3A_2, %mul3A_209 : i32
      %dma_start3A_211 = arith.constant 3 : i32
      %dma_start3A_212 = arith.constant 0 : i32
      %dma_start3A_213 = arith.constant 0 : i32
      %dma_start3A_214 = tpu.memref_slice %arg6[%dma_start3A_211, %dma_start3A_212, %dma_start3A_213] : memref<4x40x128xf32, #tpu.memory_space<vmem>> -> memref<1x40x128xf32, #tpu.memory_space<vmem>>
      %dma_start3A_215 = tpu.memref_squeeze %dma_start3A_214 : memref<1x40x128xf32, #tpu.memory_space<vmem>> -> memref<40x128xf32, #tpu.memory_space<vmem>>
      %dma_start3A_216 = arith.constant 0 : i32
      %dma_start3A_217 = tpu.memref_slice %arg4[%add3A_210, %dma_start3A_216] : memref<10240x128xf32, #tpu.memory_space<hbm>> -> memref<40x128xf32, #tpu.memory_space<hbm>>
      %dma_start3A_218 = arith.constant 0 : i32
      %dma_start3A_219 = tpu.memref_slice %arg4[%add3A_210, %dma_start3A_218] : memref<10240x128xf32, #tpu.memory_space<hbm>> -> memref<40x128xf32, #tpu.memory_space<hbm>>
      %dma_start3A_220 = arith.constant 0 : i32
      %dma_start3A_221 = arith.constant 0 : i32
      %dma_start3A_222 = tpu.memref_slice %arg6[%dma_start3A_211, %dma_start3A_220, %dma_start3A_221] : memref<4x40x128xf32, #tpu.memory_space<vmem>> -> memref<1x40x128xf32, #tpu.memory_space<vmem>>
      %dma_start3A_223 = tpu.memref_squeeze %dma_start3A_222 : memref<1x40x128xf32, #tpu.memory_space<vmem>> -> memref<40x128xf32, #tpu.memory_space<vmem>>
      tpu.enqueue_dma source(%dma_start3A_223 : memref<40x128xf32, #tpu.memory_space<vmem>>) target(%dma_start3A_219 : memref<40x128xf32, #tpu.memory_space<hbm>>) target_semaphore(%arg14 : memref<!tpu.dma_semaphore, #tpu.memory_space<semaphore_mem>>)
      %dma_wait3A_224 = arith.constant 3 : i32
      %dma_wait3A_225 = arith.constant 0 : i32
      %dma_wait3A_226 = arith.constant 0 : i32
      %dma_wait3A_227 = tpu.memref_slice %arg6[%dma_wait3A_224, %dma_wait3A_225, %dma_wait3A_226] : memref<4x40x128xf32, #tpu.memory_space<vmem>> -> memref<1x40x128xf32, #tpu.memory_space<vmem>>
      %dma_wait3A_228 = tpu.memref_squeeze %dma_wait3A_227 : memref<1x40x128xf32, #tpu.memory_space<vmem>> -> memref<40x128xf32, #tpu.memory_space<vmem>>
      %dma_wait3A_229 = arith.constant 0 : i32
      %dma_wait3A_230 = tpu.memref_slice %arg4[%mul3A_2, %dma_wait3A_229] : memref<10240x128xf32, #tpu.memory_space<hbm>> -> memref<40x128xf32, #tpu.memory_space<hbm>>
      %dma_wait3A_231 = arith.constant 0 : i32
      %dma_wait3A_232 = tpu.memref_slice %arg4[%mul3A_2, %dma_wait3A_231] : memref<10240x128xf32, #tpu.memory_space<hbm>> -> memref<40x128xf32, #tpu.memory_space<hbm>>
      %dma_wait3A_233 = arith.constant 0 : i32
      %dma_wait3A_234 = arith.constant 0 : i32
      %dma_wait3A_235 = tpu.memref_slice %arg6[%dma_wait3A_224, %dma_wait3A_233, %dma_wait3A_234] : memref<4x40x128xf32, #tpu.memory_space<vmem>> -> memref<1x40x128xf32, #tpu.memory_space<vmem>>
      %dma_wait3A_236 = tpu.memref_squeeze %dma_wait3A_235 : memref<1x40x128xf32, #tpu.memory_space<vmem>> -> memref<40x128xf32, #tpu.memory_space<vmem>>
      tpu.wait_dma2 semaphore(%arg14 : memref<!tpu.dma_semaphore, #tpu.memory_space<semaphore_mem>>) src(%dma_wait3A_236 : memref<40x128xf32, #tpu.memory_space<vmem>>) dst(%dma_wait3A_232 : memref<40x128xf32, #tpu.memory_space<hbm>>)
      %add3A_237 = arith.constant 4 : i32
      %add3A_238 = arith.addi %add3A_197, %add3A_237 : i32
      %lt3A_239 = arith.constant 8 : i32
      %lt3A_240 = arith.cmpi slt, %add3A_238, %lt3A_239 : i32
      %convert_element_type3A_241 = arith.extui %lt3A_240 : i1 to i32
      %cond3A_242 = arith.constant 0 : i32
      %cond3A_243 = arith.cmpi ne, %convert_element_type3A_241, %cond3A_242 : i32
      scf.if %cond3A_243 {
        %mul3A_244 = arith.constant 40 : i32
        %mul3A_245 = arith.muli %add3A_238, %mul3A_244 : i32
        %dma_start3A_246 = arith.constant 3 : i32
        %dma_start3A_247 = arith.constant 0 : i32
        %dma_start3A_248 = arith.constant 0 : i32
        %dma_start3A_249 = tpu.memref_slice %arg6[%dma_start3A_246, %dma_start3A_247, %dma_start3A_248] : memref<4x40x128xf32, #tpu.memory_space<vmem>> -> memref<1x40x128xf32, #tpu.memory_space<vmem>>
        %dma_start3A_250 = tpu.memref_squeeze %dma_start3A_249 : memref<1x40x128xf32, #tpu.memory_space<vmem>> -> memref<40x128xf32, #tpu.memory_space<vmem>>
        %dma_start3A_251 = tpu.memref_slice %arg5[%mul3A_245] : memref<320xi32, #tpu.memory_space<vmem>> -> memref<40xi32, #tpu.memory_space<vmem>>
        %dma_start3A_252 = arith.constant 0 : i32
        %dma_start3A_253 = arith.constant 0 : i32
        %dma_start3A_254 = tpu.memref_slice %arg2[%dma_start3A_252, %dma_start3A_253] : memref<100x128xf32, #tpu.memory_space<hbm>> -> memref<100x128xf32, #tpu.memory_space<hbm>>
        tpu.enqueue_indirect_dma source(%dma_start3A_254 : memref<100x128xf32, #tpu.memory_space<hbm>>) target(%dma_start3A_250 : memref<40x128xf32, #tpu.memory_space<vmem>>) offsets(%dma_start3A_251 : memref<40xi32, #tpu.memory_space<vmem>>) semaphore(%arg10 : memref<!tpu.dma_semaphore, #tpu.memory_space<semaphore_mem>>)
      } else {
      }
    }
    %scan3A_46 = arith.constant 2 : i32
    return
  }
}

#map = affine_map<(d0, d1) -> (0, 0)>
#map1 = affine_map<(d0, d1) -> (0)>
module attributes {stable_mosaic.version = 14 : i64} {
  func.func @k(%arg0: i32, %arg1: i32, %arg2: memref<10000x128xf32, #tpu.memory_space<hbm>>, %arg3: memref<327680xi32, #tpu.memory_space<hbm>>, %arg4: memref<327680x128xf32, #tpu.memory_space<hbm>>, %arg5: memref<10240xi32, #tpu.memory_space<vmem>>, %arg6: memref<4x64x128xf32, #tpu.memory_space<vmem>>, %arg7: memref<10000x128xf32, #tpu.memory_space<vmem_shared>>, %arg8: memref<!tpu.dma_semaphore, #tpu.memory_space<semaphore_mem>>, %arg9: memref<!tpu.dma_semaphore, #tpu.memory_space<semaphore_mem>>, %arg10: memref<!tpu.dma_semaphore, #tpu.memory_space<semaphore_mem>>, %arg11: memref<!tpu.dma_semaphore, #tpu.memory_space<semaphore_mem>>, %arg12: memref<!tpu.dma_semaphore, #tpu.memory_space<semaphore_mem>>, %arg13: memref<!tpu.dma_semaphore, #tpu.memory_space<semaphore_mem>>, %arg14: memref<!tpu.dma_semaphore, #tpu.memory_space<semaphore_mem>>, %arg15: memref<!tpu.dma_semaphore, #tpu.memory_space<semaphore_mem>>) attributes {dimension_semantics = [#tpu.dimension_semantics<core_parallel>, #tpu.dimension_semantics<subcore_parallel>], iteration_bounds = array<i64: 2, 16>, scalar_prefetch = 0 : i64, scratch_operands = 11 : i64, tpu.core_type = #tpu.core_type<sc_vector_subcore>, window_params = [{transform_indices = #map}, {transform_indices = #map1}, {transform_indices = #map}]} {
    %mul3A = arith.constant 16 : i32
    %mul3A_0 = arith.muli %arg0, %mul3A : i32
    %add3A = arith.addi %mul3A_0, %arg1 : i32
    %mul3A_1 = arith.constant 10240 : i32
    %mul3A_2 = arith.muli %add3A, %mul3A_1 : i32
    %lt3A = arith.constant 15 : i32
    %lt3A_3 = arith.cmpi slt, %arg1, %lt3A : i32
    %convert_element_type3A = arith.extui %lt3A_3 : i1 to i32
    %cond3A = arith.constant 0 : i32
    %cond3A_4 = arith.cmpi ne, %convert_element_type3A, %cond3A : i32
    scf.if %cond3A_4 {
      %mul3A_53 = arith.constant 640 : i32
      %mul3A_54 = arith.muli %arg1, %mul3A_53 : i32
      %mul3A_55 = arith.constant 640 : i32
      %mul3A_56 = arith.muli %arg1, %mul3A_55 : i32
      "tpu.region"() ({
        %run_scoped3A = tpu.sem_alloc : memref<!tpu.dma_semaphore, #tpu.memory_space<semaphore_mem>>
        %dma_start3A_57 = arith.constant 0 : i32
        %dma_start3A_58 = tpu.memref_slice %arg7[%mul3A_56, %dma_start3A_57] : memref<10000x128xf32, #tpu.memory_space<vmem_shared>> -> memref<640x128xf32, #tpu.memory_space<vmem_shared>>
        %dma_start3A_59 = arith.constant 0 : i32
        %dma_start3A_60 = tpu.memref_slice %arg2[%mul3A_54, %dma_start3A_59] : memref<10000x128xf32, #tpu.memory_space<hbm>> -> memref<640x128xf32, #tpu.memory_space<hbm>>
        tpu.enqueue_dma source(%dma_start3A_60 : memref<640x128xf32, #tpu.memory_space<hbm>>) target(%dma_start3A_58 : memref<640x128xf32, #tpu.memory_space<vmem_shared>>) target_semaphore(%run_scoped3A : memref<!tpu.dma_semaphore, #tpu.memory_space<semaphore_mem>>)
        %dma_wait3A = arith.constant 0 : i32
        %dma_wait3A_61 = tpu.memref_slice %arg7[%mul3A_56, %dma_wait3A] : memref<10000x128xf32, #tpu.memory_space<vmem_shared>> -> memref<640x128xf32, #tpu.memory_space<vmem_shared>>
        %dma_wait3A_62 = arith.constant 0 : i32
        %dma_wait3A_63 = tpu.memref_slice %arg2[%mul3A_54, %dma_wait3A_62] : memref<10000x128xf32, #tpu.memory_space<hbm>> -> memref<640x128xf32, #tpu.memory_space<hbm>>
        tpu.wait_dma2 semaphore(%run_scoped3A : memref<!tpu.dma_semaphore, #tpu.memory_space<semaphore_mem>>) src(%dma_wait3A_63 : memref<640x128xf32, #tpu.memory_space<hbm>>) dst(%dma_wait3A_61 : memref<640x128xf32, #tpu.memory_space<vmem_shared>>)
        tpu.yield
      }) : () -> ()
    } else {
    }
    %eq3A = arith.constant 15 : i32
    %eq3A_5 = arith.cmpi eq, %arg1, %eq3A : i32
    %convert_element_type3A_6 = arith.extui %eq3A_5 : i1 to i32
    %cond3A_7 = arith.constant 0 : i32
    %cond3A_8 = arith.cmpi ne, %convert_element_type3A_6, %cond3A_7 : i32
    scf.if %cond3A_8 {
      "tpu.region"() ({
        %run_scoped3A = tpu.sem_alloc : memref<!tpu.dma_semaphore, #tpu.memory_space<semaphore_mem>>
        %dma_start3A_53 = arith.constant 9600 : i32
        %dma_start3A_54 = arith.constant 0 : i32
        %dma_start3A_55 = tpu.memref_slice %arg7[%dma_start3A_53, %dma_start3A_54] : memref<10000x128xf32, #tpu.memory_space<vmem_shared>> -> memref<400x128xf32, #tpu.memory_space<vmem_shared>>
        %dma_start3A_56 = arith.constant 9600 : i32
        %dma_start3A_57 = arith.constant 0 : i32
        %dma_start3A_58 = tpu.memref_slice %arg2[%dma_start3A_56, %dma_start3A_57] : memref<10000x128xf32, #tpu.memory_space<hbm>> -> memref<400x128xf32, #tpu.memory_space<hbm>>
        tpu.enqueue_dma source(%dma_start3A_58 : memref<400x128xf32, #tpu.memory_space<hbm>>) target(%dma_start3A_55 : memref<400x128xf32, #tpu.memory_space<vmem_shared>>) target_semaphore(%run_scoped3A : memref<!tpu.dma_semaphore, #tpu.memory_space<semaphore_mem>>)
        %dma_wait3A = arith.constant 9600 : i32
        %dma_wait3A_59 = arith.constant 0 : i32
        %dma_wait3A_60 = tpu.memref_slice %arg7[%dma_wait3A, %dma_wait3A_59] : memref<10000x128xf32, #tpu.memory_space<vmem_shared>> -> memref<400x128xf32, #tpu.memory_space<vmem_shared>>
        %dma_wait3A_61 = arith.constant 9600 : i32
        %dma_wait3A_62 = arith.constant 0 : i32
        %dma_wait3A_63 = tpu.memref_slice %arg2[%dma_wait3A_61, %dma_wait3A_62] : memref<10000x128xf32, #tpu.memory_space<hbm>> -> memref<400x128xf32, #tpu.memory_space<hbm>>
        tpu.wait_dma2 semaphore(%run_scoped3A : memref<!tpu.dma_semaphore, #tpu.memory_space<semaphore_mem>>) src(%dma_wait3A_63 : memref<400x128xf32, #tpu.memory_space<hbm>>) dst(%dma_wait3A_60 : memref<400x128xf32, #tpu.memory_space<vmem_shared>>)
        tpu.yield
      }) : () -> ()
    } else {
    }
    "tpu.region"() ({
      %run_scoped3A = tpu.sem_alloc : memref<!tpu.dma_semaphore, #tpu.memory_space<semaphore_mem>>
      %dma_start3A_53 = tpu.memref_slice %arg3[%mul3A_2] : memref<327680xi32, #tpu.memory_space<hbm>> -> memref<10240xi32, #tpu.memory_space<hbm>>
      %dma_start3A_54 = tpu.memref_slice %arg3[%mul3A_2] : memref<327680xi32, #tpu.memory_space<hbm>> -> memref<10240xi32, #tpu.memory_space<hbm>>
      tpu.enqueue_dma source(%dma_start3A_54 : memref<10240xi32, #tpu.memory_space<hbm>>) target(%arg5 : memref<10240xi32, #tpu.memory_space<vmem>>) target_semaphore(%run_scoped3A : memref<!tpu.dma_semaphore, #tpu.memory_space<semaphore_mem>>)
      %dma_wait3A = tpu.memref_slice %arg3[%mul3A_2] : memref<327680xi32, #tpu.memory_space<hbm>> -> memref<10240xi32, #tpu.memory_space<hbm>>
      %dma_wait3A_55 = tpu.memref_slice %arg3[%mul3A_2] : memref<327680xi32, #tpu.memory_space<hbm>> -> memref<10240xi32, #tpu.memory_space<hbm>>
      tpu.wait_dma2 semaphore(%run_scoped3A : memref<!tpu.dma_semaphore, #tpu.memory_space<semaphore_mem>>) src(%dma_wait3A_55 : memref<10240xi32, #tpu.memory_space<hbm>>) dst(%arg5 : memref<10240xi32, #tpu.memory_space<vmem>>)
      tpu.yield
    }) : () -> ()
    %barrier3A = arith.constant 0 : index
    tpu.barrier barrier_id(%barrier3A)
    %dma_start3A = arith.constant 0 : i32
    %dma_start3A_9 = arith.constant 0 : i32
    %dma_start3A_10 = arith.constant 0 : i32
    %dma_start3A_11 = tpu.memref_slice %arg6[%dma_start3A, %dma_start3A_9, %dma_start3A_10] : memref<4x64x128xf32, #tpu.memory_space<vmem>> -> memref<1x64x128xf32, #tpu.memory_space<vmem>>
    %dma_start3A_12 = tpu.memref_squeeze %dma_start3A_11 : memref<1x64x128xf32, #tpu.memory_space<vmem>> -> memref<64x128xf32, #tpu.memory_space<vmem>>
    %dma_start3A_13 = arith.constant 0 : i32
    %dma_start3A_14 = tpu.memref_slice %arg5[%dma_start3A_13] : memref<10240xi32, #tpu.memory_space<vmem>> -> memref<64xi32, #tpu.memory_space<vmem>>
    %dma_start3A_15 = arith.constant 0 : i32
    %dma_start3A_16 = arith.constant 0 : i32
    %dma_start3A_17 = tpu.memref_slice %arg7[%dma_start3A_15, %dma_start3A_16] : memref<10000x128xf32, #tpu.memory_space<vmem_shared>> -> memref<10000x128xf32, #tpu.memory_space<vmem_shared>>
    tpu.enqueue_indirect_dma source(%dma_start3A_17 : memref<10000x128xf32, #tpu.memory_space<vmem_shared>>) target(%dma_start3A_12 : memref<64x128xf32, #tpu.memory_space<vmem>>) offsets(%dma_start3A_14 : memref<64xi32, #tpu.memory_space<vmem>>) semaphore(%arg8 : memref<!tpu.dma_semaphore, #tpu.memory_space<semaphore_mem>>)
    %dma_start3A_18 = arith.constant 1 : i32
    %dma_start3A_19 = arith.constant 0 : i32
    %dma_start3A_20 = arith.constant 0 : i32
    %dma_start3A_21 = tpu.memref_slice %arg6[%dma_start3A_18, %dma_start3A_19, %dma_start3A_20] : memref<4x64x128xf32, #tpu.memory_space<vmem>> -> memref<1x64x128xf32, #tpu.memory_space<vmem>>
    %dma_start3A_22 = tpu.memref_squeeze %dma_start3A_21 : memref<1x64x128xf32, #tpu.memory_space<vmem>> -> memref<64x128xf32, #tpu.memory_space<vmem>>
    %dma_start3A_23 = arith.constant 64 : i32
    %dma_start3A_24 = tpu.memref_slice %arg5[%dma_start3A_23] : memref<10240xi32, #tpu.memory_space<vmem>> -> memref<64xi32, #tpu.memory_space<vmem>>
    %dma_start3A_25 = arith.constant 0 : i32
    %dma_start3A_26 = arith.constant 0 : i32
    %dma_start3A_27 = tpu.memref_slice %arg7[%dma_start3A_25, %dma_start3A_26] : memref<10000x128xf32, #tpu.memory_space<vmem_shared>> -> memref<10000x128xf32, #tpu.memory_space<vmem_shared>>
    tpu.enqueue_indirect_dma source(%dma_start3A_27 : memref<10000x128xf32, #tpu.memory_space<vmem_shared>>) target(%dma_start3A_22 : memref<64x128xf32, #tpu.memory_space<vmem>>) offsets(%dma_start3A_24 : memref<64xi32, #tpu.memory_space<vmem>>) semaphore(%arg9 : memref<!tpu.dma_semaphore, #tpu.memory_space<semaphore_mem>>)
    %dma_start3A_28 = arith.constant 2 : i32
    %dma_start3A_29 = arith.constant 0 : i32
    %dma_start3A_30 = arith.constant 0 : i32
    %dma_start3A_31 = tpu.memref_slice %arg6[%dma_start3A_28, %dma_start3A_29, %dma_start3A_30] : memref<4x64x128xf32, #tpu.memory_space<vmem>> -> memref<1x64x128xf32, #tpu.memory_space<vmem>>
    %dma_start3A_32 = tpu.memref_squeeze %dma_start3A_31 : memref<1x64x128xf32, #tpu.memory_space<vmem>> -> memref<64x128xf32, #tpu.memory_space<vmem>>
    %dma_start3A_33 = arith.constant 128 : i32
    %dma_start3A_34 = tpu.memref_slice %arg5[%dma_start3A_33] : memref<10240xi32, #tpu.memory_space<vmem>> -> memref<64xi32, #tpu.memory_space<vmem>>
    %dma_start3A_35 = arith.constant 0 : i32
    %dma_start3A_36 = arith.constant 0 : i32
    %dma_start3A_37 = tpu.memref_slice %arg7[%dma_start3A_35, %dma_start3A_36] : memref<10000x128xf32, #tpu.memory_space<vmem_shared>> -> memref<10000x128xf32, #tpu.memory_space<vmem_shared>>
    tpu.enqueue_indirect_dma source(%dma_start3A_37 : memref<10000x128xf32, #tpu.memory_space<vmem_shared>>) target(%dma_start3A_32 : memref<64x128xf32, #tpu.memory_space<vmem>>) offsets(%dma_start3A_34 : memref<64xi32, #tpu.memory_space<vmem>>) semaphore(%arg10 : memref<!tpu.dma_semaphore, #tpu.memory_space<semaphore_mem>>)
    %dma_start3A_38 = arith.constant 3 : i32
    %dma_start3A_39 = arith.constant 0 : i32
    %dma_start3A_40 = arith.constant 0 : i32
    %dma_start3A_41 = tpu.memref_slice %arg6[%dma_start3A_38, %dma_start3A_39, %dma_start3A_40] : memref<4x64x128xf32, #tpu.memory_space<vmem>> -> memref<1x64x128xf32, #tpu.memory_space<vmem>>
    %dma_start3A_42 = tpu.memref_squeeze %dma_start3A_41 : memref<1x64x128xf32, #tpu.memory_space<vmem>> -> memref<64x128xf32, #tpu.memory_space<vmem>>
    %dma_start3A_43 = arith.constant 192 : i32
    %dma_start3A_44 = tpu.memref_slice %arg5[%dma_start3A_43] : memref<10240xi32, #tpu.memory_space<vmem>> -> memref<64xi32, #tpu.memory_space<vmem>>
    %dma_start3A_45 = arith.constant 0 : i32
    %dma_start3A_46 = arith.constant 0 : i32
    %dma_start3A_47 = tpu.memref_slice %arg7[%dma_start3A_45, %dma_start3A_46] : memref<10000x128xf32, #tpu.memory_space<vmem_shared>> -> memref<10000x128xf32, #tpu.memory_space<vmem_shared>>
    tpu.enqueue_indirect_dma source(%dma_start3A_47 : memref<10000x128xf32, #tpu.memory_space<vmem_shared>>) target(%dma_start3A_42 : memref<64x128xf32, #tpu.memory_space<vmem>>) offsets(%dma_start3A_44 : memref<64xi32, #tpu.memory_space<vmem>>) semaphore(%arg11 : memref<!tpu.dma_semaphore, #tpu.memory_space<semaphore_mem>>)
    %scan3A = arith.constant 0 : i32
    %scan3A_48 = arith.constant 0 : i32
    %scan3A_49 = arith.constant 40 : i32
    %scan3A_50 = arith.addi %scan3A_48, %scan3A_49 : i32
    %scan3A_51 = arith.constant 1 : i32
    scf.for %scan3A_53 = %scan3A_48 to %scan3A_50 step %scan3A_51  : i32 {
      %mul3A_54 = arith.constant 4 : i32
      %mul3A_55 = arith.muli %scan3A_53, %mul3A_54 : i32
      %add3A_56 = arith.constant 0 : i32
      %add3A_57 = arith.addi %mul3A_55, %add3A_56 : i32
      %dma_wait3A = arith.constant 0 : i32
      %dma_wait3A_58 = arith.constant 0 : i32
      %dma_wait3A_59 = arith.constant 0 : i32
      %dma_wait3A_60 = tpu.memref_slice %arg6[%dma_wait3A, %dma_wait3A_58, %dma_wait3A_59] : memref<4x64x128xf32, #tpu.memory_space<vmem>> -> memref<1x64x128xf32, #tpu.memory_space<vmem>>
      %dma_wait3A_61 = tpu.memref_squeeze %dma_wait3A_60 : memref<1x64x128xf32, #tpu.memory_space<vmem>> -> memref<64x128xf32, #tpu.memory_space<vmem>>
      %dma_wait3A_62 = arith.constant 0 : i32
      %dma_wait3A_63 = arith.constant 0 : i32
      %dma_wait3A_64 = tpu.memref_slice %arg2[%dma_wait3A_62, %dma_wait3A_63] : memref<10000x128xf32, #tpu.memory_space<hbm>> -> memref<64x128xf32, #tpu.memory_space<hbm>>
      %dma_wait3A_65 = arith.constant 0 : i32
      %dma_wait3A_66 = arith.constant 0 : i32
      %dma_wait3A_67 = tpu.memref_slice %arg6[%dma_wait3A, %dma_wait3A_65, %dma_wait3A_66] : memref<4x64x128xf32, #tpu.memory_space<vmem>> -> memref<1x64x128xf32, #tpu.memory_space<vmem>>
      %dma_wait3A_68 = tpu.memref_squeeze %dma_wait3A_67 : memref<1x64x128xf32, #tpu.memory_space<vmem>> -> memref<64x128xf32, #tpu.memory_space<vmem>>
      %dma_wait3A_69 = arith.constant 0 : i32
      %dma_wait3A_70 = arith.constant 0 : i32
      %dma_wait3A_71 = tpu.memref_slice %arg2[%dma_wait3A_69, %dma_wait3A_70] : memref<10000x128xf32, #tpu.memory_space<hbm>> -> memref<64x128xf32, #tpu.memory_space<hbm>>
      tpu.wait_dma2 semaphore(%arg8 : memref<!tpu.dma_semaphore, #tpu.memory_space<semaphore_mem>>) src(%dma_wait3A_71 : memref<64x128xf32, #tpu.memory_space<hbm>>) dst(%dma_wait3A_68 : memref<64x128xf32, #tpu.memory_space<vmem>>)
      %mul3A_72 = arith.constant 64 : i32
      %mul3A_73 = arith.muli %add3A_57, %mul3A_72 : i32
      %add3A_74 = arith.addi %mul3A_2, %mul3A_73 : i32
      %dma_start3A_75 = arith.constant 0 : i32
      %dma_start3A_76 = arith.constant 0 : i32
      %dma_start3A_77 = arith.constant 0 : i32
      %dma_start3A_78 = tpu.memref_slice %arg6[%dma_start3A_75, %dma_start3A_76, %dma_start3A_77] : memref<4x64x128xf32, #tpu.memory_space<vmem>> -> memref<1x64x128xf32, #tpu.memory_space<vmem>>
      %dma_start3A_79 = tpu.memref_squeeze %dma_start3A_78 : memref<1x64x128xf32, #tpu.memory_space<vmem>> -> memref<64x128xf32, #tpu.memory_space<vmem>>
      %dma_start3A_80 = arith.constant 0 : i32
      %dma_start3A_81 = tpu.memref_slice %arg4[%add3A_74, %dma_start3A_80] : memref<327680x128xf32, #tpu.memory_space<hbm>> -> memref<64x128xf32, #tpu.memory_space<hbm>>
      %dma_start3A_82 = arith.constant 0 : i32
      %dma_start3A_83 = tpu.memref_slice %arg4[%add3A_74, %dma_start3A_82] : memref<327680x128xf32, #tpu.memory_space<hbm>> -> memref<64x128xf32, #tpu.memory_space<hbm>>
      %dma_start3A_84 = arith.constant 0 : i32
      %dma_start3A_85 = arith.constant 0 : i32
      %dma_start3A_86 = tpu.memref_slice %arg6[%dma_start3A_75, %dma_start3A_84, %dma_start3A_85] : memref<4x64x128xf32, #tpu.memory_space<vmem>> -> memref<1x64x128xf32, #tpu.memory_space<vmem>>
      %dma_start3A_87 = tpu.memref_squeeze %dma_start3A_86 : memref<1x64x128xf32, #tpu.memory_space<vmem>> -> memref<64x128xf32, #tpu.memory_space<vmem>>
      tpu.enqueue_dma source(%dma_start3A_87 : memref<64x128xf32, #tpu.memory_space<vmem>>) target(%dma_start3A_83 : memref<64x128xf32, #tpu.memory_space<hbm>>) target_semaphore(%arg12 : memref<!tpu.dma_semaphore, #tpu.memory_space<semaphore_mem>>)
      %dma_wait3A_88 = arith.constant 0 : i32
      %dma_wait3A_89 = arith.constant 0 : i32
      %dma_wait3A_90 = arith.constant 0 : i32
      %dma_wait3A_91 = tpu.memref_slice %arg6[%dma_wait3A_88, %dma_wait3A_89, %dma_wait3A_90] : memref<4x64x128xf32, #tpu.memory_space<vmem>> -> memref<1x64x128xf32, #tpu.memory_space<vmem>>
      %dma_wait3A_92 = tpu.memref_squeeze %dma_wait3A_91 : memref<1x64x128xf32, #tpu.memory_space<vmem>> -> memref<64x128xf32, #tpu.memory_space<vmem>>
      %dma_wait3A_93 = arith.constant 0 : i32
      %dma_wait3A_94 = arith.constant 0 : i32
      %dma_wait3A_95 = tpu.memref_slice %arg4[%dma_wait3A_93, %dma_wait3A_94] : memref<327680x128xf32, #tpu.memory_space<hbm>> -> memref<64x128xf32, #tpu.memory_space<hbm>>
      %dma_wait3A_96 = arith.constant 0 : i32
      %dma_wait3A_97 = arith.constant 0 : i32
      %dma_wait3A_98 = tpu.memref_slice %arg4[%dma_wait3A_96, %dma_wait3A_97] : memref<327680x128xf32, #tpu.memory_space<hbm>> -> memref<64x128xf32, #tpu.memory_space<hbm>>
      %dma_wait3A_99 = arith.constant 0 : i32
      %dma_wait3A_100 = arith.constant 0 : i32
      %dma_wait3A_101 = tpu.memref_slice %arg6[%dma_wait3A_88, %dma_wait3A_99, %dma_wait3A_100] : memref<4x64x128xf32, #tpu.memory_space<vmem>> -> memref<1x64x128xf32, #tpu.memory_space<vmem>>
      %dma_wait3A_102 = tpu.memref_squeeze %dma_wait3A_101 : memref<1x64x128xf32, #tpu.memory_space<vmem>> -> memref<64x128xf32, #tpu.memory_space<vmem>>
      tpu.wait_dma2 semaphore(%arg12 : memref<!tpu.dma_semaphore, #tpu.memory_space<semaphore_mem>>) src(%dma_wait3A_102 : memref<64x128xf32, #tpu.memory_space<vmem>>) dst(%dma_wait3A_98 : memref<64x128xf32, #tpu.memory_space<hbm>>)
      %add3A_103 = arith.constant 4 : i32
      %add3A_104 = arith.addi %add3A_57, %add3A_103 : i32
      %lt3A_105 = arith.constant 160 : i32
      %lt3A_106 = arith.cmpi slt, %add3A_104, %lt3A_105 : i32
      %convert_element_type3A_107 = arith.extui %lt3A_106 : i1 to i32
      %cond3A_108 = arith.constant 0 : i32
      %cond3A_109 = arith.cmpi ne, %convert_element_type3A_107, %cond3A_108 : i32
      scf.if %cond3A_109 {
        %mul3A_281 = arith.constant 64 : i32
        %mul3A_282 = arith.muli %add3A_104, %mul3A_281 : i32
        %dma_start3A_283 = arith.constant 0 : i32
        %dma_start3A_284 = arith.constant 0 : i32
        %dma_start3A_285 = arith.constant 0 : i32
        %dma_start3A_286 = tpu.memref_slice %arg6[%dma_start3A_283, %dma_start3A_284, %dma_start3A_285] : memref<4x64x128xf32, #tpu.memory_space<vmem>> -> memref<1x64x128xf32, #tpu.memory_space<vmem>>
        %dma_start3A_287 = tpu.memref_squeeze %dma_start3A_286 : memref<1x64x128xf32, #tpu.memory_space<vmem>> -> memref<64x128xf32, #tpu.memory_space<vmem>>
        %dma_start3A_288 = tpu.memref_slice %arg5[%mul3A_282] : memref<10240xi32, #tpu.memory_space<vmem>> -> memref<64xi32, #tpu.memory_space<vmem>>
        %dma_start3A_289 = arith.constant 0 : i32
        %dma_start3A_290 = arith.constant 0 : i32
        %dma_start3A_291 = tpu.memref_slice %arg7[%dma_start3A_289, %dma_start3A_290] : memref<10000x128xf32, #tpu.memory_space<vmem_shared>> -> memref<10000x128xf32, #tpu.memory_space<vmem_shared>>
        tpu.enqueue_indirect_dma source(%dma_start3A_291 : memref<10000x128xf32, #tpu.memory_space<vmem_shared>>) target(%dma_start3A_287 : memref<64x128xf32, #tpu.memory_space<vmem>>) offsets(%dma_start3A_288 : memref<64xi32, #tpu.memory_space<vmem>>) semaphore(%arg8 : memref<!tpu.dma_semaphore, #tpu.memory_space<semaphore_mem>>)
      } else {
      }
      %mul3A_110 = arith.constant 4 : i32
      %mul3A_111 = arith.muli %scan3A_53, %mul3A_110 : i32
      %add3A_112 = arith.constant 1 : i32
      %add3A_113 = arith.addi %mul3A_111, %add3A_112 : i32
      %dma_wait3A_114 = arith.constant 1 : i32
      %dma_wait3A_115 = arith.constant 0 : i32
      %dma_wait3A_116 = arith.constant 0 : i32
      %dma_wait3A_117 = tpu.memref_slice %arg6[%dma_wait3A_114, %dma_wait3A_115, %dma_wait3A_116] : memref<4x64x128xf32, #tpu.memory_space<vmem>> -> memref<1x64x128xf32, #tpu.memory_space<vmem>>
      %dma_wait3A_118 = tpu.memref_squeeze %dma_wait3A_117 : memref<1x64x128xf32, #tpu.memory_space<vmem>> -> memref<64x128xf32, #tpu.memory_space<vmem>>
      %dma_wait3A_119 = arith.constant 0 : i32
      %dma_wait3A_120 = arith.constant 0 : i32
      %dma_wait3A_121 = tpu.memref_slice %arg2[%dma_wait3A_119, %dma_wait3A_120] : memref<10000x128xf32, #tpu.memory_space<hbm>> -> memref<64x128xf32, #tpu.memory_space<hbm>>
      %dma_wait3A_122 = arith.constant 0 : i32
      %dma_wait3A_123 = arith.constant 0 : i32
      %dma_wait3A_124 = tpu.memref_slice %arg6[%dma_wait3A_114, %dma_wait3A_122, %dma_wait3A_123] : memref<4x64x128xf32, #tpu.memory_space<vmem>> -> memref<1x64x128xf32, #tpu.memory_space<vmem>>
      %dma_wait3A_125 = tpu.memref_squeeze %dma_wait3A_124 : memref<1x64x128xf32, #tpu.memory_space<vmem>> -> memref<64x128xf32, #tpu.memory_space<vmem>>
      %dma_wait3A_126 = arith.constant 0 : i32
      %dma_wait3A_127 = arith.constant 0 : i32
      %dma_wait3A_128 = tpu.memref_slice %arg2[%dma_wait3A_126, %dma_wait3A_127] : memref<10000x128xf32, #tpu.memory_space<hbm>> -> memref<64x128xf32, #tpu.memory_space<hbm>>
      tpu.wait_dma2 semaphore(%arg9 : memref<!tpu.dma_semaphore, #tpu.memory_space<semaphore_mem>>) src(%dma_wait3A_128 : memref<64x128xf32, #tpu.memory_space<hbm>>) dst(%dma_wait3A_125 : memref<64x128xf32, #tpu.memory_space<vmem>>)
      %mul3A_129 = arith.constant 64 : i32
      %mul3A_130 = arith.muli %add3A_113, %mul3A_129 : i32
      %add3A_131 = arith.addi %mul3A_2, %mul3A_130 : i32
      %dma_start3A_132 = arith.constant 1 : i32
      %dma_start3A_133 = arith.constant 0 : i32
      %dma_start3A_134 = arith.constant 0 : i32
      %dma_start3A_135 = tpu.memref_slice %arg6[%dma_start3A_132, %dma_start3A_133, %dma_start3A_134] : memref<4x64x128xf32, #tpu.memory_space<vmem>> -> memref<1x64x128xf32, #tpu.memory_space<vmem>>
      %dma_start3A_136 = tpu.memref_squeeze %dma_start3A_135 : memref<1x64x128xf32, #tpu.memory_space<vmem>> -> memref<64x128xf32, #tpu.memory_space<vmem>>
      %dma_start3A_137 = arith.constant 0 : i32
      %dma_start3A_138 = tpu.memref_slice %arg4[%add3A_131, %dma_start3A_137] : memref<327680x128xf32, #tpu.memory_space<hbm>> -> memref<64x128xf32, #tpu.memory_space<hbm>>
      %dma_start3A_139 = arith.constant 0 : i32
      %dma_start3A_140 = tpu.memref_slice %arg4[%add3A_131, %dma_start3A_139] : memref<327680x128xf32, #tpu.memory_space<hbm>> -> memref<64x128xf32, #tpu.memory_space<hbm>>
      %dma_start3A_141 = arith.constant 0 : i32
      %dma_start3A_142 = arith.constant 0 : i32
      %dma_start3A_143 = tpu.memref_slice %arg6[%dma_start3A_132, %dma_start3A_141, %dma_start3A_142] : memref<4x64x128xf32, #tpu.memory_space<vmem>> -> memref<1x64x128xf32, #tpu.memory_space<vmem>>
      %dma_start3A_144 = tpu.memref_squeeze %dma_start3A_143 : memref<1x64x128xf32, #tpu.memory_space<vmem>> -> memref<64x128xf32, #tpu.memory_space<vmem>>
      tpu.enqueue_dma source(%dma_start3A_144 : memref<64x128xf32, #tpu.memory_space<vmem>>) target(%dma_start3A_140 : memref<64x128xf32, #tpu.memory_space<hbm>>) target_semaphore(%arg13 : memref<!tpu.dma_semaphore, #tpu.memory_space<semaphore_mem>>)
      %dma_wait3A_145 = arith.constant 1 : i32
      %dma_wait3A_146 = arith.constant 0 : i32
      %dma_wait3A_147 = arith.constant 0 : i32
      %dma_wait3A_148 = tpu.memref_slice %arg6[%dma_wait3A_145, %dma_wait3A_146, %dma_wait3A_147] : memref<4x64x128xf32, #tpu.memory_space<vmem>> -> memref<1x64x128xf32, #tpu.memory_space<vmem>>
      %dma_wait3A_149 = tpu.memref_squeeze %dma_wait3A_148 : memref<1x64x128xf32, #tpu.memory_space<vmem>> -> memref<64x128xf32, #tpu.memory_space<vmem>>
      %dma_wait3A_150 = arith.constant 0 : i32
      %dma_wait3A_151 = arith.constant 0 : i32
      %dma_wait3A_152 = tpu.memref_slice %arg4[%dma_wait3A_150, %dma_wait3A_151] : memref<327680x128xf32, #tpu.memory_space<hbm>> -> memref<64x128xf32, #tpu.memory_space<hbm>>
      %dma_wait3A_153 = arith.constant 0 : i32
      %dma_wait3A_154 = arith.constant 0 : i32
      %dma_wait3A_155 = tpu.memref_slice %arg4[%dma_wait3A_153, %dma_wait3A_154] : memref<327680x128xf32, #tpu.memory_space<hbm>> -> memref<64x128xf32, #tpu.memory_space<hbm>>
      %dma_wait3A_156 = arith.constant 0 : i32
      %dma_wait3A_157 = arith.constant 0 : i32
      %dma_wait3A_158 = tpu.memref_slice %arg6[%dma_wait3A_145, %dma_wait3A_156, %dma_wait3A_157] : memref<4x64x128xf32, #tpu.memory_space<vmem>> -> memref<1x64x128xf32, #tpu.memory_space<vmem>>
      %dma_wait3A_159 = tpu.memref_squeeze %dma_wait3A_158 : memref<1x64x128xf32, #tpu.memory_space<vmem>> -> memref<64x128xf32, #tpu.memory_space<vmem>>
      tpu.wait_dma2 semaphore(%arg13 : memref<!tpu.dma_semaphore, #tpu.memory_space<semaphore_mem>>) src(%dma_wait3A_159 : memref<64x128xf32, #tpu.memory_space<vmem>>) dst(%dma_wait3A_155 : memref<64x128xf32, #tpu.memory_space<hbm>>)
      %add3A_160 = arith.constant 4 : i32
      %add3A_161 = arith.addi %add3A_113, %add3A_160 : i32
      %lt3A_162 = arith.constant 160 : i32
      %lt3A_163 = arith.cmpi slt, %add3A_161, %lt3A_162 : i32
      %convert_element_type3A_164 = arith.extui %lt3A_163 : i1 to i32
      %cond3A_165 = arith.constant 0 : i32
      %cond3A_166 = arith.cmpi ne, %convert_element_type3A_164, %cond3A_165 : i32
      scf.if %cond3A_166 {
        %mul3A_281 = arith.constant 64 : i32
        %mul3A_282 = arith.muli %add3A_161, %mul3A_281 : i32
        %dma_start3A_283 = arith.constant 1 : i32
        %dma_start3A_284 = arith.constant 0 : i32
        %dma_start3A_285 = arith.constant 0 : i32
        %dma_start3A_286 = tpu.memref_slice %arg6[%dma_start3A_283, %dma_start3A_284, %dma_start3A_285] : memref<4x64x128xf32, #tpu.memory_space<vmem>> -> memref<1x64x128xf32, #tpu.memory_space<vmem>>
        %dma_start3A_287 = tpu.memref_squeeze %dma_start3A_286 : memref<1x64x128xf32, #tpu.memory_space<vmem>> -> memref<64x128xf32, #tpu.memory_space<vmem>>
        %dma_start3A_288 = tpu.memref_slice %arg5[%mul3A_282] : memref<10240xi32, #tpu.memory_space<vmem>> -> memref<64xi32, #tpu.memory_space<vmem>>
        %dma_start3A_289 = arith.constant 0 : i32
        %dma_start3A_290 = arith.constant 0 : i32
        %dma_start3A_291 = tpu.memref_slice %arg7[%dma_start3A_289, %dma_start3A_290] : memref<10000x128xf32, #tpu.memory_space<vmem_shared>> -> memref<10000x128xf32, #tpu.memory_space<vmem_shared>>
        tpu.enqueue_indirect_dma source(%dma_start3A_291 : memref<10000x128xf32, #tpu.memory_space<vmem_shared>>) target(%dma_start3A_287 : memref<64x128xf32, #tpu.memory_space<vmem>>) offsets(%dma_start3A_288 : memref<64xi32, #tpu.memory_space<vmem>>) semaphore(%arg9 : memref<!tpu.dma_semaphore, #tpu.memory_space<semaphore_mem>>)
      } else {
      }
      %mul3A_167 = arith.constant 4 : i32
      %mul3A_168 = arith.muli %scan3A_53, %mul3A_167 : i32
      %add3A_169 = arith.constant 2 : i32
      %add3A_170 = arith.addi %mul3A_168, %add3A_169 : i32
      %dma_wait3A_171 = arith.constant 2 : i32
      %dma_wait3A_172 = arith.constant 0 : i32
      %dma_wait3A_173 = arith.constant 0 : i32
      %dma_wait3A_174 = tpu.memref_slice %arg6[%dma_wait3A_171, %dma_wait3A_172, %dma_wait3A_173] : memref<4x64x128xf32, #tpu.memory_space<vmem>> -> memref<1x64x128xf32, #tpu.memory_space<vmem>>
      %dma_wait3A_175 = tpu.memref_squeeze %dma_wait3A_174 : memref<1x64x128xf32, #tpu.memory_space<vmem>> -> memref<64x128xf32, #tpu.memory_space<vmem>>
      %dma_wait3A_176 = arith.constant 0 : i32
      %dma_wait3A_177 = arith.constant 0 : i32
      %dma_wait3A_178 = tpu.memref_slice %arg2[%dma_wait3A_176, %dma_wait3A_177] : memref<10000x128xf32, #tpu.memory_space<hbm>> -> memref<64x128xf32, #tpu.memory_space<hbm>>
      %dma_wait3A_179 = arith.constant 0 : i32
      %dma_wait3A_180 = arith.constant 0 : i32
      %dma_wait3A_181 = tpu.memref_slice %arg6[%dma_wait3A_171, %dma_wait3A_179, %dma_wait3A_180] : memref<4x64x128xf32, #tpu.memory_space<vmem>> -> memref<1x64x128xf32, #tpu.memory_space<vmem>>
      %dma_wait3A_182 = tpu.memref_squeeze %dma_wait3A_181 : memref<1x64x128xf32, #tpu.memory_space<vmem>> -> memref<64x128xf32, #tpu.memory_space<vmem>>
      %dma_wait3A_183 = arith.constant 0 : i32
      %dma_wait3A_184 = arith.constant 0 : i32
      %dma_wait3A_185 = tpu.memref_slice %arg2[%dma_wait3A_183, %dma_wait3A_184] : memref<10000x128xf32, #tpu.memory_space<hbm>> -> memref<64x128xf32, #tpu.memory_space<hbm>>
      tpu.wait_dma2 semaphore(%arg10 : memref<!tpu.dma_semaphore, #tpu.memory_space<semaphore_mem>>) src(%dma_wait3A_185 : memref<64x128xf32, #tpu.memory_space<hbm>>) dst(%dma_wait3A_182 : memref<64x128xf32, #tpu.memory_space<vmem>>)
      %mul3A_186 = arith.constant 64 : i32
      %mul3A_187 = arith.muli %add3A_170, %mul3A_186 : i32
      %add3A_188 = arith.addi %mul3A_2, %mul3A_187 : i32
      %dma_start3A_189 = arith.constant 2 : i32
      %dma_start3A_190 = arith.constant 0 : i32
      %dma_start3A_191 = arith.constant 0 : i32
      %dma_start3A_192 = tpu.memref_slice %arg6[%dma_start3A_189, %dma_start3A_190, %dma_start3A_191] : memref<4x64x128xf32, #tpu.memory_space<vmem>> -> memref<1x64x128xf32, #tpu.memory_space<vmem>>
      %dma_start3A_193 = tpu.memref_squeeze %dma_start3A_192 : memref<1x64x128xf32, #tpu.memory_space<vmem>> -> memref<64x128xf32, #tpu.memory_space<vmem>>
      %dma_start3A_194 = arith.constant 0 : i32
      %dma_start3A_195 = tpu.memref_slice %arg4[%add3A_188, %dma_start3A_194] : memref<327680x128xf32, #tpu.memory_space<hbm>> -> memref<64x128xf32, #tpu.memory_space<hbm>>
      %dma_start3A_196 = arith.constant 0 : i32
      %dma_start3A_197 = tpu.memref_slice %arg4[%add3A_188, %dma_start3A_196] : memref<327680x128xf32, #tpu.memory_space<hbm>> -> memref<64x128xf32, #tpu.memory_space<hbm>>
      %dma_start3A_198 = arith.constant 0 : i32
      %dma_start3A_199 = arith.constant 0 : i32
      %dma_start3A_200 = tpu.memref_slice %arg6[%dma_start3A_189, %dma_start3A_198, %dma_start3A_199] : memref<4x64x128xf32, #tpu.memory_space<vmem>> -> memref<1x64x128xf32, #tpu.memory_space<vmem>>
      %dma_start3A_201 = tpu.memref_squeeze %dma_start3A_200 : memref<1x64x128xf32, #tpu.memory_space<vmem>> -> memref<64x128xf32, #tpu.memory_space<vmem>>
      tpu.enqueue_dma source(%dma_start3A_201 : memref<64x128xf32, #tpu.memory_space<vmem>>) target(%dma_start3A_197 : memref<64x128xf32, #tpu.memory_space<hbm>>) target_semaphore(%arg14 : memref<!tpu.dma_semaphore, #tpu.memory_space<semaphore_mem>>)
      %dma_wait3A_202 = arith.constant 2 : i32
      %dma_wait3A_203 = arith.constant 0 : i32
      %dma_wait3A_204 = arith.constant 0 : i32
      %dma_wait3A_205 = tpu.memref_slice %arg6[%dma_wait3A_202, %dma_wait3A_203, %dma_wait3A_204] : memref<4x64x128xf32, #tpu.memory_space<vmem>> -> memref<1x64x128xf32, #tpu.memory_space<vmem>>
      %dma_wait3A_206 = tpu.memref_squeeze %dma_wait3A_205 : memref<1x64x128xf32, #tpu.memory_space<vmem>> -> memref<64x128xf32, #tpu.memory_space<vmem>>
      %dma_wait3A_207 = arith.constant 0 : i32
      %dma_wait3A_208 = arith.constant 0 : i32
      %dma_wait3A_209 = tpu.memref_slice %arg4[%dma_wait3A_207, %dma_wait3A_208] : memref<327680x128xf32, #tpu.memory_space<hbm>> -> memref<64x128xf32, #tpu.memory_space<hbm>>
      %dma_wait3A_210 = arith.constant 0 : i32
      %dma_wait3A_211 = arith.constant 0 : i32
      %dma_wait3A_212 = tpu.memref_slice %arg4[%dma_wait3A_210, %dma_wait3A_211] : memref<327680x128xf32, #tpu.memory_space<hbm>> -> memref<64x128xf32, #tpu.memory_space<hbm>>
      %dma_wait3A_213 = arith.constant 0 : i32
      %dma_wait3A_214 = arith.constant 0 : i32
      %dma_wait3A_215 = tpu.memref_slice %arg6[%dma_wait3A_202, %dma_wait3A_213, %dma_wait3A_214] : memref<4x64x128xf32, #tpu.memory_space<vmem>> -> memref<1x64x128xf32, #tpu.memory_space<vmem>>
      %dma_wait3A_216 = tpu.memref_squeeze %dma_wait3A_215 : memref<1x64x128xf32, #tpu.memory_space<vmem>> -> memref<64x128xf32, #tpu.memory_space<vmem>>
      tpu.wait_dma2 semaphore(%arg14 : memref<!tpu.dma_semaphore, #tpu.memory_space<semaphore_mem>>) src(%dma_wait3A_216 : memref<64x128xf32, #tpu.memory_space<vmem>>) dst(%dma_wait3A_212 : memref<64x128xf32, #tpu.memory_space<hbm>>)
      %add3A_217 = arith.constant 4 : i32
      %add3A_218 = arith.addi %add3A_170, %add3A_217 : i32
      %lt3A_219 = arith.constant 160 : i32
      %lt3A_220 = arith.cmpi slt, %add3A_218, %lt3A_219 : i32
      %convert_element_type3A_221 = arith.extui %lt3A_220 : i1 to i32
      %cond3A_222 = arith.constant 0 : i32
      %cond3A_223 = arith.cmpi ne, %convert_element_type3A_221, %cond3A_222 : i32
      scf.if %cond3A_223 {
        %mul3A_281 = arith.constant 64 : i32
        %mul3A_282 = arith.muli %add3A_218, %mul3A_281 : i32
        %dma_start3A_283 = arith.constant 2 : i32
        %dma_start3A_284 = arith.constant 0 : i32
        %dma_start3A_285 = arith.constant 0 : i32
        %dma_start3A_286 = tpu.memref_slice %arg6[%dma_start3A_283, %dma_start3A_284, %dma_start3A_285] : memref<4x64x128xf32, #tpu.memory_space<vmem>> -> memref<1x64x128xf32, #tpu.memory_space<vmem>>
        %dma_start3A_287 = tpu.memref_squeeze %dma_start3A_286 : memref<1x64x128xf32, #tpu.memory_space<vmem>> -> memref<64x128xf32, #tpu.memory_space<vmem>>
        %dma_start3A_288 = tpu.memref_slice %arg5[%mul3A_282] : memref<10240xi32, #tpu.memory_space<vmem>> -> memref<64xi32, #tpu.memory_space<vmem>>
        %dma_start3A_289 = arith.constant 0 : i32
        %dma_start3A_290 = arith.constant 0 : i32
        %dma_start3A_291 = tpu.memref_slice %arg7[%dma_start3A_289, %dma_start3A_290] : memref<10000x128xf32, #tpu.memory_space<vmem_shared>> -> memref<10000x128xf32, #tpu.memory_space<vmem_shared>>
        tpu.enqueue_indirect_dma source(%dma_start3A_291 : memref<10000x128xf32, #tpu.memory_space<vmem_shared>>) target(%dma_start3A_287 : memref<64x128xf32, #tpu.memory_space<vmem>>) offsets(%dma_start3A_288 : memref<64xi32, #tpu.memory_space<vmem>>) semaphore(%arg10 : memref<!tpu.dma_semaphore, #tpu.memory_space<semaphore_mem>>)
      } else {
      }
      %mul3A_224 = arith.constant 4 : i32
      %mul3A_225 = arith.muli %scan3A_53, %mul3A_224 : i32
      %add3A_226 = arith.constant 3 : i32
      %add3A_227 = arith.addi %mul3A_225, %add3A_226 : i32
      %dma_wait3A_228 = arith.constant 3 : i32
      %dma_wait3A_229 = arith.constant 0 : i32
      %dma_wait3A_230 = arith.constant 0 : i32
      %dma_wait3A_231 = tpu.memref_slice %arg6[%dma_wait3A_228, %dma_wait3A_229, %dma_wait3A_230] : memref<4x64x128xf32, #tpu.memory_space<vmem>> -> memref<1x64x128xf32, #tpu.memory_space<vmem>>
      %dma_wait3A_232 = tpu.memref_squeeze %dma_wait3A_231 : memref<1x64x128xf32, #tpu.memory_space<vmem>> -> memref<64x128xf32, #tpu.memory_space<vmem>>
      %dma_wait3A_233 = arith.constant 0 : i32
      %dma_wait3A_234 = arith.constant 0 : i32
      %dma_wait3A_235 = tpu.memref_slice %arg2[%dma_wait3A_233, %dma_wait3A_234] : memref<10000x128xf32, #tpu.memory_space<hbm>> -> memref<64x128xf32, #tpu.memory_space<hbm>>
      %dma_wait3A_236 = arith.constant 0 : i32
      %dma_wait3A_237 = arith.constant 0 : i32
      %dma_wait3A_238 = tpu.memref_slice %arg6[%dma_wait3A_228, %dma_wait3A_236, %dma_wait3A_237] : memref<4x64x128xf32, #tpu.memory_space<vmem>> -> memref<1x64x128xf32, #tpu.memory_space<vmem>>
      %dma_wait3A_239 = tpu.memref_squeeze %dma_wait3A_238 : memref<1x64x128xf32, #tpu.memory_space<vmem>> -> memref<64x128xf32, #tpu.memory_space<vmem>>
      %dma_wait3A_240 = arith.constant 0 : i32
      %dma_wait3A_241 = arith.constant 0 : i32
      %dma_wait3A_242 = tpu.memref_slice %arg2[%dma_wait3A_240, %dma_wait3A_241] : memref<10000x128xf32, #tpu.memory_space<hbm>> -> memref<64x128xf32, #tpu.memory_space<hbm>>
      tpu.wait_dma2 semaphore(%arg11 : memref<!tpu.dma_semaphore, #tpu.memory_space<semaphore_mem>>) src(%dma_wait3A_242 : memref<64x128xf32, #tpu.memory_space<hbm>>) dst(%dma_wait3A_239 : memref<64x128xf32, #tpu.memory_space<vmem>>)
      %mul3A_243 = arith.constant 64 : i32
      %mul3A_244 = arith.muli %add3A_227, %mul3A_243 : i32
      %add3A_245 = arith.addi %mul3A_2, %mul3A_244 : i32
      %dma_start3A_246 = arith.constant 3 : i32
      %dma_start3A_247 = arith.constant 0 : i32
      %dma_start3A_248 = arith.constant 0 : i32
      %dma_start3A_249 = tpu.memref_slice %arg6[%dma_start3A_246, %dma_start3A_247, %dma_start3A_248] : memref<4x64x128xf32, #tpu.memory_space<vmem>> -> memref<1x64x128xf32, #tpu.memory_space<vmem>>
      %dma_start3A_250 = tpu.memref_squeeze %dma_start3A_249 : memref<1x64x128xf32, #tpu.memory_space<vmem>> -> memref<64x128xf32, #tpu.memory_space<vmem>>
      %dma_start3A_251 = arith.constant 0 : i32
      %dma_start3A_252 = tpu.memref_slice %arg4[%add3A_245, %dma_start3A_251] : memref<327680x128xf32, #tpu.memory_space<hbm>> -> memref<64x128xf32, #tpu.memory_space<hbm>>
      %dma_start3A_253 = arith.constant 0 : i32
      %dma_start3A_254 = tpu.memref_slice %arg4[%add3A_245, %dma_start3A_253] : memref<327680x128xf32, #tpu.memory_space<hbm>> -> memref<64x128xf32, #tpu.memory_space<hbm>>
      %dma_start3A_255 = arith.constant 0 : i32
      %dma_start3A_256 = arith.constant 0 : i32
      %dma_start3A_257 = tpu.memref_slice %arg6[%dma_start3A_246, %dma_start3A_255, %dma_start3A_256] : memref<4x64x128xf32, #tpu.memory_space<vmem>> -> memref<1x64x128xf32, #tpu.memory_space<vmem>>
      %dma_start3A_258 = tpu.memref_squeeze %dma_start3A_257 : memref<1x64x128xf32, #tpu.memory_space<vmem>> -> memref<64x128xf32, #tpu.memory_space<vmem>>
      tpu.enqueue_dma source(%dma_start3A_258 : memref<64x128xf32, #tpu.memory_space<vmem>>) target(%dma_start3A_254 : memref<64x128xf32, #tpu.memory_space<hbm>>) target_semaphore(%arg15 : memref<!tpu.dma_semaphore, #tpu.memory_space<semaphore_mem>>)
      %dma_wait3A_259 = arith.constant 3 : i32
      %dma_wait3A_260 = arith.constant 0 : i32
      %dma_wait3A_261 = arith.constant 0 : i32
      %dma_wait3A_262 = tpu.memref_slice %arg6[%dma_wait3A_259, %dma_wait3A_260, %dma_wait3A_261] : memref<4x64x128xf32, #tpu.memory_space<vmem>> -> memref<1x64x128xf32, #tpu.memory_space<vmem>>
      %dma_wait3A_263 = tpu.memref_squeeze %dma_wait3A_262 : memref<1x64x128xf32, #tpu.memory_space<vmem>> -> memref<64x128xf32, #tpu.memory_space<vmem>>
      %dma_wait3A_264 = arith.constant 0 : i32
      %dma_wait3A_265 = arith.constant 0 : i32
      %dma_wait3A_266 = tpu.memref_slice %arg4[%dma_wait3A_264, %dma_wait3A_265] : memref<327680x128xf32, #tpu.memory_space<hbm>> -> memref<64x128xf32, #tpu.memory_space<hbm>>
      %dma_wait3A_267 = arith.constant 0 : i32
      %dma_wait3A_268 = arith.constant 0 : i32
      %dma_wait3A_269 = tpu.memref_slice %arg4[%dma_wait3A_267, %dma_wait3A_268] : memref<327680x128xf32, #tpu.memory_space<hbm>> -> memref<64x128xf32, #tpu.memory_space<hbm>>
      %dma_wait3A_270 = arith.constant 0 : i32
      %dma_wait3A_271 = arith.constant 0 : i32
      %dma_wait3A_272 = tpu.memref_slice %arg6[%dma_wait3A_259, %dma_wait3A_270, %dma_wait3A_271] : memref<4x64x128xf32, #tpu.memory_space<vmem>> -> memref<1x64x128xf32, #tpu.memory_space<vmem>>
      %dma_wait3A_273 = tpu.memref_squeeze %dma_wait3A_272 : memref<1x64x128xf32, #tpu.memory_space<vmem>> -> memref<64x128xf32, #tpu.memory_space<vmem>>
      tpu.wait_dma2 semaphore(%arg15 : memref<!tpu.dma_semaphore, #tpu.memory_space<semaphore_mem>>) src(%dma_wait3A_273 : memref<64x128xf32, #tpu.memory_space<vmem>>) dst(%dma_wait3A_269 : memref<64x128xf32, #tpu.memory_space<hbm>>)
      %add3A_274 = arith.constant 4 : i32
      %add3A_275 = arith.addi %add3A_227, %add3A_274 : i32
      %lt3A_276 = arith.constant 160 : i32
      %lt3A_277 = arith.cmpi slt, %add3A_275, %lt3A_276 : i32
      %convert_element_type3A_278 = arith.extui %lt3A_277 : i1 to i32
      %cond3A_279 = arith.constant 0 : i32
      %cond3A_280 = arith.cmpi ne, %convert_element_type3A_278, %cond3A_279 : i32
      scf.if %cond3A_280 {
        %mul3A_281 = arith.constant 64 : i32
        %mul3A_282 = arith.muli %add3A_275, %mul3A_281 : i32
        %dma_start3A_283 = arith.constant 3 : i32
        %dma_start3A_284 = arith.constant 0 : i32
        %dma_start3A_285 = arith.constant 0 : i32
        %dma_start3A_286 = tpu.memref_slice %arg6[%dma_start3A_283, %dma_start3A_284, %dma_start3A_285] : memref<4x64x128xf32, #tpu.memory_space<vmem>> -> memref<1x64x128xf32, #tpu.memory_space<vmem>>
        %dma_start3A_287 = tpu.memref_squeeze %dma_start3A_286 : memref<1x64x128xf32, #tpu.memory_space<vmem>> -> memref<64x128xf32, #tpu.memory_space<vmem>>
        %dma_start3A_288 = tpu.memref_slice %arg5[%mul3A_282] : memref<10240xi32, #tpu.memory_space<vmem>> -> memref<64xi32, #tpu.memory_space<vmem>>
        %dma_start3A_289 = arith.constant 0 : i32
        %dma_start3A_290 = arith.constant 0 : i32
        %dma_start3A_291 = tpu.memref_slice %arg7[%dma_start3A_289, %dma_start3A_290] : memref<10000x128xf32, #tpu.memory_space<vmem_shared>> -> memref<10000x128xf32, #tpu.memory_space<vmem_shared>>
        tpu.enqueue_indirect_dma source(%dma_start3A_291 : memref<10000x128xf32, #tpu.memory_space<vmem_shared>>) target(%dma_start3A_287 : memref<64x128xf32, #tpu.memory_space<vmem>>) offsets(%dma_start3A_288 : memref<64xi32, #tpu.memory_space<vmem>>) semaphore(%arg11 : memref<!tpu.dma_semaphore, #tpu.memory_space<semaphore_mem>>)
      } else {
      }
    }
    %scan3A_52 = arith.constant 40 : i32
    return
  }
}

#map = affine_map<(d0, d1) -> (0)>
module attributes {stable_mosaic.version = 14 : i64} {
  func.func @k(%arg0: i32, %arg1: i32, %arg2: memref<10240xf32, #tpu.memory_space<hbm>>, %arg3: memref<10240xf32, #tpu.memory_space<hbm>>, %arg4: memref<10240xf32, #tpu.memory_space<hbm>>, %arg5: memref<327680xi32, #tpu.memory_space<hbm>>, %arg6: memref<327680xi32, #tpu.memory_space<hbm>>, %arg7: memref<327680xf32, #tpu.memory_space<hbm>>, %arg8: memref<10240xf32, #tpu.memory_space<vmem>>, %arg9: memref<10240xf32, #tpu.memory_space<vmem>>, %arg10: memref<10240xf32, #tpu.memory_space<vmem>>, %arg11: memref<10240xi32, #tpu.memory_space<vmem>>, %arg12: memref<10240xi32, #tpu.memory_space<vmem>>, %arg13: memref<10240xf32, #tpu.memory_space<vmem>>) attributes {dimension_semantics = [#tpu.dimension_semantics<core_parallel>, #tpu.dimension_semantics<subcore_parallel>], iteration_bounds = array<i64: 2, 16>, scalar_prefetch = 0 : i64, scratch_operands = 6 : i64, tpu.core_type = #tpu.core_type<sc_vector_subcore>, window_params = [{transform_indices = #map}, {transform_indices = #map}, {transform_indices = #map}, {transform_indices = #map}, {transform_indices = #map}, {transform_indices = #map}]} {
    %mul3A = arith.constant 16 : i32
    %mul3A_0 = arith.muli %arg0, %mul3A : i32
    %add3A = arith.addi %mul3A_0, %arg1 : i32
    %mul3A_1 = arith.constant 10240 : i32
    %mul3A_2 = arith.muli %add3A, %mul3A_1 : i32
    "tpu.region"() ({
      %run_scoped3A = tpu.sem_alloc : memref<!tpu.dma_semaphore, #tpu.memory_space<semaphore_mem>>
      tpu.enqueue_dma source(%arg2 : memref<10240xf32, #tpu.memory_space<hbm>>) target(%arg8 : memref<10240xf32, #tpu.memory_space<vmem>>) target_semaphore(%run_scoped3A : memref<!tpu.dma_semaphore, #tpu.memory_space<semaphore_mem>>)
      tpu.wait_dma2 semaphore(%run_scoped3A : memref<!tpu.dma_semaphore, #tpu.memory_space<semaphore_mem>>) src(%arg2 : memref<10240xf32, #tpu.memory_space<hbm>>) dst(%arg8 : memref<10240xf32, #tpu.memory_space<vmem>>)
      tpu.yield
    }) : () -> ()
    "tpu.region"() ({
      %run_scoped3A = tpu.sem_alloc : memref<!tpu.dma_semaphore, #tpu.memory_space<semaphore_mem>>
      tpu.enqueue_dma source(%arg3 : memref<10240xf32, #tpu.memory_space<hbm>>) target(%arg9 : memref<10240xf32, #tpu.memory_space<vmem>>) target_semaphore(%run_scoped3A : memref<!tpu.dma_semaphore, #tpu.memory_space<semaphore_mem>>)
      tpu.wait_dma2 semaphore(%run_scoped3A : memref<!tpu.dma_semaphore, #tpu.memory_space<semaphore_mem>>) src(%arg3 : memref<10240xf32, #tpu.memory_space<hbm>>) dst(%arg9 : memref<10240xf32, #tpu.memory_space<vmem>>)
      tpu.yield
    }) : () -> ()
    "tpu.region"() ({
      %run_scoped3A = tpu.sem_alloc : memref<!tpu.dma_semaphore, #tpu.memory_space<semaphore_mem>>
      tpu.enqueue_dma source(%arg4 : memref<10240xf32, #tpu.memory_space<hbm>>) target(%arg10 : memref<10240xf32, #tpu.memory_space<vmem>>) target_semaphore(%run_scoped3A : memref<!tpu.dma_semaphore, #tpu.memory_space<semaphore_mem>>)
      tpu.wait_dma2 semaphore(%run_scoped3A : memref<!tpu.dma_semaphore, #tpu.memory_space<semaphore_mem>>) src(%arg4 : memref<10240xf32, #tpu.memory_space<hbm>>) dst(%arg10 : memref<10240xf32, #tpu.memory_space<vmem>>)
      tpu.yield
    }) : () -> ()
    "tpu.region"() ({
      %run_scoped3A = tpu.sem_alloc : memref<!tpu.dma_semaphore, #tpu.memory_space<semaphore_mem>>
      %dma_start3A = tpu.memref_slice %arg5[%mul3A_2] : memref<327680xi32, #tpu.memory_space<hbm>> -> memref<10240xi32, #tpu.memory_space<hbm>>
      %dma_start3A_8 = tpu.memref_slice %arg5[%mul3A_2] : memref<327680xi32, #tpu.memory_space<hbm>> -> memref<10240xi32, #tpu.memory_space<hbm>>
      tpu.enqueue_dma source(%dma_start3A_8 : memref<10240xi32, #tpu.memory_space<hbm>>) target(%arg11 : memref<10240xi32, #tpu.memory_space<vmem>>) target_semaphore(%run_scoped3A : memref<!tpu.dma_semaphore, #tpu.memory_space<semaphore_mem>>)
      %dma_wait3A = tpu.memref_slice %arg5[%mul3A_2] : memref<327680xi32, #tpu.memory_space<hbm>> -> memref<10240xi32, #tpu.memory_space<hbm>>
      %dma_wait3A_9 = tpu.memref_slice %arg5[%mul3A_2] : memref<327680xi32, #tpu.memory_space<hbm>> -> memref<10240xi32, #tpu.memory_space<hbm>>
      tpu.wait_dma2 semaphore(%run_scoped3A : memref<!tpu.dma_semaphore, #tpu.memory_space<semaphore_mem>>) src(%dma_wait3A_9 : memref<10240xi32, #tpu.memory_space<hbm>>) dst(%arg11 : memref<10240xi32, #tpu.memory_space<vmem>>)
      tpu.yield
    }) : () -> ()
    "tpu.region"() ({
      %run_scoped3A = tpu.sem_alloc : memref<!tpu.dma_semaphore, #tpu.memory_space<semaphore_mem>>
      %dma_start3A = tpu.memref_slice %arg6[%mul3A_2] : memref<327680xi32, #tpu.memory_space<hbm>> -> memref<10240xi32, #tpu.memory_space<hbm>>
      %dma_start3A_8 = tpu.memref_slice %arg6[%mul3A_2] : memref<327680xi32, #tpu.memory_space<hbm>> -> memref<10240xi32, #tpu.memory_space<hbm>>
      tpu.enqueue_dma source(%dma_start3A_8 : memref<10240xi32, #tpu.memory_space<hbm>>) target(%arg12 : memref<10240xi32, #tpu.memory_space<vmem>>) target_semaphore(%run_scoped3A : memref<!tpu.dma_semaphore, #tpu.memory_space<semaphore_mem>>)
      %dma_wait3A = tpu.memref_slice %arg6[%mul3A_2] : memref<327680xi32, #tpu.memory_space<hbm>> -> memref<10240xi32, #tpu.memory_space<hbm>>
      %dma_wait3A_9 = tpu.memref_slice %arg6[%mul3A_2] : memref<327680xi32, #tpu.memory_space<hbm>> -> memref<10240xi32, #tpu.memory_space<hbm>>
      tpu.wait_dma2 semaphore(%run_scoped3A : memref<!tpu.dma_semaphore, #tpu.memory_space<semaphore_mem>>) src(%dma_wait3A_9 : memref<10240xi32, #tpu.memory_space<hbm>>) dst(%arg12 : memref<10240xi32, #tpu.memory_space<vmem>>)
      tpu.yield
    }) : () -> ()
    %scan3A = arith.constant 0 : i32
    %scan3A_3 = arith.constant 0 : i32
    %scan3A_4 = arith.constant 640 : i32
    %scan3A_5 = arith.addi %scan3A_3, %scan3A_4 : i32
    %scan3A_6 = arith.constant 1 : i32
    scf.for %scan3A_8 = %scan3A_3 to %scan3A_5 step %scan3A_6  : i32 {
      %mul3A_9 = arith.constant 16 : i32
      %mul3A_10 = arith.muli %scan3A_8, %mul3A_9 : i32
      %get3A = arith.index_cast %mul3A_10 : i32 to index
      %get3A_11 = tpu.vector_load %arg11[%get3A] {strides = array<i32>} : memref<10240xi32, #tpu.memory_space<vmem>>, vector<16xi32>,
      %get3A_12 = arith.index_cast %mul3A_10 : i32 to index
      %get3A_13 = tpu.vector_load %arg12[%get3A_12] {strides = array<i32>} : memref<10240xi32, #tpu.memory_space<vmem>>, vector<16xi32>,
      %gather3A = tpu.vector_load_idx %arg8[%get3A_13] : memref<10240xf32, #tpu.memory_space<vmem>>[vector<16xi32>], vector<16xf32>,
      %gather3A_14 = tpu.vector_load_idx %arg8[%get3A_11] : memref<10240xf32, #tpu.memory_space<vmem>>[vector<16xi32>], vector<16xf32>,
      %sub3A = arith.subf %gather3A, %gather3A_14 : vector<16xf32>
      %gather3A_15 = tpu.vector_load_idx %arg9[%get3A_13] : memref<10240xf32, #tpu.memory_space<vmem>>[vector<16xi32>], vector<16xf32>,
      %gather3A_16 = tpu.vector_load_idx %arg9[%get3A_11] : memref<10240xf32, #tpu.memory_space<vmem>>[vector<16xi32>], vector<16xf32>,
      %sub3A_17 = arith.subf %gather3A_15, %gather3A_16 : vector<16xf32>
      %gather3A_18 = tpu.vector_load_idx %arg10[%get3A_13] : memref<10240xf32, #tpu.memory_space<vmem>>[vector<16xi32>], vector<16xf32>,
      %gather3A_19 = tpu.vector_load_idx %arg10[%get3A_11] : memref<10240xf32, #tpu.memory_space<vmem>>[vector<16xi32>], vector<16xf32>,
      %sub3A_20 = arith.subf %gather3A_18, %gather3A_19 : vector<16xf32>
      %mul3A_21 = arith.mulf %sub3A, %sub3A : vector<16xf32>
      %mul3A_22 = arith.mulf %sub3A_17, %sub3A_17 : vector<16xf32>
      %add3A_23 = arith.addf %mul3A_21, %mul3A_22 : vector<16xf32>
      %mul3A_24 = arith.mulf %sub3A_20, %sub3A_20 : vector<16xf32>
      %add3A_25 = arith.addf %add3A_23, %mul3A_24 : vector<16xf32>
      %swap3A = arith.index_cast %mul3A_10 : i32 to index
      %swap3A_26 = tpu.vector_load %arg13[%swap3A] {strides = array<i32>} : memref<10240xf32, #tpu.memory_space<vmem>>, vector<16xf32>,
      tpu.vector_store %arg13[%swap3A], %add3A_25 {strides = array<i32>} : memref<10240xf32, #tpu.memory_space<vmem>>, vector<16xf32>,
    }
    %scan3A_7 = arith.constant 640 : i32
    "tpu.region"() ({
      %run_scoped3A = tpu.sem_alloc : memref<!tpu.dma_semaphore, #tpu.memory_space<semaphore_mem>>
      %dma_start3A = tpu.memref_slice %arg7[%mul3A_2] : memref<327680xf32, #tpu.memory_space<hbm>> -> memref<10240xf32, #tpu.memory_space<hbm>>
      %dma_start3A_8 = tpu.memref_slice %arg7[%mul3A_2] : memref<327680xf32, #tpu.memory_space<hbm>> -> memref<10240xf32, #tpu.memory_space<hbm>>
      tpu.enqueue_dma source(%arg13 : memref<10240xf32, #tpu.memory_space<vmem>>) target(%dma_start3A_8 : memref<10240xf32, #tpu.memory_space<hbm>>) target_semaphore(%run_scoped3A : memref<!tpu.dma_semaphore, #tpu.memory_space<semaphore_mem>>)
      %dma_wait3A = tpu.memref_slice %arg7[%mul3A_2] : memref<327680xf32, #tpu.memory_space<hbm>> -> memref<10240xf32, #tpu.memory_space<hbm>>
      %dma_wait3A_9 = tpu.memref_slice %arg7[%mul3A_2] : memref<327680xf32, #tpu.memory_space<hbm>> -> memref<10240xf32, #tpu.memory_space<hbm>>
      tpu.wait_dma2 semaphore(%run_scoped3A : memref<!tpu.dma_semaphore, #tpu.memory_space<semaphore_mem>>) src(%arg13 : memref<10240xf32, #tpu.memory_space<vmem>>) dst(%dma_wait3A_9 : memref<10240xf32, #tpu.memory_space<hbm>>)
      tpu.yield
    }) : () -> ()
    return
  }
}

#map = affine_map<(d0, d1) -> (0, 0)>
module attributes {stable_mosaic.version = 14 : i64} {
  func.func @k(%arg0: i32, %arg1: i32, %arg2: memref<327680x128xf32, #tpu.memory_space<hbm>>, %arg3: memref<2560x128xi32, #tpu.memory_space<hbm>>, %arg4: memref<10240x128xf32, #tpu.memory_space<hbm>>, %arg5: memref<20480x128xf32, #tpu.memory_space<hbm>>, %arg6: memref<80x128xi32, #tpu.memory_space<vmem>>, %arg7: memref<2x128x128xf32, #tpu.memory_space<vmem>>, %arg8: memref<10240x128xf32, #tpu.memory_space<vmem_shared>>, %arg9: memref<!tpu.dma_semaphore, #tpu.memory_space<semaphore_mem>>, %arg10: memref<!tpu.dma_semaphore, #tpu.memory_space<semaphore_mem>>, %arg11: memref<!tpu.dma_semaphore, #tpu.memory_space<semaphore_mem>>, %arg12: memref<!tpu.dma_semaphore, #tpu.memory_space<semaphore_mem>>) attributes {dimension_semantics = [#tpu.dimension_semantics<core_parallel>, #tpu.dimension_semantics<subcore_parallel>], iteration_bounds = array<i64: 2, 16>, scalar_prefetch = 0 : i64, scratch_operands = 7 : i64, tpu.core_type = #tpu.core_type<sc_vector_subcore>, window_params = [{transform_indices = #map}, {transform_indices = #map}, {transform_indices = #map}, {transform_indices = #map}]} {
    %mul3A = arith.constant 16 : i32
    %mul3A_0 = arith.muli %arg0, %mul3A : i32
    %add3A = arith.addi %mul3A_0, %arg1 : i32
    %mul3A_1 = arith.constant 640 : i32
    %mul3A_2 = arith.muli %arg1, %mul3A_1 : i32
    %mul3A_3 = arith.constant 640 : i32
    %mul3A_4 = arith.muli %arg1, %mul3A_3 : i32
    "tpu.region"() ({
      %run_scoped3A = tpu.sem_alloc : memref<!tpu.dma_semaphore, #tpu.memory_space<semaphore_mem>>
      %dma_start3A_57 = arith.constant 0 : i32
      %dma_start3A_58 = tpu.memref_slice %arg8[%mul3A_4, %dma_start3A_57] : memref<10240x128xf32, #tpu.memory_space<vmem_shared>> -> memref<640x128xf32, #tpu.memory_space<vmem_shared>>
      %dma_start3A_59 = arith.constant 0 : i32
      %dma_start3A_60 = tpu.memref_slice %arg4[%mul3A_2, %dma_start3A_59] : memref<10240x128xf32, #tpu.memory_space<hbm>> -> memref<640x128xf32, #tpu.memory_space<hbm>>
      tpu.enqueue_dma source(%dma_start3A_60 : memref<640x128xf32, #tpu.memory_space<hbm>>) target(%dma_start3A_58 : memref<640x128xf32, #tpu.memory_space<vmem_shared>>) target_semaphore(%run_scoped3A : memref<!tpu.dma_semaphore, #tpu.memory_space<semaphore_mem>>)
      %dma_wait3A = arith.constant 0 : i32
      %dma_wait3A_61 = tpu.memref_slice %arg8[%mul3A_4, %dma_wait3A] : memref<10240x128xf32, #tpu.memory_space<vmem_shared>> -> memref<640x128xf32, #tpu.memory_space<vmem_shared>>
      %dma_wait3A_62 = arith.constant 0 : i32
      %dma_wait3A_63 = tpu.memref_slice %arg4[%mul3A_2, %dma_wait3A_62] : memref<10240x128xf32, #tpu.memory_space<hbm>> -> memref<640x128xf32, #tpu.memory_space<hbm>>
      tpu.wait_dma2 semaphore(%run_scoped3A : memref<!tpu.dma_semaphore, #tpu.memory_space<semaphore_mem>>) src(%dma_wait3A_63 : memref<640x128xf32, #tpu.memory_space<hbm>>) dst(%dma_wait3A_61 : memref<640x128xf32, #tpu.memory_space<vmem_shared>>)
      tpu.yield
    }) : () -> ()
    %mul3A_5 = arith.constant 80 : i32
    %mul3A_6 = arith.muli %add3A, %mul3A_5 : i32
    "tpu.region"() ({
      %run_scoped3A = tpu.sem_alloc : memref<!tpu.dma_semaphore, #tpu.memory_space<semaphore_mem>>
      %dma_start3A_57 = arith.constant 0 : i32
      %dma_start3A_58 = tpu.memref_slice %arg3[%mul3A_6, %dma_start3A_57] : memref<2560x128xi32, #tpu.memory_space<hbm>> -> memref<80x128xi32, #tpu.memory_space<hbm>>
      %dma_start3A_59 = arith.constant 0 : i32
      %dma_start3A_60 = tpu.memref_slice %arg3[%mul3A_6, %dma_start3A_59] : memref<2560x128xi32, #tpu.memory_space<hbm>> -> memref<80x128xi32, #tpu.memory_space<hbm>>
      tpu.enqueue_dma source(%dma_start3A_60 : memref<80x128xi32, #tpu.memory_space<hbm>>) target(%arg6 : memref<80x128xi32, #tpu.memory_space<vmem>>) target_semaphore(%run_scoped3A : memref<!tpu.dma_semaphore, #tpu.memory_space<semaphore_mem>>)
      %dma_wait3A = arith.constant 0 : i32
      %dma_wait3A_61 = tpu.memref_slice %arg3[%mul3A_6, %dma_wait3A] : memref<2560x128xi32, #tpu.memory_space<hbm>> -> memref<80x128xi32, #tpu.memory_space<hbm>>
      %dma_wait3A_62 = arith.constant 0 : i32
      %dma_wait3A_63 = tpu.memref_slice %arg3[%mul3A_6, %dma_wait3A_62] : memref<2560x128xi32, #tpu.memory_space<hbm>> -> memref<80x128xi32, #tpu.memory_space<hbm>>
      tpu.wait_dma2 semaphore(%run_scoped3A : memref<!tpu.dma_semaphore, #tpu.memory_space<semaphore_mem>>) src(%dma_wait3A_63 : memref<80x128xi32, #tpu.memory_space<hbm>>) dst(%arg6 : memref<80x128xi32, #tpu.memory_space<vmem>>)
      tpu.yield
    }) : () -> ()
    %barrier3A = arith.constant 0 : index
    tpu.barrier barrier_id(%barrier3A)
    %mul3A_7 = arith.constant 80 : i32
    %mul3A_8 = arith.muli %add3A, %mul3A_7 : i32
    %add3A_9 = arith.constant 0 : i32
    %add3A_10 = arith.addi %mul3A_8, %add3A_9 : i32
    %mul3A_11 = arith.constant 128 : i32
    %mul3A_12 = arith.muli %add3A_10, %mul3A_11 : i32
    %dma_start3A = arith.constant 0 : i32
    %dma_start3A_13 = arith.constant 0 : i32
    %dma_start3A_14 = arith.constant 0 : i32
    %dma_start3A_15 = tpu.memref_slice %arg7[%dma_start3A, %dma_start3A_13, %dma_start3A_14] : memref<2x128x128xf32, #tpu.memory_space<vmem>> -> memref<1x128x128xf32, #tpu.memory_space<vmem>>
    %dma_start3A_16 = tpu.memref_squeeze %dma_start3A_15 : memref<1x128x128xf32, #tpu.memory_space<vmem>> -> memref<128x128xf32, #tpu.memory_space<vmem>>
    %dma_start3A_17 = arith.constant 0 : i32
    %dma_start3A_18 = tpu.memref_slice %arg2[%mul3A_12, %dma_start3A_17] : memref<327680x128xf32, #tpu.memory_space<hbm>> -> memref<128x128xf32, #tpu.memory_space<hbm>>
    %dma_start3A_19 = arith.constant 0 : i32
    %dma_start3A_20 = arith.constant 0 : i32
    %dma_start3A_21 = tpu.memref_slice %arg7[%dma_start3A, %dma_start3A_19, %dma_start3A_20] : memref<2x128x128xf32, #tpu.memory_space<vmem>> -> memref<1x128x128xf32, #tpu.memory_space<vmem>>
    %dma_start3A_22 = tpu.memref_squeeze %dma_start3A_21 : memref<1x128x128xf32, #tpu.memory_space<vmem>> -> memref<128x128xf32, #tpu.memory_space<vmem>>
    %dma_start3A_23 = arith.constant 0 : i32
    %dma_start3A_24 = tpu.memref_slice %arg2[%mul3A_12, %dma_start3A_23] : memref<327680x128xf32, #tpu.memory_space<hbm>> -> memref<128x128xf32, #tpu.memory_space<hbm>>
    tpu.enqueue_dma source(%dma_start3A_24 : memref<128x128xf32, #tpu.memory_space<hbm>>) target(%dma_start3A_22 : memref<128x128xf32, #tpu.memory_space<vmem>>) target_semaphore(%arg9 : memref<!tpu.dma_semaphore, #tpu.memory_space<semaphore_mem>>)
    %mul3A_25 = arith.constant 80 : i32
    %mul3A_26 = arith.muli %add3A, %mul3A_25 : i32
    %add3A_27 = arith.constant 1 : i32
    %add3A_28 = arith.addi %mul3A_26, %add3A_27 : i32
    %mul3A_29 = arith.constant 128 : i32
    %mul3A_30 = arith.muli %add3A_28, %mul3A_29 : i32
    %dma_start3A_31 = arith.constant 1 : i32
    %dma_start3A_32 = arith.constant 0 : i32
    %dma_start3A_33 = arith.constant 0 : i32
    %dma_start3A_34 = tpu.memref_slice %arg7[%dma_start3A_31, %dma_start3A_32, %dma_start3A_33] : memref<2x128x128xf32, #tpu.memory_space<vmem>> -> memref<1x128x128xf32, #tpu.memory_space<vmem>>
    %dma_start3A_35 = tpu.memref_squeeze %dma_start3A_34 : memref<1x128x128xf32, #tpu.memory_space<vmem>> -> memref<128x128xf32, #tpu.memory_space<vmem>>
    %dma_start3A_36 = arith.constant 0 : i32
    %dma_start3A_37 = tpu.memref_slice %arg2[%mul3A_30, %dma_start3A_36] : memref<327680x128xf32, #tpu.memory_space<hbm>> -> memref<128x128xf32, #tpu.memory_space<hbm>>
    %dma_start3A_38 = arith.constant 0 : i32
    %dma_start3A_39 = arith.constant 0 : i32
    %dma_start3A_40 = tpu.memref_slice %arg7[%dma_start3A_31, %dma_start3A_38, %dma_start3A_39] : memref<2x128x128xf32, #tpu.memory_space<vmem>> -> memref<1x128x128xf32, #tpu.memory_space<vmem>>
    %dma_start3A_41 = tpu.memref_squeeze %dma_start3A_40 : memref<1x128x128xf32, #tpu.memory_space<vmem>> -> memref<128x128xf32, #tpu.memory_space<vmem>>
    %dma_start3A_42 = arith.constant 0 : i32
    %dma_start3A_43 = tpu.memref_slice %arg2[%mul3A_30, %dma_start3A_42] : memref<327680x128xf32, #tpu.memory_space<hbm>> -> memref<128x128xf32, #tpu.memory_space<hbm>>
    tpu.enqueue_dma source(%dma_start3A_43 : memref<128x128xf32, #tpu.memory_space<hbm>>) target(%dma_start3A_41 : memref<128x128xf32, #tpu.memory_space<vmem>>) target_semaphore(%arg10 : memref<!tpu.dma_semaphore, #tpu.memory_space<semaphore_mem>>)
    %scan3A = arith.constant 0 : i32
    %scan3A_44 = arith.constant 0 : i32
    %scan3A_45 = arith.constant 40 : i32
    %scan3A_46 = arith.addi %scan3A_44, %scan3A_45 : i32
    %scan3A_47 = arith.constant 1 : i32
    scf.for %scan3A_57 = %scan3A_44 to %scan3A_46 step %scan3A_47  : i32 {
      %mul3A_58 = arith.constant 2 : i32
      %mul3A_59 = arith.muli %scan3A_57, %mul3A_58 : i32
      %add3A_60 = arith.constant 0 : i32
      %add3A_61 = arith.addi %mul3A_59, %add3A_60 : i32
      %dma_wait3A = arith.constant 0 : i32
      %dma_wait3A_62 = arith.constant 0 : i32
      %dma_wait3A_63 = arith.constant 0 : i32
      %dma_wait3A_64 = tpu.memref_slice %arg7[%dma_wait3A, %dma_wait3A_62, %dma_wait3A_63] : memref<2x128x128xf32, #tpu.memory_space<vmem>> -> memref<1x128x128xf32, #tpu.memory_space<vmem>>
      %dma_wait3A_65 = tpu.memref_squeeze %dma_wait3A_64 : memref<1x128x128xf32, #tpu.memory_space<vmem>> -> memref<128x128xf32, #tpu.memory_space<vmem>>
      %dma_wait3A_66 = arith.constant 0 : i32
      %dma_wait3A_67 = arith.constant 0 : i32
      %dma_wait3A_68 = tpu.memref_slice %arg2[%dma_wait3A_66, %dma_wait3A_67] : memref<327680x128xf32, #tpu.memory_space<hbm>> -> memref<128x128xf32, #tpu.memory_space<hbm>>
      %dma_wait3A_69 = arith.constant 0 : i32
      %dma_wait3A_70 = arith.constant 0 : i32
      %dma_wait3A_71 = tpu.memref_slice %arg7[%dma_wait3A, %dma_wait3A_69, %dma_wait3A_70] : memref<2x128x128xf32, #tpu.memory_space<vmem>> -> memref<1x128x128xf32, #tpu.memory_space<vmem>>
      %dma_wait3A_72 = tpu.memref_squeeze %dma_wait3A_71 : memref<1x128x128xf32, #tpu.memory_space<vmem>> -> memref<128x128xf32, #tpu.memory_space<vmem>>
      %dma_wait3A_73 = arith.constant 0 : i32
      %dma_wait3A_74 = arith.constant 0 : i32
      %dma_wait3A_75 = tpu.memref_slice %arg2[%dma_wait3A_73, %dma_wait3A_74] : memref<327680x128xf32, #tpu.memory_space<hbm>> -> memref<128x128xf32, #tpu.memory_space<hbm>>
      tpu.wait_dma2 semaphore(%arg9 : memref<!tpu.dma_semaphore, #tpu.memory_space<semaphore_mem>>) src(%dma_wait3A_75 : memref<128x128xf32, #tpu.memory_space<hbm>>) dst(%dma_wait3A_72 : memref<128x128xf32, #tpu.memory_space<vmem>>)
      %dma_start3A_76 = arith.constant 0 : i32
      %dma_start3A_77 = arith.constant 0 : i32
      %dma_start3A_78 = arith.constant 0 : i32
      %dma_start3A_79 = tpu.memref_slice %arg7[%dma_start3A_76, %dma_start3A_77, %dma_start3A_78] : memref<2x128x128xf32, #tpu.memory_space<vmem>> -> memref<1x128x128xf32, #tpu.memory_space<vmem>>
      %dma_start3A_80 = tpu.memref_squeeze %dma_start3A_79 : memref<1x128x128xf32, #tpu.memory_space<vmem>> -> memref<128x128xf32, #tpu.memory_space<vmem>>
      %dma_start3A_81 = arith.constant 0 : i32
      %dma_start3A_82 = tpu.memref_slice %arg6[%add3A_61, %dma_start3A_81] : memref<80x128xi32, #tpu.memory_space<vmem>> -> memref<1x128xi32, #tpu.memory_space<vmem>>
      %dma_start3A_83 = tpu.memref_squeeze %dma_start3A_82 : memref<1x128xi32, #tpu.memory_space<vmem>> -> memref<128xi32, #tpu.memory_space<vmem>>
      %dma_start3A_84 = arith.constant 0 : i32
      %dma_start3A_85 = arith.constant 0 : i32
      %dma_start3A_86 = tpu.memref_slice %arg8[%dma_start3A_84, %dma_start3A_85] : memref<10240x128xf32, #tpu.memory_space<vmem_shared>> -> memref<10240x128xf32, #tpu.memory_space<vmem_shared>>
      tpu.enqueue_indirect_dma source(%dma_start3A_80 : memref<128x128xf32, #tpu.memory_space<vmem>>) target(%dma_start3A_86 : memref<10240x128xf32, #tpu.memory_space<vmem_shared>>) offsets(%dma_start3A_83 : memref<128xi32, #tpu.memory_space<vmem>>) semaphore(%arg11 : memref<!tpu.dma_semaphore, #tpu.memory_space<semaphore_mem>>) {add = true}
      %dma_wait3A_87 = arith.constant 0 : i32
      %dma_wait3A_88 = arith.constant 0 : i32
      %dma_wait3A_89 = arith.constant 0 : i32
      %dma_wait3A_90 = arith.constant 0 : i32
      %dma_wait3A_91 = tpu.memref_slice %arg7[%dma_wait3A_87, %dma_wait3A_89, %dma_wait3A_90] : memref<2x128x128xf32, #tpu.memory_space<vmem>> -> memref<1x128x128xf32, #tpu.memory_space<vmem>>
      %dma_wait3A_92 = tpu.memref_squeeze %dma_wait3A_91 : memref<1x128x128xf32, #tpu.memory_space<vmem>> -> memref<128x128xf32, #tpu.memory_space<vmem>>
      %dma_wait3A_93 = arith.constant 0 : i32
      %dma_wait3A_94 = tpu.memref_slice %arg6[%dma_wait3A_88, %dma_wait3A_93] : memref<80x128xi32, #tpu.memory_space<vmem>> -> memref<1x128xi32, #tpu.memory_space<vmem>>
      %dma_wait3A_95 = tpu.memref_squeeze %dma_wait3A_94 : memref<1x128xi32, #tpu.memory_space<vmem>> -> memref<128xi32, #tpu.memory_space<vmem>>
      %dma_wait3A_96 = arith.constant 0 : i32
      %dma_wait3A_97 = arith.constant 0 : i32
      %dma_wait3A_98 = tpu.memref_slice %arg8[%dma_wait3A_96, %dma_wait3A_97] : memref<10240x128xf32, #tpu.memory_space<vmem_shared>> -> memref<10240x128xf32, #tpu.memory_space<vmem_shared>>
      tpu.wait_indirect_dma semaphore(%arg11 : memref<!tpu.dma_semaphore, #tpu.memory_space<semaphore_mem>>) src(%dma_wait3A_92 : memref<128x128xf32, #tpu.memory_space<vmem>>) dst(%dma_wait3A_98 : memref<10240x128xf32, #tpu.memory_space<vmem_shared>>)
      %add3A_99 = arith.constant 2 : i32
      %add3A_100 = arith.addi %add3A_61, %add3A_99 : i32
      %lt3A = arith.constant 80 : i32
      %lt3A_101 = arith.cmpi slt, %add3A_100, %lt3A : i32
      %convert_element_type3A = arith.extui %lt3A_101 : i1 to i32
      %cond3A = arith.constant 0 : i32
      %cond3A_102 = arith.cmpi ne, %convert_element_type3A, %cond3A : i32
      scf.if %cond3A_102 {
        %mul3A_152 = arith.constant 80 : i32
        %mul3A_153 = arith.muli %add3A, %mul3A_152 : i32
        %add3A_154 = arith.addi %mul3A_153, %add3A_100 : i32
        %mul3A_155 = arith.constant 128 : i32
        %mul3A_156 = arith.muli %add3A_154, %mul3A_155 : i32
        %dma_start3A_157 = arith.constant 0 : i32
        %dma_start3A_158 = arith.constant 0 : i32
        %dma_start3A_159 = arith.constant 0 : i32
        %dma_start3A_160 = tpu.memref_slice %arg7[%dma_start3A_157, %dma_start3A_158, %dma_start3A_159] : memref<2x128x128xf32, #tpu.memory_space<vmem>> -> memref<1x128x128xf32, #tpu.memory_space<vmem>>
        %dma_start3A_161 = tpu.memref_squeeze %dma_start3A_160 : memref<1x128x128xf32, #tpu.memory_space<vmem>> -> memref<128x128xf32, #tpu.memory_space<vmem>>
        %dma_start3A_162 = arith.constant 0 : i32
        %dma_start3A_163 = tpu.memref_slice %arg2[%mul3A_156, %dma_start3A_162] : memref<327680x128xf32, #tpu.memory_space<hbm>> -> memref<128x128xf32, #tpu.memory_space<hbm>>
        %dma_start3A_164 = arith.constant 0 : i32
        %dma_start3A_165 = arith.constant 0 : i32
        %dma_start3A_166 = tpu.memref_slice %arg7[%dma_start3A_157, %dma_start3A_164, %dma_start3A_165] : memref<2x128x128xf32, #tpu.memory_space<vmem>> -> memref<1x128x128xf32, #tpu.memory_space<vmem>>
        %dma_start3A_167 = tpu.memref_squeeze %dma_start3A_166 : memref<1x128x128xf32, #tpu.memory_space<vmem>> -> memref<128x128xf32, #tpu.memory_space<vmem>>
        %dma_start3A_168 = arith.constant 0 : i32
        %dma_start3A_169 = tpu.memref_slice %arg2[%mul3A_156, %dma_start3A_168] : memref<327680x128xf32, #tpu.memory_space<hbm>> -> memref<128x128xf32, #tpu.memory_space<hbm>>
        tpu.enqueue_dma source(%dma_start3A_169 : memref<128x128xf32, #tpu.memory_space<hbm>>) target(%dma_start3A_167 : memref<128x128xf32, #tpu.memory_space<vmem>>) target_semaphore(%arg9 : memref<!tpu.dma_semaphore, #tpu.memory_space<semaphore_mem>>)
      } else {
      }
      %mul3A_103 = arith.constant 2 : i32
      %mul3A_104 = arith.muli %scan3A_57, %mul3A_103 : i32
      %add3A_105 = arith.constant 1 : i32
      %add3A_106 = arith.addi %mul3A_104, %add3A_105 : i32
      %dma_wait3A_107 = arith.constant 1 : i32
      %dma_wait3A_108 = arith.constant 0 : i32
      %dma_wait3A_109 = arith.constant 0 : i32
      %dma_wait3A_110 = tpu.memref_slice %arg7[%dma_wait3A_107, %dma_wait3A_108, %dma_wait3A_109] : memref<2x128x128xf32, #tpu.memory_space<vmem>> -> memref<1x128x128xf32, #tpu.memory_space<vmem>>
      %dma_wait3A_111 = tpu.memref_squeeze %dma_wait3A_110 : memref<1x128x128xf32, #tpu.memory_space<vmem>> -> memref<128x128xf32, #tpu.memory_space<vmem>>
      %dma_wait3A_112 = arith.constant 0 : i32
      %dma_wait3A_113 = arith.constant 0 : i32
      %dma_wait3A_114 = tpu.memref_slice %arg2[%dma_wait3A_112, %dma_wait3A_113] : memref<327680x128xf32, #tpu.memory_space<hbm>> -> memref<128x128xf32, #tpu.memory_space<hbm>>
      %dma_wait3A_115 = arith.constant 0 : i32
      %dma_wait3A_116 = arith.constant 0 : i32
      %dma_wait3A_117 = tpu.memref_slice %arg7[%dma_wait3A_107, %dma_wait3A_115, %dma_wait3A_116] : memref<2x128x128xf32, #tpu.memory_space<vmem>> -> memref<1x128x128xf32, #tpu.memory_space<vmem>>
      %dma_wait3A_118 = tpu.memref_squeeze %dma_wait3A_117 : memref<1x128x128xf32, #tpu.memory_space<vmem>> -> memref<128x128xf32, #tpu.memory_space<vmem>>
      %dma_wait3A_119 = arith.constant 0 : i32
      %dma_wait3A_120 = arith.constant 0 : i32
      %dma_wait3A_121 = tpu.memref_slice %arg2[%dma_wait3A_119, %dma_wait3A_120] : memref<327680x128xf32, #tpu.memory_space<hbm>> -> memref<128x128xf32, #tpu.memory_space<hbm>>
      tpu.wait_dma2 semaphore(%arg10 : memref<!tpu.dma_semaphore, #tpu.memory_space<semaphore_mem>>) src(%dma_wait3A_121 : memref<128x128xf32, #tpu.memory_space<hbm>>) dst(%dma_wait3A_118 : memref<128x128xf32, #tpu.memory_space<vmem>>)
      %dma_start3A_122 = arith.constant 1 : i32
      %dma_start3A_123 = arith.constant 0 : i32
      %dma_start3A_124 = arith.constant 0 : i32
      %dma_start3A_125 = tpu.memref_slice %arg7[%dma_start3A_122, %dma_start3A_123, %dma_start3A_124] : memref<2x128x128xf32, #tpu.memory_space<vmem>> -> memref<1x128x128xf32, #tpu.memory_space<vmem>>
      %dma_start3A_126 = tpu.memref_squeeze %dma_start3A_125 : memref<1x128x128xf32, #tpu.memory_space<vmem>> -> memref<128x128xf32, #tpu.memory_space<vmem>>
      %dma_start3A_127 = arith.constant 0 : i32
      %dma_start3A_128 = tpu.memref_slice %arg6[%add3A_106, %dma_start3A_127] : memref<80x128xi32, #tpu.memory_space<vmem>> -> memref<1x128xi32, #tpu.memory_space<vmem>>
      %dma_start3A_129 = tpu.memref_squeeze %dma_start3A_128 : memref<1x128xi32, #tpu.memory_space<vmem>> -> memref<128xi32, #tpu.memory_space<vmem>>
      %dma_start3A_130 = arith.constant 0 : i32
      %dma_start3A_131 = arith.constant 0 : i32
      %dma_start3A_132 = tpu.memref_slice %arg8[%dma_start3A_130, %dma_start3A_131] : memref<10240x128xf32, #tpu.memory_space<vmem_shared>> -> memref<10240x128xf32, #tpu.memory_space<vmem_shared>>
      tpu.enqueue_indirect_dma source(%dma_start3A_126 : memref<128x128xf32, #tpu.memory_space<vmem>>) target(%dma_start3A_132 : memref<10240x128xf32, #tpu.memory_space<vmem_shared>>) offsets(%dma_start3A_129 : memref<128xi32, #tpu.memory_space<vmem>>) semaphore(%arg12 : memref<!tpu.dma_semaphore, #tpu.memory_space<semaphore_mem>>) {add = true}
      %dma_wait3A_133 = arith.constant 1 : i32
      %dma_wait3A_134 = arith.constant 0 : i32
      %dma_wait3A_135 = arith.constant 0 : i32
      %dma_wait3A_136 = arith.constant 0 : i32
      %dma_wait3A_137 = tpu.memref_slice %arg7[%dma_wait3A_133, %dma_wait3A_135, %dma_wait3A_136] : memref<2x128x128xf32, #tpu.memory_space<vmem>> -> memref<1x128x128xf32, #tpu.memory_space<vmem>>
      %dma_wait3A_138 = tpu.memref_squeeze %dma_wait3A_137 : memref<1x128x128xf32, #tpu.memory_space<vmem>> -> memref<128x128xf32, #tpu.memory_space<vmem>>
      %dma_wait3A_139 = arith.constant 0 : i32
      %dma_wait3A_140 = tpu.memref_slice %arg6[%dma_wait3A_134, %dma_wait3A_139] : memref<80x128xi32, #tpu.memory_space<vmem>> -> memref<1x128xi32, #tpu.memory_space<vmem>>
      %dma_wait3A_141 = tpu.memref_squeeze %dma_wait3A_140 : memref<1x128xi32, #tpu.memory_space<vmem>> -> memref<128xi32, #tpu.memory_space<vmem>>
      %dma_wait3A_142 = arith.constant 0 : i32
      %dma_wait3A_143 = arith.constant 0 : i32
      %dma_wait3A_144 = tpu.memref_slice %arg8[%dma_wait3A_142, %dma_wait3A_143] : memref<10240x128xf32, #tpu.memory_space<vmem_shared>> -> memref<10240x128xf32, #tpu.memory_space<vmem_shared>>
      tpu.wait_indirect_dma semaphore(%arg12 : memref<!tpu.dma_semaphore, #tpu.memory_space<semaphore_mem>>) src(%dma_wait3A_138 : memref<128x128xf32, #tpu.memory_space<vmem>>) dst(%dma_wait3A_144 : memref<10240x128xf32, #tpu.memory_space<vmem_shared>>)
      %add3A_145 = arith.constant 2 : i32
      %add3A_146 = arith.addi %add3A_106, %add3A_145 : i32
      %lt3A_147 = arith.constant 80 : i32
      %lt3A_148 = arith.cmpi slt, %add3A_146, %lt3A_147 : i32
      %convert_element_type3A_149 = arith.extui %lt3A_148 : i1 to i32
      %cond3A_150 = arith.constant 0 : i32
      %cond3A_151 = arith.cmpi ne, %convert_element_type3A_149, %cond3A_150 : i32
      scf.if %cond3A_151 {
        %mul3A_152 = arith.constant 80 : i32
        %mul3A_153 = arith.muli %add3A, %mul3A_152 : i32
        %add3A_154 = arith.addi %mul3A_153, %add3A_146 : i32
        %mul3A_155 = arith.constant 128 : i32
        %mul3A_156 = arith.muli %add3A_154, %mul3A_155 : i32
        %dma_start3A_157 = arith.constant 1 : i32
        %dma_start3A_158 = arith.constant 0 : i32
        %dma_start3A_159 = arith.constant 0 : i32
        %dma_start3A_160 = tpu.memref_slice %arg7[%dma_start3A_157, %dma_start3A_158, %dma_start3A_159] : memref<2x128x128xf32, #tpu.memory_space<vmem>> -> memref<1x128x128xf32, #tpu.memory_space<vmem>>
        %dma_start3A_161 = tpu.memref_squeeze %dma_start3A_160 : memref<1x128x128xf32, #tpu.memory_space<vmem>> -> memref<128x128xf32, #tpu.memory_space<vmem>>
        %dma_start3A_162 = arith.constant 0 : i32
        %dma_start3A_163 = tpu.memref_slice %arg2[%mul3A_156, %dma_start3A_162] : memref<327680x128xf32, #tpu.memory_space<hbm>> -> memref<128x128xf32, #tpu.memory_space<hbm>>
        %dma_start3A_164 = arith.constant 0 : i32
        %dma_start3A_165 = arith.constant 0 : i32
        %dma_start3A_166 = tpu.memref_slice %arg7[%dma_start3A_157, %dma_start3A_164, %dma_start3A_165] : memref<2x128x128xf32, #tpu.memory_space<vmem>> -> memref<1x128x128xf32, #tpu.memory_space<vmem>>
        %dma_start3A_167 = tpu.memref_squeeze %dma_start3A_166 : memref<1x128x128xf32, #tpu.memory_space<vmem>> -> memref<128x128xf32, #tpu.memory_space<vmem>>
        %dma_start3A_168 = arith.constant 0 : i32
        %dma_start3A_169 = tpu.memref_slice %arg2[%mul3A_156, %dma_start3A_168] : memref<327680x128xf32, #tpu.memory_space<hbm>> -> memref<128x128xf32, #tpu.memory_space<hbm>>
        tpu.enqueue_dma source(%dma_start3A_169 : memref<128x128xf32, #tpu.memory_space<hbm>>) target(%dma_start3A_167 : memref<128x128xf32, #tpu.memory_space<vmem>>) target_semaphore(%arg10 : memref<!tpu.dma_semaphore, #tpu.memory_space<semaphore_mem>>)
      } else {
      }
    }
    %scan3A_48 = arith.constant 40 : i32
    %barrier3A_49 = arith.constant 0 : index
    tpu.barrier barrier_id(%barrier3A_49)
    %mul3A_50 = arith.constant 640 : i32
    %mul3A_51 = arith.muli %arg1, %mul3A_50 : i32
    %mul3A_52 = arith.constant 10240 : i32
    %mul3A_53 = arith.muli %arg0, %mul3A_52 : i32
    %mul3A_54 = arith.constant 640 : i32
    %mul3A_55 = arith.muli %arg1, %mul3A_54 : i32
    %add3A_56 = arith.addi %mul3A_53, %mul3A_55 : i32
    "tpu.region"() ({
      %run_scoped3A = tpu.sem_alloc : memref<!tpu.dma_semaphore, #tpu.memory_space<semaphore_mem>>
      %dma_start3A_57 = arith.constant 0 : i32
      %dma_start3A_58 = tpu.memref_slice %arg5[%add3A_56, %dma_start3A_57] : memref<20480x128xf32, #tpu.memory_space<hbm>> -> memref<640x128xf32, #tpu.memory_space<hbm>>
      %dma_start3A_59 = arith.constant 0 : i32
      %dma_start3A_60 = tpu.memref_slice %arg8[%mul3A_51, %dma_start3A_59] : memref<10240x128xf32, #tpu.memory_space<vmem_shared>> -> memref<640x128xf32, #tpu.memory_space<vmem_shared>>
      tpu.enqueue_dma source(%dma_start3A_60 : memref<640x128xf32, #tpu.memory_space<vmem_shared>>) target(%dma_start3A_58 : memref<640x128xf32, #tpu.memory_space<hbm>>) target_semaphore(%run_scoped3A : memref<!tpu.dma_semaphore, #tpu.memory_space<semaphore_mem>>)
      %dma_wait3A = arith.constant 0 : i32
      %dma_wait3A_61 = tpu.memref_slice %arg5[%add3A_56, %dma_wait3A] : memref<20480x128xf32, #tpu.memory_space<hbm>> -> memref<640x128xf32, #tpu.memory_space<hbm>>
      %dma_wait3A_62 = arith.constant 0 : i32
      %dma_wait3A_63 = tpu.memref_slice %arg8[%mul3A_51, %dma_wait3A_62] : memref<10240x128xf32, #tpu.memory_space<vmem_shared>> -> memref<640x128xf32, #tpu.memory_space<vmem_shared>>
      tpu.wait_dma2 semaphore(%run_scoped3A : memref<!tpu.dma_semaphore, #tpu.memory_space<semaphore_mem>>) src(%dma_wait3A_63 : memref<640x128xf32, #tpu.memory_space<vmem_shared>>) dst(%dma_wait3A_61 : memref<640x128xf32, #tpu.memory_space<hbm>>)
      tpu.yield
    }) : () -> ()
    return
  }
}

#map = affine_map<(d0, d1) -> (0, 0)>
#map1 = affine_map<(d0, d1) -> (0)>
module attributes {stable_mosaic.version = 14 : i64} {
  func.func @k(%arg0: i32, %arg1: i32, %arg2: memref<10000x128xf32, #tpu.memory_space<hbm>>, %arg3: memref<327680xi32, #tpu.memory_space<hbm>>, %arg4: memref<327680x128xf32, #tpu.memory_space<hbm>>, %arg5: memref<10240xi32, #tpu.memory_space<vmem>>, %arg6: memref<4x64x128xf32, #tpu.memory_space<vmem>>, %arg7: memref<10000x128xf32, #tpu.memory_space<vmem_shared>>, %arg8: memref<!tpu.dma_semaphore, #tpu.memory_space<semaphore_mem>>, %arg9: memref<!tpu.dma_semaphore, #tpu.memory_space<semaphore_mem>>, %arg10: memref<!tpu.dma_semaphore, #tpu.memory_space<semaphore_mem>>, %arg11: memref<!tpu.dma_semaphore, #tpu.memory_space<semaphore_mem>>, %arg12: memref<!tpu.dma_semaphore, #tpu.memory_space<semaphore_mem>>, %arg13: memref<!tpu.dma_semaphore, #tpu.memory_space<semaphore_mem>>, %arg14: memref<!tpu.dma_semaphore, #tpu.memory_space<semaphore_mem>>, %arg15: memref<!tpu.dma_semaphore, #tpu.memory_space<semaphore_mem>>) attributes {dimension_semantics = [#tpu.dimension_semantics<core_parallel>, #tpu.dimension_semantics<subcore_parallel>], iteration_bounds = array<i64: 2, 16>, scalar_prefetch = 0 : i64, scratch_operands = 11 : i64, tpu.core_type = #tpu.core_type<sc_vector_subcore>, window_params = [{transform_indices = #map}, {transform_indices = #map1}, {transform_indices = #map}]} {
    %mul3A = arith.constant 16 : i32
    %mul3A_0 = arith.muli %arg0, %mul3A : i32
    %add3A = arith.addi %mul3A_0, %arg1 : i32
    %mul3A_1 = arith.constant 10240 : i32
    %mul3A_2 = arith.muli %add3A, %mul3A_1 : i32
    %lt3A = arith.constant 15 : i32
    %lt3A_3 = arith.cmpi slt, %arg1, %lt3A : i32
    %convert_element_type3A = arith.extui %lt3A_3 : i1 to i32
    %cond3A = arith.constant 0 : i32
    %cond3A_4 = arith.cmpi ne, %convert_element_type3A, %cond3A : i32
    scf.if %cond3A_4 {
      %mul3A_53 = arith.constant 640 : i32
      %mul3A_54 = arith.muli %arg1, %mul3A_53 : i32
      %mul3A_55 = arith.constant 640 : i32
      %mul3A_56 = arith.muli %arg1, %mul3A_55 : i32
      "tpu.region"() ({
        %run_scoped3A = tpu.sem_alloc : memref<!tpu.dma_semaphore, #tpu.memory_space<semaphore_mem>>
        %dma_start3A_57 = arith.constant 0 : i32
        %dma_start3A_58 = tpu.memref_slice %arg7[%mul3A_56, %dma_start3A_57] : memref<10000x128xf32, #tpu.memory_space<vmem_shared>> -> memref<640x128xf32, #tpu.memory_space<vmem_shared>>
        %dma_start3A_59 = arith.constant 0 : i32
        %dma_start3A_60 = tpu.memref_slice %arg2[%mul3A_54, %dma_start3A_59] : memref<10000x128xf32, #tpu.memory_space<hbm>> -> memref<640x128xf32, #tpu.memory_space<hbm>>
        tpu.enqueue_dma source(%dma_start3A_60 : memref<640x128xf32, #tpu.memory_space<hbm>>) target(%dma_start3A_58 : memref<640x128xf32, #tpu.memory_space<vmem_shared>>) target_semaphore(%run_scoped3A : memref<!tpu.dma_semaphore, #tpu.memory_space<semaphore_mem>>)
        %dma_wait3A = arith.constant 0 : i32
        %dma_wait3A_61 = tpu.memref_slice %arg7[%mul3A_56, %dma_wait3A] : memref<10000x128xf32, #tpu.memory_space<vmem_shared>> -> memref<640x128xf32, #tpu.memory_space<vmem_shared>>
        %dma_wait3A_62 = arith.constant 0 : i32
        %dma_wait3A_63 = tpu.memref_slice %arg2[%mul3A_54, %dma_wait3A_62] : memref<10000x128xf32, #tpu.memory_space<hbm>> -> memref<640x128xf32, #tpu.memory_space<hbm>>
        tpu.wait_dma2 semaphore(%run_scoped3A : memref<!tpu.dma_semaphore, #tpu.memory_space<semaphore_mem>>) src(%dma_wait3A_63 : memref<640x128xf32, #tpu.memory_space<hbm>>) dst(%dma_wait3A_61 : memref<640x128xf32, #tpu.memory_space<vmem_shared>>)
        tpu.yield
      }) : () -> ()
    } else {
    }
    %eq3A = arith.constant 15 : i32
    %eq3A_5 = arith.cmpi eq, %arg1, %eq3A : i32
    %convert_element_type3A_6 = arith.extui %eq3A_5 : i1 to i32
    %cond3A_7 = arith.constant 0 : i32
    %cond3A_8 = arith.cmpi ne, %convert_element_type3A_6, %cond3A_7 : i32
    scf.if %cond3A_8 {
      "tpu.region"() ({
        %run_scoped3A = tpu.sem_alloc : memref<!tpu.dma_semaphore, #tpu.memory_space<semaphore_mem>>
        %dma_start3A_53 = arith.constant 9600 : i32
        %dma_start3A_54 = arith.constant 0 : i32
        %dma_start3A_55 = tpu.memref_slice %arg7[%dma_start3A_53, %dma_start3A_54] : memref<10000x128xf32, #tpu.memory_space<vmem_shared>> -> memref<400x128xf32, #tpu.memory_space<vmem_shared>>
        %dma_start3A_56 = arith.constant 9600 : i32
        %dma_start3A_57 = arith.constant 0 : i32
        %dma_start3A_58 = tpu.memref_slice %arg2[%dma_start3A_56, %dma_start3A_57] : memref<10000x128xf32, #tpu.memory_space<hbm>> -> memref<400x128xf32, #tpu.memory_space<hbm>>
        tpu.enqueue_dma source(%dma_start3A_58 : memref<400x128xf32, #tpu.memory_space<hbm>>) target(%dma_start3A_55 : memref<400x128xf32, #tpu.memory_space<vmem_shared>>) target_semaphore(%run_scoped3A : memref<!tpu.dma_semaphore, #tpu.memory_space<semaphore_mem>>)
        %dma_wait3A = arith.constant 9600 : i32
        %dma_wait3A_59 = arith.constant 0 : i32
        %dma_wait3A_60 = tpu.memref_slice %arg7[%dma_wait3A, %dma_wait3A_59] : memref<10000x128xf32, #tpu.memory_space<vmem_shared>> -> memref<400x128xf32, #tpu.memory_space<vmem_shared>>
        %dma_wait3A_61 = arith.constant 9600 : i32
        %dma_wait3A_62 = arith.constant 0 : i32
        %dma_wait3A_63 = tpu.memref_slice %arg2[%dma_wait3A_61, %dma_wait3A_62] : memref<10000x128xf32, #tpu.memory_space<hbm>> -> memref<400x128xf32, #tpu.memory_space<hbm>>
        tpu.wait_dma2 semaphore(%run_scoped3A : memref<!tpu.dma_semaphore, #tpu.memory_space<semaphore_mem>>) src(%dma_wait3A_63 : memref<400x128xf32, #tpu.memory_space<hbm>>) dst(%dma_wait3A_60 : memref<400x128xf32, #tpu.memory_space<vmem_shared>>)
        tpu.yield
      }) : () -> ()
    } else {
    }
    "tpu.region"() ({
      %run_scoped3A = tpu.sem_alloc : memref<!tpu.dma_semaphore, #tpu.memory_space<semaphore_mem>>
      %dma_start3A_53 = tpu.memref_slice %arg3[%mul3A_2] : memref<327680xi32, #tpu.memory_space<hbm>> -> memref<10240xi32, #tpu.memory_space<hbm>>
      %dma_start3A_54 = tpu.memref_slice %arg3[%mul3A_2] : memref<327680xi32, #tpu.memory_space<hbm>> -> memref<10240xi32, #tpu.memory_space<hbm>>
      tpu.enqueue_dma source(%dma_start3A_54 : memref<10240xi32, #tpu.memory_space<hbm>>) target(%arg5 : memref<10240xi32, #tpu.memory_space<vmem>>) target_semaphore(%run_scoped3A : memref<!tpu.dma_semaphore, #tpu.memory_space<semaphore_mem>>)
      %dma_wait3A = tpu.memref_slice %arg3[%mul3A_2] : memref<327680xi32, #tpu.memory_space<hbm>> -> memref<10240xi32, #tpu.memory_space<hbm>>
      %dma_wait3A_55 = tpu.memref_slice %arg3[%mul3A_2] : memref<327680xi32, #tpu.memory_space<hbm>> -> memref<10240xi32, #tpu.memory_space<hbm>>
      tpu.wait_dma2 semaphore(%run_scoped3A : memref<!tpu.dma_semaphore, #tpu.memory_space<semaphore_mem>>) src(%dma_wait3A_55 : memref<10240xi32, #tpu.memory_space<hbm>>) dst(%arg5 : memref<10240xi32, #tpu.memory_space<vmem>>)
      tpu.yield
    }) : () -> ()
    %barrier3A = arith.constant 0 : index
    tpu.barrier barrier_id(%barrier3A)
    %dma_start3A = arith.constant 0 : i32
    %dma_start3A_9 = arith.constant 0 : i32
    %dma_start3A_10 = arith.constant 0 : i32
    %dma_start3A_11 = tpu.memref_slice %arg6[%dma_start3A, %dma_start3A_9, %dma_start3A_10] : memref<4x64x128xf32, #tpu.memory_space<vmem>> -> memref<1x64x128xf32, #tpu.memory_space<vmem>>
    %dma_start3A_12 = tpu.memref_squeeze %dma_start3A_11 : memref<1x64x128xf32, #tpu.memory_space<vmem>> -> memref<64x128xf32, #tpu.memory_space<vmem>>
    %dma_start3A_13 = arith.constant 0 : i32
    %dma_start3A_14 = tpu.memref_slice %arg5[%dma_start3A_13] : memref<10240xi32, #tpu.memory_space<vmem>> -> memref<64xi32, #tpu.memory_space<vmem>>
    %dma_start3A_15 = arith.constant 0 : i32
    %dma_start3A_16 = arith.constant 0 : i32
    %dma_start3A_17 = tpu.memref_slice %arg7[%dma_start3A_15, %dma_start3A_16] : memref<10000x128xf32, #tpu.memory_space<vmem_shared>> -> memref<10000x128xf32, #tpu.memory_space<vmem_shared>>
    tpu.enqueue_indirect_dma source(%dma_start3A_17 : memref<10000x128xf32, #tpu.memory_space<vmem_shared>>) target(%dma_start3A_12 : memref<64x128xf32, #tpu.memory_space<vmem>>) offsets(%dma_start3A_14 : memref<64xi32, #tpu.memory_space<vmem>>) semaphore(%arg8 : memref<!tpu.dma_semaphore, #tpu.memory_space<semaphore_mem>>)
    %dma_start3A_18 = arith.constant 1 : i32
    %dma_start3A_19 = arith.constant 0 : i32
    %dma_start3A_20 = arith.constant 0 : i32
    %dma_start3A_21 = tpu.memref_slice %arg6[%dma_start3A_18, %dma_start3A_19, %dma_start3A_20] : memref<4x64x128xf32, #tpu.memory_space<vmem>> -> memref<1x64x128xf32, #tpu.memory_space<vmem>>
    %dma_start3A_22 = tpu.memref_squeeze %dma_start3A_21 : memref<1x64x128xf32, #tpu.memory_space<vmem>> -> memref<64x128xf32, #tpu.memory_space<vmem>>
    %dma_start3A_23 = arith.constant 64 : i32
    %dma_start3A_24 = tpu.memref_slice %arg5[%dma_start3A_23] : memref<10240xi32, #tpu.memory_space<vmem>> -> memref<64xi32, #tpu.memory_space<vmem>>
    %dma_start3A_25 = arith.constant 0 : i32
    %dma_start3A_26 = arith.constant 0 : i32
    %dma_start3A_27 = tpu.memref_slice %arg7[%dma_start3A_25, %dma_start3A_26] : memref<10000x128xf32, #tpu.memory_space<vmem_shared>> -> memref<10000x128xf32, #tpu.memory_space<vmem_shared>>
    tpu.enqueue_indirect_dma source(%dma_start3A_27 : memref<10000x128xf32, #tpu.memory_space<vmem_shared>>) target(%dma_start3A_22 : memref<64x128xf32, #tpu.memory_space<vmem>>) offsets(%dma_start3A_24 : memref<64xi32, #tpu.memory_space<vmem>>) semaphore(%arg9 : memref<!tpu.dma_semaphore, #tpu.memory_space<semaphore_mem>>)
    %dma_start3A_28 = arith.constant 2 : i32
    %dma_start3A_29 = arith.constant 0 : i32
    %dma_start3A_30 = arith.constant 0 : i32
    %dma_start3A_31 = tpu.memref_slice %arg6[%dma_start3A_28, %dma_start3A_29, %dma_start3A_30] : memref<4x64x128xf32, #tpu.memory_space<vmem>> -> memref<1x64x128xf32, #tpu.memory_space<vmem>>
    %dma_start3A_32 = tpu.memref_squeeze %dma_start3A_31 : memref<1x64x128xf32, #tpu.memory_space<vmem>> -> memref<64x128xf32, #tpu.memory_space<vmem>>
    %dma_start3A_33 = arith.constant 128 : i32
    %dma_start3A_34 = tpu.memref_slice %arg5[%dma_start3A_33] : memref<10240xi32, #tpu.memory_space<vmem>> -> memref<64xi32, #tpu.memory_space<vmem>>
    %dma_start3A_35 = arith.constant 0 : i32
    %dma_start3A_36 = arith.constant 0 : i32
    %dma_start3A_37 = tpu.memref_slice %arg7[%dma_start3A_35, %dma_start3A_36] : memref<10000x128xf32, #tpu.memory_space<vmem_shared>> -> memref<10000x128xf32, #tpu.memory_space<vmem_shared>>
    tpu.enqueue_indirect_dma source(%dma_start3A_37 : memref<10000x128xf32, #tpu.memory_space<vmem_shared>>) target(%dma_start3A_32 : memref<64x128xf32, #tpu.memory_space<vmem>>) offsets(%dma_start3A_34 : memref<64xi32, #tpu.memory_space<vmem>>) semaphore(%arg10 : memref<!tpu.dma_semaphore, #tpu.memory_space<semaphore_mem>>)
    %dma_start3A_38 = arith.constant 3 : i32
    %dma_start3A_39 = arith.constant 0 : i32
    %dma_start3A_40 = arith.constant 0 : i32
    %dma_start3A_41 = tpu.memref_slice %arg6[%dma_start3A_38, %dma_start3A_39, %dma_start3A_40] : memref<4x64x128xf32, #tpu.memory_space<vmem>> -> memref<1x64x128xf32, #tpu.memory_space<vmem>>
    %dma_start3A_42 = tpu.memref_squeeze %dma_start3A_41 : memref<1x64x128xf32, #tpu.memory_space<vmem>> -> memref<64x128xf32, #tpu.memory_space<vmem>>
    %dma_start3A_43 = arith.constant 192 : i32
    %dma_start3A_44 = tpu.memref_slice %arg5[%dma_start3A_43] : memref<10240xi32, #tpu.memory_space<vmem>> -> memref<64xi32, #tpu.memory_space<vmem>>
    %dma_start3A_45 = arith.constant 0 : i32
    %dma_start3A_46 = arith.constant 0 : i32
    %dma_start3A_47 = tpu.memref_slice %arg7[%dma_start3A_45, %dma_start3A_46] : memref<10000x128xf32, #tpu.memory_space<vmem_shared>> -> memref<10000x128xf32, #tpu.memory_space<vmem_shared>>
    tpu.enqueue_indirect_dma source(%dma_start3A_47 : memref<10000x128xf32, #tpu.memory_space<vmem_shared>>) target(%dma_start3A_42 : memref<64x128xf32, #tpu.memory_space<vmem>>) offsets(%dma_start3A_44 : memref<64xi32, #tpu.memory_space<vmem>>) semaphore(%arg11 : memref<!tpu.dma_semaphore, #tpu.memory_space<semaphore_mem>>)
    %scan3A = arith.constant 0 : i32
    %scan3A_48 = arith.constant 0 : i32
    %scan3A_49 = arith.constant 40 : i32
    %scan3A_50 = arith.addi %scan3A_48, %scan3A_49 : i32
    %scan3A_51 = arith.constant 1 : i32
    scf.for %scan3A_53 = %scan3A_48 to %scan3A_50 step %scan3A_51  : i32 {
      %mul3A_54 = arith.constant 4 : i32
      %mul3A_55 = arith.muli %scan3A_53, %mul3A_54 : i32
      %add3A_56 = arith.constant 0 : i32
      %add3A_57 = arith.addi %mul3A_55, %add3A_56 : i32
      %dma_wait3A = arith.constant 0 : i32
      %dma_wait3A_58 = arith.constant 0 : i32
      %dma_wait3A_59 = arith.constant 0 : i32
      %dma_wait3A_60 = tpu.memref_slice %arg6[%dma_wait3A, %dma_wait3A_58, %dma_wait3A_59] : memref<4x64x128xf32, #tpu.memory_space<vmem>> -> memref<1x64x128xf32, #tpu.memory_space<vmem>>
      %dma_wait3A_61 = tpu.memref_squeeze %dma_wait3A_60 : memref<1x64x128xf32, #tpu.memory_space<vmem>> -> memref<64x128xf32, #tpu.memory_space<vmem>>
      %dma_wait3A_62 = arith.constant 0 : i32
      %dma_wait3A_63 = arith.constant 0 : i32
      %dma_wait3A_64 = tpu.memref_slice %arg2[%dma_wait3A_62, %dma_wait3A_63] : memref<10000x128xf32, #tpu.memory_space<hbm>> -> memref<64x128xf32, #tpu.memory_space<hbm>>
      %dma_wait3A_65 = arith.constant 0 : i32
      %dma_wait3A_66 = arith.constant 0 : i32
      %dma_wait3A_67 = tpu.memref_slice %arg6[%dma_wait3A, %dma_wait3A_65, %dma_wait3A_66] : memref<4x64x128xf32, #tpu.memory_space<vmem>> -> memref<1x64x128xf32, #tpu.memory_space<vmem>>
      %dma_wait3A_68 = tpu.memref_squeeze %dma_wait3A_67 : memref<1x64x128xf32, #tpu.memory_space<vmem>> -> memref<64x128xf32, #tpu.memory_space<vmem>>
      %dma_wait3A_69 = arith.constant 0 : i32
      %dma_wait3A_70 = arith.constant 0 : i32
      %dma_wait3A_71 = tpu.memref_slice %arg2[%dma_wait3A_69, %dma_wait3A_70] : memref<10000x128xf32, #tpu.memory_space<hbm>> -> memref<64x128xf32, #tpu.memory_space<hbm>>
      tpu.wait_dma2 semaphore(%arg8 : memref<!tpu.dma_semaphore, #tpu.memory_space<semaphore_mem>>) src(%dma_wait3A_71 : memref<64x128xf32, #tpu.memory_space<hbm>>) dst(%dma_wait3A_68 : memref<64x128xf32, #tpu.memory_space<vmem>>)
      %mul3A_72 = arith.constant 64 : i32
      %mul3A_73 = arith.muli %add3A_57, %mul3A_72 : i32
      %add3A_74 = arith.addi %mul3A_2, %mul3A_73 : i32
      %dma_start3A_75 = arith.constant 0 : i32
      %dma_start3A_76 = arith.constant 0 : i32
      %dma_start3A_77 = arith.constant 0 : i32
      %dma_start3A_78 = tpu.memref_slice %arg6[%dma_start3A_75, %dma_start3A_76, %dma_start3A_77] : memref<4x64x128xf32, #tpu.memory_space<vmem>> -> memref<1x64x128xf32, #tpu.memory_space<vmem>>
      %dma_start3A_79 = tpu.memref_squeeze %dma_start3A_78 : memref<1x64x128xf32, #tpu.memory_space<vmem>> -> memref<64x128xf32, #tpu.memory_space<vmem>>
      %dma_start3A_80 = arith.constant 0 : i32
      %dma_start3A_81 = tpu.memref_slice %arg4[%add3A_74, %dma_start3A_80] : memref<327680x128xf32, #tpu.memory_space<hbm>> -> memref<64x128xf32, #tpu.memory_space<hbm>>
      %dma_start3A_82 = arith.constant 0 : i32
      %dma_start3A_83 = tpu.memref_slice %arg4[%add3A_74, %dma_start3A_82] : memref<327680x128xf32, #tpu.memory_space<hbm>> -> memref<64x128xf32, #tpu.memory_space<hbm>>
      %dma_start3A_84 = arith.constant 0 : i32
      %dma_start3A_85 = arith.constant 0 : i32
      %dma_start3A_86 = tpu.memref_slice %arg6[%dma_start3A_75, %dma_start3A_84, %dma_start3A_85] : memref<4x64x128xf32, #tpu.memory_space<vmem>> -> memref<1x64x128xf32, #tpu.memory_space<vmem>>
      %dma_start3A_87 = tpu.memref_squeeze %dma_start3A_86 : memref<1x64x128xf32, #tpu.memory_space<vmem>> -> memref<64x128xf32, #tpu.memory_space<vmem>>
      tpu.enqueue_dma source(%dma_start3A_87 : memref<64x128xf32, #tpu.memory_space<vmem>>) target(%dma_start3A_83 : memref<64x128xf32, #tpu.memory_space<hbm>>) target_semaphore(%arg12 : memref<!tpu.dma_semaphore, #tpu.memory_space<semaphore_mem>>)
      %dma_wait3A_88 = arith.constant 0 : i32
      %dma_wait3A_89 = arith.constant 0 : i32
      %dma_wait3A_90 = arith.constant 0 : i32
      %dma_wait3A_91 = tpu.memref_slice %arg6[%dma_wait3A_88, %dma_wait3A_89, %dma_wait3A_90] : memref<4x64x128xf32, #tpu.memory_space<vmem>> -> memref<1x64x128xf32, #tpu.memory_space<vmem>>
      %dma_wait3A_92 = tpu.memref_squeeze %dma_wait3A_91 : memref<1x64x128xf32, #tpu.memory_space<vmem>> -> memref<64x128xf32, #tpu.memory_space<vmem>>
      %dma_wait3A_93 = arith.constant 0 : i32
      %dma_wait3A_94 = arith.constant 0 : i32
      %dma_wait3A_95 = tpu.memref_slice %arg4[%dma_wait3A_93, %dma_wait3A_94] : memref<327680x128xf32, #tpu.memory_space<hbm>> -> memref<64x128xf32, #tpu.memory_space<hbm>>
      %dma_wait3A_96 = arith.constant 0 : i32
      %dma_wait3A_97 = arith.constant 0 : i32
      %dma_wait3A_98 = tpu.memref_slice %arg4[%dma_wait3A_96, %dma_wait3A_97] : memref<327680x128xf32, #tpu.memory_space<hbm>> -> memref<64x128xf32, #tpu.memory_space<hbm>>
      %dma_wait3A_99 = arith.constant 0 : i32
      %dma_wait3A_100 = arith.constant 0 : i32
      %dma_wait3A_101 = tpu.memref_slice %arg6[%dma_wait3A_88, %dma_wait3A_99, %dma_wait3A_100] : memref<4x64x128xf32, #tpu.memory_space<vmem>> -> memref<1x64x128xf32, #tpu.memory_space<vmem>>
      %dma_wait3A_102 = tpu.memref_squeeze %dma_wait3A_101 : memref<1x64x128xf32, #tpu.memory_space<vmem>> -> memref<64x128xf32, #tpu.memory_space<vmem>>
      tpu.wait_dma2 semaphore(%arg12 : memref<!tpu.dma_semaphore, #tpu.memory_space<semaphore_mem>>) src(%dma_wait3A_102 : memref<64x128xf32, #tpu.memory_space<vmem>>) dst(%dma_wait3A_98 : memref<64x128xf32, #tpu.memory_space<hbm>>)
      %add3A_103 = arith.constant 4 : i32
      %add3A_104 = arith.addi %add3A_57, %add3A_103 : i32
      %lt3A_105 = arith.constant 160 : i32
      %lt3A_106 = arith.cmpi slt, %add3A_104, %lt3A_105 : i32
      %convert_element_type3A_107 = arith.extui %lt3A_106 : i1 to i32
      %cond3A_108 = arith.constant 0 : i32
      %cond3A_109 = arith.cmpi ne, %convert_element_type3A_107, %cond3A_108 : i32
      scf.if %cond3A_109 {
        %mul3A_281 = arith.constant 64 : i32
        %mul3A_282 = arith.muli %add3A_104, %mul3A_281 : i32
        %dma_start3A_283 = arith.constant 0 : i32
        %dma_start3A_284 = arith.constant 0 : i32
        %dma_start3A_285 = arith.constant 0 : i32
        %dma_start3A_286 = tpu.memref_slice %arg6[%dma_start3A_283, %dma_start3A_284, %dma_start3A_285] : memref<4x64x128xf32, #tpu.memory_space<vmem>> -> memref<1x64x128xf32, #tpu.memory_space<vmem>>
        %dma_start3A_287 = tpu.memref_squeeze %dma_start3A_286 : memref<1x64x128xf32, #tpu.memory_space<vmem>> -> memref<64x128xf32, #tpu.memory_space<vmem>>
        %dma_start3A_288 = tpu.memref_slice %arg5[%mul3A_282] : memref<10240xi32, #tpu.memory_space<vmem>> -> memref<64xi32, #tpu.memory_space<vmem>>
        %dma_start3A_289 = arith.constant 0 : i32
        %dma_start3A_290 = arith.constant 0 : i32
        %dma_start3A_291 = tpu.memref_slice %arg7[%dma_start3A_289, %dma_start3A_290] : memref<10000x128xf32, #tpu.memory_space<vmem_shared>> -> memref<10000x128xf32, #tpu.memory_space<vmem_shared>>
        tpu.enqueue_indirect_dma source(%dma_start3A_291 : memref<10000x128xf32, #tpu.memory_space<vmem_shared>>) target(%dma_start3A_287 : memref<64x128xf32, #tpu.memory_space<vmem>>) offsets(%dma_start3A_288 : memref<64xi32, #tpu.memory_space<vmem>>) semaphore(%arg8 : memref<!tpu.dma_semaphore, #tpu.memory_space<semaphore_mem>>)
      } else {
      }
      %mul3A_110 = arith.constant 4 : i32
      %mul3A_111 = arith.muli %scan3A_53, %mul3A_110 : i32
      %add3A_112 = arith.constant 1 : i32
      %add3A_113 = arith.addi %mul3A_111, %add3A_112 : i32
      %dma_wait3A_114 = arith.constant 1 : i32
      %dma_wait3A_115 = arith.constant 0 : i32
      %dma_wait3A_116 = arith.constant 0 : i32
      %dma_wait3A_117 = tpu.memref_slice %arg6[%dma_wait3A_114, %dma_wait3A_115, %dma_wait3A_116] : memref<4x64x128xf32, #tpu.memory_space<vmem>> -> memref<1x64x128xf32, #tpu.memory_space<vmem>>
      %dma_wait3A_118 = tpu.memref_squeeze %dma_wait3A_117 : memref<1x64x128xf32, #tpu.memory_space<vmem>> -> memref<64x128xf32, #tpu.memory_space<vmem>>
      %dma_wait3A_119 = arith.constant 0 : i32
      %dma_wait3A_120 = arith.constant 0 : i32
      %dma_wait3A_121 = tpu.memref_slice %arg2[%dma_wait3A_119, %dma_wait3A_120] : memref<10000x128xf32, #tpu.memory_space<hbm>> -> memref<64x128xf32, #tpu.memory_space<hbm>>
      %dma_wait3A_122 = arith.constant 0 : i32
      %dma_wait3A_123 = arith.constant 0 : i32
      %dma_wait3A_124 = tpu.memref_slice %arg6[%dma_wait3A_114, %dma_wait3A_122, %dma_wait3A_123] : memref<4x64x128xf32, #tpu.memory_space<vmem>> -> memref<1x64x128xf32, #tpu.memory_space<vmem>>
      %dma_wait3A_125 = tpu.memref_squeeze %dma_wait3A_124 : memref<1x64x128xf32, #tpu.memory_space<vmem>> -> memref<64x128xf32, #tpu.memory_space<vmem>>
      %dma_wait3A_126 = arith.constant 0 : i32
      %dma_wait3A_127 = arith.constant 0 : i32
      %dma_wait3A_128 = tpu.memref_slice %arg2[%dma_wait3A_126, %dma_wait3A_127] : memref<10000x128xf32, #tpu.memory_space<hbm>> -> memref<64x128xf32, #tpu.memory_space<hbm>>
      tpu.wait_dma2 semaphore(%arg9 : memref<!tpu.dma_semaphore, #tpu.memory_space<semaphore_mem>>) src(%dma_wait3A_128 : memref<64x128xf32, #tpu.memory_space<hbm>>) dst(%dma_wait3A_125 : memref<64x128xf32, #tpu.memory_space<vmem>>)
      %mul3A_129 = arith.constant 64 : i32
      %mul3A_130 = arith.muli %add3A_113, %mul3A_129 : i32
      %add3A_131 = arith.addi %mul3A_2, %mul3A_130 : i32
      %dma_start3A_132 = arith.constant 1 : i32
      %dma_start3A_133 = arith.constant 0 : i32
      %dma_start3A_134 = arith.constant 0 : i32
      %dma_start3A_135 = tpu.memref_slice %arg6[%dma_start3A_132, %dma_start3A_133, %dma_start3A_134] : memref<4x64x128xf32, #tpu.memory_space<vmem>> -> memref<1x64x128xf32, #tpu.memory_space<vmem>>
      %dma_start3A_136 = tpu.memref_squeeze %dma_start3A_135 : memref<1x64x128xf32, #tpu.memory_space<vmem>> -> memref<64x128xf32, #tpu.memory_space<vmem>>
      %dma_start3A_137 = arith.constant 0 : i32
      %dma_start3A_138 = tpu.memref_slice %arg4[%add3A_131, %dma_start3A_137] : memref<327680x128xf32, #tpu.memory_space<hbm>> -> memref<64x128xf32, #tpu.memory_space<hbm>>
      %dma_start3A_139 = arith.constant 0 : i32
      %dma_start3A_140 = tpu.memref_slice %arg4[%add3A_131, %dma_start3A_139] : memref<327680x128xf32, #tpu.memory_space<hbm>> -> memref<64x128xf32, #tpu.memory_space<hbm>>
      %dma_start3A_141 = arith.constant 0 : i32
      %dma_start3A_142 = arith.constant 0 : i32
      %dma_start3A_143 = tpu.memref_slice %arg6[%dma_start3A_132, %dma_start3A_141, %dma_start3A_142] : memref<4x64x128xf32, #tpu.memory_space<vmem>> -> memref<1x64x128xf32, #tpu.memory_space<vmem>>
      %dma_start3A_144 = tpu.memref_squeeze %dma_start3A_143 : memref<1x64x128xf32, #tpu.memory_space<vmem>> -> memref<64x128xf32, #tpu.memory_space<vmem>>
      tpu.enqueue_dma source(%dma_start3A_144 : memref<64x128xf32, #tpu.memory_space<vmem>>) target(%dma_start3A_140 : memref<64x128xf32, #tpu.memory_space<hbm>>) target_semaphore(%arg13 : memref<!tpu.dma_semaphore, #tpu.memory_space<semaphore_mem>>)
      %dma_wait3A_145 = arith.constant 1 : i32
      %dma_wait3A_146 = arith.constant 0 : i32
      %dma_wait3A_147 = arith.constant 0 : i32
      %dma_wait3A_148 = tpu.memref_slice %arg6[%dma_wait3A_145, %dma_wait3A_146, %dma_wait3A_147] : memref<4x64x128xf32, #tpu.memory_space<vmem>> -> memref<1x64x128xf32, #tpu.memory_space<vmem>>
      %dma_wait3A_149 = tpu.memref_squeeze %dma_wait3A_148 : memref<1x64x128xf32, #tpu.memory_space<vmem>> -> memref<64x128xf32, #tpu.memory_space<vmem>>
      %dma_wait3A_150 = arith.constant 0 : i32
      %dma_wait3A_151 = arith.constant 0 : i32
      %dma_wait3A_152 = tpu.memref_slice %arg4[%dma_wait3A_150, %dma_wait3A_151] : memref<327680x128xf32, #tpu.memory_space<hbm>> -> memref<64x128xf32, #tpu.memory_space<hbm>>
      %dma_wait3A_153 = arith.constant 0 : i32
      %dma_wait3A_154 = arith.constant 0 : i32
      %dma_wait3A_155 = tpu.memref_slice %arg4[%dma_wait3A_153, %dma_wait3A_154] : memref<327680x128xf32, #tpu.memory_space<hbm>> -> memref<64x128xf32, #tpu.memory_space<hbm>>
      %dma_wait3A_156 = arith.constant 0 : i32
      %dma_wait3A_157 = arith.constant 0 : i32
      %dma_wait3A_158 = tpu.memref_slice %arg6[%dma_wait3A_145, %dma_wait3A_156, %dma_wait3A_157] : memref<4x64x128xf32, #tpu.memory_space<vmem>> -> memref<1x64x128xf32, #tpu.memory_space<vmem>>
      %dma_wait3A_159 = tpu.memref_squeeze %dma_wait3A_158 : memref<1x64x128xf32, #tpu.memory_space<vmem>> -> memref<64x128xf32, #tpu.memory_space<vmem>>
      tpu.wait_dma2 semaphore(%arg13 : memref<!tpu.dma_semaphore, #tpu.memory_space<semaphore_mem>>) src(%dma_wait3A_159 : memref<64x128xf32, #tpu.memory_space<vmem>>) dst(%dma_wait3A_155 : memref<64x128xf32, #tpu.memory_space<hbm>>)
      %add3A_160 = arith.constant 4 : i32
      %add3A_161 = arith.addi %add3A_113, %add3A_160 : i32
      %lt3A_162 = arith.constant 160 : i32
      %lt3A_163 = arith.cmpi slt, %add3A_161, %lt3A_162 : i32
      %convert_element_type3A_164 = arith.extui %lt3A_163 : i1 to i32
      %cond3A_165 = arith.constant 0 : i32
      %cond3A_166 = arith.cmpi ne, %convert_element_type3A_164, %cond3A_165 : i32
      scf.if %cond3A_166 {
        %mul3A_281 = arith.constant 64 : i32
        %mul3A_282 = arith.muli %add3A_161, %mul3A_281 : i32
        %dma_start3A_283 = arith.constant 1 : i32
        %dma_start3A_284 = arith.constant 0 : i32
        %dma_start3A_285 = arith.constant 0 : i32
        %dma_start3A_286 = tpu.memref_slice %arg6[%dma_start3A_283, %dma_start3A_284, %dma_start3A_285] : memref<4x64x128xf32, #tpu.memory_space<vmem>> -> memref<1x64x128xf32, #tpu.memory_space<vmem>>
        %dma_start3A_287 = tpu.memref_squeeze %dma_start3A_286 : memref<1x64x128xf32, #tpu.memory_space<vmem>> -> memref<64x128xf32, #tpu.memory_space<vmem>>
        %dma_start3A_288 = tpu.memref_slice %arg5[%mul3A_282] : memref<10240xi32, #tpu.memory_space<vmem>> -> memref<64xi32, #tpu.memory_space<vmem>>
        %dma_start3A_289 = arith.constant 0 : i32
        %dma_start3A_290 = arith.constant 0 : i32
        %dma_start3A_291 = tpu.memref_slice %arg7[%dma_start3A_289, %dma_start3A_290] : memref<10000x128xf32, #tpu.memory_space<vmem_shared>> -> memref<10000x128xf32, #tpu.memory_space<vmem_shared>>
        tpu.enqueue_indirect_dma source(%dma_start3A_291 : memref<10000x128xf32, #tpu.memory_space<vmem_shared>>) target(%dma_start3A_287 : memref<64x128xf32, #tpu.memory_space<vmem>>) offsets(%dma_start3A_288 : memref<64xi32, #tpu.memory_space<vmem>>) semaphore(%arg9 : memref<!tpu.dma_semaphore, #tpu.memory_space<semaphore_mem>>)
      } else {
      }
      %mul3A_167 = arith.constant 4 : i32
      %mul3A_168 = arith.muli %scan3A_53, %mul3A_167 : i32
      %add3A_169 = arith.constant 2 : i32
      %add3A_170 = arith.addi %mul3A_168, %add3A_169 : i32
      %dma_wait3A_171 = arith.constant 2 : i32
      %dma_wait3A_172 = arith.constant 0 : i32
      %dma_wait3A_173 = arith.constant 0 : i32
      %dma_wait3A_174 = tpu.memref_slice %arg6[%dma_wait3A_171, %dma_wait3A_172, %dma_wait3A_173] : memref<4x64x128xf32, #tpu.memory_space<vmem>> -> memref<1x64x128xf32, #tpu.memory_space<vmem>>
      %dma_wait3A_175 = tpu.memref_squeeze %dma_wait3A_174 : memref<1x64x128xf32, #tpu.memory_space<vmem>> -> memref<64x128xf32, #tpu.memory_space<vmem>>
      %dma_wait3A_176 = arith.constant 0 : i32
      %dma_wait3A_177 = arith.constant 0 : i32
      %dma_wait3A_178 = tpu.memref_slice %arg2[%dma_wait3A_176, %dma_wait3A_177] : memref<10000x128xf32, #tpu.memory_space<hbm>> -> memref<64x128xf32, #tpu.memory_space<hbm>>
      %dma_wait3A_179 = arith.constant 0 : i32
      %dma_wait3A_180 = arith.constant 0 : i32
      %dma_wait3A_181 = tpu.memref_slice %arg6[%dma_wait3A_171, %dma_wait3A_179, %dma_wait3A_180] : memref<4x64x128xf32, #tpu.memory_space<vmem>> -> memref<1x64x128xf32, #tpu.memory_space<vmem>>
      %dma_wait3A_182 = tpu.memref_squeeze %dma_wait3A_181 : memref<1x64x128xf32, #tpu.memory_space<vmem>> -> memref<64x128xf32, #tpu.memory_space<vmem>>
      %dma_wait3A_183 = arith.constant 0 : i32
      %dma_wait3A_184 = arith.constant 0 : i32
      %dma_wait3A_185 = tpu.memref_slice %arg2[%dma_wait3A_183, %dma_wait3A_184] : memref<10000x128xf32, #tpu.memory_space<hbm>> -> memref<64x128xf32, #tpu.memory_space<hbm>>
      tpu.wait_dma2 semaphore(%arg10 : memref<!tpu.dma_semaphore, #tpu.memory_space<semaphore_mem>>) src(%dma_wait3A_185 : memref<64x128xf32, #tpu.memory_space<hbm>>) dst(%dma_wait3A_182 : memref<64x128xf32, #tpu.memory_space<vmem>>)
      %mul3A_186 = arith.constant 64 : i32
      %mul3A_187 = arith.muli %add3A_170, %mul3A_186 : i32
      %add3A_188 = arith.addi %mul3A_2, %mul3A_187 : i32
      %dma_start3A_189 = arith.constant 2 : i32
      %dma_start3A_190 = arith.constant 0 : i32
      %dma_start3A_191 = arith.constant 0 : i32
      %dma_start3A_192 = tpu.memref_slice %arg6[%dma_start3A_189, %dma_start3A_190, %dma_start3A_191] : memref<4x64x128xf32, #tpu.memory_space<vmem>> -> memref<1x64x128xf32, #tpu.memory_space<vmem>>
      %dma_start3A_193 = tpu.memref_squeeze %dma_start3A_192 : memref<1x64x128xf32, #tpu.memory_space<vmem>> -> memref<64x128xf32, #tpu.memory_space<vmem>>
      %dma_start3A_194 = arith.constant 0 : i32
      %dma_start3A_195 = tpu.memref_slice %arg4[%add3A_188, %dma_start3A_194] : memref<327680x128xf32, #tpu.memory_space<hbm>> -> memref<64x128xf32, #tpu.memory_space<hbm>>
      %dma_start3A_196 = arith.constant 0 : i32
      %dma_start3A_197 = tpu.memref_slice %arg4[%add3A_188, %dma_start3A_196] : memref<327680x128xf32, #tpu.memory_space<hbm>> -> memref<64x128xf32, #tpu.memory_space<hbm>>
      %dma_start3A_198 = arith.constant 0 : i32
      %dma_start3A_199 = arith.constant 0 : i32
      %dma_start3A_200 = tpu.memref_slice %arg6[%dma_start3A_189, %dma_start3A_198, %dma_start3A_199] : memref<4x64x128xf32, #tpu.memory_space<vmem>> -> memref<1x64x128xf32, #tpu.memory_space<vmem>>
      %dma_start3A_201 = tpu.memref_squeeze %dma_start3A_200 : memref<1x64x128xf32, #tpu.memory_space<vmem>> -> memref<64x128xf32, #tpu.memory_space<vmem>>
      tpu.enqueue_dma source(%dma_start3A_201 : memref<64x128xf32, #tpu.memory_space<vmem>>) target(%dma_start3A_197 : memref<64x128xf32, #tpu.memory_space<hbm>>) target_semaphore(%arg14 : memref<!tpu.dma_semaphore, #tpu.memory_space<semaphore_mem>>)
      %dma_wait3A_202 = arith.constant 2 : i32
      %dma_wait3A_203 = arith.constant 0 : i32
      %dma_wait3A_204 = arith.constant 0 : i32
      %dma_wait3A_205 = tpu.memref_slice %arg6[%dma_wait3A_202, %dma_wait3A_203, %dma_wait3A_204] : memref<4x64x128xf32, #tpu.memory_space<vmem>> -> memref<1x64x128xf32, #tpu.memory_space<vmem>>
      %dma_wait3A_206 = tpu.memref_squeeze %dma_wait3A_205 : memref<1x64x128xf32, #tpu.memory_space<vmem>> -> memref<64x128xf32, #tpu.memory_space<vmem>>
      %dma_wait3A_207 = arith.constant 0 : i32
      %dma_wait3A_208 = arith.constant 0 : i32
      %dma_wait3A_209 = tpu.memref_slice %arg4[%dma_wait3A_207, %dma_wait3A_208] : memref<327680x128xf32, #tpu.memory_space<hbm>> -> memref<64x128xf32, #tpu.memory_space<hbm>>
      %dma_wait3A_210 = arith.constant 0 : i32
      %dma_wait3A_211 = arith.constant 0 : i32
      %dma_wait3A_212 = tpu.memref_slice %arg4[%dma_wait3A_210, %dma_wait3A_211] : memref<327680x128xf32, #tpu.memory_space<hbm>> -> memref<64x128xf32, #tpu.memory_space<hbm>>
      %dma_wait3A_213 = arith.constant 0 : i32
      %dma_wait3A_214 = arith.constant 0 : i32
      %dma_wait3A_215 = tpu.memref_slice %arg6[%dma_wait3A_202, %dma_wait3A_213, %dma_wait3A_214] : memref<4x64x128xf32, #tpu.memory_space<vmem>> -> memref<1x64x128xf32, #tpu.memory_space<vmem>>
      %dma_wait3A_216 = tpu.memref_squeeze %dma_wait3A_215 : memref<1x64x128xf32, #tpu.memory_space<vmem>> -> memref<64x128xf32, #tpu.memory_space<vmem>>
      tpu.wait_dma2 semaphore(%arg14 : memref<!tpu.dma_semaphore, #tpu.memory_space<semaphore_mem>>) src(%dma_wait3A_216 : memref<64x128xf32, #tpu.memory_space<vmem>>) dst(%dma_wait3A_212 : memref<64x128xf32, #tpu.memory_space<hbm>>)
      %add3A_217 = arith.constant 4 : i32
      %add3A_218 = arith.addi %add3A_170, %add3A_217 : i32
      %lt3A_219 = arith.constant 160 : i32
      %lt3A_220 = arith.cmpi slt, %add3A_218, %lt3A_219 : i32
      %convert_element_type3A_221 = arith.extui %lt3A_220 : i1 to i32
      %cond3A_222 = arith.constant 0 : i32
      %cond3A_223 = arith.cmpi ne, %convert_element_type3A_221, %cond3A_222 : i32
      scf.if %cond3A_223 {
        %mul3A_281 = arith.constant 64 : i32
        %mul3A_282 = arith.muli %add3A_218, %mul3A_281 : i32
        %dma_start3A_283 = arith.constant 2 : i32
        %dma_start3A_284 = arith.constant 0 : i32
        %dma_start3A_285 = arith.constant 0 : i32
        %dma_start3A_286 = tpu.memref_slice %arg6[%dma_start3A_283, %dma_start3A_284, %dma_start3A_285] : memref<4x64x128xf32, #tpu.memory_space<vmem>> -> memref<1x64x128xf32, #tpu.memory_space<vmem>>
        %dma_start3A_287 = tpu.memref_squeeze %dma_start3A_286 : memref<1x64x128xf32, #tpu.memory_space<vmem>> -> memref<64x128xf32, #tpu.memory_space<vmem>>
        %dma_start3A_288 = tpu.memref_slice %arg5[%mul3A_282] : memref<10240xi32, #tpu.memory_space<vmem>> -> memref<64xi32, #tpu.memory_space<vmem>>
        %dma_start3A_289 = arith.constant 0 : i32
        %dma_start3A_290 = arith.constant 0 : i32
        %dma_start3A_291 = tpu.memref_slice %arg7[%dma_start3A_289, %dma_start3A_290] : memref<10000x128xf32, #tpu.memory_space<vmem_shared>> -> memref<10000x128xf32, #tpu.memory_space<vmem_shared>>
        tpu.enqueue_indirect_dma source(%dma_start3A_291 : memref<10000x128xf32, #tpu.memory_space<vmem_shared>>) target(%dma_start3A_287 : memref<64x128xf32, #tpu.memory_space<vmem>>) offsets(%dma_start3A_288 : memref<64xi32, #tpu.memory_space<vmem>>) semaphore(%arg10 : memref<!tpu.dma_semaphore, #tpu.memory_space<semaphore_mem>>)
      } else {
      }
      %mul3A_224 = arith.constant 4 : i32
      %mul3A_225 = arith.muli %scan3A_53, %mul3A_224 : i32
      %add3A_226 = arith.constant 3 : i32
      %add3A_227 = arith.addi %mul3A_225, %add3A_226 : i32
      %dma_wait3A_228 = arith.constant 3 : i32
      %dma_wait3A_229 = arith.constant 0 : i32
      %dma_wait3A_230 = arith.constant 0 : i32
      %dma_wait3A_231 = tpu.memref_slice %arg6[%dma_wait3A_228, %dma_wait3A_229, %dma_wait3A_230] : memref<4x64x128xf32, #tpu.memory_space<vmem>> -> memref<1x64x128xf32, #tpu.memory_space<vmem>>
      %dma_wait3A_232 = tpu.memref_squeeze %dma_wait3A_231 : memref<1x64x128xf32, #tpu.memory_space<vmem>> -> memref<64x128xf32, #tpu.memory_space<vmem>>
      %dma_wait3A_233 = arith.constant 0 : i32
      %dma_wait3A_234 = arith.constant 0 : i32
      %dma_wait3A_235 = tpu.memref_slice %arg2[%dma_wait3A_233, %dma_wait3A_234] : memref<10000x128xf32, #tpu.memory_space<hbm>> -> memref<64x128xf32, #tpu.memory_space<hbm>>
      %dma_wait3A_236 = arith.constant 0 : i32
      %dma_wait3A_237 = arith.constant 0 : i32
      %dma_wait3A_238 = tpu.memref_slice %arg6[%dma_wait3A_228, %dma_wait3A_236, %dma_wait3A_237] : memref<4x64x128xf32, #tpu.memory_space<vmem>> -> memref<1x64x128xf32, #tpu.memory_space<vmem>>
      %dma_wait3A_239 = tpu.memref_squeeze %dma_wait3A_238 : memref<1x64x128xf32, #tpu.memory_space<vmem>> -> memref<64x128xf32, #tpu.memory_space<vmem>>
      %dma_wait3A_240 = arith.constant 0 : i32
      %dma_wait3A_241 = arith.constant 0 : i32
      %dma_wait3A_242 = tpu.memref_slice %arg2[%dma_wait3A_240, %dma_wait3A_241] : memref<10000x128xf32, #tpu.memory_space<hbm>> -> memref<64x128xf32, #tpu.memory_space<hbm>>
      tpu.wait_dma2 semaphore(%arg11 : memref<!tpu.dma_semaphore, #tpu.memory_space<semaphore_mem>>) src(%dma_wait3A_242 : memref<64x128xf32, #tpu.memory_space<hbm>>) dst(%dma_wait3A_239 : memref<64x128xf32, #tpu.memory_space<vmem>>)
      %mul3A_243 = arith.constant 64 : i32
      %mul3A_244 = arith.muli %add3A_227, %mul3A_243 : i32
      %add3A_245 = arith.addi %mul3A_2, %mul3A_244 : i32
      %dma_start3A_246 = arith.constant 3 : i32
      %dma_start3A_247 = arith.constant 0 : i32
      %dma_start3A_248 = arith.constant 0 : i32
      %dma_start3A_249 = tpu.memref_slice %arg6[%dma_start3A_246, %dma_start3A_247, %dma_start3A_248] : memref<4x64x128xf32, #tpu.memory_space<vmem>> -> memref<1x64x128xf32, #tpu.memory_space<vmem>>
      %dma_start3A_250 = tpu.memref_squeeze %dma_start3A_249 : memref<1x64x128xf32, #tpu.memory_space<vmem>> -> memref<64x128xf32, #tpu.memory_space<vmem>>
      %dma_start3A_251 = arith.constant 0 : i32
      %dma_start3A_252 = tpu.memref_slice %arg4[%add3A_245, %dma_start3A_251] : memref<327680x128xf32, #tpu.memory_space<hbm>> -> memref<64x128xf32, #tpu.memory_space<hbm>>
      %dma_start3A_253 = arith.constant 0 : i32
      %dma_start3A_254 = tpu.memref_slice %arg4[%add3A_245, %dma_start3A_253] : memref<327680x128xf32, #tpu.memory_space<hbm>> -> memref<64x128xf32, #tpu.memory_space<hbm>>
      %dma_start3A_255 = arith.constant 0 : i32
      %dma_start3A_256 = arith.constant 0 : i32
      %dma_start3A_257 = tpu.memref_slice %arg6[%dma_start3A_246, %dma_start3A_255, %dma_start3A_256] : memref<4x64x128xf32, #tpu.memory_space<vmem>> -> memref<1x64x128xf32, #tpu.memory_space<vmem>>
      %dma_start3A_258 = tpu.memref_squeeze %dma_start3A_257 : memref<1x64x128xf32, #tpu.memory_space<vmem>> -> memref<64x128xf32, #tpu.memory_space<vmem>>
      tpu.enqueue_dma source(%dma_start3A_258 : memref<64x128xf32, #tpu.memory_space<vmem>>) target(%dma_start3A_254 : memref<64x128xf32, #tpu.memory_space<hbm>>) target_semaphore(%arg15 : memref<!tpu.dma_semaphore, #tpu.memory_space<semaphore_mem>>)
      %dma_wait3A_259 = arith.constant 3 : i32
      %dma_wait3A_260 = arith.constant 0 : i32
      %dma_wait3A_261 = arith.constant 0 : i32
      %dma_wait3A_262 = tpu.memref_slice %arg6[%dma_wait3A_259, %dma_wait3A_260, %dma_wait3A_261] : memref<4x64x128xf32, #tpu.memory_space<vmem>> -> memref<1x64x128xf32, #tpu.memory_space<vmem>>
      %dma_wait3A_263 = tpu.memref_squeeze %dma_wait3A_262 : memref<1x64x128xf32, #tpu.memory_space<vmem>> -> memref<64x128xf32, #tpu.memory_space<vmem>>
      %dma_wait3A_264 = arith.constant 0 : i32
      %dma_wait3A_265 = arith.constant 0 : i32
      %dma_wait3A_266 = tpu.memref_slice %arg4[%dma_wait3A_264, %dma_wait3A_265] : memref<327680x128xf32, #tpu.memory_space<hbm>> -> memref<64x128xf32, #tpu.memory_space<hbm>>
      %dma_wait3A_267 = arith.constant 0 : i32
      %dma_wait3A_268 = arith.constant 0 : i32
      %dma_wait3A_269 = tpu.memref_slice %arg4[%dma_wait3A_267, %dma_wait3A_268] : memref<327680x128xf32, #tpu.memory_space<hbm>> -> memref<64x128xf32, #tpu.memory_space<hbm>>
      %dma_wait3A_270 = arith.constant 0 : i32
      %dma_wait3A_271 = arith.constant 0 : i32
      %dma_wait3A_272 = tpu.memref_slice %arg6[%dma_wait3A_259, %dma_wait3A_270, %dma_wait3A_271] : memref<4x64x128xf32, #tpu.memory_space<vmem>> -> memref<1x64x128xf32, #tpu.memory_space<vmem>>
      %dma_wait3A_273 = tpu.memref_squeeze %dma_wait3A_272 : memref<1x64x128xf32, #tpu.memory_space<vmem>> -> memref<64x128xf32, #tpu.memory_space<vmem>>
      tpu.wait_dma2 semaphore(%arg15 : memref<!tpu.dma_semaphore, #tpu.memory_space<semaphore_mem>>) src(%dma_wait3A_273 : memref<64x128xf32, #tpu.memory_space<vmem>>) dst(%dma_wait3A_269 : memref<64x128xf32, #tpu.memory_space<hbm>>)
      %add3A_274 = arith.constant 4 : i32
      %add3A_275 = arith.addi %add3A_227, %add3A_274 : i32
      %lt3A_276 = arith.constant 160 : i32
      %lt3A_277 = arith.cmpi slt, %add3A_275, %lt3A_276 : i32
      %convert_element_type3A_278 = arith.extui %lt3A_277 : i1 to i32
      %cond3A_279 = arith.constant 0 : i32
      %cond3A_280 = arith.cmpi ne, %convert_element_type3A_278, %cond3A_279 : i32
      scf.if %cond3A_280 {
        %mul3A_281 = arith.constant 64 : i32
        %mul3A_282 = arith.muli %add3A_275, %mul3A_281 : i32
        %dma_start3A_283 = arith.constant 3 : i32
        %dma_start3A_284 = arith.constant 0 : i32
        %dma_start3A_285 = arith.constant 0 : i32
        %dma_start3A_286 = tpu.memref_slice %arg6[%dma_start3A_283, %dma_start3A_284, %dma_start3A_285] : memref<4x64x128xf32, #tpu.memory_space<vmem>> -> memref<1x64x128xf32, #tpu.memory_space<vmem>>
        %dma_start3A_287 = tpu.memref_squeeze %dma_start3A_286 : memref<1x64x128xf32, #tpu.memory_space<vmem>> -> memref<64x128xf32, #tpu.memory_space<vmem>>
        %dma_start3A_288 = tpu.memref_slice %arg5[%mul3A_282] : memref<10240xi32, #tpu.memory_space<vmem>> -> memref<64xi32, #tpu.memory_space<vmem>>
        %dma_start3A_289 = arith.constant 0 : i32
        %dma_start3A_290 = arith.constant 0 : i32
        %dma_start3A_291 = tpu.memref_slice %arg7[%dma_start3A_289, %dma_start3A_290] : memref<10000x128xf32, #tpu.memory_space<vmem_shared>> -> memref<10000x128xf32, #tpu.memory_space<vmem_shared>>
        tpu.enqueue_indirect_dma source(%dma_start3A_291 : memref<10000x128xf32, #tpu.memory_space<vmem_shared>>) target(%dma_start3A_287 : memref<64x128xf32, #tpu.memory_space<vmem>>) offsets(%dma_start3A_288 : memref<64xi32, #tpu.memory_space<vmem>>) semaphore(%arg11 : memref<!tpu.dma_semaphore, #tpu.memory_space<semaphore_mem>>)
      } else {
      }
    }
    %scan3A_52 = arith.constant 40 : i32
    return
  }
}

#map = affine_map<(d0, d1) -> (0, 0)>
module attributes {stable_mosaic.version = 14 : i64} {
  func.func @k(%arg0: i32, %arg1: i32, %arg2: memref<327680x128xf32, #tpu.memory_space<hbm>>, %arg3: memref<2560x128xi32, #tpu.memory_space<hbm>>, %arg4: memref<10240x128xf32, #tpu.memory_space<hbm>>, %arg5: memref<20480x128xf32, #tpu.memory_space<hbm>>, %arg6: memref<80x128xi32, #tpu.memory_space<vmem>>, %arg7: memref<2x128x128xf32, #tpu.memory_space<vmem>>, %arg8: memref<10240x128xf32, #tpu.memory_space<vmem_shared>>, %arg9: memref<!tpu.dma_semaphore, #tpu.memory_space<semaphore_mem>>, %arg10: memref<!tpu.dma_semaphore, #tpu.memory_space<semaphore_mem>>, %arg11: memref<!tpu.dma_semaphore, #tpu.memory_space<semaphore_mem>>, %arg12: memref<!tpu.dma_semaphore, #tpu.memory_space<semaphore_mem>>) attributes {dimension_semantics = [#tpu.dimension_semantics<core_parallel>, #tpu.dimension_semantics<subcore_parallel>], iteration_bounds = array<i64: 2, 16>, scalar_prefetch = 0 : i64, scratch_operands = 7 : i64, tpu.core_type = #tpu.core_type<sc_vector_subcore>, window_params = [{transform_indices = #map}, {transform_indices = #map}, {transform_indices = #map}, {transform_indices = #map}]} {
    %mul3A = arith.constant 16 : i32
    %mul3A_0 = arith.muli %arg0, %mul3A : i32
    %add3A = arith.addi %mul3A_0, %arg1 : i32
    %mul3A_1 = arith.constant 640 : i32
    %mul3A_2 = arith.muli %arg1, %mul3A_1 : i32
    %mul3A_3 = arith.constant 640 : i32
    %mul3A_4 = arith.muli %arg1, %mul3A_3 : i32
    "tpu.region"() ({
      %run_scoped3A = tpu.sem_alloc : memref<!tpu.dma_semaphore, #tpu.memory_space<semaphore_mem>>
      %dma_start3A_57 = arith.constant 0 : i32
      %dma_start3A_58 = tpu.memref_slice %arg8[%mul3A_4, %dma_start3A_57] : memref<10240x128xf32, #tpu.memory_space<vmem_shared>> -> memref<640x128xf32, #tpu.memory_space<vmem_shared>>
      %dma_start3A_59 = arith.constant 0 : i32
      %dma_start3A_60 = tpu.memref_slice %arg4[%mul3A_2, %dma_start3A_59] : memref<10240x128xf32, #tpu.memory_space<hbm>> -> memref<640x128xf32, #tpu.memory_space<hbm>>
      tpu.enqueue_dma source(%dma_start3A_60 : memref<640x128xf32, #tpu.memory_space<hbm>>) target(%dma_start3A_58 : memref<640x128xf32, #tpu.memory_space<vmem_shared>>) target_semaphore(%run_scoped3A : memref<!tpu.dma_semaphore, #tpu.memory_space<semaphore_mem>>)
      %dma_wait3A = arith.constant 0 : i32
      %dma_wait3A_61 = tpu.memref_slice %arg8[%mul3A_4, %dma_wait3A] : memref<10240x128xf32, #tpu.memory_space<vmem_shared>> -> memref<640x128xf32, #tpu.memory_space<vmem_shared>>
      %dma_wait3A_62 = arith.constant 0 : i32
      %dma_wait3A_63 = tpu.memref_slice %arg4[%mul3A_2, %dma_wait3A_62] : memref<10240x128xf32, #tpu.memory_space<hbm>> -> memref<640x128xf32, #tpu.memory_space<hbm>>
      tpu.wait_dma2 semaphore(%run_scoped3A : memref<!tpu.dma_semaphore, #tpu.memory_space<semaphore_mem>>) src(%dma_wait3A_63 : memref<640x128xf32, #tpu.memory_space<hbm>>) dst(%dma_wait3A_61 : memref<640x128xf32, #tpu.memory_space<vmem_shared>>)
      tpu.yield
    }) : () -> ()
    %mul3A_5 = arith.constant 80 : i32
    %mul3A_6 = arith.muli %add3A, %mul3A_5 : i32
    "tpu.region"() ({
      %run_scoped3A = tpu.sem_alloc : memref<!tpu.dma_semaphore, #tpu.memory_space<semaphore_mem>>
      %dma_start3A_57 = arith.constant 0 : i32
      %dma_start3A_58 = tpu.memref_slice %arg3[%mul3A_6, %dma_start3A_57] : memref<2560x128xi32, #tpu.memory_space<hbm>> -> memref<80x128xi32, #tpu.memory_space<hbm>>
      %dma_start3A_59 = arith.constant 0 : i32
      %dma_start3A_60 = tpu.memref_slice %arg3[%mul3A_6, %dma_start3A_59] : memref<2560x128xi32, #tpu.memory_space<hbm>> -> memref<80x128xi32, #tpu.memory_space<hbm>>
      tpu.enqueue_dma source(%dma_start3A_60 : memref<80x128xi32, #tpu.memory_space<hbm>>) target(%arg6 : memref<80x128xi32, #tpu.memory_space<vmem>>) target_semaphore(%run_scoped3A : memref<!tpu.dma_semaphore, #tpu.memory_space<semaphore_mem>>)
      %dma_wait3A = arith.constant 0 : i32
      %dma_wait3A_61 = tpu.memref_slice %arg3[%mul3A_6, %dma_wait3A] : memref<2560x128xi32, #tpu.memory_space<hbm>> -> memref<80x128xi32, #tpu.memory_space<hbm>>
      %dma_wait3A_62 = arith.constant 0 : i32
      %dma_wait3A_63 = tpu.memref_slice %arg3[%mul3A_6, %dma_wait3A_62] : memref<2560x128xi32, #tpu.memory_space<hbm>> -> memref<80x128xi32, #tpu.memory_space<hbm>>
      tpu.wait_dma2 semaphore(%run_scoped3A : memref<!tpu.dma_semaphore, #tpu.memory_space<semaphore_mem>>) src(%dma_wait3A_63 : memref<80x128xi32, #tpu.memory_space<hbm>>) dst(%arg6 : memref<80x128xi32, #tpu.memory_space<vmem>>)
      tpu.yield
    }) : () -> ()
    %barrier3A = arith.constant 0 : index
    tpu.barrier barrier_id(%barrier3A)
    %mul3A_7 = arith.constant 80 : i32
    %mul3A_8 = arith.muli %add3A, %mul3A_7 : i32
    %add3A_9 = arith.constant 0 : i32
    %add3A_10 = arith.addi %mul3A_8, %add3A_9 : i32
    %mul3A_11 = arith.constant 128 : i32
    %mul3A_12 = arith.muli %add3A_10, %mul3A_11 : i32
    %dma_start3A = arith.constant 0 : i32
    %dma_start3A_13 = arith.constant 0 : i32
    %dma_start3A_14 = arith.constant 0 : i32
    %dma_start3A_15 = tpu.memref_slice %arg7[%dma_start3A, %dma_start3A_13, %dma_start3A_14] : memref<2x128x128xf32, #tpu.memory_space<vmem>> -> memref<1x128x128xf32, #tpu.memory_space<vmem>>
    %dma_start3A_16 = tpu.memref_squeeze %dma_start3A_15 : memref<1x128x128xf32, #tpu.memory_space<vmem>> -> memref<128x128xf32, #tpu.memory_space<vmem>>
    %dma_start3A_17 = arith.constant 0 : i32
    %dma_start3A_18 = tpu.memref_slice %arg2[%mul3A_12, %dma_start3A_17] : memref<327680x128xf32, #tpu.memory_space<hbm>> -> memref<128x128xf32, #tpu.memory_space<hbm>>
    %dma_start3A_19 = arith.constant 0 : i32
    %dma_start3A_20 = arith.constant 0 : i32
    %dma_start3A_21 = tpu.memref_slice %arg7[%dma_start3A, %dma_start3A_19, %dma_start3A_20] : memref<2x128x128xf32, #tpu.memory_space<vmem>> -> memref<1x128x128xf32, #tpu.memory_space<vmem>>
    %dma_start3A_22 = tpu.memref_squeeze %dma_start3A_21 : memref<1x128x128xf32, #tpu.memory_space<vmem>> -> memref<128x128xf32, #tpu.memory_space<vmem>>
    %dma_start3A_23 = arith.constant 0 : i32
    %dma_start3A_24 = tpu.memref_slice %arg2[%mul3A_12, %dma_start3A_23] : memref<327680x128xf32, #tpu.memory_space<hbm>> -> memref<128x128xf32, #tpu.memory_space<hbm>>
    tpu.enqueue_dma source(%dma_start3A_24 : memref<128x128xf32, #tpu.memory_space<hbm>>) target(%dma_start3A_22 : memref<128x128xf32, #tpu.memory_space<vmem>>) target_semaphore(%arg9 : memref<!tpu.dma_semaphore, #tpu.memory_space<semaphore_mem>>)
    %mul3A_25 = arith.constant 80 : i32
    %mul3A_26 = arith.muli %add3A, %mul3A_25 : i32
    %add3A_27 = arith.constant 1 : i32
    %add3A_28 = arith.addi %mul3A_26, %add3A_27 : i32
    %mul3A_29 = arith.constant 128 : i32
    %mul3A_30 = arith.muli %add3A_28, %mul3A_29 : i32
    %dma_start3A_31 = arith.constant 1 : i32
    %dma_start3A_32 = arith.constant 0 : i32
    %dma_start3A_33 = arith.constant 0 : i32
    %dma_start3A_34 = tpu.memref_slice %arg7[%dma_start3A_31, %dma_start3A_32, %dma_start3A_33] : memref<2x128x128xf32, #tpu.memory_space<vmem>> -> memref<1x128x128xf32, #tpu.memory_space<vmem>>
    %dma_start3A_35 = tpu.memref_squeeze %dma_start3A_34 : memref<1x128x128xf32, #tpu.memory_space<vmem>> -> memref<128x128xf32, #tpu.memory_space<vmem>>
    %dma_start3A_36 = arith.constant 0 : i32
    %dma_start3A_37 = tpu.memref_slice %arg2[%mul3A_30, %dma_start3A_36] : memref<327680x128xf32, #tpu.memory_space<hbm>> -> memref<128x128xf32, #tpu.memory_space<hbm>>
    %dma_start3A_38 = arith.constant 0 : i32
    %dma_start3A_39 = arith.constant 0 : i32
    %dma_start3A_40 = tpu.memref_slice %arg7[%dma_start3A_31, %dma_start3A_38, %dma_start3A_39] : memref<2x128x128xf32, #tpu.memory_space<vmem>> -> memref<1x128x128xf32, #tpu.memory_space<vmem>>
    %dma_start3A_41 = tpu.memref_squeeze %dma_start3A_40 : memref<1x128x128xf32, #tpu.memory_space<vmem>> -> memref<128x128xf32, #tpu.memory_space<vmem>>
    %dma_start3A_42 = arith.constant 0 : i32
    %dma_start3A_43 = tpu.memref_slice %arg2[%mul3A_30, %dma_start3A_42] : memref<327680x128xf32, #tpu.memory_space<hbm>> -> memref<128x128xf32, #tpu.memory_space<hbm>>
    tpu.enqueue_dma source(%dma_start3A_43 : memref<128x128xf32, #tpu.memory_space<hbm>>) target(%dma_start3A_41 : memref<128x128xf32, #tpu.memory_space<vmem>>) target_semaphore(%arg10 : memref<!tpu.dma_semaphore, #tpu.memory_space<semaphore_mem>>)
    %scan3A = arith.constant 0 : i32
    %scan3A_44 = arith.constant 0 : i32
    %scan3A_45 = arith.constant 40 : i32
    %scan3A_46 = arith.addi %scan3A_44, %scan3A_45 : i32
    %scan3A_47 = arith.constant 1 : i32
    scf.for %scan3A_57 = %scan3A_44 to %scan3A_46 step %scan3A_47  : i32 {
      %mul3A_58 = arith.constant 2 : i32
      %mul3A_59 = arith.muli %scan3A_57, %mul3A_58 : i32
      %add3A_60 = arith.constant 0 : i32
      %add3A_61 = arith.addi %mul3A_59, %add3A_60 : i32
      %dma_wait3A = arith.constant 0 : i32
      %dma_wait3A_62 = arith.constant 0 : i32
      %dma_wait3A_63 = arith.constant 0 : i32
      %dma_wait3A_64 = tpu.memref_slice %arg7[%dma_wait3A, %dma_wait3A_62, %dma_wait3A_63] : memref<2x128x128xf32, #tpu.memory_space<vmem>> -> memref<1x128x128xf32, #tpu.memory_space<vmem>>
      %dma_wait3A_65 = tpu.memref_squeeze %dma_wait3A_64 : memref<1x128x128xf32, #tpu.memory_space<vmem>> -> memref<128x128xf32, #tpu.memory_space<vmem>>
      %dma_wait3A_66 = arith.constant 0 : i32
      %dma_wait3A_67 = arith.constant 0 : i32
      %dma_wait3A_68 = tpu.memref_slice %arg2[%dma_wait3A_66, %dma_wait3A_67] : memref<327680x128xf32, #tpu.memory_space<hbm>> -> memref<128x128xf32, #tpu.memory_space<hbm>>
      %dma_wait3A_69 = arith.constant 0 : i32
      %dma_wait3A_70 = arith.constant 0 : i32
      %dma_wait3A_71 = tpu.memref_slice %arg7[%dma_wait3A, %dma_wait3A_69, %dma_wait3A_70] : memref<2x128x128xf32, #tpu.memory_space<vmem>> -> memref<1x128x128xf32, #tpu.memory_space<vmem>>
      %dma_wait3A_72 = tpu.memref_squeeze %dma_wait3A_71 : memref<1x128x128xf32, #tpu.memory_space<vmem>> -> memref<128x128xf32, #tpu.memory_space<vmem>>
      %dma_wait3A_73 = arith.constant 0 : i32
      %dma_wait3A_74 = arith.constant 0 : i32
      %dma_wait3A_75 = tpu.memref_slice %arg2[%dma_wait3A_73, %dma_wait3A_74] : memref<327680x128xf32, #tpu.memory_space<hbm>> -> memref<128x128xf32, #tpu.memory_space<hbm>>
      tpu.wait_dma2 semaphore(%arg9 : memref<!tpu.dma_semaphore, #tpu.memory_space<semaphore_mem>>) src(%dma_wait3A_75 : memref<128x128xf32, #tpu.memory_space<hbm>>) dst(%dma_wait3A_72 : memref<128x128xf32, #tpu.memory_space<vmem>>)
      %dma_start3A_76 = arith.constant 0 : i32
      %dma_start3A_77 = arith.constant 0 : i32
      %dma_start3A_78 = arith.constant 0 : i32
      %dma_start3A_79 = tpu.memref_slice %arg7[%dma_start3A_76, %dma_start3A_77, %dma_start3A_78] : memref<2x128x128xf32, #tpu.memory_space<vmem>> -> memref<1x128x128xf32, #tpu.memory_space<vmem>>
      %dma_start3A_80 = tpu.memref_squeeze %dma_start3A_79 : memref<1x128x128xf32, #tpu.memory_space<vmem>> -> memref<128x128xf32, #tpu.memory_space<vmem>>
      %dma_start3A_81 = arith.constant 0 : i32
      %dma_start3A_82 = tpu.memref_slice %arg6[%add3A_61, %dma_start3A_81] : memref<80x128xi32, #tpu.memory_space<vmem>> -> memref<1x128xi32, #tpu.memory_space<vmem>>
      %dma_start3A_83 = tpu.memref_squeeze %dma_start3A_82 : memref<1x128xi32, #tpu.memory_space<vmem>> -> memref<128xi32, #tpu.memory_space<vmem>>
      %dma_start3A_84 = arith.constant 0 : i32
      %dma_start3A_85 = arith.constant 0 : i32
      %dma_start3A_86 = tpu.memref_slice %arg8[%dma_start3A_84, %dma_start3A_85] : memref<10240x128xf32, #tpu.memory_space<vmem_shared>> -> memref<10240x128xf32, #tpu.memory_space<vmem_shared>>
      tpu.enqueue_indirect_dma source(%dma_start3A_80 : memref<128x128xf32, #tpu.memory_space<vmem>>) target(%dma_start3A_86 : memref<10240x128xf32, #tpu.memory_space<vmem_shared>>) offsets(%dma_start3A_83 : memref<128xi32, #tpu.memory_space<vmem>>) semaphore(%arg11 : memref<!tpu.dma_semaphore, #tpu.memory_space<semaphore_mem>>) {add = true}
      %dma_wait3A_87 = arith.constant 0 : i32
      %dma_wait3A_88 = arith.constant 0 : i32
      %dma_wait3A_89 = arith.constant 0 : i32
      %dma_wait3A_90 = arith.constant 0 : i32
      %dma_wait3A_91 = tpu.memref_slice %arg7[%dma_wait3A_87, %dma_wait3A_89, %dma_wait3A_90] : memref<2x128x128xf32, #tpu.memory_space<vmem>> -> memref<1x128x128xf32, #tpu.memory_space<vmem>>
      %dma_wait3A_92 = tpu.memref_squeeze %dma_wait3A_91 : memref<1x128x128xf32, #tpu.memory_space<vmem>> -> memref<128x128xf32, #tpu.memory_space<vmem>>
      %dma_wait3A_93 = arith.constant 0 : i32
      %dma_wait3A_94 = tpu.memref_slice %arg6[%dma_wait3A_88, %dma_wait3A_93] : memref<80x128xi32, #tpu.memory_space<vmem>> -> memref<1x128xi32, #tpu.memory_space<vmem>>
      %dma_wait3A_95 = tpu.memref_squeeze %dma_wait3A_94 : memref<1x128xi32, #tpu.memory_space<vmem>> -> memref<128xi32, #tpu.memory_space<vmem>>
      %dma_wait3A_96 = arith.constant 0 : i32
      %dma_wait3A_97 = arith.constant 0 : i32
      %dma_wait3A_98 = tpu.memref_slice %arg8[%dma_wait3A_96, %dma_wait3A_97] : memref<10240x128xf32, #tpu.memory_space<vmem_shared>> -> memref<10240x128xf32, #tpu.memory_space<vmem_shared>>
      tpu.wait_indirect_dma semaphore(%arg11 : memref<!tpu.dma_semaphore, #tpu.memory_space<semaphore_mem>>) src(%dma_wait3A_92 : memref<128x128xf32, #tpu.memory_space<vmem>>) dst(%dma_wait3A_98 : memref<10240x128xf32, #tpu.memory_space<vmem_shared>>)
      %add3A_99 = arith.constant 2 : i32
      %add3A_100 = arith.addi %add3A_61, %add3A_99 : i32
      %lt3A = arith.constant 80 : i32
      %lt3A_101 = arith.cmpi slt, %add3A_100, %lt3A : i32
      %convert_element_type3A = arith.extui %lt3A_101 : i1 to i32
      %cond3A = arith.constant 0 : i32
      %cond3A_102 = arith.cmpi ne, %convert_element_type3A, %cond3A : i32
      scf.if %cond3A_102 {
        %mul3A_152 = arith.constant 80 : i32
        %mul3A_153 = arith.muli %add3A, %mul3A_152 : i32
        %add3A_154 = arith.addi %mul3A_153, %add3A_100 : i32
        %mul3A_155 = arith.constant 128 : i32
        %mul3A_156 = arith.muli %add3A_154, %mul3A_155 : i32
        %dma_start3A_157 = arith.constant 0 : i32
        %dma_start3A_158 = arith.constant 0 : i32
        %dma_start3A_159 = arith.constant 0 : i32
        %dma_start3A_160 = tpu.memref_slice %arg7[%dma_start3A_157, %dma_start3A_158, %dma_start3A_159] : memref<2x128x128xf32, #tpu.memory_space<vmem>> -> memref<1x128x128xf32, #tpu.memory_space<vmem>>
        %dma_start3A_161 = tpu.memref_squeeze %dma_start3A_160 : memref<1x128x128xf32, #tpu.memory_space<vmem>> -> memref<128x128xf32, #tpu.memory_space<vmem>>
        %dma_start3A_162 = arith.constant 0 : i32
        %dma_start3A_163 = tpu.memref_slice %arg2[%mul3A_156, %dma_start3A_162] : memref<327680x128xf32, #tpu.memory_space<hbm>> -> memref<128x128xf32, #tpu.memory_space<hbm>>
        %dma_start3A_164 = arith.constant 0 : i32
        %dma_start3A_165 = arith.constant 0 : i32
        %dma_start3A_166 = tpu.memref_slice %arg7[%dma_start3A_157, %dma_start3A_164, %dma_start3A_165] : memref<2x128x128xf32, #tpu.memory_space<vmem>> -> memref<1x128x128xf32, #tpu.memory_space<vmem>>
        %dma_start3A_167 = tpu.memref_squeeze %dma_start3A_166 : memref<1x128x128xf32, #tpu.memory_space<vmem>> -> memref<128x128xf32, #tpu.memory_space<vmem>>
        %dma_start3A_168 = arith.constant 0 : i32
        %dma_start3A_169 = tpu.memref_slice %arg2[%mul3A_156, %dma_start3A_168] : memref<327680x128xf32, #tpu.memory_space<hbm>> -> memref<128x128xf32, #tpu.memory_space<hbm>>
        tpu.enqueue_dma source(%dma_start3A_169 : memref<128x128xf32, #tpu.memory_space<hbm>>) target(%dma_start3A_167 : memref<128x128xf32, #tpu.memory_space<vmem>>) target_semaphore(%arg9 : memref<!tpu.dma_semaphore, #tpu.memory_space<semaphore_mem>>)
      } else {
      }
      %mul3A_103 = arith.constant 2 : i32
      %mul3A_104 = arith.muli %scan3A_57, %mul3A_103 : i32
      %add3A_105 = arith.constant 1 : i32
      %add3A_106 = arith.addi %mul3A_104, %add3A_105 : i32
      %dma_wait3A_107 = arith.constant 1 : i32
      %dma_wait3A_108 = arith.constant 0 : i32
      %dma_wait3A_109 = arith.constant 0 : i32
      %dma_wait3A_110 = tpu.memref_slice %arg7[%dma_wait3A_107, %dma_wait3A_108, %dma_wait3A_109] : memref<2x128x128xf32, #tpu.memory_space<vmem>> -> memref<1x128x128xf32, #tpu.memory_space<vmem>>
      %dma_wait3A_111 = tpu.memref_squeeze %dma_wait3A_110 : memref<1x128x128xf32, #tpu.memory_space<vmem>> -> memref<128x128xf32, #tpu.memory_space<vmem>>
      %dma_wait3A_112 = arith.constant 0 : i32
      %dma_wait3A_113 = arith.constant 0 : i32
      %dma_wait3A_114 = tpu.memref_slice %arg2[%dma_wait3A_112, %dma_wait3A_113] : memref<327680x128xf32, #tpu.memory_space<hbm>> -> memref<128x128xf32, #tpu.memory_space<hbm>>
      %dma_wait3A_115 = arith.constant 0 : i32
      %dma_wait3A_116 = arith.constant 0 : i32
      %dma_wait3A_117 = tpu.memref_slice %arg7[%dma_wait3A_107, %dma_wait3A_115, %dma_wait3A_116] : memref<2x128x128xf32, #tpu.memory_space<vmem>> -> memref<1x128x128xf32, #tpu.memory_space<vmem>>
      %dma_wait3A_118 = tpu.memref_squeeze %dma_wait3A_117 : memref<1x128x128xf32, #tpu.memory_space<vmem>> -> memref<128x128xf32, #tpu.memory_space<vmem>>
      %dma_wait3A_119 = arith.constant 0 : i32
      %dma_wait3A_120 = arith.constant 0 : i32
      %dma_wait3A_121 = tpu.memref_slice %arg2[%dma_wait3A_119, %dma_wait3A_120] : memref<327680x128xf32, #tpu.memory_space<hbm>> -> memref<128x128xf32, #tpu.memory_space<hbm>>
      tpu.wait_dma2 semaphore(%arg10 : memref<!tpu.dma_semaphore, #tpu.memory_space<semaphore_mem>>) src(%dma_wait3A_121 : memref<128x128xf32, #tpu.memory_space<hbm>>) dst(%dma_wait3A_118 : memref<128x128xf32, #tpu.memory_space<vmem>>)
      %dma_start3A_122 = arith.constant 1 : i32
      %dma_start3A_123 = arith.constant 0 : i32
      %dma_start3A_124 = arith.constant 0 : i32
      %dma_start3A_125 = tpu.memref_slice %arg7[%dma_start3A_122, %dma_start3A_123, %dma_start3A_124] : memref<2x128x128xf32, #tpu.memory_space<vmem>> -> memref<1x128x128xf32, #tpu.memory_space<vmem>>
      %dma_start3A_126 = tpu.memref_squeeze %dma_start3A_125 : memref<1x128x128xf32, #tpu.memory_space<vmem>> -> memref<128x128xf32, #tpu.memory_space<vmem>>
      %dma_start3A_127 = arith.constant 0 : i32
      %dma_start3A_128 = tpu.memref_slice %arg6[%add3A_106, %dma_start3A_127] : memref<80x128xi32, #tpu.memory_space<vmem>> -> memref<1x128xi32, #tpu.memory_space<vmem>>
      %dma_start3A_129 = tpu.memref_squeeze %dma_start3A_128 : memref<1x128xi32, #tpu.memory_space<vmem>> -> memref<128xi32, #tpu.memory_space<vmem>>
      %dma_start3A_130 = arith.constant 0 : i32
      %dma_start3A_131 = arith.constant 0 : i32
      %dma_start3A_132 = tpu.memref_slice %arg8[%dma_start3A_130, %dma_start3A_131] : memref<10240x128xf32, #tpu.memory_space<vmem_shared>> -> memref<10240x128xf32, #tpu.memory_space<vmem_shared>>
      tpu.enqueue_indirect_dma source(%dma_start3A_126 : memref<128x128xf32, #tpu.memory_space<vmem>>) target(%dma_start3A_132 : memref<10240x128xf32, #tpu.memory_space<vmem_shared>>) offsets(%dma_start3A_129 : memref<128xi32, #tpu.memory_space<vmem>>) semaphore(%arg12 : memref<!tpu.dma_semaphore, #tpu.memory_space<semaphore_mem>>) {add = true}
      %dma_wait3A_133 = arith.constant 1 : i32
      %dma_wait3A_134 = arith.constant 0 : i32
      %dma_wait3A_135 = arith.constant 0 : i32
      %dma_wait3A_136 = arith.constant 0 : i32
      %dma_wait3A_137 = tpu.memref_slice %arg7[%dma_wait3A_133, %dma_wait3A_135, %dma_wait3A_136] : memref<2x128x128xf32, #tpu.memory_space<vmem>> -> memref<1x128x128xf32, #tpu.memory_space<vmem>>
      %dma_wait3A_138 = tpu.memref_squeeze %dma_wait3A_137 : memref<1x128x128xf32, #tpu.memory_space<vmem>> -> memref<128x128xf32, #tpu.memory_space<vmem>>
      %dma_wait3A_139 = arith.constant 0 : i32
      %dma_wait3A_140 = tpu.memref_slice %arg6[%dma_wait3A_134, %dma_wait3A_139] : memref<80x128xi32, #tpu.memory_space<vmem>> -> memref<1x128xi32, #tpu.memory_space<vmem>>
      %dma_wait3A_141 = tpu.memref_squeeze %dma_wait3A_140 : memref<1x128xi32, #tpu.memory_space<vmem>> -> memref<128xi32, #tpu.memory_space<vmem>>
      %dma_wait3A_142 = arith.constant 0 : i32
      %dma_wait3A_143 = arith.constant 0 : i32
      %dma_wait3A_144 = tpu.memref_slice %arg8[%dma_wait3A_142, %dma_wait3A_143] : memref<10240x128xf32, #tpu.memory_space<vmem_shared>> -> memref<10240x128xf32, #tpu.memory_space<vmem_shared>>
      tpu.wait_indirect_dma semaphore(%arg12 : memref<!tpu.dma_semaphore, #tpu.memory_space<semaphore_mem>>) src(%dma_wait3A_138 : memref<128x128xf32, #tpu.memory_space<vmem>>) dst(%dma_wait3A_144 : memref<10240x128xf32, #tpu.memory_space<vmem_shared>>)
      %add3A_145 = arith.constant 2 : i32
      %add3A_146 = arith.addi %add3A_106, %add3A_145 : i32
      %lt3A_147 = arith.constant 80 : i32
      %lt3A_148 = arith.cmpi slt, %add3A_146, %lt3A_147 : i32
      %convert_element_type3A_149 = arith.extui %lt3A_148 : i1 to i32
      %cond3A_150 = arith.constant 0 : i32
      %cond3A_151 = arith.cmpi ne, %convert_element_type3A_149, %cond3A_150 : i32
      scf.if %cond3A_151 {
        %mul3A_152 = arith.constant 80 : i32
        %mul3A_153 = arith.muli %add3A, %mul3A_152 : i32
        %add3A_154 = arith.addi %mul3A_153, %add3A_146 : i32
        %mul3A_155 = arith.constant 128 : i32
        %mul3A_156 = arith.muli %add3A_154, %mul3A_155 : i32
        %dma_start3A_157 = arith.constant 1 : i32
        %dma_start3A_158 = arith.constant 0 : i32
        %dma_start3A_159 = arith.constant 0 : i32
        %dma_start3A_160 = tpu.memref_slice %arg7[%dma_start3A_157, %dma_start3A_158, %dma_start3A_159] : memref<2x128x128xf32, #tpu.memory_space<vmem>> -> memref<1x128x128xf32, #tpu.memory_space<vmem>>
        %dma_start3A_161 = tpu.memref_squeeze %dma_start3A_160 : memref<1x128x128xf32, #tpu.memory_space<vmem>> -> memref<128x128xf32, #tpu.memory_space<vmem>>
        %dma_start3A_162 = arith.constant 0 : i32
        %dma_start3A_163 = tpu.memref_slice %arg2[%mul3A_156, %dma_start3A_162] : memref<327680x128xf32, #tpu.memory_space<hbm>> -> memref<128x128xf32, #tpu.memory_space<hbm>>
        %dma_start3A_164 = arith.constant 0 : i32
        %dma_start3A_165 = arith.constant 0 : i32
        %dma_start3A_166 = tpu.memref_slice %arg7[%dma_start3A_157, %dma_start3A_164, %dma_start3A_165] : memref<2x128x128xf32, #tpu.memory_space<vmem>> -> memref<1x128x128xf32, #tpu.memory_space<vmem>>
        %dma_start3A_167 = tpu.memref_squeeze %dma_start3A_166 : memref<1x128x128xf32, #tpu.memory_space<vmem>> -> memref<128x128xf32, #tpu.memory_space<vmem>>
        %dma_start3A_168 = arith.constant 0 : i32
        %dma_start3A_169 = tpu.memref_slice %arg2[%mul3A_156, %dma_start3A_168] : memref<327680x128xf32, #tpu.memory_space<hbm>> -> memref<128x128xf32, #tpu.memory_space<hbm>>
        tpu.enqueue_dma source(%dma_start3A_169 : memref<128x128xf32, #tpu.memory_space<hbm>>) target(%dma_start3A_167 : memref<128x128xf32, #tpu.memory_space<vmem>>) target_semaphore(%arg10 : memref<!tpu.dma_semaphore, #tpu.memory_space<semaphore_mem>>)
      } else {
      }
    }
    %scan3A_48 = arith.constant 40 : i32
    %barrier3A_49 = arith.constant 0 : index
    tpu.barrier barrier_id(%barrier3A_49)
    %mul3A_50 = arith.constant 640 : i32
    %mul3A_51 = arith.muli %arg1, %mul3A_50 : i32
    %mul3A_52 = arith.constant 10240 : i32
    %mul3A_53 = arith.muli %arg0, %mul3A_52 : i32
    %mul3A_54 = arith.constant 640 : i32
    %mul3A_55 = arith.muli %arg1, %mul3A_54 : i32
    %add3A_56 = arith.addi %mul3A_53, %mul3A_55 : i32
    "tpu.region"() ({
      %run_scoped3A = tpu.sem_alloc : memref<!tpu.dma_semaphore, #tpu.memory_space<semaphore_mem>>
      %dma_start3A_57 = arith.constant 0 : i32
      %dma_start3A_58 = tpu.memref_slice %arg5[%add3A_56, %dma_start3A_57] : memref<20480x128xf32, #tpu.memory_space<hbm>> -> memref<640x128xf32, #tpu.memory_space<hbm>>
      %dma_start3A_59 = arith.constant 0 : i32
      %dma_start3A_60 = tpu.memref_slice %arg8[%mul3A_51, %dma_start3A_59] : memref<10240x128xf32, #tpu.memory_space<vmem_shared>> -> memref<640x128xf32, #tpu.memory_space<vmem_shared>>
      tpu.enqueue_dma source(%dma_start3A_60 : memref<640x128xf32, #tpu.memory_space<vmem_shared>>) target(%dma_start3A_58 : memref<640x128xf32, #tpu.memory_space<hbm>>) target_semaphore(%run_scoped3A : memref<!tpu.dma_semaphore, #tpu.memory_space<semaphore_mem>>)
      %dma_wait3A = arith.constant 0 : i32
      %dma_wait3A_61 = tpu.memref_slice %arg5[%add3A_56, %dma_wait3A] : memref<20480x128xf32, #tpu.memory_space<hbm>> -> memref<640x128xf32, #tpu.memory_space<hbm>>
      %dma_wait3A_62 = arith.constant 0 : i32
      %dma_wait3A_63 = tpu.memref_slice %arg8[%mul3A_51, %dma_wait3A_62] : memref<10240x128xf32, #tpu.memory_space<vmem_shared>> -> memref<640x128xf32, #tpu.memory_space<vmem_shared>>
      tpu.wait_dma2 semaphore(%run_scoped3A : memref<!tpu.dma_semaphore, #tpu.memory_space<semaphore_mem>>) src(%dma_wait3A_63 : memref<640x128xf32, #tpu.memory_space<vmem_shared>>) dst(%dma_wait3A_61 : memref<640x128xf32, #tpu.memory_space<hbm>>)
      tpu.yield
    }) : () -> ()
    return
  }
}

#map = affine_map<(d0, d1) -> (0, 0)>
#map1 = affine_map<(d0, d1) -> (0)>
module attributes {stable_mosaic.version = 14 : i64} {
  func.func @k(%arg0: i32, %arg1: i32, %arg2: memref<10000x128xf32, #tpu.memory_space<hbm>>, %arg3: memref<327680xi32, #tpu.memory_space<hbm>>, %arg4: memref<327680x128xf32, #tpu.memory_space<hbm>>, %arg5: memref<10240xi32, #tpu.memory_space<vmem>>, %arg6: memref<4x64x128xf32, #tpu.memory_space<vmem>>, %arg7: memref<10000x128xf32, #tpu.memory_space<vmem_shared>>, %arg8: memref<!tpu.dma_semaphore, #tpu.memory_space<semaphore_mem>>, %arg9: memref<!tpu.dma_semaphore, #tpu.memory_space<semaphore_mem>>, %arg10: memref<!tpu.dma_semaphore, #tpu.memory_space<semaphore_mem>>, %arg11: memref<!tpu.dma_semaphore, #tpu.memory_space<semaphore_mem>>, %arg12: memref<!tpu.dma_semaphore, #tpu.memory_space<semaphore_mem>>, %arg13: memref<!tpu.dma_semaphore, #tpu.memory_space<semaphore_mem>>, %arg14: memref<!tpu.dma_semaphore, #tpu.memory_space<semaphore_mem>>, %arg15: memref<!tpu.dma_semaphore, #tpu.memory_space<semaphore_mem>>) attributes {dimension_semantics = [#tpu.dimension_semantics<core_parallel>, #tpu.dimension_semantics<subcore_parallel>], iteration_bounds = array<i64: 2, 16>, scalar_prefetch = 0 : i64, scratch_operands = 11 : i64, tpu.core_type = #tpu.core_type<sc_vector_subcore>, window_params = [{transform_indices = #map}, {transform_indices = #map1}, {transform_indices = #map}]} {
    %mul3A = arith.constant 16 : i32
    %mul3A_0 = arith.muli %arg0, %mul3A : i32
    %add3A = arith.addi %mul3A_0, %arg1 : i32
    %mul3A_1 = arith.constant 10240 : i32
    %mul3A_2 = arith.muli %add3A, %mul3A_1 : i32
    %lt3A = arith.constant 15 : i32
    %lt3A_3 = arith.cmpi slt, %arg1, %lt3A : i32
    %convert_element_type3A = arith.extui %lt3A_3 : i1 to i32
    %cond3A = arith.constant 0 : i32
    %cond3A_4 = arith.cmpi ne, %convert_element_type3A, %cond3A : i32
    scf.if %cond3A_4 {
      %mul3A_53 = arith.constant 640 : i32
      %mul3A_54 = arith.muli %arg1, %mul3A_53 : i32
      %mul3A_55 = arith.constant 640 : i32
      %mul3A_56 = arith.muli %arg1, %mul3A_55 : i32
      "tpu.region"() ({
        %run_scoped3A = tpu.sem_alloc : memref<!tpu.dma_semaphore, #tpu.memory_space<semaphore_mem>>
        %dma_start3A_57 = arith.constant 0 : i32
        %dma_start3A_58 = tpu.memref_slice %arg7[%mul3A_56, %dma_start3A_57] : memref<10000x128xf32, #tpu.memory_space<vmem_shared>> -> memref<640x128xf32, #tpu.memory_space<vmem_shared>>
        %dma_start3A_59 = arith.constant 0 : i32
        %dma_start3A_60 = tpu.memref_slice %arg2[%mul3A_54, %dma_start3A_59] : memref<10000x128xf32, #tpu.memory_space<hbm>> -> memref<640x128xf32, #tpu.memory_space<hbm>>
        tpu.enqueue_dma source(%dma_start3A_60 : memref<640x128xf32, #tpu.memory_space<hbm>>) target(%dma_start3A_58 : memref<640x128xf32, #tpu.memory_space<vmem_shared>>) target_semaphore(%run_scoped3A : memref<!tpu.dma_semaphore, #tpu.memory_space<semaphore_mem>>)
        %dma_wait3A = arith.constant 0 : i32
        %dma_wait3A_61 = tpu.memref_slice %arg7[%mul3A_56, %dma_wait3A] : memref<10000x128xf32, #tpu.memory_space<vmem_shared>> -> memref<640x128xf32, #tpu.memory_space<vmem_shared>>
        %dma_wait3A_62 = arith.constant 0 : i32
        %dma_wait3A_63 = tpu.memref_slice %arg2[%mul3A_54, %dma_wait3A_62] : memref<10000x128xf32, #tpu.memory_space<hbm>> -> memref<640x128xf32, #tpu.memory_space<hbm>>
        tpu.wait_dma2 semaphore(%run_scoped3A : memref<!tpu.dma_semaphore, #tpu.memory_space<semaphore_mem>>) src(%dma_wait3A_63 : memref<640x128xf32, #tpu.memory_space<hbm>>) dst(%dma_wait3A_61 : memref<640x128xf32, #tpu.memory_space<vmem_shared>>)
        tpu.yield
      }) : () -> ()
    } else {
    }
    %eq3A = arith.constant 15 : i32
    %eq3A_5 = arith.cmpi eq, %arg1, %eq3A : i32
    %convert_element_type3A_6 = arith.extui %eq3A_5 : i1 to i32
    %cond3A_7 = arith.constant 0 : i32
    %cond3A_8 = arith.cmpi ne, %convert_element_type3A_6, %cond3A_7 : i32
    scf.if %cond3A_8 {
      "tpu.region"() ({
        %run_scoped3A = tpu.sem_alloc : memref<!tpu.dma_semaphore, #tpu.memory_space<semaphore_mem>>
        %dma_start3A_53 = arith.constant 9600 : i32
        %dma_start3A_54 = arith.constant 0 : i32
        %dma_start3A_55 = tpu.memref_slice %arg7[%dma_start3A_53, %dma_start3A_54] : memref<10000x128xf32, #tpu.memory_space<vmem_shared>> -> memref<400x128xf32, #tpu.memory_space<vmem_shared>>
        %dma_start3A_56 = arith.constant 9600 : i32
        %dma_start3A_57 = arith.constant 0 : i32
        %dma_start3A_58 = tpu.memref_slice %arg2[%dma_start3A_56, %dma_start3A_57] : memref<10000x128xf32, #tpu.memory_space<hbm>> -> memref<400x128xf32, #tpu.memory_space<hbm>>
        tpu.enqueue_dma source(%dma_start3A_58 : memref<400x128xf32, #tpu.memory_space<hbm>>) target(%dma_start3A_55 : memref<400x128xf32, #tpu.memory_space<vmem_shared>>) target_semaphore(%run_scoped3A : memref<!tpu.dma_semaphore, #tpu.memory_space<semaphore_mem>>)
        %dma_wait3A = arith.constant 9600 : i32
        %dma_wait3A_59 = arith.constant 0 : i32
        %dma_wait3A_60 = tpu.memref_slice %arg7[%dma_wait3A, %dma_wait3A_59] : memref<10000x128xf32, #tpu.memory_space<vmem_shared>> -> memref<400x128xf32, #tpu.memory_space<vmem_shared>>
        %dma_wait3A_61 = arith.constant 9600 : i32
        %dma_wait3A_62 = arith.constant 0 : i32
        %dma_wait3A_63 = tpu.memref_slice %arg2[%dma_wait3A_61, %dma_wait3A_62] : memref<10000x128xf32, #tpu.memory_space<hbm>> -> memref<400x128xf32, #tpu.memory_space<hbm>>
        tpu.wait_dma2 semaphore(%run_scoped3A : memref<!tpu.dma_semaphore, #tpu.memory_space<semaphore_mem>>) src(%dma_wait3A_63 : memref<400x128xf32, #tpu.memory_space<hbm>>) dst(%dma_wait3A_60 : memref<400x128xf32, #tpu.memory_space<vmem_shared>>)
        tpu.yield
      }) : () -> ()
    } else {
    }
    "tpu.region"() ({
      %run_scoped3A = tpu.sem_alloc : memref<!tpu.dma_semaphore, #tpu.memory_space<semaphore_mem>>
      %dma_start3A_53 = tpu.memref_slice %arg3[%mul3A_2] : memref<327680xi32, #tpu.memory_space<hbm>> -> memref<10240xi32, #tpu.memory_space<hbm>>
      %dma_start3A_54 = tpu.memref_slice %arg3[%mul3A_2] : memref<327680xi32, #tpu.memory_space<hbm>> -> memref<10240xi32, #tpu.memory_space<hbm>>
      tpu.enqueue_dma source(%dma_start3A_54 : memref<10240xi32, #tpu.memory_space<hbm>>) target(%arg5 : memref<10240xi32, #tpu.memory_space<vmem>>) target_semaphore(%run_scoped3A : memref<!tpu.dma_semaphore, #tpu.memory_space<semaphore_mem>>)
      %dma_wait3A = tpu.memref_slice %arg3[%mul3A_2] : memref<327680xi32, #tpu.memory_space<hbm>> -> memref<10240xi32, #tpu.memory_space<hbm>>
      %dma_wait3A_55 = tpu.memref_slice %arg3[%mul3A_2] : memref<327680xi32, #tpu.memory_space<hbm>> -> memref<10240xi32, #tpu.memory_space<hbm>>
      tpu.wait_dma2 semaphore(%run_scoped3A : memref<!tpu.dma_semaphore, #tpu.memory_space<semaphore_mem>>) src(%dma_wait3A_55 : memref<10240xi32, #tpu.memory_space<hbm>>) dst(%arg5 : memref<10240xi32, #tpu.memory_space<vmem>>)
      tpu.yield
    }) : () -> ()
    %barrier3A = arith.constant 0 : index
    tpu.barrier barrier_id(%barrier3A)
    %dma_start3A = arith.constant 0 : i32
    %dma_start3A_9 = arith.constant 0 : i32
    %dma_start3A_10 = arith.constant 0 : i32
    %dma_start3A_11 = tpu.memref_slice %arg6[%dma_start3A, %dma_start3A_9, %dma_start3A_10] : memref<4x64x128xf32, #tpu.memory_space<vmem>> -> memref<1x64x128xf32, #tpu.memory_space<vmem>>
    %dma_start3A_12 = tpu.memref_squeeze %dma_start3A_11 : memref<1x64x128xf32, #tpu.memory_space<vmem>> -> memref<64x128xf32, #tpu.memory_space<vmem>>
    %dma_start3A_13 = arith.constant 0 : i32
    %dma_start3A_14 = tpu.memref_slice %arg5[%dma_start3A_13] : memref<10240xi32, #tpu.memory_space<vmem>> -> memref<64xi32, #tpu.memory_space<vmem>>
    %dma_start3A_15 = arith.constant 0 : i32
    %dma_start3A_16 = arith.constant 0 : i32
    %dma_start3A_17 = tpu.memref_slice %arg7[%dma_start3A_15, %dma_start3A_16] : memref<10000x128xf32, #tpu.memory_space<vmem_shared>> -> memref<10000x128xf32, #tpu.memory_space<vmem_shared>>
    tpu.enqueue_indirect_dma source(%dma_start3A_17 : memref<10000x128xf32, #tpu.memory_space<vmem_shared>>) target(%dma_start3A_12 : memref<64x128xf32, #tpu.memory_space<vmem>>) offsets(%dma_start3A_14 : memref<64xi32, #tpu.memory_space<vmem>>) semaphore(%arg8 : memref<!tpu.dma_semaphore, #tpu.memory_space<semaphore_mem>>)
    %dma_start3A_18 = arith.constant 1 : i32
    %dma_start3A_19 = arith.constant 0 : i32
    %dma_start3A_20 = arith.constant 0 : i32
    %dma_start3A_21 = tpu.memref_slice %arg6[%dma_start3A_18, %dma_start3A_19, %dma_start3A_20] : memref<4x64x128xf32, #tpu.memory_space<vmem>> -> memref<1x64x128xf32, #tpu.memory_space<vmem>>
    %dma_start3A_22 = tpu.memref_squeeze %dma_start3A_21 : memref<1x64x128xf32, #tpu.memory_space<vmem>> -> memref<64x128xf32, #tpu.memory_space<vmem>>
    %dma_start3A_23 = arith.constant 64 : i32
    %dma_start3A_24 = tpu.memref_slice %arg5[%dma_start3A_23] : memref<10240xi32, #tpu.memory_space<vmem>> -> memref<64xi32, #tpu.memory_space<vmem>>
    %dma_start3A_25 = arith.constant 0 : i32
    %dma_start3A_26 = arith.constant 0 : i32
    %dma_start3A_27 = tpu.memref_slice %arg7[%dma_start3A_25, %dma_start3A_26] : memref<10000x128xf32, #tpu.memory_space<vmem_shared>> -> memref<10000x128xf32, #tpu.memory_space<vmem_shared>>
    tpu.enqueue_indirect_dma source(%dma_start3A_27 : memref<10000x128xf32, #tpu.memory_space<vmem_shared>>) target(%dma_start3A_22 : memref<64x128xf32, #tpu.memory_space<vmem>>) offsets(%dma_start3A_24 : memref<64xi32, #tpu.memory_space<vmem>>) semaphore(%arg9 : memref<!tpu.dma_semaphore, #tpu.memory_space<semaphore_mem>>)
    %dma_start3A_28 = arith.constant 2 : i32
    %dma_start3A_29 = arith.constant 0 : i32
    %dma_start3A_30 = arith.constant 0 : i32
    %dma_start3A_31 = tpu.memref_slice %arg6[%dma_start3A_28, %dma_start3A_29, %dma_start3A_30] : memref<4x64x128xf32, #tpu.memory_space<vmem>> -> memref<1x64x128xf32, #tpu.memory_space<vmem>>
    %dma_start3A_32 = tpu.memref_squeeze %dma_start3A_31 : memref<1x64x128xf32, #tpu.memory_space<vmem>> -> memref<64x128xf32, #tpu.memory_space<vmem>>
    %dma_start3A_33 = arith.constant 128 : i32
    %dma_start3A_34 = tpu.memref_slice %arg5[%dma_start3A_33] : memref<10240xi32, #tpu.memory_space<vmem>> -> memref<64xi32, #tpu.memory_space<vmem>>
    %dma_start3A_35 = arith.constant 0 : i32
    %dma_start3A_36 = arith.constant 0 : i32
    %dma_start3A_37 = tpu.memref_slice %arg7[%dma_start3A_35, %dma_start3A_36] : memref<10000x128xf32, #tpu.memory_space<vmem_shared>> -> memref<10000x128xf32, #tpu.memory_space<vmem_shared>>
    tpu.enqueue_indirect_dma source(%dma_start3A_37 : memref<10000x128xf32, #tpu.memory_space<vmem_shared>>) target(%dma_start3A_32 : memref<64x128xf32, #tpu.memory_space<vmem>>) offsets(%dma_start3A_34 : memref<64xi32, #tpu.memory_space<vmem>>) semaphore(%arg10 : memref<!tpu.dma_semaphore, #tpu.memory_space<semaphore_mem>>)
    %dma_start3A_38 = arith.constant 3 : i32
    %dma_start3A_39 = arith.constant 0 : i32
    %dma_start3A_40 = arith.constant 0 : i32
    %dma_start3A_41 = tpu.memref_slice %arg6[%dma_start3A_38, %dma_start3A_39, %dma_start3A_40] : memref<4x64x128xf32, #tpu.memory_space<vmem>> -> memref<1x64x128xf32, #tpu.memory_space<vmem>>
    %dma_start3A_42 = tpu.memref_squeeze %dma_start3A_41 : memref<1x64x128xf32, #tpu.memory_space<vmem>> -> memref<64x128xf32, #tpu.memory_space<vmem>>
    %dma_start3A_43 = arith.constant 192 : i32
    %dma_start3A_44 = tpu.memref_slice %arg5[%dma_start3A_43] : memref<10240xi32, #tpu.memory_space<vmem>> -> memref<64xi32, #tpu.memory_space<vmem>>
    %dma_start3A_45 = arith.constant 0 : i32
    %dma_start3A_46 = arith.constant 0 : i32
    %dma_start3A_47 = tpu.memref_slice %arg7[%dma_start3A_45, %dma_start3A_46] : memref<10000x128xf32, #tpu.memory_space<vmem_shared>> -> memref<10000x128xf32, #tpu.memory_space<vmem_shared>>
    tpu.enqueue_indirect_dma source(%dma_start3A_47 : memref<10000x128xf32, #tpu.memory_space<vmem_shared>>) target(%dma_start3A_42 : memref<64x128xf32, #tpu.memory_space<vmem>>) offsets(%dma_start3A_44 : memref<64xi32, #tpu.memory_space<vmem>>) semaphore(%arg11 : memref<!tpu.dma_semaphore, #tpu.memory_space<semaphore_mem>>)
    %scan3A = arith.constant 0 : i32
    %scan3A_48 = arith.constant 0 : i32
    %scan3A_49 = arith.constant 40 : i32
    %scan3A_50 = arith.addi %scan3A_48, %scan3A_49 : i32
    %scan3A_51 = arith.constant 1 : i32
    scf.for %scan3A_53 = %scan3A_48 to %scan3A_50 step %scan3A_51  : i32 {
      %mul3A_54 = arith.constant 4 : i32
      %mul3A_55 = arith.muli %scan3A_53, %mul3A_54 : i32
      %add3A_56 = arith.constant 0 : i32
      %add3A_57 = arith.addi %mul3A_55, %add3A_56 : i32
      %dma_wait3A = arith.constant 0 : i32
      %dma_wait3A_58 = arith.constant 0 : i32
      %dma_wait3A_59 = arith.constant 0 : i32
      %dma_wait3A_60 = tpu.memref_slice %arg6[%dma_wait3A, %dma_wait3A_58, %dma_wait3A_59] : memref<4x64x128xf32, #tpu.memory_space<vmem>> -> memref<1x64x128xf32, #tpu.memory_space<vmem>>
      %dma_wait3A_61 = tpu.memref_squeeze %dma_wait3A_60 : memref<1x64x128xf32, #tpu.memory_space<vmem>> -> memref<64x128xf32, #tpu.memory_space<vmem>>
      %dma_wait3A_62 = arith.constant 0 : i32
      %dma_wait3A_63 = arith.constant 0 : i32
      %dma_wait3A_64 = tpu.memref_slice %arg2[%dma_wait3A_62, %dma_wait3A_63] : memref<10000x128xf32, #tpu.memory_space<hbm>> -> memref<64x128xf32, #tpu.memory_space<hbm>>
      %dma_wait3A_65 = arith.constant 0 : i32
      %dma_wait3A_66 = arith.constant 0 : i32
      %dma_wait3A_67 = tpu.memref_slice %arg6[%dma_wait3A, %dma_wait3A_65, %dma_wait3A_66] : memref<4x64x128xf32, #tpu.memory_space<vmem>> -> memref<1x64x128xf32, #tpu.memory_space<vmem>>
      %dma_wait3A_68 = tpu.memref_squeeze %dma_wait3A_67 : memref<1x64x128xf32, #tpu.memory_space<vmem>> -> memref<64x128xf32, #tpu.memory_space<vmem>>
      %dma_wait3A_69 = arith.constant 0 : i32
      %dma_wait3A_70 = arith.constant 0 : i32
      %dma_wait3A_71 = tpu.memref_slice %arg2[%dma_wait3A_69, %dma_wait3A_70] : memref<10000x128xf32, #tpu.memory_space<hbm>> -> memref<64x128xf32, #tpu.memory_space<hbm>>
      tpu.wait_dma2 semaphore(%arg8 : memref<!tpu.dma_semaphore, #tpu.memory_space<semaphore_mem>>) src(%dma_wait3A_71 : memref<64x128xf32, #tpu.memory_space<hbm>>) dst(%dma_wait3A_68 : memref<64x128xf32, #tpu.memory_space<vmem>>)
      %mul3A_72 = arith.constant 64 : i32
      %mul3A_73 = arith.muli %add3A_57, %mul3A_72 : i32
      %add3A_74 = arith.addi %mul3A_2, %mul3A_73 : i32
      %dma_start3A_75 = arith.constant 0 : i32
      %dma_start3A_76 = arith.constant 0 : i32
      %dma_start3A_77 = arith.constant 0 : i32
      %dma_start3A_78 = tpu.memref_slice %arg6[%dma_start3A_75, %dma_start3A_76, %dma_start3A_77] : memref<4x64x128xf32, #tpu.memory_space<vmem>> -> memref<1x64x128xf32, #tpu.memory_space<vmem>>
      %dma_start3A_79 = tpu.memref_squeeze %dma_start3A_78 : memref<1x64x128xf32, #tpu.memory_space<vmem>> -> memref<64x128xf32, #tpu.memory_space<vmem>>
      %dma_start3A_80 = arith.constant 0 : i32
      %dma_start3A_81 = tpu.memref_slice %arg4[%add3A_74, %dma_start3A_80] : memref<327680x128xf32, #tpu.memory_space<hbm>> -> memref<64x128xf32, #tpu.memory_space<hbm>>
      %dma_start3A_82 = arith.constant 0 : i32
      %dma_start3A_83 = tpu.memref_slice %arg4[%add3A_74, %dma_start3A_82] : memref<327680x128xf32, #tpu.memory_space<hbm>> -> memref<64x128xf32, #tpu.memory_space<hbm>>
      %dma_start3A_84 = arith.constant 0 : i32
      %dma_start3A_85 = arith.constant 0 : i32
      %dma_start3A_86 = tpu.memref_slice %arg6[%dma_start3A_75, %dma_start3A_84, %dma_start3A_85] : memref<4x64x128xf32, #tpu.memory_space<vmem>> -> memref<1x64x128xf32, #tpu.memory_space<vmem>>
      %dma_start3A_87 = tpu.memref_squeeze %dma_start3A_86 : memref<1x64x128xf32, #tpu.memory_space<vmem>> -> memref<64x128xf32, #tpu.memory_space<vmem>>
      tpu.enqueue_dma source(%dma_start3A_87 : memref<64x128xf32, #tpu.memory_space<vmem>>) target(%dma_start3A_83 : memref<64x128xf32, #tpu.memory_space<hbm>>) target_semaphore(%arg12 : memref<!tpu.dma_semaphore, #tpu.memory_space<semaphore_mem>>)
      %dma_wait3A_88 = arith.constant 0 : i32
      %dma_wait3A_89 = arith.constant 0 : i32
      %dma_wait3A_90 = arith.constant 0 : i32
      %dma_wait3A_91 = tpu.memref_slice %arg6[%dma_wait3A_88, %dma_wait3A_89, %dma_wait3A_90] : memref<4x64x128xf32, #tpu.memory_space<vmem>> -> memref<1x64x128xf32, #tpu.memory_space<vmem>>
      %dma_wait3A_92 = tpu.memref_squeeze %dma_wait3A_91 : memref<1x64x128xf32, #tpu.memory_space<vmem>> -> memref<64x128xf32, #tpu.memory_space<vmem>>
      %dma_wait3A_93 = arith.constant 0 : i32
      %dma_wait3A_94 = arith.constant 0 : i32
      %dma_wait3A_95 = tpu.memref_slice %arg4[%dma_wait3A_93, %dma_wait3A_94] : memref<327680x128xf32, #tpu.memory_space<hbm>> -> memref<64x128xf32, #tpu.memory_space<hbm>>
      %dma_wait3A_96 = arith.constant 0 : i32
      %dma_wait3A_97 = arith.constant 0 : i32
      %dma_wait3A_98 = tpu.memref_slice %arg4[%dma_wait3A_96, %dma_wait3A_97] : memref<327680x128xf32, #tpu.memory_space<hbm>> -> memref<64x128xf32, #tpu.memory_space<hbm>>
      %dma_wait3A_99 = arith.constant 0 : i32
      %dma_wait3A_100 = arith.constant 0 : i32
      %dma_wait3A_101 = tpu.memref_slice %arg6[%dma_wait3A_88, %dma_wait3A_99, %dma_wait3A_100] : memref<4x64x128xf32, #tpu.memory_space<vmem>> -> memref<1x64x128xf32, #tpu.memory_space<vmem>>
      %dma_wait3A_102 = tpu.memref_squeeze %dma_wait3A_101 : memref<1x64x128xf32, #tpu.memory_space<vmem>> -> memref<64x128xf32, #tpu.memory_space<vmem>>
      tpu.wait_dma2 semaphore(%arg12 : memref<!tpu.dma_semaphore, #tpu.memory_space<semaphore_mem>>) src(%dma_wait3A_102 : memref<64x128xf32, #tpu.memory_space<vmem>>) dst(%dma_wait3A_98 : memref<64x128xf32, #tpu.memory_space<hbm>>)
      %add3A_103 = arith.constant 4 : i32
      %add3A_104 = arith.addi %add3A_57, %add3A_103 : i32
      %lt3A_105 = arith.constant 160 : i32
      %lt3A_106 = arith.cmpi slt, %add3A_104, %lt3A_105 : i32
      %convert_element_type3A_107 = arith.extui %lt3A_106 : i1 to i32
      %cond3A_108 = arith.constant 0 : i32
      %cond3A_109 = arith.cmpi ne, %convert_element_type3A_107, %cond3A_108 : i32
      scf.if %cond3A_109 {
        %mul3A_281 = arith.constant 64 : i32
        %mul3A_282 = arith.muli %add3A_104, %mul3A_281 : i32
        %dma_start3A_283 = arith.constant 0 : i32
        %dma_start3A_284 = arith.constant 0 : i32
        %dma_start3A_285 = arith.constant 0 : i32
        %dma_start3A_286 = tpu.memref_slice %arg6[%dma_start3A_283, %dma_start3A_284, %dma_start3A_285] : memref<4x64x128xf32, #tpu.memory_space<vmem>> -> memref<1x64x128xf32, #tpu.memory_space<vmem>>
        %dma_start3A_287 = tpu.memref_squeeze %dma_start3A_286 : memref<1x64x128xf32, #tpu.memory_space<vmem>> -> memref<64x128xf32, #tpu.memory_space<vmem>>
        %dma_start3A_288 = tpu.memref_slice %arg5[%mul3A_282] : memref<10240xi32, #tpu.memory_space<vmem>> -> memref<64xi32, #tpu.memory_space<vmem>>
        %dma_start3A_289 = arith.constant 0 : i32
        %dma_start3A_290 = arith.constant 0 : i32
        %dma_start3A_291 = tpu.memref_slice %arg7[%dma_start3A_289, %dma_start3A_290] : memref<10000x128xf32, #tpu.memory_space<vmem_shared>> -> memref<10000x128xf32, #tpu.memory_space<vmem_shared>>
        tpu.enqueue_indirect_dma source(%dma_start3A_291 : memref<10000x128xf32, #tpu.memory_space<vmem_shared>>) target(%dma_start3A_287 : memref<64x128xf32, #tpu.memory_space<vmem>>) offsets(%dma_start3A_288 : memref<64xi32, #tpu.memory_space<vmem>>) semaphore(%arg8 : memref<!tpu.dma_semaphore, #tpu.memory_space<semaphore_mem>>)
      } else {
      }
      %mul3A_110 = arith.constant 4 : i32
      %mul3A_111 = arith.muli %scan3A_53, %mul3A_110 : i32
      %add3A_112 = arith.constant 1 : i32
      %add3A_113 = arith.addi %mul3A_111, %add3A_112 : i32
      %dma_wait3A_114 = arith.constant 1 : i32
      %dma_wait3A_115 = arith.constant 0 : i32
      %dma_wait3A_116 = arith.constant 0 : i32
      %dma_wait3A_117 = tpu.memref_slice %arg6[%dma_wait3A_114, %dma_wait3A_115, %dma_wait3A_116] : memref<4x64x128xf32, #tpu.memory_space<vmem>> -> memref<1x64x128xf32, #tpu.memory_space<vmem>>
      %dma_wait3A_118 = tpu.memref_squeeze %dma_wait3A_117 : memref<1x64x128xf32, #tpu.memory_space<vmem>> -> memref<64x128xf32, #tpu.memory_space<vmem>>
      %dma_wait3A_119 = arith.constant 0 : i32
      %dma_wait3A_120 = arith.constant 0 : i32
      %dma_wait3A_121 = tpu.memref_slice %arg2[%dma_wait3A_119, %dma_wait3A_120] : memref<10000x128xf32, #tpu.memory_space<hbm>> -> memref<64x128xf32, #tpu.memory_space<hbm>>
      %dma_wait3A_122 = arith.constant 0 : i32
      %dma_wait3A_123 = arith.constant 0 : i32
      %dma_wait3A_124 = tpu.memref_slice %arg6[%dma_wait3A_114, %dma_wait3A_122, %dma_wait3A_123] : memref<4x64x128xf32, #tpu.memory_space<vmem>> -> memref<1x64x128xf32, #tpu.memory_space<vmem>>
      %dma_wait3A_125 = tpu.memref_squeeze %dma_wait3A_124 : memref<1x64x128xf32, #tpu.memory_space<vmem>> -> memref<64x128xf32, #tpu.memory_space<vmem>>
      %dma_wait3A_126 = arith.constant 0 : i32
      %dma_wait3A_127 = arith.constant 0 : i32
      %dma_wait3A_128 = tpu.memref_slice %arg2[%dma_wait3A_126, %dma_wait3A_127] : memref<10000x128xf32, #tpu.memory_space<hbm>> -> memref<64x128xf32, #tpu.memory_space<hbm>>
      tpu.wait_dma2 semaphore(%arg9 : memref<!tpu.dma_semaphore, #tpu.memory_space<semaphore_mem>>) src(%dma_wait3A_128 : memref<64x128xf32, #tpu.memory_space<hbm>>) dst(%dma_wait3A_125 : memref<64x128xf32, #tpu.memory_space<vmem>>)
      %mul3A_129 = arith.constant 64 : i32
      %mul3A_130 = arith.muli %add3A_113, %mul3A_129 : i32
      %add3A_131 = arith.addi %mul3A_2, %mul3A_130 : i32
      %dma_start3A_132 = arith.constant 1 : i32
      %dma_start3A_133 = arith.constant 0 : i32
      %dma_start3A_134 = arith.constant 0 : i32
      %dma_start3A_135 = tpu.memref_slice %arg6[%dma_start3A_132, %dma_start3A_133, %dma_start3A_134] : memref<4x64x128xf32, #tpu.memory_space<vmem>> -> memref<1x64x128xf32, #tpu.memory_space<vmem>>
      %dma_start3A_136 = tpu.memref_squeeze %dma_start3A_135 : memref<1x64x128xf32, #tpu.memory_space<vmem>> -> memref<64x128xf32, #tpu.memory_space<vmem>>
      %dma_start3A_137 = arith.constant 0 : i32
      %dma_start3A_138 = tpu.memref_slice %arg4[%add3A_131, %dma_start3A_137] : memref<327680x128xf32, #tpu.memory_space<hbm>> -> memref<64x128xf32, #tpu.memory_space<hbm>>
      %dma_start3A_139 = arith.constant 0 : i32
      %dma_start3A_140 = tpu.memref_slice %arg4[%add3A_131, %dma_start3A_139] : memref<327680x128xf32, #tpu.memory_space<hbm>> -> memref<64x128xf32, #tpu.memory_space<hbm>>
      %dma_start3A_141 = arith.constant 0 : i32
      %dma_start3A_142 = arith.constant 0 : i32
      %dma_start3A_143 = tpu.memref_slice %arg6[%dma_start3A_132, %dma_start3A_141, %dma_start3A_142] : memref<4x64x128xf32, #tpu.memory_space<vmem>> -> memref<1x64x128xf32, #tpu.memory_space<vmem>>
      %dma_start3A_144 = tpu.memref_squeeze %dma_start3A_143 : memref<1x64x128xf32, #tpu.memory_space<vmem>> -> memref<64x128xf32, #tpu.memory_space<vmem>>
      tpu.enqueue_dma source(%dma_start3A_144 : memref<64x128xf32, #tpu.memory_space<vmem>>) target(%dma_start3A_140 : memref<64x128xf32, #tpu.memory_space<hbm>>) target_semaphore(%arg13 : memref<!tpu.dma_semaphore, #tpu.memory_space<semaphore_mem>>)
      %dma_wait3A_145 = arith.constant 1 : i32
      %dma_wait3A_146 = arith.constant 0 : i32
      %dma_wait3A_147 = arith.constant 0 : i32
      %dma_wait3A_148 = tpu.memref_slice %arg6[%dma_wait3A_145, %dma_wait3A_146, %dma_wait3A_147] : memref<4x64x128xf32, #tpu.memory_space<vmem>> -> memref<1x64x128xf32, #tpu.memory_space<vmem>>
      %dma_wait3A_149 = tpu.memref_squeeze %dma_wait3A_148 : memref<1x64x128xf32, #tpu.memory_space<vmem>> -> memref<64x128xf32, #tpu.memory_space<vmem>>
      %dma_wait3A_150 = arith.constant 0 : i32
      %dma_wait3A_151 = arith.constant 0 : i32
      %dma_wait3A_152 = tpu.memref_slice %arg4[%dma_wait3A_150, %dma_wait3A_151] : memref<327680x128xf32, #tpu.memory_space<hbm>> -> memref<64x128xf32, #tpu.memory_space<hbm>>
      %dma_wait3A_153 = arith.constant 0 : i32
      %dma_wait3A_154 = arith.constant 0 : i32
      %dma_wait3A_155 = tpu.memref_slice %arg4[%dma_wait3A_153, %dma_wait3A_154] : memref<327680x128xf32, #tpu.memory_space<hbm>> -> memref<64x128xf32, #tpu.memory_space<hbm>>
      %dma_wait3A_156 = arith.constant 0 : i32
      %dma_wait3A_157 = arith.constant 0 : i32
      %dma_wait3A_158 = tpu.memref_slice %arg6[%dma_wait3A_145, %dma_wait3A_156, %dma_wait3A_157] : memref<4x64x128xf32, #tpu.memory_space<vmem>> -> memref<1x64x128xf32, #tpu.memory_space<vmem>>
      %dma_wait3A_159 = tpu.memref_squeeze %dma_wait3A_158 : memref<1x64x128xf32, #tpu.memory_space<vmem>> -> memref<64x128xf32, #tpu.memory_space<vmem>>
      tpu.wait_dma2 semaphore(%arg13 : memref<!tpu.dma_semaphore, #tpu.memory_space<semaphore_mem>>) src(%dma_wait3A_159 : memref<64x128xf32, #tpu.memory_space<vmem>>) dst(%dma_wait3A_155 : memref<64x128xf32, #tpu.memory_space<hbm>>)
      %add3A_160 = arith.constant 4 : i32
      %add3A_161 = arith.addi %add3A_113, %add3A_160 : i32
      %lt3A_162 = arith.constant 160 : i32
      %lt3A_163 = arith.cmpi slt, %add3A_161, %lt3A_162 : i32
      %convert_element_type3A_164 = arith.extui %lt3A_163 : i1 to i32
      %cond3A_165 = arith.constant 0 : i32
      %cond3A_166 = arith.cmpi ne, %convert_element_type3A_164, %cond3A_165 : i32
      scf.if %cond3A_166 {
        %mul3A_281 = arith.constant 64 : i32
        %mul3A_282 = arith.muli %add3A_161, %mul3A_281 : i32
        %dma_start3A_283 = arith.constant 1 : i32
        %dma_start3A_284 = arith.constant 0 : i32
        %dma_start3A_285 = arith.constant 0 : i32
        %dma_start3A_286 = tpu.memref_slice %arg6[%dma_start3A_283, %dma_start3A_284, %dma_start3A_285] : memref<4x64x128xf32, #tpu.memory_space<vmem>> -> memref<1x64x128xf32, #tpu.memory_space<vmem>>
        %dma_start3A_287 = tpu.memref_squeeze %dma_start3A_286 : memref<1x64x128xf32, #tpu.memory_space<vmem>> -> memref<64x128xf32, #tpu.memory_space<vmem>>
        %dma_start3A_288 = tpu.memref_slice %arg5[%mul3A_282] : memref<10240xi32, #tpu.memory_space<vmem>> -> memref<64xi32, #tpu.memory_space<vmem>>
        %dma_start3A_289 = arith.constant 0 : i32
        %dma_start3A_290 = arith.constant 0 : i32
        %dma_start3A_291 = tpu.memref_slice %arg7[%dma_start3A_289, %dma_start3A_290] : memref<10000x128xf32, #tpu.memory_space<vmem_shared>> -> memref<10000x128xf32, #tpu.memory_space<vmem_shared>>
        tpu.enqueue_indirect_dma source(%dma_start3A_291 : memref<10000x128xf32, #tpu.memory_space<vmem_shared>>) target(%dma_start3A_287 : memref<64x128xf32, #tpu.memory_space<vmem>>) offsets(%dma_start3A_288 : memref<64xi32, #tpu.memory_space<vmem>>) semaphore(%arg9 : memref<!tpu.dma_semaphore, #tpu.memory_space<semaphore_mem>>)
      } else {
      }
      %mul3A_167 = arith.constant 4 : i32
      %mul3A_168 = arith.muli %scan3A_53, %mul3A_167 : i32
      %add3A_169 = arith.constant 2 : i32
      %add3A_170 = arith.addi %mul3A_168, %add3A_169 : i32
      %dma_wait3A_171 = arith.constant 2 : i32
      %dma_wait3A_172 = arith.constant 0 : i32
      %dma_wait3A_173 = arith.constant 0 : i32
      %dma_wait3A_174 = tpu.memref_slice %arg6[%dma_wait3A_171, %dma_wait3A_172, %dma_wait3A_173] : memref<4x64x128xf32, #tpu.memory_space<vmem>> -> memref<1x64x128xf32, #tpu.memory_space<vmem>>
      %dma_wait3A_175 = tpu.memref_squeeze %dma_wait3A_174 : memref<1x64x128xf32, #tpu.memory_space<vmem>> -> memref<64x128xf32, #tpu.memory_space<vmem>>
      %dma_wait3A_176 = arith.constant 0 : i32
      %dma_wait3A_177 = arith.constant 0 : i32
      %dma_wait3A_178 = tpu.memref_slice %arg2[%dma_wait3A_176, %dma_wait3A_177] : memref<10000x128xf32, #tpu.memory_space<hbm>> -> memref<64x128xf32, #tpu.memory_space<hbm>>
      %dma_wait3A_179 = arith.constant 0 : i32
      %dma_wait3A_180 = arith.constant 0 : i32
      %dma_wait3A_181 = tpu.memref_slice %arg6[%dma_wait3A_171, %dma_wait3A_179, %dma_wait3A_180] : memref<4x64x128xf32, #tpu.memory_space<vmem>> -> memref<1x64x128xf32, #tpu.memory_space<vmem>>
      %dma_wait3A_182 = tpu.memref_squeeze %dma_wait3A_181 : memref<1x64x128xf32, #tpu.memory_space<vmem>> -> memref<64x128xf32, #tpu.memory_space<vmem>>
      %dma_wait3A_183 = arith.constant 0 : i32
      %dma_wait3A_184 = arith.constant 0 : i32
      %dma_wait3A_185 = tpu.memref_slice %arg2[%dma_wait3A_183, %dma_wait3A_184] : memref<10000x128xf32, #tpu.memory_space<hbm>> -> memref<64x128xf32, #tpu.memory_space<hbm>>
      tpu.wait_dma2 semaphore(%arg10 : memref<!tpu.dma_semaphore, #tpu.memory_space<semaphore_mem>>) src(%dma_wait3A_185 : memref<64x128xf32, #tpu.memory_space<hbm>>) dst(%dma_wait3A_182 : memref<64x128xf32, #tpu.memory_space<vmem>>)
      %mul3A_186 = arith.constant 64 : i32
      %mul3A_187 = arith.muli %add3A_170, %mul3A_186 : i32
      %add3A_188 = arith.addi %mul3A_2, %mul3A_187 : i32
      %dma_start3A_189 = arith.constant 2 : i32
      %dma_start3A_190 = arith.constant 0 : i32
      %dma_start3A_191 = arith.constant 0 : i32
      %dma_start3A_192 = tpu.memref_slice %arg6[%dma_start3A_189, %dma_start3A_190, %dma_start3A_191] : memref<4x64x128xf32, #tpu.memory_space<vmem>> -> memref<1x64x128xf32, #tpu.memory_space<vmem>>
      %dma_start3A_193 = tpu.memref_squeeze %dma_start3A_192 : memref<1x64x128xf32, #tpu.memory_space<vmem>> -> memref<64x128xf32, #tpu.memory_space<vmem>>
      %dma_start3A_194 = arith.constant 0 : i32
      %dma_start3A_195 = tpu.memref_slice %arg4[%add3A_188, %dma_start3A_194] : memref<327680x128xf32, #tpu.memory_space<hbm>> -> memref<64x128xf32, #tpu.memory_space<hbm>>
      %dma_start3A_196 = arith.constant 0 : i32
      %dma_start3A_197 = tpu.memref_slice %arg4[%add3A_188, %dma_start3A_196] : memref<327680x128xf32, #tpu.memory_space<hbm>> -> memref<64x128xf32, #tpu.memory_space<hbm>>
      %dma_start3A_198 = arith.constant 0 : i32
      %dma_start3A_199 = arith.constant 0 : i32
      %dma_start3A_200 = tpu.memref_slice %arg6[%dma_start3A_189, %dma_start3A_198, %dma_start3A_199] : memref<4x64x128xf32, #tpu.memory_space<vmem>> -> memref<1x64x128xf32, #tpu.memory_space<vmem>>
      %dma_start3A_201 = tpu.memref_squeeze %dma_start3A_200 : memref<1x64x128xf32, #tpu.memory_space<vmem>> -> memref<64x128xf32, #tpu.memory_space<vmem>>
      tpu.enqueue_dma source(%dma_start3A_201 : memref<64x128xf32, #tpu.memory_space<vmem>>) target(%dma_start3A_197 : memref<64x128xf32, #tpu.memory_space<hbm>>) target_semaphore(%arg14 : memref<!tpu.dma_semaphore, #tpu.memory_space<semaphore_mem>>)
      %dma_wait3A_202 = arith.constant 2 : i32
      %dma_wait3A_203 = arith.constant 0 : i32
      %dma_wait3A_204 = arith.constant 0 : i32
      %dma_wait3A_205 = tpu.memref_slice %arg6[%dma_wait3A_202, %dma_wait3A_203, %dma_wait3A_204] : memref<4x64x128xf32, #tpu.memory_space<vmem>> -> memref<1x64x128xf32, #tpu.memory_space<vmem>>
      %dma_wait3A_206 = tpu.memref_squeeze %dma_wait3A_205 : memref<1x64x128xf32, #tpu.memory_space<vmem>> -> memref<64x128xf32, #tpu.memory_space<vmem>>
      %dma_wait3A_207 = arith.constant 0 : i32
      %dma_wait3A_208 = arith.constant 0 : i32
      %dma_wait3A_209 = tpu.memref_slice %arg4[%dma_wait3A_207, %dma_wait3A_208] : memref<327680x128xf32, #tpu.memory_space<hbm>> -> memref<64x128xf32, #tpu.memory_space<hbm>>
      %dma_wait3A_210 = arith.constant 0 : i32
      %dma_wait3A_211 = arith.constant 0 : i32
      %dma_wait3A_212 = tpu.memref_slice %arg4[%dma_wait3A_210, %dma_wait3A_211] : memref<327680x128xf32, #tpu.memory_space<hbm>> -> memref<64x128xf32, #tpu.memory_space<hbm>>
      %dma_wait3A_213 = arith.constant 0 : i32
      %dma_wait3A_214 = arith.constant 0 : i32
      %dma_wait3A_215 = tpu.memref_slice %arg6[%dma_wait3A_202, %dma_wait3A_213, %dma_wait3A_214] : memref<4x64x128xf32, #tpu.memory_space<vmem>> -> memref<1x64x128xf32, #tpu.memory_space<vmem>>
      %dma_wait3A_216 = tpu.memref_squeeze %dma_wait3A_215 : memref<1x64x128xf32, #tpu.memory_space<vmem>> -> memref<64x128xf32, #tpu.memory_space<vmem>>
      tpu.wait_dma2 semaphore(%arg14 : memref<!tpu.dma_semaphore, #tpu.memory_space<semaphore_mem>>) src(%dma_wait3A_216 : memref<64x128xf32, #tpu.memory_space<vmem>>) dst(%dma_wait3A_212 : memref<64x128xf32, #tpu.memory_space<hbm>>)
      %add3A_217 = arith.constant 4 : i32
      %add3A_218 = arith.addi %add3A_170, %add3A_217 : i32
      %lt3A_219 = arith.constant 160 : i32
      %lt3A_220 = arith.cmpi slt, %add3A_218, %lt3A_219 : i32
      %convert_element_type3A_221 = arith.extui %lt3A_220 : i1 to i32
      %cond3A_222 = arith.constant 0 : i32
      %cond3A_223 = arith.cmpi ne, %convert_element_type3A_221, %cond3A_222 : i32
      scf.if %cond3A_223 {
        %mul3A_281 = arith.constant 64 : i32
        %mul3A_282 = arith.muli %add3A_218, %mul3A_281 : i32
        %dma_start3A_283 = arith.constant 2 : i32
        %dma_start3A_284 = arith.constant 0 : i32
        %dma_start3A_285 = arith.constant 0 : i32
        %dma_start3A_286 = tpu.memref_slice %arg6[%dma_start3A_283, %dma_start3A_284, %dma_start3A_285] : memref<4x64x128xf32, #tpu.memory_space<vmem>> -> memref<1x64x128xf32, #tpu.memory_space<vmem>>
        %dma_start3A_287 = tpu.memref_squeeze %dma_start3A_286 : memref<1x64x128xf32, #tpu.memory_space<vmem>> -> memref<64x128xf32, #tpu.memory_space<vmem>>
        %dma_start3A_288 = tpu.memref_slice %arg5[%mul3A_282] : memref<10240xi32, #tpu.memory_space<vmem>> -> memref<64xi32, #tpu.memory_space<vmem>>
        %dma_start3A_289 = arith.constant 0 : i32
        %dma_start3A_290 = arith.constant 0 : i32
        %dma_start3A_291 = tpu.memref_slice %arg7[%dma_start3A_289, %dma_start3A_290] : memref<10000x128xf32, #tpu.memory_space<vmem_shared>> -> memref<10000x128xf32, #tpu.memory_space<vmem_shared>>
        tpu.enqueue_indirect_dma source(%dma_start3A_291 : memref<10000x128xf32, #tpu.memory_space<vmem_shared>>) target(%dma_start3A_287 : memref<64x128xf32, #tpu.memory_space<vmem>>) offsets(%dma_start3A_288 : memref<64xi32, #tpu.memory_space<vmem>>) semaphore(%arg10 : memref<!tpu.dma_semaphore, #tpu.memory_space<semaphore_mem>>)
      } else {
      }
      %mul3A_224 = arith.constant 4 : i32
      %mul3A_225 = arith.muli %scan3A_53, %mul3A_224 : i32
      %add3A_226 = arith.constant 3 : i32
      %add3A_227 = arith.addi %mul3A_225, %add3A_226 : i32
      %dma_wait3A_228 = arith.constant 3 : i32
      %dma_wait3A_229 = arith.constant 0 : i32
      %dma_wait3A_230 = arith.constant 0 : i32
      %dma_wait3A_231 = tpu.memref_slice %arg6[%dma_wait3A_228, %dma_wait3A_229, %dma_wait3A_230] : memref<4x64x128xf32, #tpu.memory_space<vmem>> -> memref<1x64x128xf32, #tpu.memory_space<vmem>>
      %dma_wait3A_232 = tpu.memref_squeeze %dma_wait3A_231 : memref<1x64x128xf32, #tpu.memory_space<vmem>> -> memref<64x128xf32, #tpu.memory_space<vmem>>
      %dma_wait3A_233 = arith.constant 0 : i32
      %dma_wait3A_234 = arith.constant 0 : i32
      %dma_wait3A_235 = tpu.memref_slice %arg2[%dma_wait3A_233, %dma_wait3A_234] : memref<10000x128xf32, #tpu.memory_space<hbm>> -> memref<64x128xf32, #tpu.memory_space<hbm>>
      %dma_wait3A_236 = arith.constant 0 : i32
      %dma_wait3A_237 = arith.constant 0 : i32
      %dma_wait3A_238 = tpu.memref_slice %arg6[%dma_wait3A_228, %dma_wait3A_236, %dma_wait3A_237] : memref<4x64x128xf32, #tpu.memory_space<vmem>> -> memref<1x64x128xf32, #tpu.memory_space<vmem>>
      %dma_wait3A_239 = tpu.memref_squeeze %dma_wait3A_238 : memref<1x64x128xf32, #tpu.memory_space<vmem>> -> memref<64x128xf32, #tpu.memory_space<vmem>>
      %dma_wait3A_240 = arith.constant 0 : i32
      %dma_wait3A_241 = arith.constant 0 : i32
      %dma_wait3A_242 = tpu.memref_slice %arg2[%dma_wait3A_240, %dma_wait3A_241] : memref<10000x128xf32, #tpu.memory_space<hbm>> -> memref<64x128xf32, #tpu.memory_space<hbm>>
      tpu.wait_dma2 semaphore(%arg11 : memref<!tpu.dma_semaphore, #tpu.memory_space<semaphore_mem>>) src(%dma_wait3A_242 : memref<64x128xf32, #tpu.memory_space<hbm>>) dst(%dma_wait3A_239 : memref<64x128xf32, #tpu.memory_space<vmem>>)
      %mul3A_243 = arith.constant 64 : i32
      %mul3A_244 = arith.muli %add3A_227, %mul3A_243 : i32
      %add3A_245 = arith.addi %mul3A_2, %mul3A_244 : i32
      %dma_start3A_246 = arith.constant 3 : i32
      %dma_start3A_247 = arith.constant 0 : i32
      %dma_start3A_248 = arith.constant 0 : i32
      %dma_start3A_249 = tpu.memref_slice %arg6[%dma_start3A_246, %dma_start3A_247, %dma_start3A_248] : memref<4x64x128xf32, #tpu.memory_space<vmem>> -> memref<1x64x128xf32, #tpu.memory_space<vmem>>
      %dma_start3A_250 = tpu.memref_squeeze %dma_start3A_249 : memref<1x64x128xf32, #tpu.memory_space<vmem>> -> memref<64x128xf32, #tpu.memory_space<vmem>>
      %dma_start3A_251 = arith.constant 0 : i32
      %dma_start3A_252 = tpu.memref_slice %arg4[%add3A_245, %dma_start3A_251] : memref<327680x128xf32, #tpu.memory_space<hbm>> -> memref<64x128xf32, #tpu.memory_space<hbm>>
      %dma_start3A_253 = arith.constant 0 : i32
      %dma_start3A_254 = tpu.memref_slice %arg4[%add3A_245, %dma_start3A_253] : memref<327680x128xf32, #tpu.memory_space<hbm>> -> memref<64x128xf32, #tpu.memory_space<hbm>>
      %dma_start3A_255 = arith.constant 0 : i32
      %dma_start3A_256 = arith.constant 0 : i32
      %dma_start3A_257 = tpu.memref_slice %arg6[%dma_start3A_246, %dma_start3A_255, %dma_start3A_256] : memref<4x64x128xf32, #tpu.memory_space<vmem>> -> memref<1x64x128xf32, #tpu.memory_space<vmem>>
      %dma_start3A_258 = tpu.memref_squeeze %dma_start3A_257 : memref<1x64x128xf32, #tpu.memory_space<vmem>> -> memref<64x128xf32, #tpu.memory_space<vmem>>
      tpu.enqueue_dma source(%dma_start3A_258 : memref<64x128xf32, #tpu.memory_space<vmem>>) target(%dma_start3A_254 : memref<64x128xf32, #tpu.memory_space<hbm>>) target_semaphore(%arg15 : memref<!tpu.dma_semaphore, #tpu.memory_space<semaphore_mem>>)
      %dma_wait3A_259 = arith.constant 3 : i32
      %dma_wait3A_260 = arith.constant 0 : i32
      %dma_wait3A_261 = arith.constant 0 : i32
      %dma_wait3A_262 = tpu.memref_slice %arg6[%dma_wait3A_259, %dma_wait3A_260, %dma_wait3A_261] : memref<4x64x128xf32, #tpu.memory_space<vmem>> -> memref<1x64x128xf32, #tpu.memory_space<vmem>>
      %dma_wait3A_263 = tpu.memref_squeeze %dma_wait3A_262 : memref<1x64x128xf32, #tpu.memory_space<vmem>> -> memref<64x128xf32, #tpu.memory_space<vmem>>
      %dma_wait3A_264 = arith.constant 0 : i32
      %dma_wait3A_265 = arith.constant 0 : i32
      %dma_wait3A_266 = tpu.memref_slice %arg4[%dma_wait3A_264, %dma_wait3A_265] : memref<327680x128xf32, #tpu.memory_space<hbm>> -> memref<64x128xf32, #tpu.memory_space<hbm>>
      %dma_wait3A_267 = arith.constant 0 : i32
      %dma_wait3A_268 = arith.constant 0 : i32
      %dma_wait3A_269 = tpu.memref_slice %arg4[%dma_wait3A_267, %dma_wait3A_268] : memref<327680x128xf32, #tpu.memory_space<hbm>> -> memref<64x128xf32, #tpu.memory_space<hbm>>
      %dma_wait3A_270 = arith.constant 0 : i32
      %dma_wait3A_271 = arith.constant 0 : i32
      %dma_wait3A_272 = tpu.memref_slice %arg6[%dma_wait3A_259, %dma_wait3A_270, %dma_wait3A_271] : memref<4x64x128xf32, #tpu.memory_space<vmem>> -> memref<1x64x128xf32, #tpu.memory_space<vmem>>
      %dma_wait3A_273 = tpu.memref_squeeze %dma_wait3A_272 : memref<1x64x128xf32, #tpu.memory_space<vmem>> -> memref<64x128xf32, #tpu.memory_space<vmem>>
      tpu.wait_dma2 semaphore(%arg15 : memref<!tpu.dma_semaphore, #tpu.memory_space<semaphore_mem>>) src(%dma_wait3A_273 : memref<64x128xf32, #tpu.memory_space<vmem>>) dst(%dma_wait3A_269 : memref<64x128xf32, #tpu.memory_space<hbm>>)
      %add3A_274 = arith.constant 4 : i32
      %add3A_275 = arith.addi %add3A_227, %add3A_274 : i32
      %lt3A_276 = arith.constant 160 : i32
      %lt3A_277 = arith.cmpi slt, %add3A_275, %lt3A_276 : i32
      %convert_element_type3A_278 = arith.extui %lt3A_277 : i1 to i32
      %cond3A_279 = arith.constant 0 : i32
      %cond3A_280 = arith.cmpi ne, %convert_element_type3A_278, %cond3A_279 : i32
      scf.if %cond3A_280 {
        %mul3A_281 = arith.constant 64 : i32
        %mul3A_282 = arith.muli %add3A_275, %mul3A_281 : i32
        %dma_start3A_283 = arith.constant 3 : i32
        %dma_start3A_284 = arith.constant 0 : i32
        %dma_start3A_285 = arith.constant 0 : i32
        %dma_start3A_286 = tpu.memref_slice %arg6[%dma_start3A_283, %dma_start3A_284, %dma_start3A_285] : memref<4x64x128xf32, #tpu.memory_space<vmem>> -> memref<1x64x128xf32, #tpu.memory_space<vmem>>
        %dma_start3A_287 = tpu.memref_squeeze %dma_start3A_286 : memref<1x64x128xf32, #tpu.memory_space<vmem>> -> memref<64x128xf32, #tpu.memory_space<vmem>>
        %dma_start3A_288 = tpu.memref_slice %arg5[%mul3A_282] : memref<10240xi32, #tpu.memory_space<vmem>> -> memref<64xi32, #tpu.memory_space<vmem>>
        %dma_start3A_289 = arith.constant 0 : i32
        %dma_start3A_290 = arith.constant 0 : i32
        %dma_start3A_291 = tpu.memref_slice %arg7[%dma_start3A_289, %dma_start3A_290] : memref<10000x128xf32, #tpu.memory_space<vmem_shared>> -> memref<10000x128xf32, #tpu.memory_space<vmem_shared>>
        tpu.enqueue_indirect_dma source(%dma_start3A_291 : memref<10000x128xf32, #tpu.memory_space<vmem_shared>>) target(%dma_start3A_287 : memref<64x128xf32, #tpu.memory_space<vmem>>) offsets(%dma_start3A_288 : memref<64xi32, #tpu.memory_space<vmem>>) semaphore(%arg11 : memref<!tpu.dma_semaphore, #tpu.memory_space<semaphore_mem>>)
      } else {
      }
    }
    %scan3A_52 = arith.constant 40 : i32
    return
  }
}

#map = affine_map<(d0, d1) -> (0, 0)>
module attributes {stable_mosaic.version = 14 : i64} {
  func.func @k(%arg0: i32, %arg1: i32, %arg2: memref<327680x128xf32, #tpu.memory_space<hbm>>, %arg3: memref<2560x128xi32, #tpu.memory_space<hbm>>, %arg4: memref<10240x128xf32, #tpu.memory_space<hbm>>, %arg5: memref<20480x128xf32, #tpu.memory_space<hbm>>, %arg6: memref<80x128xi32, #tpu.memory_space<vmem>>, %arg7: memref<2x128x128xf32, #tpu.memory_space<vmem>>, %arg8: memref<10240x128xf32, #tpu.memory_space<vmem_shared>>, %arg9: memref<!tpu.dma_semaphore, #tpu.memory_space<semaphore_mem>>, %arg10: memref<!tpu.dma_semaphore, #tpu.memory_space<semaphore_mem>>, %arg11: memref<!tpu.dma_semaphore, #tpu.memory_space<semaphore_mem>>, %arg12: memref<!tpu.dma_semaphore, #tpu.memory_space<semaphore_mem>>) attributes {dimension_semantics = [#tpu.dimension_semantics<core_parallel>, #tpu.dimension_semantics<subcore_parallel>], iteration_bounds = array<i64: 2, 16>, scalar_prefetch = 0 : i64, scratch_operands = 7 : i64, tpu.core_type = #tpu.core_type<sc_vector_subcore>, window_params = [{transform_indices = #map}, {transform_indices = #map}, {transform_indices = #map}, {transform_indices = #map}]} {
    %mul3A = arith.constant 16 : i32
    %mul3A_0 = arith.muli %arg0, %mul3A : i32
    %add3A = arith.addi %mul3A_0, %arg1 : i32
    %mul3A_1 = arith.constant 640 : i32
    %mul3A_2 = arith.muli %arg1, %mul3A_1 : i32
    %mul3A_3 = arith.constant 640 : i32
    %mul3A_4 = arith.muli %arg1, %mul3A_3 : i32
    "tpu.region"() ({
      %run_scoped3A = tpu.sem_alloc : memref<!tpu.dma_semaphore, #tpu.memory_space<semaphore_mem>>
      %dma_start3A_57 = arith.constant 0 : i32
      %dma_start3A_58 = tpu.memref_slice %arg8[%mul3A_4, %dma_start3A_57] : memref<10240x128xf32, #tpu.memory_space<vmem_shared>> -> memref<640x128xf32, #tpu.memory_space<vmem_shared>>
      %dma_start3A_59 = arith.constant 0 : i32
      %dma_start3A_60 = tpu.memref_slice %arg4[%mul3A_2, %dma_start3A_59] : memref<10240x128xf32, #tpu.memory_space<hbm>> -> memref<640x128xf32, #tpu.memory_space<hbm>>
      tpu.enqueue_dma source(%dma_start3A_60 : memref<640x128xf32, #tpu.memory_space<hbm>>) target(%dma_start3A_58 : memref<640x128xf32, #tpu.memory_space<vmem_shared>>) target_semaphore(%run_scoped3A : memref<!tpu.dma_semaphore, #tpu.memory_space<semaphore_mem>>)
      %dma_wait3A = arith.constant 0 : i32
      %dma_wait3A_61 = tpu.memref_slice %arg8[%mul3A_4, %dma_wait3A] : memref<10240x128xf32, #tpu.memory_space<vmem_shared>> -> memref<640x128xf32, #tpu.memory_space<vmem_shared>>
      %dma_wait3A_62 = arith.constant 0 : i32
      %dma_wait3A_63 = tpu.memref_slice %arg4[%mul3A_2, %dma_wait3A_62] : memref<10240x128xf32, #tpu.memory_space<hbm>> -> memref<640x128xf32, #tpu.memory_space<hbm>>
      tpu.wait_dma2 semaphore(%run_scoped3A : memref<!tpu.dma_semaphore, #tpu.memory_space<semaphore_mem>>) src(%dma_wait3A_63 : memref<640x128xf32, #tpu.memory_space<hbm>>) dst(%dma_wait3A_61 : memref<640x128xf32, #tpu.memory_space<vmem_shared>>)
      tpu.yield
    }) : () -> ()
    %mul3A_5 = arith.constant 80 : i32
    %mul3A_6 = arith.muli %add3A, %mul3A_5 : i32
    "tpu.region"() ({
      %run_scoped3A = tpu.sem_alloc : memref<!tpu.dma_semaphore, #tpu.memory_space<semaphore_mem>>
      %dma_start3A_57 = arith.constant 0 : i32
      %dma_start3A_58 = tpu.memref_slice %arg3[%mul3A_6, %dma_start3A_57] : memref<2560x128xi32, #tpu.memory_space<hbm>> -> memref<80x128xi32, #tpu.memory_space<hbm>>
      %dma_start3A_59 = arith.constant 0 : i32
      %dma_start3A_60 = tpu.memref_slice %arg3[%mul3A_6, %dma_start3A_59] : memref<2560x128xi32, #tpu.memory_space<hbm>> -> memref<80x128xi32, #tpu.memory_space<hbm>>
      tpu.enqueue_dma source(%dma_start3A_60 : memref<80x128xi32, #tpu.memory_space<hbm>>) target(%arg6 : memref<80x128xi32, #tpu.memory_space<vmem>>) target_semaphore(%run_scoped3A : memref<!tpu.dma_semaphore, #tpu.memory_space<semaphore_mem>>)
      %dma_wait3A = arith.constant 0 : i32
      %dma_wait3A_61 = tpu.memref_slice %arg3[%mul3A_6, %dma_wait3A] : memref<2560x128xi32, #tpu.memory_space<hbm>> -> memref<80x128xi32, #tpu.memory_space<hbm>>
      %dma_wait3A_62 = arith.constant 0 : i32
      %dma_wait3A_63 = tpu.memref_slice %arg3[%mul3A_6, %dma_wait3A_62] : memref<2560x128xi32, #tpu.memory_space<hbm>> -> memref<80x128xi32, #tpu.memory_space<hbm>>
      tpu.wait_dma2 semaphore(%run_scoped3A : memref<!tpu.dma_semaphore, #tpu.memory_space<semaphore_mem>>) src(%dma_wait3A_63 : memref<80x128xi32, #tpu.memory_space<hbm>>) dst(%arg6 : memref<80x128xi32, #tpu.memory_space<vmem>>)
      tpu.yield
    }) : () -> ()
    %barrier3A = arith.constant 0 : index
    tpu.barrier barrier_id(%barrier3A)
    %mul3A_7 = arith.constant 80 : i32
    %mul3A_8 = arith.muli %add3A, %mul3A_7 : i32
    %add3A_9 = arith.constant 0 : i32
    %add3A_10 = arith.addi %mul3A_8, %add3A_9 : i32
    %mul3A_11 = arith.constant 128 : i32
    %mul3A_12 = arith.muli %add3A_10, %mul3A_11 : i32
    %dma_start3A = arith.constant 0 : i32
    %dma_start3A_13 = arith.constant 0 : i32
    %dma_start3A_14 = arith.constant 0 : i32
    %dma_start3A_15 = tpu.memref_slice %arg7[%dma_start3A, %dma_start3A_13, %dma_start3A_14] : memref<2x128x128xf32, #tpu.memory_space<vmem>> -> memref<1x128x128xf32, #tpu.memory_space<vmem>>
    %dma_start3A_16 = tpu.memref_squeeze %dma_start3A_15 : memref<1x128x128xf32, #tpu.memory_space<vmem>> -> memref<128x128xf32, #tpu.memory_space<vmem>>
    %dma_start3A_17 = arith.constant 0 : i32
    %dma_start3A_18 = tpu.memref_slice %arg2[%mul3A_12, %dma_start3A_17] : memref<327680x128xf32, #tpu.memory_space<hbm>> -> memref<128x128xf32, #tpu.memory_space<hbm>>
    %dma_start3A_19 = arith.constant 0 : i32
    %dma_start3A_20 = arith.constant 0 : i32
    %dma_start3A_21 = tpu.memref_slice %arg7[%dma_start3A, %dma_start3A_19, %dma_start3A_20] : memref<2x128x128xf32, #tpu.memory_space<vmem>> -> memref<1x128x128xf32, #tpu.memory_space<vmem>>
    %dma_start3A_22 = tpu.memref_squeeze %dma_start3A_21 : memref<1x128x128xf32, #tpu.memory_space<vmem>> -> memref<128x128xf32, #tpu.memory_space<vmem>>
    %dma_start3A_23 = arith.constant 0 : i32
    %dma_start3A_24 = tpu.memref_slice %arg2[%mul3A_12, %dma_start3A_23] : memref<327680x128xf32, #tpu.memory_space<hbm>> -> memref<128x128xf32, #tpu.memory_space<hbm>>
    tpu.enqueue_dma source(%dma_start3A_24 : memref<128x128xf32, #tpu.memory_space<hbm>>) target(%dma_start3A_22 : memref<128x128xf32, #tpu.memory_space<vmem>>) target_semaphore(%arg9 : memref<!tpu.dma_semaphore, #tpu.memory_space<semaphore_mem>>)
    %mul3A_25 = arith.constant 80 : i32
    %mul3A_26 = arith.muli %add3A, %mul3A_25 : i32
    %add3A_27 = arith.constant 1 : i32
    %add3A_28 = arith.addi %mul3A_26, %add3A_27 : i32
    %mul3A_29 = arith.constant 128 : i32
    %mul3A_30 = arith.muli %add3A_28, %mul3A_29 : i32
    %dma_start3A_31 = arith.constant 1 : i32
    %dma_start3A_32 = arith.constant 0 : i32
    %dma_start3A_33 = arith.constant 0 : i32
    %dma_start3A_34 = tpu.memref_slice %arg7[%dma_start3A_31, %dma_start3A_32, %dma_start3A_33] : memref<2x128x128xf32, #tpu.memory_space<vmem>> -> memref<1x128x128xf32, #tpu.memory_space<vmem>>
    %dma_start3A_35 = tpu.memref_squeeze %dma_start3A_34 : memref<1x128x128xf32, #tpu.memory_space<vmem>> -> memref<128x128xf32, #tpu.memory_space<vmem>>
    %dma_start3A_36 = arith.constant 0 : i32
    %dma_start3A_37 = tpu.memref_slice %arg2[%mul3A_30, %dma_start3A_36] : memref<327680x128xf32, #tpu.memory_space<hbm>> -> memref<128x128xf32, #tpu.memory_space<hbm>>
    %dma_start3A_38 = arith.constant 0 : i32
    %dma_start3A_39 = arith.constant 0 : i32
    %dma_start3A_40 = tpu.memref_slice %arg7[%dma_start3A_31, %dma_start3A_38, %dma_start3A_39] : memref<2x128x128xf32, #tpu.memory_space<vmem>> -> memref<1x128x128xf32, #tpu.memory_space<vmem>>
    %dma_start3A_41 = tpu.memref_squeeze %dma_start3A_40 : memref<1x128x128xf32, #tpu.memory_space<vmem>> -> memref<128x128xf32, #tpu.memory_space<vmem>>
    %dma_start3A_42 = arith.constant 0 : i32
    %dma_start3A_43 = tpu.memref_slice %arg2[%mul3A_30, %dma_start3A_42] : memref<327680x128xf32, #tpu.memory_space<hbm>> -> memref<128x128xf32, #tpu.memory_space<hbm>>
    tpu.enqueue_dma source(%dma_start3A_43 : memref<128x128xf32, #tpu.memory_space<hbm>>) target(%dma_start3A_41 : memref<128x128xf32, #tpu.memory_space<vmem>>) target_semaphore(%arg10 : memref<!tpu.dma_semaphore, #tpu.memory_space<semaphore_mem>>)
    %scan3A = arith.constant 0 : i32
    %scan3A_44 = arith.constant 0 : i32
    %scan3A_45 = arith.constant 40 : i32
    %scan3A_46 = arith.addi %scan3A_44, %scan3A_45 : i32
    %scan3A_47 = arith.constant 1 : i32
    scf.for %scan3A_57 = %scan3A_44 to %scan3A_46 step %scan3A_47  : i32 {
      %mul3A_58 = arith.constant 2 : i32
      %mul3A_59 = arith.muli %scan3A_57, %mul3A_58 : i32
      %add3A_60 = arith.constant 0 : i32
      %add3A_61 = arith.addi %mul3A_59, %add3A_60 : i32
      %dma_wait3A = arith.constant 0 : i32
      %dma_wait3A_62 = arith.constant 0 : i32
      %dma_wait3A_63 = arith.constant 0 : i32
      %dma_wait3A_64 = tpu.memref_slice %arg7[%dma_wait3A, %dma_wait3A_62, %dma_wait3A_63] : memref<2x128x128xf32, #tpu.memory_space<vmem>> -> memref<1x128x128xf32, #tpu.memory_space<vmem>>
      %dma_wait3A_65 = tpu.memref_squeeze %dma_wait3A_64 : memref<1x128x128xf32, #tpu.memory_space<vmem>> -> memref<128x128xf32, #tpu.memory_space<vmem>>
      %dma_wait3A_66 = arith.constant 0 : i32
      %dma_wait3A_67 = arith.constant 0 : i32
      %dma_wait3A_68 = tpu.memref_slice %arg2[%dma_wait3A_66, %dma_wait3A_67] : memref<327680x128xf32, #tpu.memory_space<hbm>> -> memref<128x128xf32, #tpu.memory_space<hbm>>
      %dma_wait3A_69 = arith.constant 0 : i32
      %dma_wait3A_70 = arith.constant 0 : i32
      %dma_wait3A_71 = tpu.memref_slice %arg7[%dma_wait3A, %dma_wait3A_69, %dma_wait3A_70] : memref<2x128x128xf32, #tpu.memory_space<vmem>> -> memref<1x128x128xf32, #tpu.memory_space<vmem>>
      %dma_wait3A_72 = tpu.memref_squeeze %dma_wait3A_71 : memref<1x128x128xf32, #tpu.memory_space<vmem>> -> memref<128x128xf32, #tpu.memory_space<vmem>>
      %dma_wait3A_73 = arith.constant 0 : i32
      %dma_wait3A_74 = arith.constant 0 : i32
      %dma_wait3A_75 = tpu.memref_slice %arg2[%dma_wait3A_73, %dma_wait3A_74] : memref<327680x128xf32, #tpu.memory_space<hbm>> -> memref<128x128xf32, #tpu.memory_space<hbm>>
      tpu.wait_dma2 semaphore(%arg9 : memref<!tpu.dma_semaphore, #tpu.memory_space<semaphore_mem>>) src(%dma_wait3A_75 : memref<128x128xf32, #tpu.memory_space<hbm>>) dst(%dma_wait3A_72 : memref<128x128xf32, #tpu.memory_space<vmem>>)
      %dma_start3A_76 = arith.constant 0 : i32
      %dma_start3A_77 = arith.constant 0 : i32
      %dma_start3A_78 = arith.constant 0 : i32
      %dma_start3A_79 = tpu.memref_slice %arg7[%dma_start3A_76, %dma_start3A_77, %dma_start3A_78] : memref<2x128x128xf32, #tpu.memory_space<vmem>> -> memref<1x128x128xf32, #tpu.memory_space<vmem>>
      %dma_start3A_80 = tpu.memref_squeeze %dma_start3A_79 : memref<1x128x128xf32, #tpu.memory_space<vmem>> -> memref<128x128xf32, #tpu.memory_space<vmem>>
      %dma_start3A_81 = arith.constant 0 : i32
      %dma_start3A_82 = tpu.memref_slice %arg6[%add3A_61, %dma_start3A_81] : memref<80x128xi32, #tpu.memory_space<vmem>> -> memref<1x128xi32, #tpu.memory_space<vmem>>
      %dma_start3A_83 = tpu.memref_squeeze %dma_start3A_82 : memref<1x128xi32, #tpu.memory_space<vmem>> -> memref<128xi32, #tpu.memory_space<vmem>>
      %dma_start3A_84 = arith.constant 0 : i32
      %dma_start3A_85 = arith.constant 0 : i32
      %dma_start3A_86 = tpu.memref_slice %arg8[%dma_start3A_84, %dma_start3A_85] : memref<10240x128xf32, #tpu.memory_space<vmem_shared>> -> memref<10240x128xf32, #tpu.memory_space<vmem_shared>>
      tpu.enqueue_indirect_dma source(%dma_start3A_80 : memref<128x128xf32, #tpu.memory_space<vmem>>) target(%dma_start3A_86 : memref<10240x128xf32, #tpu.memory_space<vmem_shared>>) offsets(%dma_start3A_83 : memref<128xi32, #tpu.memory_space<vmem>>) semaphore(%arg11 : memref<!tpu.dma_semaphore, #tpu.memory_space<semaphore_mem>>) {add = true}
      %dma_wait3A_87 = arith.constant 0 : i32
      %dma_wait3A_88 = arith.constant 0 : i32
      %dma_wait3A_89 = arith.constant 0 : i32
      %dma_wait3A_90 = arith.constant 0 : i32
      %dma_wait3A_91 = tpu.memref_slice %arg7[%dma_wait3A_87, %dma_wait3A_89, %dma_wait3A_90] : memref<2x128x128xf32, #tpu.memory_space<vmem>> -> memref<1x128x128xf32, #tpu.memory_space<vmem>>
      %dma_wait3A_92 = tpu.memref_squeeze %dma_wait3A_91 : memref<1x128x128xf32, #tpu.memory_space<vmem>> -> memref<128x128xf32, #tpu.memory_space<vmem>>
      %dma_wait3A_93 = arith.constant 0 : i32
      %dma_wait3A_94 = tpu.memref_slice %arg6[%dma_wait3A_88, %dma_wait3A_93] : memref<80x128xi32, #tpu.memory_space<vmem>> -> memref<1x128xi32, #tpu.memory_space<vmem>>
      %dma_wait3A_95 = tpu.memref_squeeze %dma_wait3A_94 : memref<1x128xi32, #tpu.memory_space<vmem>> -> memref<128xi32, #tpu.memory_space<vmem>>
      %dma_wait3A_96 = arith.constant 0 : i32
      %dma_wait3A_97 = arith.constant 0 : i32
      %dma_wait3A_98 = tpu.memref_slice %arg8[%dma_wait3A_96, %dma_wait3A_97] : memref<10240x128xf32, #tpu.memory_space<vmem_shared>> -> memref<10240x128xf32, #tpu.memory_space<vmem_shared>>
      tpu.wait_indirect_dma semaphore(%arg11 : memref<!tpu.dma_semaphore, #tpu.memory_space<semaphore_mem>>) src(%dma_wait3A_92 : memref<128x128xf32, #tpu.memory_space<vmem>>) dst(%dma_wait3A_98 : memref<10240x128xf32, #tpu.memory_space<vmem_shared>>)
      %add3A_99 = arith.constant 2 : i32
      %add3A_100 = arith.addi %add3A_61, %add3A_99 : i32
      %lt3A = arith.constant 80 : i32
      %lt3A_101 = arith.cmpi slt, %add3A_100, %lt3A : i32
      %convert_element_type3A = arith.extui %lt3A_101 : i1 to i32
      %cond3A = arith.constant 0 : i32
      %cond3A_102 = arith.cmpi ne, %convert_element_type3A, %cond3A : i32
      scf.if %cond3A_102 {
        %mul3A_152 = arith.constant 80 : i32
        %mul3A_153 = arith.muli %add3A, %mul3A_152 : i32
        %add3A_154 = arith.addi %mul3A_153, %add3A_100 : i32
        %mul3A_155 = arith.constant 128 : i32
        %mul3A_156 = arith.muli %add3A_154, %mul3A_155 : i32
        %dma_start3A_157 = arith.constant 0 : i32
        %dma_start3A_158 = arith.constant 0 : i32
        %dma_start3A_159 = arith.constant 0 : i32
        %dma_start3A_160 = tpu.memref_slice %arg7[%dma_start3A_157, %dma_start3A_158, %dma_start3A_159] : memref<2x128x128xf32, #tpu.memory_space<vmem>> -> memref<1x128x128xf32, #tpu.memory_space<vmem>>
        %dma_start3A_161 = tpu.memref_squeeze %dma_start3A_160 : memref<1x128x128xf32, #tpu.memory_space<vmem>> -> memref<128x128xf32, #tpu.memory_space<vmem>>
        %dma_start3A_162 = arith.constant 0 : i32
        %dma_start3A_163 = tpu.memref_slice %arg2[%mul3A_156, %dma_start3A_162] : memref<327680x128xf32, #tpu.memory_space<hbm>> -> memref<128x128xf32, #tpu.memory_space<hbm>>
        %dma_start3A_164 = arith.constant 0 : i32
        %dma_start3A_165 = arith.constant 0 : i32
        %dma_start3A_166 = tpu.memref_slice %arg7[%dma_start3A_157, %dma_start3A_164, %dma_start3A_165] : memref<2x128x128xf32, #tpu.memory_space<vmem>> -> memref<1x128x128xf32, #tpu.memory_space<vmem>>
        %dma_start3A_167 = tpu.memref_squeeze %dma_start3A_166 : memref<1x128x128xf32, #tpu.memory_space<vmem>> -> memref<128x128xf32, #tpu.memory_space<vmem>>
        %dma_start3A_168 = arith.constant 0 : i32
        %dma_start3A_169 = tpu.memref_slice %arg2[%mul3A_156, %dma_start3A_168] : memref<327680x128xf32, #tpu.memory_space<hbm>> -> memref<128x128xf32, #tpu.memory_space<hbm>>
        tpu.enqueue_dma source(%dma_start3A_169 : memref<128x128xf32, #tpu.memory_space<hbm>>) target(%dma_start3A_167 : memref<128x128xf32, #tpu.memory_space<vmem>>) target_semaphore(%arg9 : memref<!tpu.dma_semaphore, #tpu.memory_space<semaphore_mem>>)
      } else {
      }
      %mul3A_103 = arith.constant 2 : i32
      %mul3A_104 = arith.muli %scan3A_57, %mul3A_103 : i32
      %add3A_105 = arith.constant 1 : i32
      %add3A_106 = arith.addi %mul3A_104, %add3A_105 : i32
      %dma_wait3A_107 = arith.constant 1 : i32
      %dma_wait3A_108 = arith.constant 0 : i32
      %dma_wait3A_109 = arith.constant 0 : i32
      %dma_wait3A_110 = tpu.memref_slice %arg7[%dma_wait3A_107, %dma_wait3A_108, %dma_wait3A_109] : memref<2x128x128xf32, #tpu.memory_space<vmem>> -> memref<1x128x128xf32, #tpu.memory_space<vmem>>
      %dma_wait3A_111 = tpu.memref_squeeze %dma_wait3A_110 : memref<1x128x128xf32, #tpu.memory_space<vmem>> -> memref<128x128xf32, #tpu.memory_space<vmem>>
      %dma_wait3A_112 = arith.constant 0 : i32
      %dma_wait3A_113 = arith.constant 0 : i32
      %dma_wait3A_114 = tpu.memref_slice %arg2[%dma_wait3A_112, %dma_wait3A_113] : memref<327680x128xf32, #tpu.memory_space<hbm>> -> memref<128x128xf32, #tpu.memory_space<hbm>>
      %dma_wait3A_115 = arith.constant 0 : i32
      %dma_wait3A_116 = arith.constant 0 : i32
      %dma_wait3A_117 = tpu.memref_slice %arg7[%dma_wait3A_107, %dma_wait3A_115, %dma_wait3A_116] : memref<2x128x128xf32, #tpu.memory_space<vmem>> -> memref<1x128x128xf32, #tpu.memory_space<vmem>>
      %dma_wait3A_118 = tpu.memref_squeeze %dma_wait3A_117 : memref<1x128x128xf32, #tpu.memory_space<vmem>> -> memref<128x128xf32, #tpu.memory_space<vmem>>
      %dma_wait3A_119 = arith.constant 0 : i32
      %dma_wait3A_120 = arith.constant 0 : i32
      %dma_wait3A_121 = tpu.memref_slice %arg2[%dma_wait3A_119, %dma_wait3A_120] : memref<327680x128xf32, #tpu.memory_space<hbm>> -> memref<128x128xf32, #tpu.memory_space<hbm>>
      tpu.wait_dma2 semaphore(%arg10 : memref<!tpu.dma_semaphore, #tpu.memory_space<semaphore_mem>>) src(%dma_wait3A_121 : memref<128x128xf32, #tpu.memory_space<hbm>>) dst(%dma_wait3A_118 : memref<128x128xf32, #tpu.memory_space<vmem>>)
      %dma_start3A_122 = arith.constant 1 : i32
      %dma_start3A_123 = arith.constant 0 : i32
      %dma_start3A_124 = arith.constant 0 : i32
      %dma_start3A_125 = tpu.memref_slice %arg7[%dma_start3A_122, %dma_start3A_123, %dma_start3A_124] : memref<2x128x128xf32, #tpu.memory_space<vmem>> -> memref<1x128x128xf32, #tpu.memory_space<vmem>>
      %dma_start3A_126 = tpu.memref_squeeze %dma_start3A_125 : memref<1x128x128xf32, #tpu.memory_space<vmem>> -> memref<128x128xf32, #tpu.memory_space<vmem>>
      %dma_start3A_127 = arith.constant 0 : i32
      %dma_start3A_128 = tpu.memref_slice %arg6[%add3A_106, %dma_start3A_127] : memref<80x128xi32, #tpu.memory_space<vmem>> -> memref<1x128xi32, #tpu.memory_space<vmem>>
      %dma_start3A_129 = tpu.memref_squeeze %dma_start3A_128 : memref<1x128xi32, #tpu.memory_space<vmem>> -> memref<128xi32, #tpu.memory_space<vmem>>
      %dma_start3A_130 = arith.constant 0 : i32
      %dma_start3A_131 = arith.constant 0 : i32
      %dma_start3A_132 = tpu.memref_slice %arg8[%dma_start3A_130, %dma_start3A_131] : memref<10240x128xf32, #tpu.memory_space<vmem_shared>> -> memref<10240x128xf32, #tpu.memory_space<vmem_shared>>
      tpu.enqueue_indirect_dma source(%dma_start3A_126 : memref<128x128xf32, #tpu.memory_space<vmem>>) target(%dma_start3A_132 : memref<10240x128xf32, #tpu.memory_space<vmem_shared>>) offsets(%dma_start3A_129 : memref<128xi32, #tpu.memory_space<vmem>>) semaphore(%arg12 : memref<!tpu.dma_semaphore, #tpu.memory_space<semaphore_mem>>) {add = true}
      %dma_wait3A_133 = arith.constant 1 : i32
      %dma_wait3A_134 = arith.constant 0 : i32
      %dma_wait3A_135 = arith.constant 0 : i32
      %dma_wait3A_136 = arith.constant 0 : i32
      %dma_wait3A_137 = tpu.memref_slice %arg7[%dma_wait3A_133, %dma_wait3A_135, %dma_wait3A_136] : memref<2x128x128xf32, #tpu.memory_space<vmem>> -> memref<1x128x128xf32, #tpu.memory_space<vmem>>
      %dma_wait3A_138 = tpu.memref_squeeze %dma_wait3A_137 : memref<1x128x128xf32, #tpu.memory_space<vmem>> -> memref<128x128xf32, #tpu.memory_space<vmem>>
      %dma_wait3A_139 = arith.constant 0 : i32
      %dma_wait3A_140 = tpu.memref_slice %arg6[%dma_wait3A_134, %dma_wait3A_139] : memref<80x128xi32, #tpu.memory_space<vmem>> -> memref<1x128xi32, #tpu.memory_space<vmem>>
      %dma_wait3A_141 = tpu.memref_squeeze %dma_wait3A_140 : memref<1x128xi32, #tpu.memory_space<vmem>> -> memref<128xi32, #tpu.memory_space<vmem>>
      %dma_wait3A_142 = arith.constant 0 : i32
      %dma_wait3A_143 = arith.constant 0 : i32
      %dma_wait3A_144 = tpu.memref_slice %arg8[%dma_wait3A_142, %dma_wait3A_143] : memref<10240x128xf32, #tpu.memory_space<vmem_shared>> -> memref<10240x128xf32, #tpu.memory_space<vmem_shared>>
      tpu.wait_indirect_dma semaphore(%arg12 : memref<!tpu.dma_semaphore, #tpu.memory_space<semaphore_mem>>) src(%dma_wait3A_138 : memref<128x128xf32, #tpu.memory_space<vmem>>) dst(%dma_wait3A_144 : memref<10240x128xf32, #tpu.memory_space<vmem_shared>>)
      %add3A_145 = arith.constant 2 : i32
      %add3A_146 = arith.addi %add3A_106, %add3A_145 : i32
      %lt3A_147 = arith.constant 80 : i32
      %lt3A_148 = arith.cmpi slt, %add3A_146, %lt3A_147 : i32
      %convert_element_type3A_149 = arith.extui %lt3A_148 : i1 to i32
      %cond3A_150 = arith.constant 0 : i32
      %cond3A_151 = arith.cmpi ne, %convert_element_type3A_149, %cond3A_150 : i32
      scf.if %cond3A_151 {
        %mul3A_152 = arith.constant 80 : i32
        %mul3A_153 = arith.muli %add3A, %mul3A_152 : i32
        %add3A_154 = arith.addi %mul3A_153, %add3A_146 : i32
        %mul3A_155 = arith.constant 128 : i32
        %mul3A_156 = arith.muli %add3A_154, %mul3A_155 : i32
        %dma_start3A_157 = arith.constant 1 : i32
        %dma_start3A_158 = arith.constant 0 : i32
        %dma_start3A_159 = arith.constant 0 : i32
        %dma_start3A_160 = tpu.memref_slice %arg7[%dma_start3A_157, %dma_start3A_158, %dma_start3A_159] : memref<2x128x128xf32, #tpu.memory_space<vmem>> -> memref<1x128x128xf32, #tpu.memory_space<vmem>>
        %dma_start3A_161 = tpu.memref_squeeze %dma_start3A_160 : memref<1x128x128xf32, #tpu.memory_space<vmem>> -> memref<128x128xf32, #tpu.memory_space<vmem>>
        %dma_start3A_162 = arith.constant 0 : i32
        %dma_start3A_163 = tpu.memref_slice %arg2[%mul3A_156, %dma_start3A_162] : memref<327680x128xf32, #tpu.memory_space<hbm>> -> memref<128x128xf32, #tpu.memory_space<hbm>>
        %dma_start3A_164 = arith.constant 0 : i32
        %dma_start3A_165 = arith.constant 0 : i32
        %dma_start3A_166 = tpu.memref_slice %arg7[%dma_start3A_157, %dma_start3A_164, %dma_start3A_165] : memref<2x128x128xf32, #tpu.memory_space<vmem>> -> memref<1x128x128xf32, #tpu.memory_space<vmem>>
        %dma_start3A_167 = tpu.memref_squeeze %dma_start3A_166 : memref<1x128x128xf32, #tpu.memory_space<vmem>> -> memref<128x128xf32, #tpu.memory_space<vmem>>
        %dma_start3A_168 = arith.constant 0 : i32
        %dma_start3A_169 = tpu.memref_slice %arg2[%mul3A_156, %dma_start3A_168] : memref<327680x128xf32, #tpu.memory_space<hbm>> -> memref<128x128xf32, #tpu.memory_space<hbm>>
        tpu.enqueue_dma source(%dma_start3A_169 : memref<128x128xf32, #tpu.memory_space<hbm>>) target(%dma_start3A_167 : memref<128x128xf32, #tpu.memory_space<vmem>>) target_semaphore(%arg10 : memref<!tpu.dma_semaphore, #tpu.memory_space<semaphore_mem>>)
      } else {
      }
    }
    %scan3A_48 = arith.constant 40 : i32
    %barrier3A_49 = arith.constant 0 : index
    tpu.barrier barrier_id(%barrier3A_49)
    %mul3A_50 = arith.constant 640 : i32
    %mul3A_51 = arith.muli %arg1, %mul3A_50 : i32
    %mul3A_52 = arith.constant 10240 : i32
    %mul3A_53 = arith.muli %arg0, %mul3A_52 : i32
    %mul3A_54 = arith.constant 640 : i32
    %mul3A_55 = arith.muli %arg1, %mul3A_54 : i32
    %add3A_56 = arith.addi %mul3A_53, %mul3A_55 : i32
    "tpu.region"() ({
      %run_scoped3A = tpu.sem_alloc : memref<!tpu.dma_semaphore, #tpu.memory_space<semaphore_mem>>
      %dma_start3A_57 = arith.constant 0 : i32
      %dma_start3A_58 = tpu.memref_slice %arg5[%add3A_56, %dma_start3A_57] : memref<20480x128xf32, #tpu.memory_space<hbm>> -> memref<640x128xf32, #tpu.memory_space<hbm>>
      %dma_start3A_59 = arith.constant 0 : i32
      %dma_start3A_60 = tpu.memref_slice %arg8[%mul3A_51, %dma_start3A_59] : memref<10240x128xf32, #tpu.memory_space<vmem_shared>> -> memref<640x128xf32, #tpu.memory_space<vmem_shared>>
      tpu.enqueue_dma source(%dma_start3A_60 : memref<640x128xf32, #tpu.memory_space<vmem_shared>>) target(%dma_start3A_58 : memref<640x128xf32, #tpu.memory_space<hbm>>) target_semaphore(%run_scoped3A : memref<!tpu.dma_semaphore, #tpu.memory_space<semaphore_mem>>)
      %dma_wait3A = arith.constant 0 : i32
      %dma_wait3A_61 = tpu.memref_slice %arg5[%add3A_56, %dma_wait3A] : memref<20480x128xf32, #tpu.memory_space<hbm>> -> memref<640x128xf32, #tpu.memory_space<hbm>>
      %dma_wait3A_62 = arith.constant 0 : i32
      %dma_wait3A_63 = tpu.memref_slice %arg8[%mul3A_51, %dma_wait3A_62] : memref<10240x128xf32, #tpu.memory_space<vmem_shared>> -> memref<640x128xf32, #tpu.memory_space<vmem_shared>>
      tpu.wait_dma2 semaphore(%run_scoped3A : memref<!tpu.dma_semaphore, #tpu.memory_space<semaphore_mem>>) src(%dma_wait3A_63 : memref<640x128xf32, #tpu.memory_space<vmem_shared>>) dst(%dma_wait3A_61 : memref<640x128xf32, #tpu.memory_space<hbm>>)
      tpu.yield
    }) : () -> ()
    return
  }
}

module attributes {stable_mosaic.version = 14 : i64} {
  func.func @body(%arg0: i32, %arg1: memref<2000x128xf32, #tpu.memory_space<vmem>>, %arg2: memref<128x128xf32, #tpu.memory_space<vmem>>, %arg3: memref<2000x128xf32, #tpu.memory_space<vmem>>) attributes {dimension_semantics = [#tpu.dimension_semantics<arbitrary>], iteration_bounds = array<i64: 5>, scalar_prefetch = 0 : i64, scratch_operands = 0 : i64, tpu.core_type = #tpu.core_type<tc>, window_params = [{transform_indices = @transform_0, window_bounds = array<i64: 2000, 128>}, {pipeline_mode = #tpu.pipeline_mode<synchronous>, transform_indices = @transform_1, window_bounds = array<i64: 128, 128>}, {transform_indices = @transform_2, window_bounds = array<i64: 2000, 128>}]} {
    %get3A = arith.constant 0 : index
    %get3A_0 = arith.constant 0 : index
    %get3A_1 = vector.load %arg1[%get3A, %get3A_0] : memref<2000x128xf32, #tpu.memory_space<vmem>>, vector<2000x128xf32>
    %get3A_2 = arith.constant 0 : index
    %get3A_3 = arith.constant 0 : index
    %get3A_4 = vector.load %arg2[%get3A_2, %get3A_3] : memref<128x128xf32, #tpu.memory_space<vmem>>, vector<128x128xf32>
    %dot_general3A = arith.constant dense<0.000000e+00> : vector<2000x128xf32>
    %dot_general3A_5 = tpu.matmul %get3A_1, %get3A_4, %dot_general3A {dimension_numbers = #tpu.dot_dimension_numbers<[1], [0], [0], [1], [0, 0, 1, 1], [], []>, transpose_lhs_hint = false} : vector<2000x128xf32>, vector<128x128xf32>, vector<2000x128xf32> -> vector<2000x128xf32>
    %swap3A = arith.constant 0 : index
    %swap3A_6 = arith.constant 0 : index
    %swap3A_7 = vector.load %arg3[%swap3A, %swap3A_6] : memref<2000x128xf32, #tpu.memory_space<vmem>>, vector<2000x128xf32>
    tpu.vector_store %arg3[%swap3A, %swap3A_6], %dot_general3A_5 {strides = array<i32>} : memref<2000x128xf32, #tpu.memory_space<vmem>>, vector<2000x128xf32>,
    return
  }
  func.func @transform_0(%arg0: i32) -> (i32, i32) {
    %c0_i32 = arith.constant 0 : i32
    %c0_i32_0 = arith.constant 0 : i32
    return %arg0, %c0_i32 : i32, i32
  }
  func.func @transform_1(%arg0: i32) -> (i32, i32) {
    %c0_i32 = arith.constant 0 : i32
    %c0_i32_0 = arith.constant 0 : i32
    %c0_i32_1 = arith.constant 0 : i32
    return %c0_i32, %c0_i32_0 : i32, i32
  }
  func.func @transform_2(%arg0: i32) -> (i32, i32) {
    %c0_i32 = arith.constant 0 : i32
    %c0_i32_0 = arith.constant 0 : i32
    return %arg0, %c0_i32 : i32, i32
  }
}

module attributes {stable_mosaic.version = 14 : i64} {
  func.func @body(%arg0: i32, %arg1: memref<1024x1xf32, #tpu.memory_space<vmem>>, %arg2: memref<1024x128xf32, #tpu.memory_space<vmem>>, %arg3: memref<64x128xf32, #tpu.memory_space<vmem>>, %arg4: memref<1x128xf32, #tpu.memory_space<vmem>>, %arg5: memref<128x128xf32, #tpu.memory_space<vmem>>, %arg6: memref<1x128xf32, #tpu.memory_space<vmem>>, %arg7: memref<1024x128xf32, #tpu.memory_space<vmem>>) attributes {dimension_semantics = [#tpu.dimension_semantics<arbitrary>], iteration_bounds = array<i64: 320>, scalar_prefetch = 0 : i64, scratch_operands = 0 : i64, tpu.core_type = #tpu.core_type<tc>, window_params = [{transform_indices = @transform_0, window_bounds = array<i64: 1024, 1>}, {transform_indices = @transform_1, window_bounds = array<i64: 1024, 128>}, {pipeline_mode = #tpu.pipeline_mode<synchronous>, transform_indices = @transform_2, window_bounds = array<i64: 64, 128>}, {pipeline_mode = #tpu.pipeline_mode<synchronous>, transform_indices = @transform_3, window_bounds = array<i64: 1, 128>}, {pipeline_mode = #tpu.pipeline_mode<synchronous>, transform_indices = @transform_4, window_bounds = array<i64: 128, 128>}, {pipeline_mode = #tpu.pipeline_mode<synchronous>, transform_indices = @transform_5, window_bounds = array<i64: 1, 128>}, {transform_indices = @transform_6, window_bounds = array<i64: 1024, 128>}]} {
    %iota3A = tpu.iota {dimensions = array<i32: 1>} : vector<1x64xi32>
    %convert_element_type3A = arith.sitofp %iota3A : vector<1x64xi32> to vector<1x64xf32>
    %mul3A = arith.constant 0.079365082 : f32
    %mul3A_0 = vector.broadcast %mul3A : f32 to vector<1x64xf32>
    %mul3A_1 = arith.mulf %convert_element_type3A, %mul3A_0 : vector<1x64xf32>
    %get3A = arith.constant 0 : index
    %get3A_2 = arith.constant 0 : index
    %get3A_3 = vector.load %arg1[%get3A, %get3A_2] : memref<1024x1xf32, #tpu.memory_space<vmem>>, vector<1024x1xf32>
    %add3A = arith.constant 9.99999996E-13 : f32
    %add3A_4 = vector.broadcast %add3A : f32 to vector<1024x1xf32>
    %add3A_5 = arith.addf %get3A_3, %add3A_4 : vector<1024x1xf32>
    %sqrt3A = math.sqrt %add3A_5 : vector<1024x1xf32>
    %sub3A = vector.broadcast %sqrt3A : vector<1024x1xf32> to vector<1024x64xf32>
    %sub3A_6 = vector.broadcast %mul3A_1 : vector<1x64xf32> to vector<1024x64xf32>
    %sub3A_7 = arith.subf %sub3A, %sub3A_6 : vector<1024x64xf32>
    %integer_pow3A = arith.mulf %sub3A_7, %sub3A_7 : vector<1024x64xf32>
    %mul3A_8 = arith.constant -7.938000e+01 : f32
    %mul3A_9 = vector.broadcast %mul3A_8 : f32 to vector<1024x64xf32>
    %mul3A_10 = arith.mulf %mul3A_9, %integer_pow3A : vector<1024x64xf32>
    %exp3A = math.exp %mul3A_10 : vector<1024x64xf32>
    %get3A_11 = arith.constant 0 : index
    %get3A_12 = arith.constant 0 : index
    %get3A_13 = vector.load %arg3[%get3A_11, %get3A_12] : memref<64x128xf32, #tpu.memory_space<vmem>>, vector<64x128xf32>
    %dot_general3A = arith.constant dense<0.000000e+00> : vector<1024x128xf32>
    %dot_general3A_14 = tpu.matmul %exp3A, %get3A_13, %dot_general3A {dimension_numbers = #tpu.dot_dimension_numbers<[1], [0], [0], [1], [0, 0, 1, 1], [], []>, transpose_lhs_hint = false} : vector<1024x64xf32>, vector<64x128xf32>, vector<1024x128xf32> -> vector<1024x128xf32>
    %get3A_15 = arith.constant 0 : index
    %get3A_16 = arith.constant 0 : index
    %get3A_17 = vector.load %arg4[%get3A_15, %get3A_16] : memref<1x128xf32, #tpu.memory_space<vmem>>, vector<1x128xf32>
    %add3A_18 = vector.broadcast %get3A_17 : vector<1x128xf32> to vector<1024x128xf32>
    %add3A_19 = arith.addf %dot_general3A_14, %add3A_18 : vector<1024x128xf32>
    %tanh3A = math.tanh %add3A_19 : vector<1024x128xf32>
    %get3A_20 = arith.constant 0 : index
    %get3A_21 = arith.constant 0 : index
    %get3A_22 = vector.load %arg5[%get3A_20, %get3A_21] : memref<128x128xf32, #tpu.memory_space<vmem>>, vector<128x128xf32>
    %dot_general3A_23 = arith.constant dense<0.000000e+00> : vector<1024x128xf32>
    %dot_general3A_24 = tpu.matmul %tanh3A, %get3A_22, %dot_general3A_23 {dimension_numbers = #tpu.dot_dimension_numbers<[1], [0], [0], [1], [0, 0, 1, 1], [], []>, transpose_lhs_hint = false} : vector<1024x128xf32>, vector<128x128xf32>, vector<1024x128xf32> -> vector<1024x128xf32>
    %get3A_25 = arith.constant 0 : index
    %get3A_26 = arith.constant 0 : index
    %get3A_27 = vector.load %arg6[%get3A_25, %get3A_26] : memref<1x128xf32, #tpu.memory_space<vmem>>, vector<1x128xf32>
    %add3A_28 = vector.broadcast %get3A_27 : vector<1x128xf32> to vector<1024x128xf32>
    %add3A_29 = arith.addf %dot_general3A_24, %add3A_28 : vector<1024x128xf32>
    %mul3A_30 = arith.constant 0.628318548 : f32
    %mul3A_31 = vector.broadcast %mul3A_30 : f32 to vector<1024x1xf32>
    %mul3A_32 = arith.mulf %sqrt3A, %mul3A_31 : vector<1024x1xf32>
    %cos3A = math.cos %mul3A_32 : vector<1024x1xf32>
    %add3A_33 = arith.constant 1.000000e+00 : f32
    %add3A_34 = vector.broadcast %add3A_33 : f32 to vector<1024x1xf32>
    %add3A_35 = arith.addf %cos3A, %add3A_34 : vector<1024x1xf32>
    %mul3A_36 = arith.constant 5.000000e-01 : f32
    %mul3A_37 = vector.broadcast %mul3A_36 : f32 to vector<1024x1xf32>
    %mul3A_38 = arith.mulf %mul3A_37, %add3A_35 : vector<1024x1xf32>
    %lt3A = arith.constant 5.000000e+00 : f32
    %lt3A_39 = vector.broadcast %lt3A : f32 to vector<1024x1xf32>
    %lt3A_40 = arith.cmpf olt, %sqrt3A, %lt3A_39 : vector<1024x1xf32>
    %convert_element_type3A_41 = arith.extui %lt3A_40 : vector<1024x1xi1> to vector<1024x1xi32>
    %convert_element_type3A_42 = arith.sitofp %convert_element_type3A_41 : vector<1024x1xi32> to vector<1024x1xf32>
    %mul3A_43 = arith.mulf %mul3A_38, %convert_element_type3A_42 : vector<1024x1xf32>
    %mul3A_44 = vector.broadcast %mul3A_43 : vector<1024x1xf32> to vector<1024x128xf32>
    %mul3A_45 = arith.mulf %add3A_29, %mul3A_44 : vector<1024x128xf32>
    %get3A_46 = arith.constant 0 : index
    %get3A_47 = arith.constant 0 : index
    %get3A_48 = vector.load %arg2[%get3A_46, %get3A_47] : memref<1024x128xf32, #tpu.memory_space<vmem>>, vector<1024x128xf32>
    %mul3A_49 = arith.mulf %mul3A_45, %get3A_48 : vector<1024x128xf32>
    %swap3A = arith.constant 0 : index
    %swap3A_50 = arith.constant 0 : index
    %swap3A_51 = vector.load %arg7[%swap3A, %swap3A_50] : memref<1024x128xf32, #tpu.memory_space<vmem>>, vector<1024x128xf32>
    tpu.vector_store %arg7[%swap3A, %swap3A_50], %mul3A_49 {strides = array<i32>} : memref<1024x128xf32, #tpu.memory_space<vmem>>, vector<1024x128xf32>,
    return
  }
  func.func @transform_0(%arg0: i32) -> (i32, i32) {
    %c0_i32 = arith.constant 0 : i32
    %c0_i32_0 = arith.constant 0 : i32
    return %arg0, %c0_i32 : i32, i32
  }
  func.func @transform_1(%arg0: i32) -> (i32, i32) {
    %c0_i32 = arith.constant 0 : i32
    %c0_i32_0 = arith.constant 0 : i32
    return %arg0, %c0_i32 : i32, i32
  }
  func.func @transform_2(%arg0: i32) -> (i32, i32) {
    %c0_i32 = arith.constant 0 : i32
    %c0_i32_0 = arith.constant 0 : i32
    %c0_i32_1 = arith.constant 0 : i32
    return %c0_i32, %c0_i32_0 : i32, i32
  }
  func.func @transform_3(%arg0: i32) -> (i32, i32) {
    %c0_i32 = arith.constant 0 : i32
    %c0_i32_0 = arith.constant 0 : i32
    %c0_i32_1 = arith.constant 0 : i32
    return %c0_i32, %c0_i32_0 : i32, i32
  }
  func.func @transform_4(%arg0: i32) -> (i32, i32) {
    %c0_i32 = arith.constant 0 : i32
    %c0_i32_0 = arith.constant 0 : i32
    %c0_i32_1 = arith.constant 0 : i32
    return %c0_i32, %c0_i32_0 : i32, i32
  }
  func.func @transform_5(%arg0: i32) -> (i32, i32) {
    %c0_i32 = arith.constant 0 : i32
    %c0_i32_0 = arith.constant 0 : i32
    %c0_i32_1 = arith.constant 0 : i32
    return %c0_i32, %c0_i32_0 : i32, i32
  }
  func.func @transform_6(%arg0: i32) -> (i32, i32) {
    %c0_i32 = arith.constant 0 : i32
    %c0_i32_0 = arith.constant 0 : i32
    return %arg0, %c0_i32 : i32, i32
  }
}

module attributes {stable_mosaic.version = 14 : i64} {
  func.func @body(%arg0: i32, %arg1: memref<2000x128xf32, #tpu.memory_space<vmem>>, %arg2: memref<2000x128xf32, #tpu.memory_space<vmem>>, %arg3: memref<2000x128xf32, #tpu.memory_space<vmem>>, %arg4: memref<128x128xf32, #tpu.memory_space<vmem>>, %arg5: memref<1x128xf32, #tpu.memory_space<vmem>>, %arg6: memref<128x128xf32, #tpu.memory_space<vmem>>, %arg7: memref<1x128xf32, #tpu.memory_space<vmem>>, %arg8: memref<128x128xf32, #tpu.memory_space<vmem>>, %arg9: memref<2000x128xf32, #tpu.memory_space<vmem>>, %arg10: memref<2000x128xf32, #tpu.memory_space<vmem>>) attributes {dimension_semantics = [#tpu.dimension_semantics<arbitrary>], iteration_bounds = array<i64: 5>, scalar_prefetch = 0 : i64, scratch_operands = 0 : i64, tpu.core_type = #tpu.core_type<tc>, window_params = [{transform_indices = @transform_0, window_bounds = array<i64: 2000, 128>}, {transform_indices = @transform_1, window_bounds = array<i64: 2000, 128>}, {transform_indices = @transform_2, window_bounds = array<i64: 2000, 128>}, {pipeline_mode = #tpu.pipeline_mode<synchronous>, transform_indices = @transform_3, window_bounds = array<i64: 128, 128>}, {pipeline_mode = #tpu.pipeline_mode<synchronous>, transform_indices = @transform_4, window_bounds = array<i64: 1, 128>}, {pipeline_mode = #tpu.pipeline_mode<synchronous>, transform_indices = @transform_5, window_bounds = array<i64: 128, 128>}, {pipeline_mode = #tpu.pipeline_mode<synchronous>, transform_indices = @transform_6, window_bounds = array<i64: 1, 128>}, {pipeline_mode = #tpu.pipeline_mode<synchronous>, transform_indices = @transform_7, window_bounds = array<i64: 128, 128>}, {transform_indices = @transform_8, window_bounds = array<i64: 2000, 128>}, {transform_indices = @transform_9, window_bounds = array<i64: 2000, 128>}]} {
    %get3A = arith.constant 0 : index
    %get3A_0 = arith.constant 0 : index
    %get3A_1 = vector.load %arg1[%get3A, %get3A_0] : memref<2000x128xf32, #tpu.memory_space<vmem>>, vector<2000x128xf32>
    %get3A_2 = arith.constant 0 : index
    %get3A_3 = arith.constant 0 : index
    %get3A_4 = vector.load %arg2[%get3A_2, %get3A_3] : memref<2000x128xf32, #tpu.memory_space<vmem>>, vector<2000x128xf32>
    %add3A = arith.addf %get3A_1, %get3A_4 : vector<2000x128xf32>
    %get3A_5 = arith.constant 0 : index
    %get3A_6 = arith.constant 0 : index
    %get3A_7 = vector.load %arg4[%get3A_5, %get3A_6] : memref<128x128xf32, #tpu.memory_space<vmem>>, vector<128x128xf32>
    %dot_general3A = arith.constant dense<0.000000e+00> : vector<2000x128xf32>
    %dot_general3A_8 = tpu.matmul %add3A, %get3A_7, %dot_general3A {dimension_numbers = #tpu.dot_dimension_numbers<[1], [0], [0], [1], [0, 0, 1, 1], [], []>, transpose_lhs_hint = false} : vector<2000x128xf32>, vector<128x128xf32>, vector<2000x128xf32> -> vector<2000x128xf32>
    %get3A_9 = arith.constant 0 : index
    %get3A_10 = arith.constant 0 : index
    %get3A_11 = vector.load %arg5[%get3A_9, %get3A_10] : memref<1x128xf32, #tpu.memory_space<vmem>>, vector<1x128xf32>
    %add3A_12 = vector.broadcast %get3A_11 : vector<1x128xf32> to vector<2000x128xf32>
    %add3A_13 = arith.addf %dot_general3A_8, %add3A_12 : vector<2000x128xf32>
    %tanh3A = math.tanh %add3A_13 : vector<2000x128xf32>
    %get3A_14 = arith.constant 0 : index
    %get3A_15 = arith.constant 0 : index
    %get3A_16 = vector.load %arg6[%get3A_14, %get3A_15] : memref<128x128xf32, #tpu.memory_space<vmem>>, vector<128x128xf32>
    %dot_general3A_17 = arith.constant dense<0.000000e+00> : vector<2000x128xf32>
    %dot_general3A_18 = tpu.matmul %tanh3A, %get3A_16, %dot_general3A_17 {dimension_numbers = #tpu.dot_dimension_numbers<[1], [0], [0], [1], [0, 0, 1, 1], [], []>, transpose_lhs_hint = false} : vector<2000x128xf32>, vector<128x128xf32>, vector<2000x128xf32> -> vector<2000x128xf32>
    %get3A_19 = arith.constant 0 : index
    %get3A_20 = arith.constant 0 : index
    %get3A_21 = vector.load %arg7[%get3A_19, %get3A_20] : memref<1x128xf32, #tpu.memory_space<vmem>>, vector<1x128xf32>
    %add3A_22 = vector.broadcast %get3A_21 : vector<1x128xf32> to vector<2000x128xf32>
    %add3A_23 = arith.addf %dot_general3A_18, %add3A_22 : vector<2000x128xf32>
    %get3A_24 = arith.constant 0 : index
    %get3A_25 = arith.constant 0 : index
    %get3A_26 = vector.load %arg3[%get3A_24, %get3A_25] : memref<2000x128xf32, #tpu.memory_space<vmem>>, vector<2000x128xf32>
    %add3A_27 = arith.addf %get3A_26, %add3A_23 : vector<2000x128xf32>
    %swap3A = arith.constant 0 : index
    %swap3A_28 = arith.constant 0 : index
    %swap3A_29 = vector.load %arg9[%swap3A, %swap3A_28] : memref<2000x128xf32, #tpu.memory_space<vmem>>, vector<2000x128xf32>
    tpu.vector_store %arg9[%swap3A, %swap3A_28], %add3A_27 {strides = array<i32>} : memref<2000x128xf32, #tpu.memory_space<vmem>>, vector<2000x128xf32>,
    %get3A_30 = arith.constant 0 : index
    %get3A_31 = arith.constant 0 : index
    %get3A_32 = vector.load %arg8[%get3A_30, %get3A_31] : memref<128x128xf32, #tpu.memory_space<vmem>>, vector<128x128xf32>
    %dot_general3A_33 = arith.constant dense<0.000000e+00> : vector<2000x128xf32>
    %dot_general3A_34 = tpu.matmul %add3A_27, %get3A_32, %dot_general3A_33 {dimension_numbers = #tpu.dot_dimension_numbers<[1], [0], [0], [1], [0, 0, 1, 1], [], []>, transpose_lhs_hint = false} : vector<2000x128xf32>, vector<128x128xf32>, vector<2000x128xf32> -> vector<2000x128xf32>
    %swap3A_35 = arith.constant 0 : index
    %swap3A_36 = arith.constant 0 : index
    %swap3A_37 = vector.load %arg10[%swap3A_35, %swap3A_36] : memref<2000x128xf32, #tpu.memory_space<vmem>>, vector<2000x128xf32>
    tpu.vector_store %arg10[%swap3A_35, %swap3A_36], %dot_general3A_34 {strides = array<i32>} : memref<2000x128xf32, #tpu.memory_space<vmem>>, vector<2000x128xf32>,
    return
  }
  func.func @transform_0(%arg0: i32) -> (i32, i32) {
    %c0_i32 = arith.constant 0 : i32
    %c0_i32_0 = arith.constant 0 : i32
    return %arg0, %c0_i32 : i32, i32
  }
  func.func @transform_1(%arg0: i32) -> (i32, i32) {
    %c0_i32 = arith.constant 0 : i32
    %c0_i32_0 = arith.constant 0 : i32
    return %arg0, %c0_i32 : i32, i32
  }
  func.func @transform_2(%arg0: i32) -> (i32, i32) {
    %c0_i32 = arith.constant 0 : i32
    %c0_i32_0 = arith.constant 0 : i32
    return %arg0, %c0_i32 : i32, i32
  }
  func.func @transform_3(%arg0: i32) -> (i32, i32) {
    %c0_i32 = arith.constant 0 : i32
    %c0_i32_0 = arith.constant 0 : i32
    %c0_i32_1 = arith.constant 0 : i32
    return %c0_i32, %c0_i32_0 : i32, i32
  }
  func.func @transform_4(%arg0: i32) -> (i32, i32) {
    %c0_i32 = arith.constant 0 : i32
    %c0_i32_0 = arith.constant 0 : i32
    %c0_i32_1 = arith.constant 0 : i32
    return %c0_i32, %c0_i32_0 : i32, i32
  }
  func.func @transform_5(%arg0: i32) -> (i32, i32) {
    %c0_i32 = arith.constant 0 : i32
    %c0_i32_0 = arith.constant 0 : i32
    %c0_i32_1 = arith.constant 0 : i32
    return %c0_i32, %c0_i32_0 : i32, i32
  }
  func.func @transform_6(%arg0: i32) -> (i32, i32) {
    %c0_i32 = arith.constant 0 : i32
    %c0_i32_0 = arith.constant 0 : i32
    %c0_i32_1 = arith.constant 0 : i32
    return %c0_i32, %c0_i32_0 : i32, i32
  }
  func.func @transform_7(%arg0: i32) -> (i32, i32) {
    %c0_i32 = arith.constant 0 : i32
    %c0_i32_0 = arith.constant 0 : i32
    %c0_i32_1 = arith.constant 0 : i32
    return %c0_i32, %c0_i32_0 : i32, i32
  }
  func.func @transform_8(%arg0: i32) -> (i32, i32) {
    %c0_i32 = arith.constant 0 : i32
    %c0_i32_0 = arith.constant 0 : i32
    return %arg0, %c0_i32 : i32, i32
  }
  func.func @transform_9(%arg0: i32) -> (i32, i32) {
    %c0_i32 = arith.constant 0 : i32
    %c0_i32_0 = arith.constant 0 : i32
    return %arg0, %c0_i32 : i32, i32
  }
}

module attributes {stable_mosaic.version = 14 : i64} {
  func.func @body(%arg0: i32, %arg1: memref<2000x128xf32, #tpu.memory_space<vmem>>, %arg2: memref<2000x128xf32, #tpu.memory_space<vmem>>, %arg3: memref<2000x128xf32, #tpu.memory_space<vmem>>, %arg4: memref<128x128xf32, #tpu.memory_space<vmem>>, %arg5: memref<1x128xf32, #tpu.memory_space<vmem>>, %arg6: memref<128x128xf32, #tpu.memory_space<vmem>>, %arg7: memref<1x128xf32, #tpu.memory_space<vmem>>, %arg8: memref<2000x128xf32, #tpu.memory_space<vmem>>) attributes {dimension_semantics = [#tpu.dimension_semantics<arbitrary>], iteration_bounds = array<i64: 5>, scalar_prefetch = 0 : i64, scratch_operands = 0 : i64, tpu.core_type = #tpu.core_type<tc>, window_params = [{transform_indices = @transform_0, window_bounds = array<i64: 2000, 128>}, {transform_indices = @transform_1, window_bounds = array<i64: 2000, 128>}, {transform_indices = @transform_2, window_bounds = array<i64: 2000, 128>}, {pipeline_mode = #tpu.pipeline_mode<synchronous>, transform_indices = @transform_3, window_bounds = array<i64: 128, 128>}, {pipeline_mode = #tpu.pipeline_mode<synchronous>, transform_indices = @transform_4, window_bounds = array<i64: 1, 128>}, {pipeline_mode = #tpu.pipeline_mode<synchronous>, transform_indices = @transform_5, window_bounds = array<i64: 128, 128>}, {pipeline_mode = #tpu.pipeline_mode<synchronous>, transform_indices = @transform_6, window_bounds = array<i64: 1, 128>}, {transform_indices = @transform_7, window_bounds = array<i64: 2000, 128>}]} {
    %get3A = arith.constant 0 : index
    %get3A_0 = arith.constant 0 : index
    %get3A_1 = vector.load %arg1[%get3A, %get3A_0] : memref<2000x128xf32, #tpu.memory_space<vmem>>, vector<2000x128xf32>
    %get3A_2 = arith.constant 0 : index
    %get3A_3 = arith.constant 0 : index
    %get3A_4 = vector.load %arg2[%get3A_2, %get3A_3] : memref<2000x128xf32, #tpu.memory_space<vmem>>, vector<2000x128xf32>
    %add3A = arith.addf %get3A_1, %get3A_4 : vector<2000x128xf32>
    %get3A_5 = arith.constant 0 : index
    %get3A_6 = arith.constant 0 : index
    %get3A_7 = vector.load %arg4[%get3A_5, %get3A_6] : memref<128x128xf32, #tpu.memory_space<vmem>>, vector<128x128xf32>
    %dot_general3A = arith.constant dense<0.000000e+00> : vector<2000x128xf32>
    %dot_general3A_8 = tpu.matmul %add3A, %get3A_7, %dot_general3A {dimension_numbers = #tpu.dot_dimension_numbers<[1], [0], [0], [1], [0, 0, 1, 1], [], []>, transpose_lhs_hint = false} : vector<2000x128xf32>, vector<128x128xf32>, vector<2000x128xf32> -> vector<2000x128xf32>
    %get3A_9 = arith.constant 0 : index
    %get3A_10 = arith.constant 0 : index
    %get3A_11 = vector.load %arg5[%get3A_9, %get3A_10] : memref<1x128xf32, #tpu.memory_space<vmem>>, vector<1x128xf32>
    %add3A_12 = vector.broadcast %get3A_11 : vector<1x128xf32> to vector<2000x128xf32>
    %add3A_13 = arith.addf %dot_general3A_8, %add3A_12 : vector<2000x128xf32>
    %tanh3A = math.tanh %add3A_13 : vector<2000x128xf32>
    %get3A_14 = arith.constant 0 : index
    %get3A_15 = arith.constant 0 : index
    %get3A_16 = vector.load %arg6[%get3A_14, %get3A_15] : memref<128x128xf32, #tpu.memory_space<vmem>>, vector<128x128xf32>
    %dot_general3A_17 = arith.constant dense<0.000000e+00> : vector<2000x128xf32>
    %dot_general3A_18 = tpu.matmul %tanh3A, %get3A_16, %dot_general3A_17 {dimension_numbers = #tpu.dot_dimension_numbers<[1], [0], [0], [1], [0, 0, 1, 1], [], []>, transpose_lhs_hint = false} : vector<2000x128xf32>, vector<128x128xf32>, vector<2000x128xf32> -> vector<2000x128xf32>
    %get3A_19 = arith.constant 0 : index
    %get3A_20 = arith.constant 0 : index
    %get3A_21 = vector.load %arg7[%get3A_19, %get3A_20] : memref<1x128xf32, #tpu.memory_space<vmem>>, vector<1x128xf32>
    %add3A_22 = vector.broadcast %get3A_21 : vector<1x128xf32> to vector<2000x128xf32>
    %add3A_23 = arith.addf %dot_general3A_18, %add3A_22 : vector<2000x128xf32>
    %get3A_24 = arith.constant 0 : index
    %get3A_25 = arith.constant 0 : index
    %get3A_26 = vector.load %arg3[%get3A_24, %get3A_25] : memref<2000x128xf32, #tpu.memory_space<vmem>>, vector<2000x128xf32>
    %add3A_27 = arith.addf %get3A_26, %add3A_23 : vector<2000x128xf32>
    %swap3A = arith.constant 0 : index
    %swap3A_28 = arith.constant 0 : index
    %swap3A_29 = vector.load %arg8[%swap3A, %swap3A_28] : memref<2000x128xf32, #tpu.memory_space<vmem>>, vector<2000x128xf32>
    tpu.vector_store %arg8[%swap3A, %swap3A_28], %add3A_27 {strides = array<i32>} : memref<2000x128xf32, #tpu.memory_space<vmem>>, vector<2000x128xf32>,
    return
  }
  func.func @transform_0(%arg0: i32) -> (i32, i32) {
    %c0_i32 = arith.constant 0 : i32
    %c0_i32_0 = arith.constant 0 : i32
    return %arg0, %c0_i32 : i32, i32
  }
  func.func @transform_1(%arg0: i32) -> (i32, i32) {
    %c0_i32 = arith.constant 0 : i32
    %c0_i32_0 = arith.constant 0 : i32
    return %arg0, %c0_i32 : i32, i32
  }
  func.func @transform_2(%arg0: i32) -> (i32, i32) {
    %c0_i32 = arith.constant 0 : i32
    %c0_i32_0 = arith.constant 0 : i32
    return %arg0, %c0_i32 : i32, i32
  }
  func.func @transform_3(%arg0: i32) -> (i32, i32) {
    %c0_i32 = arith.constant 0 : i32
    %c0_i32_0 = arith.constant 0 : i32
    %c0_i32_1 = arith.constant 0 : i32
    return %c0_i32, %c0_i32_0 : i32, i32
  }
  func.func @transform_4(%arg0: i32) -> (i32, i32) {
    %c0_i32 = arith.constant 0 : i32
    %c0_i32_0 = arith.constant 0 : i32
    %c0_i32_1 = arith.constant 0 : i32
    return %c0_i32, %c0_i32_0 : i32, i32
  }
  func.func @transform_5(%arg0: i32) -> (i32, i32) {
    %c0_i32 = arith.constant 0 : i32
    %c0_i32_0 = arith.constant 0 : i32
    %c0_i32_1 = arith.constant 0 : i32
    return %c0_i32, %c0_i32_0 : i32, i32
  }
  func.func @transform_6(%arg0: i32) -> (i32, i32) {
    %c0_i32 = arith.constant 0 : i32
    %c0_i32_0 = arith.constant 0 : i32
    %c0_i32_1 = arith.constant 0 : i32
    return %c0_i32, %c0_i32_0 : i32, i32
  }
  func.func @transform_7(%arg0: i32) -> (i32, i32) {
    %c0_i32 = arith.constant 0 : i32
    %c0_i32_0 = arith.constant 0 : i32
    return %arg0, %c0_i32 : i32, i32
  }
}

module attributes {stable_mosaic.version = 14 : i64} {
  func.func @body(%arg0: i32, %arg1: memref<2000x128xf32, #tpu.memory_space<vmem>>, %arg2: memref<2000x1xi32, #tpu.memory_space<vmem>>, %arg3: memref<128x64xf32, #tpu.memory_space<vmem>>, %arg4: memref<1x64xf32, #tpu.memory_space<vmem>>, %arg5: memref<64x1xf32, #tpu.memory_space<vmem>>, %arg6: memref<1x1xf32, #tpu.memory_space<vmem>>, %arg7: memref<1x64xf32, #tpu.memory_space<vmem>>) attributes {dimension_semantics = [#tpu.dimension_semantics<arbitrary>], iteration_bounds = array<i64: 5>, scalar_prefetch = 0 : i64, scratch_operands = 0 : i64, tpu.core_type = #tpu.core_type<tc>, window_params = [{transform_indices = @transform_0, window_bounds = array<i64: 2000, 128>}, {transform_indices = @transform_1, window_bounds = array<i64: 2000, 1>}, {pipeline_mode = #tpu.pipeline_mode<synchronous>, transform_indices = @transform_2, window_bounds = array<i64: 128, 64>}, {pipeline_mode = #tpu.pipeline_mode<synchronous>, transform_indices = @transform_3, window_bounds = array<i64: 1, 64>}, {pipeline_mode = #tpu.pipeline_mode<synchronous>, transform_indices = @transform_4, window_bounds = array<i64: 64, 1>}, {pipeline_mode = #tpu.pipeline_mode<synchronous>, transform_indices = @transform_5, window_bounds = array<i64: 1, 1>}, {pipeline_mode = #tpu.pipeline_mode<synchronous>, transform_indices = @transform_6, window_bounds = array<i64: 1, 64>}]} {
    %get3A = arith.constant 0 : index
    %get3A_0 = arith.constant 0 : index
    %get3A_1 = vector.load %arg1[%get3A, %get3A_0] : memref<2000x128xf32, #tpu.memory_space<vmem>>, vector<2000x128xf32>
    %get3A_2 = arith.constant 0 : index
    %get3A_3 = arith.constant 0 : index
    %get3A_4 = vector.load %arg3[%get3A_2, %get3A_3] : memref<128x64xf32, #tpu.memory_space<vmem>>, vector<128x64xf32>
    %dot_general3A = arith.constant dense<0.000000e+00> : vector<2000x64xf32>
    %dot_general3A_5 = tpu.matmul %get3A_1, %get3A_4, %dot_general3A {dimension_numbers = #tpu.dot_dimension_numbers<[1], [0], [0], [1], [0, 0, 1, 1], [], []>, transpose_lhs_hint = false} : vector<2000x128xf32>, vector<128x64xf32>, vector<2000x64xf32> -> vector<2000x64xf32>
    %get3A_6 = arith.constant 0 : index
    %get3A_7 = arith.constant 0 : index
    %get3A_8 = vector.load %arg4[%get3A_6, %get3A_7] : memref<1x64xf32, #tpu.memory_space<vmem>>, vector<1x64xf32>
    %add3A = vector.broadcast %get3A_8 : vector<1x64xf32> to vector<2000x64xf32>
    %add3A_9 = arith.addf %dot_general3A_5, %add3A : vector<2000x64xf32>
    %tanh3A = math.tanh %add3A_9 : vector<2000x64xf32>
    %get3A_10 = arith.constant 0 : index
    %get3A_11 = arith.constant 0 : index
    %get3A_12 = vector.load %arg5[%get3A_10, %get3A_11] : memref<64x1xf32, #tpu.memory_space<vmem>>, vector<64x1xf32>
    %dot_general3A_13 = arith.constant dense<0.000000e+00> : vector<2000x1xf32>
    %dot_general3A_14 = tpu.matmul %tanh3A, %get3A_12, %dot_general3A_13 {dimension_numbers = #tpu.dot_dimension_numbers<[1], [0], [0], [1], [0, 0, 1, 1], [], []>, transpose_lhs_hint = false} : vector<2000x64xf32>, vector<64x1xf32>, vector<2000x1xf32> -> vector<2000x1xf32>
    %get3A_15 = arith.constant 0 : index
    %get3A_16 = arith.constant 0 : index
    %get3A_17 = vector.load %arg6[%get3A_15, %get3A_16] : memref<1x1xf32, #tpu.memory_space<vmem>>, vector<1x1xf32>
    %add3A_18 = vector.broadcast %get3A_17 : vector<1x1xf32> to vector<2000x1xf32>
    %add3A_19 = arith.addf %dot_general3A_14, %add3A_18 : vector<2000x1xf32>
    %iota3A = tpu.iota {dimensions = array<i32: 1>} : vector<1x64xi32>
    %get3A_20 = arith.constant 0 : index
    %get3A_21 = arith.constant 0 : index
    %get3A_22 = vector.load %arg2[%get3A_20, %get3A_21] : memref<2000x1xi32, #tpu.memory_space<vmem>>, vector<2000x1xi32>
    %eq3A = vector.broadcast %get3A_22 : vector<2000x1xi32> to vector<2000x64xi32>
    %eq3A_23 = vector.broadcast %iota3A : vector<1x64xi32> to vector<2000x64xi32>
    %eq3A_24 = arith.cmpi eq, %eq3A, %eq3A_23 : vector<2000x64xi32>
    %convert_element_type3A = arith.extui %eq3A_24 : vector<2000x64xi1> to vector<2000x64xi32>
    %convert_element_type3A_25 = arith.sitofp %convert_element_type3A : vector<2000x64xi32> to vector<2000x64xf32>
    %mul3A = vector.broadcast %add3A_19 : vector<2000x1xf32> to vector<2000x64xf32>
    %mul3A_26 = arith.mulf %mul3A, %convert_element_type3A_25 : vector<2000x64xf32>
    %reduce_sum3A = arith.constant dense<0.000000e+00> : vector<64xf32>
    %reduce_sum3A_27 = vector.multi_reduction <add>, %mul3A_26, %reduce_sum3A [0] : vector<2000x64xf32> to vector<64xf32>
    %broadcast_in_dim3A = vector.shape_cast %reduce_sum3A_27 : vector<64xf32> to vector<1x64xf32>
    %eq3A_28 = arith.constant 0 : i32
    %eq3A_29 = arith.cmpi eq, %arg0, %eq3A_28 : i32
    %convert_element_type3A_30 = arith.extui %eq3A_29 : i1 to i32
    %cond3A = arith.constant 0 : i32
    %cond3A_31 = arith.cmpi ne, %convert_element_type3A_30, %cond3A : i32
    scf.if %cond3A_31 {
      %broadcast_in_dim3A_38 = arith.constant 0.000000e+00 : f32
      %broadcast_in_dim3A_39 = vector.broadcast %broadcast_in_dim3A_38 : f32 to vector<1x64xf32>
      %swap3A_40 = arith.constant 0 : index
      %swap3A_41 = arith.constant 0 : index
      %swap3A_42 = vector.load %arg7[%swap3A_40, %swap3A_41] : memref<1x64xf32, #tpu.memory_space<vmem>>, vector<1x64xf32>
      tpu.vector_store %arg7[%swap3A_40, %swap3A_41], %broadcast_in_dim3A_39 {strides = array<i32>} : memref<1x64xf32, #tpu.memory_space<vmem>>, vector<1x64xf32>,
    } else {
    }
    %get3A_32 = arith.constant 0 : index
    %get3A_33 = arith.constant 0 : index
    %get3A_34 = vector.load %arg7[%get3A_32, %get3A_33] : memref<1x64xf32, #tpu.memory_space<vmem>>, vector<1x64xf32>
    %add3A_35 = arith.addf %get3A_34, %broadcast_in_dim3A : vector<1x64xf32>
    %swap3A = arith.constant 0 : index
    %swap3A_36 = arith.constant 0 : index
    %swap3A_37 = vector.load %arg7[%swap3A, %swap3A_36] : memref<1x64xf32, #tpu.memory_space<vmem>>, vector<1x64xf32>
    tpu.vector_store %arg7[%swap3A, %swap3A_36], %add3A_35 {strides = array<i32>} : memref<1x64xf32, #tpu.memory_space<vmem>>, vector<1x64xf32>,
    return
  }
  func.func @transform_0(%arg0: i32) -> (i32, i32) {
    %c0_i32 = arith.constant 0 : i32
    %c0_i32_0 = arith.constant 0 : i32
    return %arg0, %c0_i32 : i32, i32
  }
  func.func @transform_1(%arg0: i32) -> (i32, i32) {
    %c0_i32 = arith.constant 0 : i32
    %c0_i32_0 = arith.constant 0 : i32
    return %arg0, %c0_i32 : i32, i32
  }
  func.func @transform_2(%arg0: i32) -> (i32, i32) {
    %c0_i32 = arith.constant 0 : i32
    %c0_i32_0 = arith.constant 0 : i32
    %c0_i32_1 = arith.constant 0 : i32
    return %c0_i32, %c0_i32_0 : i32, i32
  }
  func.func @transform_3(%arg0: i32) -> (i32, i32) {
    %c0_i32 = arith.constant 0 : i32
    %c0_i32_0 = arith.constant 0 : i32
    %c0_i32_1 = arith.constant 0 : i32
    return %c0_i32, %c0_i32_0 : i32, i32
  }
  func.func @transform_4(%arg0: i32) -> (i32, i32) {
    %c0_i32 = arith.constant 0 : i32
    %c0_i32_0 = arith.constant 0 : i32
    %c0_i32_1 = arith.constant 0 : i32
    return %c0_i32, %c0_i32_0 : i32, i32
  }
  func.func @transform_5(%arg0: i32) -> (i32, i32) {
    %c0_i32 = arith.constant 0 : i32
    %c0_i32_0 = arith.constant 0 : i32
    %c0_i32_1 = arith.constant 0 : i32
    return %c0_i32, %c0_i32_0 : i32, i32
  }
  func.func @transform_6(%arg0: i32) -> (i32, i32) {
    %c0_i32 = arith.constant 0 : i32
    %c0_i32_0 = arith.constant 0 : i32
    %c0_i32_1 = arith.constant 0 : i32
    return %c0_i32, %c0_i32_0 : i32, i32
  }
}

</mosaic_0001>

<sc_bundles>
// kernel: kernel.18.cloned.1.call-start
scs
__scs_entry_jumppad:
0x0: {  	(pc) =	sbr.rel $0x88, $3  }
0x1: {  	(tag) =	ssettag $0x0;
	lr =	simm.s32 $0x1  }
0x2: {  	[smem:$0x3F8F] =	sst lr;
	_ =	strace $0xD0000000  }
0x3: {  	_ = 	snop  }
0x4: {  	_ = 	snop  }
0x5: {  	_ = 	snop  }
0x6: {  	_ = 	snop  }
0x7: {  	_ = 	snop  }
__scs_overlays_trampoline_lowered:
0x8: {  	[smem:$0x3F9E] =	sst s0  }
0x9: {  	[smem:$0x3F9F] =	sst s1  }
0xa: {  	[smem:$0x3FA0] =	sst s2  }
0xb: {  	[smem:$0x3FA1] =	sst s3  }
0xc: {  	[smem:$0x3FA2] =	sst s4  }
0xd: {  	[smem:$0x3FA3] =	sst s5  }
0xe: {  	[smem:$0x3FA4] =	sst s6  }
0xf: {  	[smem:$0x3FA5] =	sst s7  }
0x10: {  	[smem:$0x3FA6] =	sst s8  }
0x11: {  	[smem:$0x3FA7] =	sst s9;
	s0 =	simm.s32 @!p0 $0x0  }
0x12: {  	s1 =	sld [smem:$0x3F8D];
	s0 =	simm.s32 @p0 $0x1  }
0x13: {  	[smem:$0x3FA8] =	sst s0;
	s0 =	simm.s32 @!p1 $0x0  }
0x14: {  	s2 =	sld [smem:$0x3F8C];
	s0 =	simm.s32 @p1 $0x1  }
0x15: {  	[smem:$0x3FA9] =	sst s0;
	s0 =	simm.s32 @!p2 $0x0  }
0x16: {  	s3 =	sld [smem:$0x3FDB];
	s0 =	simm.s32 @p2 $0x1  }
0x17: {  	s4 =	simm.s32 $0x1BF5;
	[smem:$0x3FAB] =	sst s0  }
0x18: {  	s0 =	sld [smem:$0x3F8E];
	_ =	swait.ge [sflag:s4], $0x0  }
0x19: {  	s7 =	sld [smem:$0x3F8F]  }
0x1a: {  	s8 =	sadd.s32 $0xFFFFE003, lr  }
0x1b: {  	s9 =	sadd.s32 $0xFFFFFEF7, lr;
	s5 =	simm.s32 $0xFFFFFFFF;
	p2 =	slt.u32 s8, $0xFFFFF086  }
0x1c: {  	p1 =	slt.u32 s9, $0xF7A;
	s5 =	simm.s32 @!p2 $0x0  }
0x1d: {  	s5 =	simm.s32 @p1 $0x1;
	p0 =	seq.s32 s7, s2  }
0x1e: {  	s7 =	smul.u32 @!p0 $0xF7A, s2;
	p2 =	seq.s32 @!p0 s5, $0x0  }
0x1f: {  	s9 =	smul.u32 $0xF7A, s1;
	s8 =	simm.s32 @!p0 $0x1BF5;
	p2 =	por !p2, p0  }
0x20: {  	[sflag:s8] =	ssyncset.s32 @!p0 $0xFFFFF086;
	s6 =	sadd.s32 @!p0 s3, s7;
	s7 =	simm.s32 @!p0 $0x108  }
0x21: {  	s3 =	sadd.s32 s3, s9;
	s6 =	sadd.s32 @!p0 $0x88, s6;
	s7 =	simm.s32 @p2 $0x1082  }
0x22: {  	[simem:s7], [sflag:s8] =	dma.local @!p0 [hbm:s6], $0xF7A  }
0x23: {  	s9 =	sor.u32 $0xD0000000, s2;
	s6 =	simm.s32 $0x108;
	_ =	swait.ge @!p0 [sflag:s8], $0x0  }
0x24: {  	s3 =	sadd.s32 $0x88, s3;
	s6 =	simm.s32 @!p1 $0x1082;
	[sflag:s4] =	ssyncset.s32 $0xFFFFF086  }
0x25: {  	[simem:s6], [sflag:s4] =	dma.local [hbm:s3], $0xF7A  }
0x26: {  	[smem:$0x3F8F] =	sst s1;
	(tag) =	ssettag s2;
	_ =	strace s9  }
0x27: {  	s1 =	sld [smem:$0x3F9F]  }
0x28: {  	s2 =	sld [smem:$0x3FA0]  }
0x29: {  	s4 =	sld [smem:$0x3FA2]  }
0x2a: {  	p0 =	seq.s32 s5, $0x0;
	s5 =	sld [smem:$0x3FA3]  }
0x2b: {  	s6 =	sld [smem:$0x3FA4]  }
0x2c: {  	s7 =	sld [smem:$0x3FA5]  }
0x2d: {  	s3 =	simm.s32 $0x108;
	s8 =	sld [smem:$0x3FA6]  }
0x2e: {  	s3 =	simm.s32 @!p0 $0x1082;
	s9 =	sld [smem:$0x3FA7]  }
0x2f: {  	lr =	sadd.s32 s0, s3;
	s0 =	sld [smem:$0x3F9E]  }
0x30: {  	s3 =	sld [smem:$0x3FA1]  }
0x31: {  	[smem:$0x3FAA] =	sst s10  }
0x32: {  	s10 =	sld [smem:$0x3FA8];
	_ =	sdelay $0x3  }
0x33: {  	p0 =	seq.s32 s10, $0x1;
	s10 =	sld [smem:$0x3FAA];
	_ =	sdelay $0x3  }
0x34: {  	[smem:$0x3FAA] =	sst s10  }
0x35: {  	s10 =	sld [smem:$0x3FA9];
	_ =	sdelay $0x3  }
0x36: {  	p1 =	seq.s32 s10, $0x1;
	s10 =	sld [smem:$0x3FAA];
	_ =	sdelay $0x3  }
0x37: {  	[smem:$0x3FAA] =	sst s10  }
0x38: {  	s10 =	sld [smem:$0x3FAB]  }
0x39: {  	_ = 	snop;
	(pc) =	sbr.ind lr, $3  }
0x3a: {  	_ = 	snop  }
0x3b: {  	_ = 	snop  }
0x3c: {  	p2 =	seq.s32 s10, $0x1;
	s10 =	sld [smem:$0x3FAA]  }
0x3d: {  	_ =	shalt  }
0x3e: {  	_ =	shalt  }
0x3f: {  	_ =	shalt  }
0x40: {  	_ =	shalt  }
0x41: {  	_ =	shalt  }
0x42: {  	_ =	shalt  }
0x43: {  	_ =	shalt  }
0x44: {  	_ =	shalt  }
0x45: {  	_ =	shalt  }
0x46: {  	_ =	shalt  }
0x47: {  	_ =	shalt  }
0x48: {  	_ =	shalt  }
0x49: {  	_ =	shalt  }
0x4a: {  	_ =	shalt  }
0x4b: {  	_ =	shalt  }
0x4c: {  	_ =	shalt  }
0x4d: {  	_ =	shalt  }
0x4e: {  	_ =	shalt  }
0x4f: {  	_ =	shalt  }
0x50: {  	_ =	shalt  }
0x51: {  	_ =	shalt  }
0x52: {  	_ =	shalt  }
0x53: {  	_ =	shalt  }
0x54: {  	_ =	shalt  }
0x55: {  	_ =	shalt  }
0x56: {  	_ =	shalt  }
0x57: {  	_ =	shalt  }
0x58: {  	_ =	shalt  }
0x59: {  	_ =	shalt  }
0x5a: {  	_ =	shalt  }
0x5b: {  	_ =	shalt  }
0x5c: {  	_ =	shalt  }
0x5d: {  	_ =	shalt  }
0x5e: {  	_ =	shalt  }
0x5f: {  	_ =	shalt  }
0x60: {  	_ =	shalt  }
0x61: {  	_ =	shalt  }
0x62: {  	_ =	shalt  }
0x63: {  	_ =	shalt  }
0x64: {  	_ =	shalt  }
0x65: {  	_ =	shalt  }
0x66: {  	_ =	shalt  }
0x67: {  	_ =	shalt  }
0x68: {  	_ =	shalt  }
0x69: {  	_ =	shalt  }
0x6a: {  	_ =	shalt  }
0x6b: {  	_ =	shalt  }
0x6c: {  	_ =	shalt  }
0x6d: {  	_ =	shalt  }
0x6e: {  	_ =	shalt  }
0x6f: {  	_ =	shalt  }
0x70: {  	_ =	shalt  }
0x71: {  	_ =	shalt  }
0x72: {  	_ =	shalt  }
0x73: {  	_ =	shalt  }
0x74: {  	_ =	shalt  }
0x75: {  	_ =	shalt  }
0x76: {  	_ =	shalt  }
0x77: {  	_ =	shalt  }
0x78: {  	_ =	shalt  }
0x79: {  	_ =	shalt  }
0x7a: {  	_ =	shalt  }
0x7b: {  	_ =	shalt  }
0x7c: {  	_ =	shalt  }
0x7d: {  	_ =	shalt  }
0x7e: {  	_ =	shalt  }
0x7f: {  	_ =	shalt  }
0x80: {  	_ =	shalt  }
0x81: {  	_ =	shalt  }
0x82: {  	_ =	shalt  }
0x83: {  	_ =	shalt  }
0x84: {  	_ =	shalt  }
0x85: {  	_ =	shalt  }
0x86: {  	_ =	shalt  }
0x87: {  	_ =	shalt  }
.Lfunc_end0:
.L_simem_size_0:
called_computation_lowered:
.L_overlay_start_0:
0x88: {  	s2 =	sld [smem:$0x3FD9]  }
0x89: {  	s3 =	sld [smem:$0x3FFE];
	_ =	sdelay $0x1  }
0x8a: {  	s1 =	srdreg.scid  }
0x8b: {  	s0 =	sand.u32 $0x1, s1  }
0x8c: {  	s17 =	sshll.u32 s0, $0xA;
	s2 =	sadd.s32 s3, s2  }
0x8d: {  	s2 =	sadd.s32 s2, s17  }
0x8e: {  	[smem:$0x3FB6] =	sst s2  }
0x8f: {  	_ = 	snop  }
0x90: {  	(tm) =	ssettm $0x1  }
0x91: {  	s18 =	sld [smem:$0x3FFB];
	_ =	sdelay $0x3  }
0x92: {  	_ =	strace s18  }
0x93: {  	s2 =	sld [smem:$0x3FFC];
	_ =	sdelay $0x3  }
0x94: {  	_ =	strace s2  }
0x95: {  	s2 =	sld [smem:$0x3FFD];
	_ =	sdelay $0x3  }
0x96: {  	_ =	strace s2  }
0x97: {  	_ =	strace $0x8FFFFFFF  }
0x98: {  	s19 =	sld [smem:$0x3FDB];
	_ =	sdelay $0x1  }
0x99: {  	s20 =	simm.s32 $_scs_section_size  }
0x9a: {  	s4 =	simm.s32 $_size__tile_overlayer_lowered;
	s5 =	simm.s32 $_tile_overlayer_lowered  }
0x9b: {  	s6 =	simm.s32 $0x1BFF;
	s21 =	sshll.u32 s5, $0x1;
	s3 =	sadd.s32 s20, s19  }
0x9c: {  	s22 =	simm.s32 $0x0;
	s4 =	sshll.u32 s4, $0x1;
	s5 =	sadd.s32 s21, s3  }
0x9d: {  	[timem:s22], [sflag:s6] =	dma.local [hbm:s5], s4  }
0x9e: {  	_ =	swait.ge [sflag:s6], s4  }
0x9f: {  	s4 =	ssub.s32 $0x0, s4;
	[sflag:s6] =	ssyncset.done $0x0  }
0xa0: {  	[sflag:s6] =	ssyncadd.s32 s4;
	_ =	sdelay $0x1  }
0xa1: {  	s23 =	simm.s32 $0x1B8B  }
0xa2: {  	_ =	swait.ge [sflag:s23], $0x1  }
0xa3: {  	[sflag:s23] =	ssyncset.done $0x0  }
0xa4: {  	[sflag:s23] =	ssyncadd.s32 $0xFFFFFFFF  }
0xa5: {  	s4 =	sld [smem:$0x0]  }
0xa6: {  	s5 =	sand.u32 $0xFFFFFFFE, s1  }
0xa7: {  	p0 =	sne.s32 s1, s5  }
0xa8: {  	s5 =	sshll.u32 @p0 s5, $0xE  }
0xa9: {  	s5 =	sadd.s32 @p0 $0x11B8D, s5;
	s6 =	sshll.u32 @p0 s4, $0x11  }
0xaa: {  	s5 =	sor.u32 @p0 s6, s5  }
0xab: {  	[sflag:s5] =	ssyncadd.remote.s32 @p0 $0x1;
	_ =	sdelay $0x1  }
0xac: {  	s5 =	simm.s32 @p0 $0x1B8D  }
0xad: {  	_ =	swait.eq @p0 [sflag:s5], $0x1  }
0xae: {  	[sflag:s5] =	ssyncadd.s32 @p0 $0xFFFFFFFF  }
0xaf: {  	s6 =	sshll.u32 @!p0 s1, $0xE  }
0xb0: {  	s6 =	sor.u32 @!p0 $0x4000, s6;
	s5 =	simm.s32 @!p0 $0x1B8D  }
0xb1: {  	s4 =	sshll.u32 @!p0 s4, $0x11;
	s6 =	sadd.s32 @!p0 $0x11B8D, s6;
	_ =	swait.eq @!p0 [sflag:s5], $0x1  }
0xb2: {  	s4 =	sor.u32 @!p0 s4, s6;
	[sflag:s5] =	ssyncadd.s32 @!p0 $0xFFFFFFFF  }
0xb3: {  	s25 =	simm.s32 $0x1B8E;
	s24 =	sld [smem:$0x3FFE];
	[sflag:s4] =	ssyncadd.remote.s32 @!p0 $0x1  }
0xb4: {  	s26 =	simm.s32 $execute0_lowered;
	[smem:$0x3FD2] =	sst s25  }
0xb5: {  	s5 =	sshll.u32 s26, $0x1;
	_ =	strace $0x80000049;
	[dreg:$0x1] =	wrdreg $0xFFFFFFFF  }
0xb6: {  	s28 =	simm.s32 $_size_execute0_lowered;
	s3 =	sadd.s32 s3, s5;
	[dreg:$0x0] =	wrdreg $0x0  }
0xb7: {  	s5 =	sshll.u32 s28, $0x1;
	[dreg:$0x2] =	wrdreg s3  }
0xb8: {  	[dreg:$0x3] =	wrdreg s5  }
0xb9: {  	[dreg:$0x4] =	wrdreg $0xC0  }
0xba: {  	_ =	task [dreg:s22], $0x5FFFF  }
0xbb: {  	[dreg:$0x1] =	wrdreg $0xFFFFFFFF  }
0xbc: {  	[dreg:$0x0] =	wrdreg $0x60  }
0xbd: {  	[dreg:$0x2] =	wrdreg s24  }
0xbe: {  	[dreg:$0x3] =	wrdreg $0x9  }
0xbf: {  	_ =	task.clear_ibuf [dreg:s22], $0x4FFFF;
	_ =	strace $0x90000049  }
0xc0: {  	s29 =	simm.s32 $0x9;
	_ =	strace $0x8000004B  }
0xc1: {  	_ =	swait.ge [sflag:s29], $0x1  }
0xc2: {  	[sflag:s29] =	ssyncadd.s32 $0xFFFFFFFF  }
0xc3: {  	_ =	strace $0x9000004B  }
0xc4: {  	_ =	sfence  }
0xc5: {  	s30 =	sld [smem:$0x0];
	_ =	sdelay $0x2  }
0xc6: {  	s31 =	sshll.u32 s1, $0xD;
	s1 =	sshrl.u32 s1, $0x2  }
0xc7: {  	s4 =	sand.u32 $0x4000, s31;
	s1 =	sadd.s32 s1, s30  }
0xc8: {  	s0 =	sor.u32 s4, s0;
	s1 =	sshll.u32 s1, $0x11  }
0xc9: {  	s0 =	sor.u32 s1, s0  }
0xca: {  	s0 =	sadd.s32 $0x8F2B, s0  }
0xcb: {  	[sflag:s0] =	ssyncadd.remote.s32 $0x1  }
0xcc: {  	_ =	sfence.sel $0xFFFF  }
0xcd: {  	[dreg:$0x0] =	wrdreg $0xFFFFFFFF;
	(pc) =	sbr.abs _section_cstart, $3  }
0xce: {  	[dreg:$0x1] =	wrdreg $0xFFFFFFFF  }
0xcf: {  	_ =	task.clear_ibuf [dreg:s22], $0x2FFFF;
	_ =	strace $0x9FFFFFFF  }
0xd0: {  	(tm) =	ssettm $0x7FFFFFFF  }
0xd1: {  	_ =	shalt  }
tec
execute0_lowered:
.L_overlay_start_1:
0x0: {  	(tag) =	ssettag $0x1  }
0x1: {  	s6 =	rddreg [dreg:$0x0];
	s1 =	srdreg.scid  }
0x2: {  	s0 =	rddreg [dreg:$0x1];
	s2 =	simm.s32 $0x0;
	s11 =	simm.s32 $0x2800  }
0x3: {  	s12 =	simm.s32 $0x5000;
	s13 =	simm.s32 $0x7800;
	s5 =	sand.u32 $0x1, s1  }
0x4: {  	s14 =	simm.s32 $0xA000;
	s1 =	stileid.u32;
	s3 =	sshll.u32 s5, $0x4  }
0x5: {  	s15 =	simm.s32 $0xC800;
	s16 =	simm.s32 $0x0;
	s3 =	sor.u32 s1, s3  }
0x6: {  	[smem:$0x7FF] =	sst s2;
	s4 =	sadd.s32 $0x3A200, s6;
	s7 =	smul.u32 $0x500, s3  }
0x7: {  	_ =	strace $0x8000004A;
	s8 =	ssub.s32 $0x2, s5;
	s5 =	sadd.s32 $0x3A800, s6  }
0x8: {  	s31 =	sshrl.u32 s8, $0x1;
	s3 =	sadd.s32 $0x39C00, s6;
	s9 =	sadd.s32 s7, s6  }
0x9: {  	s10 =	ssub.s32 s8, s31;
	s6 =	sadd.s32 $0x2FC00, s9;
	s7 =	sadd.s32 $0x3AE00, s9  }
0xa: {  	s8 =	sadd.s32 $0x4EE00, s9;
	s9 =	smax.u32 s10, $0x1;
	s10 =	simm.s32 $0x1  }
.LBB2_1:
0xb: {  	[tilespmem:s2], [sflag:$0x1] =	stream.linear.gather [hbm4b:s3+s2], $0x2800, $0x38;
	[tilespmem:$0xF000] =	vst v63  }
0xc: {  	_ =	swait.ge [sflag:s10], $0x2800  }
0xd: {  	[sflag:s10] =	ssyncset.done $0x0  }
0xe: {  	[sflag:s10] =	ssyncadd.s32 $0xFFFFD800  }
0xf: {  	[tilespmem:s11], [sflag:$0x1] =	stream.linear.gather [hbm4b:s4+s2], $0x2800, $0x38;
	[tilespmem:$0xF000] =	vst v63  }
0x10: {  	_ =	swait.ge [sflag:s10], $0x2800  }
0x11: {  	[sflag:s10] =	ssyncset.done $0x0  }
0x12: {  	[sflag:s10] =	ssyncadd.s32 $0xFFFFD800  }
0x13: {  	[tilespmem:s12], [sflag:$0x1] =	stream.linear.gather [hbm4b:s5+s2], $0x2800, $0x38;
	[tilespmem:$0xF000] =	vst v63  }
0x14: {  	_ =	swait.ge [sflag:s10], $0x2800  }
0x15: {  	[sflag:s10] =	ssyncset.done $0x0  }
0x16: {  	[sflag:s10] =	ssyncadd.s32 $0xFFFFD800  }
0x17: {  	[tilespmem:s13], [sflag:$0x1] =	stream.linear.gather [hbm4b:s6+s2], $0x2800, $0x38;
	[tilespmem:$0xF000] =	vst v63  }
0x18: {  	_ =	swait.ge [sflag:s10], $0x2800  }
0x19: {  	[sflag:s10] =	ssyncset.done $0x0  }
0x1a: {  	[sflag:s10] =	ssyncadd.s32 $0xFFFFD800  }
0x1b: {  	[tilespmem:s14], [sflag:$0x1] =	stream.linear.gather [hbm4b:s7+s2], $0x2800, $0x38;
	[tilespmem:$0xF000] =	vst v63  }
0x1c: {  	_ =	swait.ge [sflag:s10], $0x2800  }
0x1d: {  	[sflag:s10] =	ssyncset.done $0x0  }
0x1e: {  	s17 =	simm.s32 $0x0;
	[sflag:s10] =	ssyncadd.s32 $0xFFFFD800  }
0x1f: {  	v0 =	vld [tilespmem:s17+$0x7800]  }
0x20: {  	v1 =	vld [tilespmem:s17+$0xA000];
	_ =	sdelay $0x6  }
0x21: {  	v2 =	vld.idx.msk [tilespmem:v0+s2+$0x0], $0xffff  }
0x22: {  	v3 =	vld.idx.msk [tilespmem:v1+s2+$0x0], $0xffff  }
0x23: {  	v4 =	vld.idx.msk [tilespmem:v1+s11+$0x0], $0xffff  }
0x24: {  	v5 =	vld.idx.msk [tilespmem:v0+s11+$0x0], $0xffff  }
0x25: {  	v6 =	vld.idx.msk [tilespmem:v1+s12+$0x0], $0xffff  }
0x26: {  	v7 =	vld.idx.msk [tilespmem:v0+s12+$0x0], $0xffff;
	_ =	sdelay $0x2  }
0x27: {  	s18 =	simm.s32 $0x10;
	v3 =	vsub.f32 v3, v2;
	v4 =	vsub.f32 v4, v5  }
0x28: {  	v0 =	vld [tilespmem:s18+$0x7800]  }
0x29: {  	v1 =	vld [tilespmem:s18+$0xA000];
	v2 =	vsub.f32 v6, v7;
	v3 =	vmul.f32 v3, v3;
	v4 =	vmul.f32 v4, v4  }
0x2a: {  	s19 =	simm.s32 $0x80  }
.LBB2_2:
0x2b: {  	p0 =	sne.s32 s19, $0x9FC0;
	v3 =	vadd.f32 v4, v3;
	v2 =	vmul.f32 v2, v2;
	_ =	sdelay $0x1  }
0x2c: {  	v2 =	vadd.f32 v2, v3;
	_ =	sdelay $0x1  }
0x2d: {  	[tilespmem:s17+$0xC800] =	vst v2;
	s17 =	smov.u32 s18  }
0x2e: {  	v2 =	vld.idx.msk [tilespmem:v0+s2+$0x0], $0xffff  }
0x2f: {  	v3 =	vld.idx.msk [tilespmem:v1+s2+$0x0], $0xffff  }
0x30: {  	v4 =	vld.idx.msk [tilespmem:v1+s11+$0x0], $0xffff  }
0x31: {  	v5 =	vld.idx.msk [tilespmem:v0+s11+$0x0], $0xffff  }
0x32: {  	v6 =	vld.idx.msk [tilespmem:v1+s12+$0x0], $0xffff  }
0x33: {  	v7 =	vld.idx.msk [tilespmem:v0+s12+$0x0], $0xffff;
	_ =	sdelay $0x2  }
.Ltmp0:
0x34: {  	(pc) =	sbr.rel @p0 .LBB2_2-.Ltmp0, $4  }
0x35: {  	s18 =	sshra.s32 s19, $0x2;
	v3 =	vsub.f32 v3, v2;
	v4 =	vsub.f32 v4, v5  }
0x36: {  	v0 =	vld [tilespmem:s18+$0x7800]  }
0x37: {  	v3 =	vmul.f32 v3, v3;
	v2 =	vsub.f32 v6, v7;
	v4 =	vmul.f32 v4, v4;
	v1 =	vld [tilespmem:s18+$0xA000]  }
0x38: {  	s19 =	sadd.s32 $0x40, s19  }
0x39: {  	_ = 	snop  }
0x3a: {  	v3 =	vadd.f32 v4, v3;
	v2 =	vmul.f32 v2, v2;
	_ =	sdelay $0x1  }
0x3b: {  	v2 =	vadd.f32 v2, v3;
	_ =	sdelay $0x1  }
0x3c: {  	[tilespmem:s17+$0xC800] =	vst v2  }
0x3d: {  	v2 =	vld.idx.msk [tilespmem:v0+s2+$0x0], $0xffff  }
0x3e: {  	v57 =	vld.idx.msk [tilespmem:v1+s2+$0x0], $0xffff  }
0x3f: {  	v58 =	vld.idx.msk [tilespmem:v1+s11+$0x0], $0xffff  }
0x40: {  	v5 =	vld.idx.msk [tilespmem:v0+s11+$0x0], $0xffff  }
0x41: {  	v59 =	vld.idx.msk [tilespmem:v1+s12+$0x0], $0xffff  }
0x42: {  	v60 =	vld.idx.msk [tilespmem:v0+s12+$0x0], $0xffff;
	_ =	sdelay $0x2  }
0x43: {  	v2 =	vsub.f32 v57, v2;
	v61 =	vsub.f32 v58, v5;
	_ =	sdelay $0x1  }
0x44: {  	v0 =	vsub.f32 v59, v60;
	v62 =	vmul.f32 v2, v2;
	v63 =	vmul.f32 v61, v61;
	_ =	sdelay $0x1  }
0x45: {  	v0 =	vmul.f32 v0, v0;
	v1 =	vadd.f32 v63, v62;
	_ =	sdelay $0x1  }
0x46: {  	s16 =	sadd.s32 $0x1, s16;
	v0 =	vadd.f32 v0, v1  }
0x47: {  	p0 =	sne.s32 s16, s9  }
.Ltmp1:
0x48: {  	[tilespmem:s18+$0xC800] =	vst v0;
	(pc) =	sbr.rel @p0 .LBB2_1-.Ltmp1, $4  }
0x49: {  	[hbm4b:s8+s2] =	stream.linear.scatter [tilespmem:s15], [sflag:$0x1], $0x2800, $0x38;
	[tilespmem:$0xF000] =	vst v63  }
0x4a: {  	_ =	swait.ge [sflag:s10], $0x2800  }
0x4b: {  	[sflag:s10] =	ssyncset.done $0x0  }
0x4c: {  	[sflag:s10] =	ssyncadd.s32 $0xFFFFD800  }
0x4d: {  	_ =	sfence.sel $0x180000  }
0x4e: {  	[bflag:$0x0] =	sbarrier.arrive $0xFFFF  }
0x4f: {  	p0 =	sne.s32 s1, $0x0;
	_ =	strace $0x9000004A  }
0x50: {  	s0 =	sadd.s32 @!p0 $0x100000, s0;
	[bflag:$0x2] =	sbarrier.arrive $0xFFFF  }
0x51: {  	[sflag:s0] =	ssyncadd.tile.s32 @!p0 $0x1;
	_ =	shalt  }
.Lfunc_end2:
_tile_overlayer_lowered:
.L_overlay_start_2:
0x52: {  	(tag) =	ssettag $0x2  }
0x53: {  	s0 =	rddreg [dreg:$0x0];
	s2 =	stileid.u32  }
0x54: {  	s1 =	rddreg [dreg:$0x1];
	p0 =	sne.s32 s2, $0x0  }
0x55: {  	s3 =	rddreg [dreg:$0x2];
	[bflag:$0x3] =	sbarrier.arrive $0xFFFF;
	s2 =	simm.s32 @!p0 $0x1C01  }
0x56: {  	[timem:s3], [sflag:s2] =	dma.local @!p0 [hbm:s0], s1  }
0x57: {  	s0 =	simm.s32 @!p0 $0x1  }
0x58: {  	_ =	swait.ge @!p0 [sflag:s0], s1  }
0x59: {  	s1 =	ssub.s32 @!p0 $0x0, s1;
	[sflag:s0] =	ssyncset.done @!p0 $0x0  }
0x5a: {  	[sflag:s0] =	ssyncadd.s32 @!p0 s1  }
0x5b: {  	[bflag:$0x3] =	sbarrier.arrive $0xFFFF  }
0x5c: {  	_ =	shalt  }

// kernel: kernel.21.cloned.1.call-start
scs
__scs_entry_jumppad:
0x0: {  	(pc) =	sbr.rel $0x88, $3  }
0x1: {  	(tag) =	ssettag $0x0;
	lr =	simm.s32 $0x1  }
0x2: {  	[smem:$0x3F8F] =	sst lr;
	_ =	strace $0xD0000000  }
0x3: {  	_ = 	snop  }
0x4: {  	_ = 	snop  }
0x5: {  	_ = 	snop  }
0x6: {  	_ = 	snop  }
0x7: {  	_ = 	snop  }
__scs_overlays_trampoline_lowered:
0x8: {  	[smem:$0x3F9E] =	sst s0  }
0x9: {  	[smem:$0x3F9F] =	sst s1  }
0xa: {  	[smem:$0x3FA0] =	sst s2  }
0xb: {  	[smem:$0x3FA1] =	sst s3  }
0xc: {  	[smem:$0x3FA2] =	sst s4  }
0xd: {  	[smem:$0x3FA3] =	sst s5  }
0xe: {  	[smem:$0x3FA4] =	sst s6  }
0xf: {  	[smem:$0x3FA5] =	sst s7  }
0x10: {  	[smem:$0x3FA6] =	sst s8  }
0x11: {  	[smem:$0x3FA7] =	sst s9;
	s0 =	simm.s32 @!p0 $0x0  }
0x12: {  	s1 =	sld [smem:$0x3F8D];
	s0 =	simm.s32 @p0 $0x1  }
0x13: {  	[smem:$0x3FA8] =	sst s0;
	s0 =	simm.s32 @!p1 $0x0  }
0x14: {  	s2 =	sld [smem:$0x3F8C];
	s0 =	simm.s32 @p1 $0x1  }
0x15: {  	[smem:$0x3FA9] =	sst s0;
	s0 =	simm.s32 @!p2 $0x0  }
0x16: {  	s3 =	sld [smem:$0x3FDB];
	s0 =	simm.s32 @p2 $0x1  }
0x17: {  	s4 =	simm.s32 $0x1BF5;
	[smem:$0x3FAB] =	sst s0  }
0x18: {  	s0 =	sld [smem:$0x3F8E];
	_ =	swait.ge [sflag:s4], $0x0  }
0x19: {  	s7 =	sld [smem:$0x3F8F]  }
0x1a: {  	s8 =	sadd.s32 $0xFFFFE003, lr  }
0x1b: {  	s9 =	sadd.s32 $0xFFFFFEF7, lr;
	s5 =	simm.s32 $0xFFFFFFFF;
	p2 =	slt.u32 s8, $0xFFFFF086  }
0x1c: {  	p1 =	slt.u32 s9, $0xF7A;
	s5 =	simm.s32 @!p2 $0x0  }
0x1d: {  	s5 =	simm.s32 @p1 $0x1;
	p0 =	seq.s32 s7, s2  }
0x1e: {  	s7 =	smul.u32 @!p0 $0xF7A, s2;
	p2 =	seq.s32 @!p0 s5, $0x0  }
0x1f: {  	s9 =	smul.u32 $0xF7A, s1;
	s8 =	simm.s32 @!p0 $0x1BF5;
	p2 =	por !p2, p0  }
0x20: {  	[sflag:s8] =	ssyncset.s32 @!p0 $0xFFFFF086;
	s6 =	sadd.s32 @!p0 s3, s7;
	s7 =	simm.s32 @!p0 $0x108  }
0x21: {  	s3 =	sadd.s32 s3, s9;
	s6 =	sadd.s32 @!p0 $0x88, s6;
	s7 =	simm.s32 @p2 $0x1082  }
0x22: {  	[simem:s7], [sflag:s8] =	dma.local @!p0 [hbm:s6], $0xF7A  }
0x23: {  	s9 =	sor.u32 $0xD0000000, s2;
	s6 =	simm.s32 $0x108;
	_ =	swait.ge @!p0 [sflag:s8], $0x0  }
0x24: {  	s3 =	sadd.s32 $0x88, s3;
	s6 =	simm.s32 @!p1 $0x1082;
	[sflag:s4] =	ssyncset.s32 $0xFFFFF086  }
0x25: {  	[simem:s6], [sflag:s4] =	dma.local [hbm:s3], $0xF7A  }
0x26: {  	[smem:$0x3F8F] =	sst s1;
	(tag) =	ssettag s2;
	_ =	strace s9  }
0x27: {  	s1 =	sld [smem:$0x3F9F]  }
0x28: {  	s2 =	sld [smem:$0x3FA0]  }
0x29: {  	s4 =	sld [smem:$0x3FA2]  }
0x2a: {  	p0 =	seq.s32 s5, $0x0;
	s5 =	sld [smem:$0x3FA3]  }
0x2b: {  	s6 =	sld [smem:$0x3FA4]  }
0x2c: {  	s7 =	sld [smem:$0x3FA5]  }
0x2d: {  	s3 =	simm.s32 $0x108;
	s8 =	sld [smem:$0x3FA6]  }
0x2e: {  	s3 =	simm.s32 @!p0 $0x1082;
	s9 =	sld [smem:$0x3FA7]  }
0x2f: {  	lr =	sadd.s32 s0, s3;
	s0 =	sld [smem:$0x3F9E]  }
0x30: {  	s3 =	sld [smem:$0x3FA1]  }
0x31: {  	[smem:$0x3FAA] =	sst s10  }
0x32: {  	s10 =	sld [smem:$0x3FA8];
	_ =	sdelay $0x3  }
0x33: {  	p0 =	seq.s32 s10, $0x1;
	s10 =	sld [smem:$0x3FAA];
	_ =	sdelay $0x3  }
0x34: {  	[smem:$0x3FAA] =	sst s10  }
0x35: {  	s10 =	sld [smem:$0x3FA9];
	_ =	sdelay $0x3  }
0x36: {  	p1 =	seq.s32 s10, $0x1;
	s10 =	sld [smem:$0x3FAA];
	_ =	sdelay $0x3  }
0x37: {  	[smem:$0x3FAA] =	sst s10  }
0x38: {  	s10 =	sld [smem:$0x3FAB]  }
0x39: {  	_ = 	snop;
	(pc) =	sbr.ind lr, $3  }
0x3a: {  	_ = 	snop  }
0x3b: {  	_ = 	snop  }
0x3c: {  	p2 =	seq.s32 s10, $0x1;
	s10 =	sld [smem:$0x3FAA]  }
0x3d: {  	_ =	shalt  }
0x3e: {  	_ =	shalt  }
0x3f: {  	_ =	shalt  }
0x40: {  	_ =	shalt  }
0x41: {  	_ =	shalt  }
0x42: {  	_ =	shalt  }
0x43: {  	_ =	shalt  }
0x44: {  	_ =	shalt  }
0x45: {  	_ =	shalt  }
0x46: {  	_ =	shalt  }
0x47: {  	_ =	shalt  }
0x48: {  	_ =	shalt  }
0x49: {  	_ =	shalt  }
0x4a: {  	_ =	shalt  }
0x4b: {  	_ =	shalt  }
0x4c: {  	_ =	shalt  }
0x4d: {  	_ =	shalt  }
0x4e: {  	_ =	shalt  }
0x4f: {  	_ =	shalt  }
0x50: {  	_ =	shalt  }
0x51: {  	_ =	shalt  }
0x52: {  	_ =	shalt  }
0x53: {  	_ =	shalt  }
0x54: {  	_ =	shalt  }
0x55: {  	_ =	shalt  }
0x56: {  	_ =	shalt  }
0x57: {  	_ =	shalt  }
0x58: {  	_ =	shalt  }
0x59: {  	_ =	shalt  }
0x5a: {  	_ =	shalt  }
0x5b: {  	_ =	shalt  }
0x5c: {  	_ =	shalt  }
0x5d: {  	_ =	shalt  }
0x5e: {  	_ =	shalt  }
0x5f: {  	_ =	shalt  }
0x60: {  	_ =	shalt  }
0x61: {  	_ =	shalt  }
0x62: {  	_ =	shalt  }
0x63: {  	_ =	shalt  }
0x64: {  	_ =	shalt  }
0x65: {  	_ =	shalt  }
0x66: {  	_ =	shalt  }
0x67: {  	_ =	shalt  }
0x68: {  	_ =	shalt  }
0x69: {  	_ =	shalt  }
0x6a: {  	_ =	shalt  }
0x6b: {  	_ =	shalt  }
0x6c: {  	_ =	shalt  }
0x6d: {  	_ =	shalt  }
0x6e: {  	_ =	shalt  }
0x6f: {  	_ =	shalt  }
0x70: {  	_ =	shalt  }
0x71: {  	_ =	shalt  }
0x72: {  	_ =	shalt  }
0x73: {  	_ =	shalt  }
0x74: {  	_ =	shalt  }
0x75: {  	_ =	shalt  }
0x76: {  	_ =	shalt  }
0x77: {  	_ =	shalt  }
0x78: {  	_ =	shalt  }
0x79: {  	_ =	shalt  }
0x7a: {  	_ =	shalt  }
0x7b: {  	_ =	shalt  }
0x7c: {  	_ =	shalt  }
0x7d: {  	_ =	shalt  }
0x7e: {  	_ =	shalt  }
0x7f: {  	_ =	shalt  }
0x80: {  	_ =	shalt  }
0x81: {  	_ =	shalt  }
0x82: {  	_ =	shalt  }
0x83: {  	_ =	shalt  }
0x84: {  	_ =	shalt  }
0x85: {  	_ =	shalt  }
0x86: {  	_ =	shalt  }
0x87: {  	_ =	shalt  }
.Lfunc_end0:
.L_simem_size_0:
called_computation.1_lowered:
.L_overlay_start_0:
0x88: {  	s2 =	sld [smem:$0x3FD9]  }
0x89: {  	s3 =	sld [smem:$0x3FFE];
	_ =	sdelay $0x1  }
0x8a: {  	s1 =	srdreg.scid  }
0x8b: {  	s0 =	sand.u32 $0x1, s1  }
0x8c: {  	s17 =	sshll.u32 s0, $0xA;
	s2 =	sadd.s32 s3, s2  }
0x8d: {  	s2 =	sadd.s32 s2, s17  }
0x8e: {  	[smem:$0x3FB6] =	sst s2  }
0x8f: {  	_ = 	snop  }
0x90: {  	s2 =	sld [smem:$0x3FC8];
	(tm) =	ssettm $0x1  }
0x91: {  	s18 =	sld [smem:$0x3FFB];
	_ =	sdelay $0x3  }
0x92: {  	_ =	strace s18  }
0x93: {  	s3 =	sld [smem:$0x3FFC];
	_ =	sdelay $0x3  }
0x94: {  	_ =	strace s3  }
0x95: {  	s3 =	sld [smem:$0x3FFD];
	_ =	sdelay $0x3  }
0x96: {  	_ =	strace s3  }
0x97: {  	_ =	strace $0x8FFFFFFF  }
0x98: {  	s19 =	sld [smem:$0x3FDB];
	_ =	sdelay $0x1  }
0x99: {  	s4 =	simm.s32 $_scs_section_size  }
0x9a: {  	s5 =	simm.s32 $_size__tile_overlayer_lowered;
	s6 =	simm.s32 $_tile_overlayer_lowered  }
0x9b: {  	s22 =	simm.s32 $0x1BFF;
	s21 =	sshll.u32 s6, $0x1;
	s3 =	sadd.s32 s4, s19  }
0x9c: {  	s7 =	simm.s32 $0x0;
	s20 =	sshll.u32 s5, $0x1;
	s5 =	sadd.s32 s21, s3  }
0x9d: {  	[timem:s7], [sflag:s22] =	dma.local [hbm:s5], s20  }
0x9e: {  	_ =	swait.ge [sflag:s22], s20  }
0x9f: {  	s4 =	ssub.s32 $0x0, s20;
	[sflag:s22] =	ssyncset.done $0x0  }
0xa0: {  	[sflag:s22] =	ssyncadd.s32 s4;
	_ =	sdelay $0x1  }
0xa1: {  	s23 =	simm.s32 $0x1B8B  }
0xa2: {  	_ =	swait.ge [sflag:s23], $0x1  }
0xa3: {  	[sflag:s23] =	ssyncset.done $0x0  }
0xa4: {  	s25 =	simm.s32 $0x1B8E;
	s24 =	sld [smem:$0x3FFE];
	[sflag:s23] =	ssyncadd.s32 $0xFFFFFFFF  }
0xa5: {  	s26 =	simm.s32 $execute0_lowered;
	[smem:$0x3FD2] =	sst s25  }
0xa6: {  	s5 =	sshll.u32 s26, $0x1;
	_ =	strace $0x80000046;
	[dreg:$0x1] =	wrdreg $0xFFFFFFFF  }
0xa7: {  	s28 =	simm.s32 $_size_execute0_lowered;
	s3 =	sadd.s32 s3, s5;
	[dreg:$0x0] =	wrdreg $0x0  }
0xa8: {  	s5 =	sshll.u32 s28, $0x1;
	[dreg:$0x2] =	wrdreg s3  }
0xa9: {  	[dreg:$0x3] =	wrdreg s5  }
0xaa: {  	[dreg:$0x4] =	wrdreg $0xC0  }
0xab: {  	_ =	task [dreg:s7], $0x5FFFF  }
0xac: {  	[dreg:$0x1] =	wrdreg $0xFFFFFFFF  }
0xad: {  	[dreg:$0x0] =	wrdreg $0x60  }
0xae: {  	[dreg:$0x2] =	wrdreg s2  }
0xaf: {  	[dreg:$0x3] =	wrdreg s24  }
0xb0: {  	[dreg:$0x4] =	wrdreg $0xA  }
0xb1: {  	_ =	task.clear_ibuf [dreg:s7], $0x5FFFF;
	_ =	strace $0x90000046  }
0xb2: {  	s29 =	simm.s32 $0xA;
	_ =	strace $0x80000048  }
0xb3: {  	_ =	swait.ge [sflag:s29], $0x1  }
0xb4: {  	[sflag:s29] =	ssyncadd.s32 $0xFFFFFFFF  }
0xb5: {  	_ =	strace $0x90000048  }
0xb6: {  	_ =	sfence  }
0xb7: {  	s30 =	sld [smem:$0x0];
	_ =	sdelay $0x2  }
0xb8: {  	s31 =	sshll.u32 s1, $0xD;
	s1 =	sshrl.u32 s1, $0x2  }
0xb9: {  	s3 =	sand.u32 $0x4000, s31;
	s1 =	sadd.s32 s1, s30  }
0xba: {  	s0 =	sor.u32 s3, s0;
	s1 =	sshll.u32 s1, $0x11  }
0xbb: {  	s0 =	sor.u32 s1, s0  }
0xbc: {  	s0 =	sadd.s32 $0x8F2B, s0  }
0xbd: {  	[sflag:s0] =	ssyncadd.remote.s32 $0x1  }
0xbe: {  	_ =	sfence.sel $0xFFFF  }
0xbf: {  	[dreg:$0x0] =	wrdreg $0xFFFFFFFF;
	(pc) =	sbr.abs _section_cstart, $3  }
0xc0: {  	[dreg:$0x1] =	wrdreg $0xFFFFFFFF  }
0xc1: {  	_ =	task.clear_ibuf [dreg:s7], $0x2FFFF;
	_ =	strace $0x9FFFFFFF  }
0xc2: {  	(tm) =	ssettm $0x7FFFFFFF  }
0xc3: {  	_ =	shalt  }
tec
execute0_lowered:
.L_overlay_start_1:
0x0: {  	(tag) =	ssettag $0x1  }
0x1: {  	s0 =	srdreg.scid  }
0x2: {  	s1 =	sand.u32 $0x1, s0  }
0x3: {  	s25 =	stileid.u32;
	s3 =	sshll.u32 s1, $0x4  }
0x4: {  	s4 =	sor.u32 s25, s3  }
0x5: {  	s6 =	smul.u32 $0x28, s4  }
0x6: {  	s5 =	rddreg [dreg:$0x1];
	s4 =	smul.u32 $0x1400, s4  }
0x7: {  	s2 =	rddreg [dreg:$0x0];
	s3 =	simm.s32 $0x0;
	s6 =	sadd.s32 s6, s5  }
0x8: {  	[smem:$0x7FF] =	sst s3;
	s31 =	sadd.s32 s4, s5;
	s6 =	sadd.s32 $0x7600, s6  }
0x9: {  	_ =	strace $0x80000047;
	s4 =	sadd.s32 $0x7C00, s31;
	[dreg:$0x3] =	wrdreg s6  }
0xa: {  	[dreg:$0x4] =	wrdreg s4  }
0xb: {  	s4 =	simm.s32 $0x9;
	s26 =	rddreg [dreg:$0x3]  }
0xc: {  	[tilespmem:s3], [sflag:$0x9] =	stream.linear.gather [hbm4b:s26+s3], $0x140, $0x38;
	[tilespmem:$0x5180] =	vst v63  }
0xd: {  	_ =	swait.ge [sflag:s4], $0x140  }
0xe: {  	[sflag:s4] =	ssyncset.done $0x0  }
0xf: {  	s5 =	simm.s32 $0x28;
	s6 =	simm.s32 $0x180;
	[sflag:s4] =	ssyncadd.s32 $0xFFFFFEC0  }
0x10: {  	[tilespmem:s6], [sflag:$0x1] =	stream.indirect.gather [hbm4b:s2+s5], $0x80, s3, s5, $0xb8;
	[tilespmem:$0x5180] =	vst v63  }
0x11: {  	s7 =	simm.s32 $0x1580  }
0x12: {  	[tilespmem:s7], [sflag:$0x2] =	stream.indirect.gather [hbm4b:s2+s5], $0x80, s5, s5, $0xb8;
	[tilespmem:$0x5180] =	vst v63  }
0x13: {  	s8 =	simm.s32 $0x50;
	s9 =	simm.s32 $0x2980  }
0x14: {  	[tilespmem:s9], [sflag:$0x3] =	stream.indirect.gather [hbm4b:s2+s5], $0x80, s8, s5, $0xb8;
	[tilespmem:$0x5180] =	vst v63  }
0x15: {  	s10 =	simm.s32 $0x78;
	s11 =	simm.s32 $0x3D80;
	s12 =	simm.s32 $0x1  }
0x16: {  	[tilespmem:s11], [sflag:$0x4] =	stream.indirect.gather [hbm4b:s2+s5], $0x80, s10, s5, $0xb8;
	[tilespmem:$0x5180] =	vst v63  }
0x17: {  	_ =	swait.ge [sflag:s12], $0x1400  }
0x18: {  	[sflag:s12] =	ssyncset.done $0x0  }
0x19: {  	s13 =	simm.s32 $0x5;
	s14 =	rddreg [dreg:$0x4];
	[sflag:s12] =	ssyncadd.s32 $0xFFFFEC00  }
0x1a: {  	[hbm4b:s14+s3] =	stream.linear.scatter [tilespmem:s6], [sflag:$0x5], $0x1400, $0x38;
	[tilespmem:$0x5180] =	vst v63  }
0x1b: {  	_ =	swait.ge [sflag:s13], $0x1400  }
0x1c: {  	[sflag:s13] =	ssyncset.done $0x0  }
0x1d: {  	s15 =	simm.s32 $0x2;
	s14 =	simm.s32 $0xA0;
	[sflag:s13] =	ssyncadd.s32 $0xFFFFEC00  }
0x1e: {  	[tilespmem:s6], [sflag:$0x1] =	stream.indirect.gather [hbm4b:s2+s5], $0x80, s14, s5, $0xb8;
	[tilespmem:$0x5180] =	vst v63  }
0x1f: {  	_ =	swait.ge [sflag:s15], $0x1400  }
0x20: {  	[sflag:s15] =	ssyncset.done $0x0  }
0x21: {  	s17 =	simm.s32 $0x6;
	s16 =	sadd.s32 $0x7E80, s31;
	[sflag:s15] =	ssyncadd.s32 $0xFFFFEC00  }
0x22: {  	[hbm4b:s16+s3] =	stream.linear.scatter [tilespmem:s7], [sflag:$0x6], $0x1400, $0x38;
	[tilespmem:$0x5180] =	vst v63  }
0x23: {  	_ =	swait.ge [sflag:s17], $0x1400  }
0x24: {  	[sflag:s17] =	ssyncset.done $0x0  }
0x25: {  	s18 =	simm.s32 $0xC8;
	s19 =	simm.s32 $0x3;
	[sflag:s17] =	ssyncadd.s32 $0xFFFFEC00  }
0x26: {  	[tilespmem:s7], [sflag:$0x2] =	stream.indirect.gather [hbm4b:s2+s5], $0x80, s18, s5, $0xb8;
	[tilespmem:$0x5180] =	vst v63  }
0x27: {  	_ =	swait.ge [sflag:s19], $0x1400  }
0x28: {  	[sflag:s19] =	ssyncset.done $0x0  }
0x29: {  	s21 =	simm.s32 $0x7;
	s20 =	sadd.s32 $0x8100, s31;
	[sflag:s19] =	ssyncadd.s32 $0xFFFFEC00  }
0x2a: {  	[hbm4b:s20+s3] =	stream.linear.scatter [tilespmem:s9], [sflag:$0x7], $0x1400, $0x38;
	[tilespmem:$0x5180] =	vst v63  }
0x2b: {  	_ =	swait.ge [sflag:s21], $0x1400  }
0x2c: {  	[sflag:s21] =	ssyncset.done $0x0  }
0x2d: {  	s22 =	simm.s32 $0xF0;
	s23 =	simm.s32 $0x4;
	[sflag:s21] =	ssyncadd.s32 $0xFFFFEC00  }
0x2e: {  	[tilespmem:s9], [sflag:$0x3] =	stream.indirect.gather [hbm4b:s2+s5], $0x80, s22, s5, $0xb8;
	[tilespmem:$0x5180] =	vst v63  }
0x2f: {  	_ =	swait.ge [sflag:s23], $0x1400  }
0x30: {  	[sflag:s23] =	ssyncset.done $0x0  }
0x31: {  	s24 =	simm.s32 $0x8;
	s25 =	sadd.s32 $0x8380, s31;
	[sflag:s23] =	ssyncadd.s32 $0xFFFFEC00  }
0x32: {  	[hbm4b:s25+s3] =	stream.linear.scatter [tilespmem:s11], [sflag:$0x8], $0x1400, $0x38;
	[tilespmem:$0x5180] =	vst v63  }
0x33: {  	_ =	swait.ge [sflag:s24], $0x1400  }
0x34: {  	[sflag:s24] =	ssyncset.done $0x0  }
0x35: {  	s26 =	simm.s32 $0x118;
	[sflag:s24] =	ssyncadd.s32 $0xFFFFEC00  }
0x36: {  	[tilespmem:s11], [sflag:$0x4] =	stream.indirect.gather [hbm4b:s2+s5], $0x80, s26, s5, $0xb8;
	[tilespmem:$0x5180] =	vst v63  }
0x37: {  	_ =	swait.ge [sflag:s12], $0x1400  }
0x38: {  	[sflag:s12] =	ssyncset.done $0x0  }
0x39: {  	s28 =	sadd.s32 $0x8600, s31;
	[sflag:s12] =	ssyncadd.s32 $0xFFFFEC00  }
0x3a: {  	[hbm4b:s28+s3] =	stream.linear.scatter [tilespmem:s6], [sflag:$0x5], $0x1400, $0x38;
	[tilespmem:$0x5180] =	vst v63  }
0x3b: {  	_ =	swait.ge [sflag:s13], $0x1400  }
0x3c: {  	[sflag:s13] =	ssyncset.done $0x0  }
0x3d: {  	[sflag:s13] =	ssyncadd.s32 $0xFFFFEC00  }
0x3e: {  	_ =	swait.ge [sflag:s15], $0x1400  }
0x3f: {  	[sflag:s15] =	ssyncset.done $0x0  }
0x40: {  	s29 =	sadd.s32 $0x8880, s31;
	[sflag:s15] =	ssyncadd.s32 $0xFFFFEC00  }
0x41: {  	[hbm4b:s29+s3] =	stream.linear.scatter [tilespmem:s7], [sflag:$0x6], $0x1400, $0x38;
	[tilespmem:$0x5180] =	vst v63  }
0x42: {  	_ =	swait.ge [sflag:s17], $0x1400  }
0x43: {  	[sflag:s17] =	ssyncset.done $0x0  }
0x44: {  	[sflag:s17] =	ssyncadd.s32 $0xFFFFEC00  }
0x45: {  	_ =	swait.ge [sflag:s19], $0x1400  }
0x46: {  	s1 =	ssub.s32 $0x2, s1;
	[sflag:s19] =	ssyncset.done $0x0  }
0x47: {  	s0 =	sshrl.u32 s1, $0x1;
	s30 =	sadd.s32 $0x8B00, s31;
	[sflag:s19] =	ssyncadd.s32 $0xFFFFEC00  }
0x48: {  	[hbm4b:s30+s3] =	stream.linear.scatter [tilespmem:s9], [sflag:$0x7], $0x1400, $0x38;
	[tilespmem:$0x5180] =	vst v63  }
0x49: {  	s0 =	ssub.s32 s1, s0;
	_ =	swait.ge [sflag:s21], $0x1400  }
0x4a: {  	s0 =	smax.u32 s0, $0x1;
	[sflag:s21] =	ssyncset.done $0x0  }
0x4b: {  	p0 =	sne.s32 s0, $0x1;
	[sflag:s21] =	ssyncadd.s32 $0xFFFFEC00  }
.Ltmp0:
0x4c: {  	_ =	swait.ge [sflag:s23], $0x1400;
	(pc) =	sbr.rel @!p0 .LBB2_2-.Ltmp0, $4  }
0x4d: {  	[sflag:s23] =	ssyncset.done $0x0  }
0x4e: {  	s31 =	sadd.s32 $0x8D80, s31;
	[sflag:s23] =	ssyncadd.s32 $0xFFFFEC00  }
0x4f: {  	[hbm4b:s31+s3] =	stream.linear.scatter [tilespmem:s11], [sflag:$0x8], $0x1400, $0x38;
	[tilespmem:$0x5180] =	vst v63  }
0x50: {  	s1 =	sadd.s32 $0xFFFFFFFF, s0;
	_ =	swait.ge [sflag:s24], $0x1400  }
.LBB2_1:
0x51: {  	[sflag:s24] =	ssyncset.done $0x0  }
0x52: {  	s0 =	rddreg [dreg:$0x3];
	[sflag:s24] =	ssyncadd.s32 $0xFFFFEC00  }
0x53: {  	[tilespmem:s3], [sflag:$0x9] =	stream.linear.gather [hbm4b:s0+s3], $0x140, $0x38;
	[tilespmem:$0x5180] =	vst v63  }
0x54: {  	_ =	swait.ge [sflag:s4], $0x140  }
0x55: {  	[sflag:s4] =	ssyncset.done $0x0  }
0x56: {  	[sflag:s4] =	ssyncadd.s32 $0xFFFFFEC0  }
0x57: {  	[tilespmem:s6], [sflag:$0x1] =	stream.indirect.gather [hbm4b:s2+s5], $0x80, s3, s5, $0xb8;
	[tilespmem:$0x5180] =	vst v63  }
0x58: {  	_ = 	snop  }
0x59: {  	[tilespmem:s7], [sflag:$0x2] =	stream.indirect.gather [hbm4b:s2+s5], $0x80, s5, s5, $0xb8;
	[tilespmem:$0x5180] =	vst v63  }
0x5a: {  	_ = 	snop  }
0x5b: {  	[tilespmem:s9], [sflag:$0x3] =	stream.indirect.gather [hbm4b:s2+s5], $0x80, s8, s5, $0xb8;
	[tilespmem:$0x5180] =	vst v63  }
0x5c: {  	_ = 	snop  }
0x5d: {  	[tilespmem:s11], [sflag:$0x4] =	stream.indirect.gather [hbm4b:s2+s5], $0x80, s10, s5, $0xb8;
	[tilespmem:$0x5180] =	vst v63  }
0x5e: {  	_ =	swait.ge [sflag:s12], $0x1400  }
0x5f: {  	[sflag:s12] =	ssyncset.done $0x0  }
0x60: {  	s0 =	rddreg [dreg:$0x4];
	[sflag:s12] =	ssyncadd.s32 $0xFFFFEC00  }
0x61: {  	[hbm4b:s0+s3] =	stream.linear.scatter [tilespmem:s6], [sflag:$0x5], $0x1400, $0x38;
	[tilespmem:$0x5180] =	vst v63  }
0x62: {  	_ =	swait.ge [sflag:s13], $0x1400  }
0x63: {  	[sflag:s13] =	ssyncset.done $0x0  }
0x64: {  	[sflag:s13] =	ssyncadd.s32 $0xFFFFEC00  }
0x65: {  	[tilespmem:s6], [sflag:$0x1] =	stream.indirect.gather [hbm4b:s2+s5], $0x80, s14, s5, $0xb8;
	[tilespmem:$0x5180] =	vst v63  }
0x66: {  	_ =	swait.ge [sflag:s15], $0x1400  }
0x67: {  	[sflag:s15] =	ssyncset.done $0x0  }
0x68: {  	[sflag:s15] =	ssyncadd.s32 $0xFFFFEC00  }
0x69: {  	[hbm4b:s16+s3] =	stream.linear.scatter [tilespmem:s7], [sflag:$0x6], $0x1400, $0x38;
	[tilespmem:$0x5180] =	vst v63  }
0x6a: {  	_ =	swait.ge [sflag:s17], $0x1400  }
0x6b: {  	[sflag:s17] =	ssyncset.done $0x0  }
0x6c: {  	[sflag:s17] =	ssyncadd.s32 $0xFFFFEC00  }
0x6d: {  	[tilespmem:s7], [sflag:$0x2] =	stream.indirect.gather [hbm4b:s2+s5], $0x80, s18, s5, $0xb8;
	[tilespmem:$0x5180] =	vst v63  }
0x6e: {  	_ =	swait.ge [sflag:s19], $0x1400  }
0x6f: {  	[sflag:s19] =	ssyncset.done $0x0  }
0x70: {  	[sflag:s19] =	ssyncadd.s32 $0xFFFFEC00  }
0x71: {  	[hbm4b:s20+s3] =	stream.linear.scatter [tilespmem:s9], [sflag:$0x7], $0x1400, $0x38;
	[tilespmem:$0x5180] =	vst v63  }
0x72: {  	_ =	swait.ge [sflag:s21], $0x1400  }
0x73: {  	[sflag:s21] =	ssyncset.done $0x0  }
0x74: {  	[sflag:s21] =	ssyncadd.s32 $0xFFFFEC00  }
0x75: {  	[tilespmem:s9], [sflag:$0x3] =	stream.indirect.gather [hbm4b:s2+s5], $0x80, s22, s5, $0xb8;
	[tilespmem:$0x5180] =	vst v63  }
0x76: {  	_ =	swait.ge [sflag:s23], $0x1400  }
0x77: {  	[sflag:s23] =	ssyncset.done $0x0  }
0x78: {  	[sflag:s23] =	ssyncadd.s32 $0xFFFFEC00  }
0x79: {  	[hbm4b:s25+s3] =	stream.linear.scatter [tilespmem:s11], [sflag:$0x8], $0x1400, $0x38;
	[tilespmem:$0x5180] =	vst v63  }
0x7a: {  	_ =	swait.ge [sflag:s24], $0x1400  }
0x7b: {  	[sflag:s24] =	ssyncset.done $0x0  }
0x7c: {  	[sflag:s24] =	ssyncadd.s32 $0xFFFFEC00  }
0x7d: {  	[tilespmem:s11], [sflag:$0x4] =	stream.indirect.gather [hbm4b:s2+s5], $0x80, s26, s5, $0xb8;
	[tilespmem:$0x5180] =	vst v63  }
0x7e: {  	_ =	swait.ge [sflag:s12], $0x1400  }
0x7f: {  	[sflag:s12] =	ssyncset.done $0x0  }
0x80: {  	[sflag:s12] =	ssyncadd.s32 $0xFFFFEC00  }
0x81: {  	[hbm4b:s28+s3] =	stream.linear.scatter [tilespmem:s6], [sflag:$0x5], $0x1400, $0x38;
	[tilespmem:$0x5180] =	vst v63  }
0x82: {  	_ =	swait.ge [sflag:s13], $0x1400  }
0x83: {  	[sflag:s13] =	ssyncset.done $0x0  }
0x84: {  	[sflag:s13] =	ssyncadd.s32 $0xFFFFEC00  }
0x85: {  	_ =	swait.ge [sflag:s15], $0x1400  }
0x86: {  	[sflag:s15] =	ssyncset.done $0x0  }
0x87: {  	[sflag:s15] =	ssyncadd.s32 $0xFFFFEC00  }
0x88: {  	[hbm4b:s29+s3] =	stream.linear.scatter [tilespmem:s7], [sflag:$0x6], $0x1400, $0x38;
	[tilespmem:$0x5180] =	vst v63  }
0x89: {  	_ =	swait.ge [sflag:s17], $0x1400  }
0x8a: {  	[sflag:s17] =	ssyncset.done $0x0  }
0x8b: {  	[sflag:s17] =	ssyncadd.s32 $0xFFFFEC00  }
0x8c: {  	_ =	swait.ge [sflag:s19], $0x1400  }
0x8d: {  	[sflag:s19] =	ssyncset.done $0x0  }
0x8e: {  	[sflag:s19] =	ssyncadd.s32 $0xFFFFEC00  }
0x8f: {  	[hbm4b:s30+s3] =	stream.linear.scatter [tilespmem:s9], [sflag:$0x7], $0x1400, $0x38;
	[tilespmem:$0x5180] =	vst v63  }
0x90: {  	_ =	swait.ge [sflag:s21], $0x1400  }
0x91: {  	[sflag:s21] =	ssyncset.done $0x0  }
0x92: {  	p0 =	sne.s32 s1, $0x1;
	[sflag:s21] =	ssyncadd.s32 $0xFFFFEC00  }
.Ltmp1:
0x93: {  	_ =	swait.ge [sflag:s23], $0x1400;
	(pc) =	sbr.rel @p0 .LBB2_1-.Ltmp1, $4  }
0x94: {  	[sflag:s23] =	ssyncset.done $0x0  }
0x95: {  	[sflag:s23] =	ssyncadd.s32 $0xFFFFEC00  }
0x96: {  	[hbm4b:s31+s3] =	stream.linear.scatter [tilespmem:s11], [sflag:$0x8], $0x1400, $0x38;
	[tilespmem:$0x5180] =	vst v63  }
0x97: {  	s1 =	sadd.s32 $0xFFFFFFFF, s1;
	_ =	swait.ge [sflag:s24], $0x1400  }
.LBB2_2:
0x98: {  	[sflag:s24] =	ssyncset.done $0x0  }
0x99: {  	[sflag:s24] =	ssyncadd.s32 $0xFFFFEC00  }
0x9a: {  	_ =	sfence.sel $0x180000  }
0x9b: {  	[bflag:$0x0] =	sbarrier.arrive $0xFFFF  }
0x9c: {  	_ =	strace $0x90000047  }
0x9d: {  	s0 =	stileid.u32;
	[bflag:$0x2] =	sbarrier.arrive $0xFFFF  }
0x9e: {  	p0 =	sne.s32 s0, $0x0;
	s0 =	rddreg [dreg:$0x2]  }
0x9f: {  	s0 =	sadd.s32 @!p0 $0x100000, s0  }
0xa0: {  	[sflag:s0] =	ssyncadd.tile.s32 @!p0 $0x1;
	_ =	shalt  }
.Lfunc_end2:
_tile_overlayer_lowered:
.L_overlay_start_2:
0xa1: {  	(tag) =	ssettag $0x2  }
0xa2: {  	s0 =	rddreg [dreg:$0x0];
	s2 =	stileid.u32  }
0xa3: {  	s1 =	rddreg [dreg:$0x1];
	p0 =	sne.s32 s2, $0x0  }
0xa4: {  	s3 =	rddreg [dreg:$0x2];
	[bflag:$0x3] =	sbarrier.arrive $0xFFFF;
	s2 =	simm.s32 @!p0 $0x1C09  }
0xa5: {  	[timem:s3], [sflag:s2] =	dma.local @!p0 [hbm:s0], s1  }
0xa6: {  	s0 =	simm.s32 @!p0 $0x9  }
0xa7: {  	_ =	swait.ge @!p0 [sflag:s0], s1  }
0xa8: {  	s1 =	ssub.s32 @!p0 $0x0, s1;
	[sflag:s0] =	ssyncset.done @!p0 $0x0  }
0xa9: {  	[sflag:s0] =	ssyncadd.s32 @!p0 s1  }
0xaa: {  	[bflag:$0x3] =	sbarrier.arrive $0xFFFF  }
0xab: {  	_ =	shalt  }

// kernel: kernel.24.cloned.1.call-start
scs
__scs_entry_jumppad:
0x0: {  	(pc) =	sbr.rel $0x88, $3  }
0x1: {  	(tag) =	ssettag $0x0;
	lr =	simm.s32 $0x1  }
0x2: {  	[smem:$0x3F8F] =	sst lr;
	_ =	strace $0xD0000000  }
0x3: {  	_ = 	snop  }
0x4: {  	_ = 	snop  }
0x5: {  	_ = 	snop  }
0x6: {  	_ = 	snop  }
0x7: {  	_ = 	snop  }
__scs_overlays_trampoline_lowered:
0x8: {  	[smem:$0x3F9E] =	sst s0  }
0x9: {  	[smem:$0x3F9F] =	sst s1  }
0xa: {  	[smem:$0x3FA0] =	sst s2  }
0xb: {  	[smem:$0x3FA1] =	sst s3  }
0xc: {  	[smem:$0x3FA2] =	sst s4  }
0xd: {  	[smem:$0x3FA3] =	sst s5  }
0xe: {  	[smem:$0x3FA4] =	sst s6  }
0xf: {  	[smem:$0x3FA5] =	sst s7  }
0x10: {  	[smem:$0x3FA6] =	sst s8  }
0x11: {  	[smem:$0x3FA7] =	sst s9;
	s0 =	simm.s32 @!p0 $0x0  }
0x12: {  	s1 =	sld [smem:$0x3F8D];
	s0 =	simm.s32 @p0 $0x1  }
0x13: {  	[smem:$0x3FA8] =	sst s0;
	s0 =	simm.s32 @!p1 $0x0  }
0x14: {  	s2 =	sld [smem:$0x3F8C];
	s0 =	simm.s32 @p1 $0x1  }
0x15: {  	[smem:$0x3FA9] =	sst s0;
	s0 =	simm.s32 @!p2 $0x0  }
0x16: {  	s3 =	sld [smem:$0x3FDB];
	s0 =	simm.s32 @p2 $0x1  }
0x17: {  	s4 =	simm.s32 $0x1BF5;
	[smem:$0x3FAB] =	sst s0  }
0x18: {  	s0 =	sld [smem:$0x3F8E];
	_ =	swait.ge [sflag:s4], $0x0  }
0x19: {  	s7 =	sld [smem:$0x3F8F]  }
0x1a: {  	s8 =	sadd.s32 $0xFFFFE003, lr  }
0x1b: {  	s9 =	sadd.s32 $0xFFFFFEF7, lr;
	s5 =	simm.s32 $0xFFFFFFFF;
	p2 =	slt.u32 s8, $0xFFFFF086  }
0x1c: {  	p1 =	slt.u32 s9, $0xF7A;
	s5 =	simm.s32 @!p2 $0x0  }
0x1d: {  	s5 =	simm.s32 @p1 $0x1;
	p0 =	seq.s32 s7, s2  }
0x1e: {  	s7 =	smul.u32 @!p0 $0xF7A, s2;
	p2 =	seq.s32 @!p0 s5, $0x0  }
0x1f: {  	s9 =	smul.u32 $0xF7A, s1;
	s8 =	simm.s32 @!p0 $0x1BF5;
	p2 =	por !p2, p0  }
0x20: {  	[sflag:s8] =	ssyncset.s32 @!p0 $0xFFFFF086;
	s6 =	sadd.s32 @!p0 s3, s7;
	s7 =	simm.s32 @!p0 $0x108  }
0x21: {  	s3 =	sadd.s32 s3, s9;
	s6 =	sadd.s32 @!p0 $0x88, s6;
	s7 =	simm.s32 @p2 $0x1082  }
0x22: {  	[simem:s7], [sflag:s8] =	dma.local @!p0 [hbm:s6], $0xF7A  }
0x23: {  	s9 =	sor.u32 $0xD0000000, s2;
	s6 =	simm.s32 $0x108;
	_ =	swait.ge @!p0 [sflag:s8], $0x0  }
0x24: {  	s3 =	sadd.s32 $0x88, s3;
	s6 =	simm.s32 @!p1 $0x1082;
	[sflag:s4] =	ssyncset.s32 $0xFFFFF086  }
0x25: {  	[simem:s6], [sflag:s4] =	dma.local [hbm:s3], $0xF7A  }
0x26: {  	[smem:$0x3F8F] =	sst s1;
	(tag) =	ssettag s2;
	_ =	strace s9  }
0x27: {  	s1 =	sld [smem:$0x3F9F]  }
0x28: {  	s2 =	sld [smem:$0x3FA0]  }
0x29: {  	s4 =	sld [smem:$0x3FA2]  }
0x2a: {  	p0 =	seq.s32 s5, $0x0;
	s5 =	sld [smem:$0x3FA3]  }
0x2b: {  	s6 =	sld [smem:$0x3FA4]  }
0x2c: {  	s7 =	sld [smem:$0x3FA5]  }
0x2d: {  	s3 =	simm.s32 $0x108;
	s8 =	sld [smem:$0x3FA6]  }
0x2e: {  	s3 =	simm.s32 @!p0 $0x1082;
	s9 =	sld [smem:$0x3FA7]  }
0x2f: {  	lr =	sadd.s32 s0, s3;
	s0 =	sld [smem:$0x3F9E]  }
0x30: {  	s3 =	sld [smem:$0x3FA1]  }
0x31: {  	[smem:$0x3FAA] =	sst s10  }
0x32: {  	s10 =	sld [smem:$0x3FA8];
	_ =	sdelay $0x3  }
0x33: {  	p0 =	seq.s32 s10, $0x1;
	s10 =	sld [smem:$0x3FAA];
	_ =	sdelay $0x3  }
0x34: {  	[smem:$0x3FAA] =	sst s10  }
0x35: {  	s10 =	sld [smem:$0x3FA9];
	_ =	sdelay $0x3  }
0x36: {  	p1 =	seq.s32 s10, $0x1;
	s10 =	sld [smem:$0x3FAA];
	_ =	sdelay $0x3  }
0x37: {  	[smem:$0x3FAA] =	sst s10  }
0x38: {  	s10 =	sld [smem:$0x3FAB]  }
0x39: {  	_ = 	snop;
	(pc) =	sbr.ind lr, $3  }
0x3a: {  	_ = 	snop  }
0x3b: {  	_ = 	snop  }
0x3c: {  	p2 =	seq.s32 s10, $0x1;
	s10 =	sld [smem:$0x3FAA]  }
0x3d: {  	_ =	shalt  }
0x3e: {  	_ =	shalt  }
0x3f: {  	_ =	shalt  }
0x40: {  	_ =	shalt  }
0x41: {  	_ =	shalt  }
0x42: {  	_ =	shalt  }
0x43: {  	_ =	shalt  }
0x44: {  	_ =	shalt  }
0x45: {  	_ =	shalt  }
0x46: {  	_ =	shalt  }
0x47: {  	_ =	shalt  }
0x48: {  	_ =	shalt  }
0x49: {  	_ =	shalt  }
0x4a: {  	_ =	shalt  }
0x4b: {  	_ =	shalt  }
0x4c: {  	_ =	shalt  }
0x4d: {  	_ =	shalt  }
0x4e: {  	_ =	shalt  }
0x4f: {  	_ =	shalt  }
0x50: {  	_ =	shalt  }
0x51: {  	_ =	shalt  }
0x52: {  	_ =	shalt  }
0x53: {  	_ =	shalt  }
0x54: {  	_ =	shalt  }
0x55: {  	_ =	shalt  }
0x56: {  	_ =	shalt  }
0x57: {  	_ =	shalt  }
0x58: {  	_ =	shalt  }
0x59: {  	_ =	shalt  }
0x5a: {  	_ =	shalt  }
0x5b: {  	_ =	shalt  }
0x5c: {  	_ =	shalt  }
0x5d: {  	_ =	shalt  }
0x5e: {  	_ =	shalt  }
0x5f: {  	_ =	shalt  }
0x60: {  	_ =	shalt  }
0x61: {  	_ =	shalt  }
0x62: {  	_ =	shalt  }
0x63: {  	_ =	shalt  }
0x64: {  	_ =	shalt  }
0x65: {  	_ =	shalt  }
0x66: {  	_ =	shalt  }
0x67: {  	_ =	shalt  }
0x68: {  	_ =	shalt  }
0x69: {  	_ =	shalt  }
0x6a: {  	_ =	shalt  }
0x6b: {  	_ =	shalt  }
0x6c: {  	_ =	shalt  }
0x6d: {  	_ =	shalt  }
0x6e: {  	_ =	shalt  }
0x6f: {  	_ =	shalt  }
0x70: {  	_ =	shalt  }
0x71: {  	_ =	shalt  }
0x72: {  	_ =	shalt  }
0x73: {  	_ =	shalt  }
0x74: {  	_ =	shalt  }
0x75: {  	_ =	shalt  }
0x76: {  	_ =	shalt  }
0x77: {  	_ =	shalt  }
0x78: {  	_ =	shalt  }
0x79: {  	_ =	shalt  }
0x7a: {  	_ =	shalt  }
0x7b: {  	_ =	shalt  }
0x7c: {  	_ =	shalt  }
0x7d: {  	_ =	shalt  }
0x7e: {  	_ =	shalt  }
0x7f: {  	_ =	shalt  }
0x80: {  	_ =	shalt  }
0x81: {  	_ =	shalt  }
0x82: {  	_ =	shalt  }
0x83: {  	_ =	shalt  }
0x84: {  	_ =	shalt  }
0x85: {  	_ =	shalt  }
0x86: {  	_ =	shalt  }
0x87: {  	_ =	shalt  }
.Lfunc_end0:
.L_simem_size_0:
called_computation.2_lowered:
.L_overlay_start_0:
0x88: {  	s2 =	sld [smem:$0x3FD9]  }
0x89: {  	s3 =	sld [smem:$0x3FFE];
	_ =	sdelay $0x1  }
0x8a: {  	s1 =	srdreg.scid  }
0x8b: {  	s0 =	sand.u32 $0x1, s1  }
0x8c: {  	s17 =	sshll.u32 s0, $0xA;
	s2 =	sadd.s32 s3, s2  }
0x8d: {  	s2 =	sadd.s32 s2, s17  }
0x8e: {  	[smem:$0x3FB6] =	sst s2  }
0x8f: {  	_ = 	snop  }
0x90: {  	(tm) =	ssettm $0x1  }
0x91: {  	s18 =	sld [smem:$0x3FFB];
	_ =	sdelay $0x3  }
0x92: {  	_ =	strace s18  }
0x93: {  	s2 =	sld [smem:$0x3FFC];
	_ =	sdelay $0x3  }
0x94: {  	_ =	strace s2  }
0x95: {  	s2 =	sld [smem:$0x3FFD];
	_ =	sdelay $0x3  }
0x96: {  	_ =	strace s2  }
0x97: {  	_ =	strace $0x8FFFFFFF  }
0x98: {  	s19 =	sld [smem:$0x3FDB];
	_ =	sdelay $0x1  }
0x99: {  	s20 =	simm.s32 $_scs_section_size  }
0x9a: {  	s4 =	simm.s32 $_size__tile_overlayer_lowered;
	s5 =	simm.s32 $_tile_overlayer_lowered  }
0x9b: {  	s6 =	simm.s32 $0x1BFF;
	s21 =	sshll.u32 s5, $0x1;
	s3 =	sadd.s32 s20, s19  }
0x9c: {  	s22 =	simm.s32 $0x0;
	s4 =	sshll.u32 s4, $0x1;
	s5 =	sadd.s32 s21, s3  }
0x9d: {  	[timem:s22], [sflag:s6] =	dma.local [hbm:s5], s4  }
0x9e: {  	_ =	swait.ge [sflag:s6], s4  }
0x9f: {  	s4 =	ssub.s32 $0x0, s4;
	[sflag:s6] =	ssyncset.done $0x0  }
0xa0: {  	[sflag:s6] =	ssyncadd.s32 s4;
	_ =	sdelay $0x1  }
0xa1: {  	s23 =	simm.s32 $0x1B8B  }
0xa2: {  	_ =	swait.ge [sflag:s23], $0x1  }
0xa3: {  	[sflag:s23] =	ssyncset.done $0x0  }
0xa4: {  	[sflag:s23] =	ssyncadd.s32 $0xFFFFFFFF  }
0xa5: {  	s4 =	sld [smem:$0x0]  }
0xa6: {  	s5 =	sand.u32 $0xFFFFFFFE, s1  }
0xa7: {  	p0 =	sne.s32 s1, s5  }
0xa8: {  	s5 =	sshll.u32 @p0 s5, $0xE  }
0xa9: {  	s5 =	sadd.s32 @p0 $0x11B8D, s5;
	s6 =	sshll.u32 @p0 s4, $0x11  }
0xaa: {  	s5 =	sor.u32 @p0 s6, s5  }
0xab: {  	[sflag:s5] =	ssyncadd.remote.s32 @p0 $0x1;
	_ =	sdelay $0x1  }
0xac: {  	s5 =	simm.s32 @p0 $0x1B8D  }
0xad: {  	_ =	swait.eq @p0 [sflag:s5], $0x1  }
0xae: {  	[sflag:s5] =	ssyncadd.s32 @p0 $0xFFFFFFFF  }
0xaf: {  	s6 =	sshll.u32 @!p0 s1, $0xE  }
0xb0: {  	s6 =	sor.u32 @!p0 $0x4000, s6;
	s5 =	simm.s32 @!p0 $0x1B8D  }
0xb1: {  	s4 =	sshll.u32 @!p0 s4, $0x11;
	s6 =	sadd.s32 @!p0 $0x11B8D, s6;
	_ =	swait.eq @!p0 [sflag:s5], $0x1  }
0xb2: {  	s4 =	sor.u32 @!p0 s4, s6;
	[sflag:s5] =	ssyncadd.s32 @!p0 $0xFFFFFFFF  }
0xb3: {  	s25 =	simm.s32 $0x1B8E;
	s24 =	sld [smem:$0x3FFE];
	[sflag:s4] =	ssyncadd.remote.s32 @!p0 $0x1  }
0xb4: {  	s26 =	simm.s32 $execute0_lowered;
	[smem:$0x3FD2] =	sst s25  }
0xb5: {  	s5 =	sshll.u32 s26, $0x1;
	_ =	strace $0x8000004C;
	[dreg:$0x1] =	wrdreg $0xFFFFFFFF  }
0xb6: {  	s28 =	simm.s32 $_size_execute0_lowered;
	s3 =	sadd.s32 s3, s5;
	[dreg:$0x0] =	wrdreg $0x0  }
0xb7: {  	s5 =	sshll.u32 s28, $0x1;
	[dreg:$0x2] =	wrdreg s3  }
0xb8: {  	[dreg:$0x3] =	wrdreg s5  }
0xb9: {  	[dreg:$0x4] =	wrdreg $0xC0  }
0xba: {  	_ =	task [dreg:s22], $0x5FFFF  }
0xbb: {  	[dreg:$0x1] =	wrdreg $0xFFFFFFFF  }
0xbc: {  	[dreg:$0x0] =	wrdreg $0x60  }
0xbd: {  	[dreg:$0x2] =	wrdreg s24  }
0xbe: {  	[dreg:$0x3] =	wrdreg $0xA8000  }
0xbf: {  	[dreg:$0x4] =	wrdreg $0xA  }
0xc0: {  	_ =	task.clear_ibuf [dreg:s22], $0x5FFFF;
	_ =	strace $0x9000004C  }
0xc1: {  	s29 =	simm.s32 $0xA;
	_ =	strace $0x8000004E  }
0xc2: {  	_ =	swait.ge [sflag:s29], $0x1  }
0xc3: {  	[sflag:s29] =	ssyncadd.s32 $0xFFFFFFFF  }
0xc4: {  	_ =	strace $0x9000004E  }
0xc5: {  	_ =	sfence  }
0xc6: {  	s30 =	sld [smem:$0x0];
	_ =	sdelay $0x2  }
0xc7: {  	s31 =	sshll.u32 s1, $0xD;
	s1 =	sshrl.u32 s1, $0x2  }
0xc8: {  	s4 =	sand.u32 $0x4000, s31;
	s1 =	sadd.s32 s1, s30  }
0xc9: {  	s0 =	sor.u32 s4, s0;
	s1 =	sshll.u32 s1, $0x11  }
0xca: {  	s0 =	sor.u32 s1, s0  }
0xcb: {  	s0 =	sadd.s32 $0x8F2B, s0  }
0xcc: {  	[sflag:s0] =	ssyncadd.remote.s32 $0x1  }
0xcd: {  	_ =	sfence.sel $0xFFFF  }
0xce: {  	[dreg:$0x0] =	wrdreg $0xFFFFFFFF;
	(pc) =	sbr.abs _section_cstart, $3  }
0xcf: {  	[dreg:$0x1] =	wrdreg $0xFFFFFFFF  }
0xd0: {  	_ =	task.clear_ibuf [dreg:s22], $0x2FFFF;
	_ =	strace $0x9FFFFFFF  }
0xd1: {  	(tm) =	ssettm $0x7FFFFFFF  }
tec
execute0_lowered:
.L_overlay_start_1:
0x0: {  	(tag) =	ssettag $0x1  }
0x1: {  	s0 =	rddreg [dreg:$0x0]  }
0x2: {  	s1 =	srdreg.scid;
	s2 =	rddreg [dreg:$0x1]  }
0x3: {  	s15 =	stileid.u32;
	s3 =	simm.s32 $0x0;
	s17 =	simm.s32 $0x9  }
0x4: {  	s18 =	simm.s32 $0x40;
	s28 =	simm.s32 $0x2;
	s5 =	smul.u32 $0x2800, s15  }
0x5: {  	s29 =	simm.s32 $0x6;
	s30 =	simm.s32 $0x3;
	s7 =	smul.u32 $0x50000, s15  }
0x6: {  	s31 =	simm.s32 $0x7;
	s1 =	sand.u32 $0x1, s1;
	s14 =	smul.u32 $0x140000, s15  }
0x7: {  	[smem:$0x7FF] =	sst s3;
	s13 =	sadd.s32 $0x81000, s0;
	s25 =	smul.u32 $0x28000, s15  }
0x8: {  	p0 =	seq.s32 s15, $0xF;
	s4 =	sshll.u32 s1, $0x4;
	s12 =	smul.u32 $0x1400000, s1  }
0x9: {  	_ =	strace $0x8000004D;
	s8 =	ssub.s32 $0x2, s1;
	s1 =	smul.u32 $0x280000, s1  }
0xa: {  	s4 =	sor.u32 s15, s4;
	s5 =	sadd.s32 s5, s0;
	s9 =	sshrl.u32 s8, $0x1  }
0xb: {  	s7 =	sshrl.u32 s7, $0x2;
	s6 =	smul.u32 $0x2800, s4;
	s8 =	ssub.s32 s8, s9  }
0xc: {  	s16 =	sadd.s32 s7, s2;
	s5 =	sadd.s32 $0x59E00, s5;
	s19 =	smul.u32 $0x140000, s4  }
0xd: {  	s21 =	smul.u32 $0x28000, s4;
	s24 =	sadd.s32 s14, s12;
	s26 =	sadd.s32 s1, s13  }
0xe: {  	s1 =	sshll.u32 @!p0 s15, $0x6;
	[dreg:$0x3] =	wrdreg s5;
	s5 =	sadd.s32 $0x12C000, s2  }
0xf: {  	s22 =	smax.u32 s8, $0x1;
	s15 =	sor.u32 @!p0 $0x1C09, s1;
	s16 =	sshrl.u32 @!p0 s16, $0x3  }
0x10: {  	s1 =	simm.s32 $0x8;
	s6 =	sshrl.u32 s6, $0x3;
	[dreg:$0x6] =	wrdreg s22  }
0x11: {  	s23 =	sshrl.u32 s19, $0x3;
	s14 =	sshrl.u32 @p0 s5, $0x3;
	s19 =	simm.s32 $0x2800  }
0x12: {  	s22 =	simm.s32 $0x6800;
	s6 =	sadd.s32 s6, s0;
	s0 =	sadd.s32 $0x7F600, s0  }
0x13: {  	s4 =	sadd.s32 s13, s23;
	[dreg:$0x4] =	wrdreg s0;
	s20 =	sadd.s32 $0x2FC00, s6  }
0x14: {  	s0 =	sadd.s32 s13, s21;
	s8 =	sadd.s32 $0x27000, s4;
	s21 =	simm.s32 $0x0  }
0x15: {  	[dreg:$0x5] =	wrdreg s20;
	s9 =	sadd.s32 $0x27400, s0;
	s10 =	sadd.s32 $0x27800, s0  }
0x16: {  	s11 =	sadd.s32 $0x27C00, s0;
	s0 =	sshrl.u32 s24, $0x3;
	s20 =	simm.s32 $0x4800  }
0x17: {  	s24 =	simm.s32 $0x8800;
	s12 =	sadd.s32 s0, s13;
	s13 =	sadd.s32 s25, s26  }
0x18: {  	s25 =	simm.s32 $0x1;
	s26 =	simm.s32 $0x5;
	s0 =	simm.s32 $0x4  }
.LBB2_1:
0x19: {  	s4 =	simm.s32 @p0 $0x1FC9;
	s5 =	rddreg [dreg:$0x4]  }
0x1a: {  	[spmem:s14], [sflag:s4] =	dma.local @p0 [hbm:s5], $0x1900  }
0x1b: {  	s4 =	simm.s32 @p0 $0x9  }
0x1c: {  	_ =	swait.ge @p0 [sflag:s4], $0x1900  }
0x1d: {  	[sflag:s4] =	ssyncset.done @p0 $0x0  }
0x1e: {  	[sflag:s4] =	ssyncadd.s32 @p0 $0xFFFFE700;
	s4 =	rddreg [dreg:$0x3]  }
0x1f: {  	[spmem:s16], [sflag:s15] =	dma.local @!p0 [hbm:s4], $0x2800  }
0x20: {  	s4 =	simm.s32 @!p0 $0x9  }
0x21: {  	_ =	swait.ge @!p0 [sflag:s4], $0x2800  }
0x22: {  	[sflag:s4] =	ssyncset.done @!p0 $0x0  }
0x23: {  	s7 =	rddreg [dreg:$0x5];
	[sflag:s4] =	ssyncadd.s32 @!p0 $0xFFFFD800  }
0x24: {  	[tilespmem:s3], [sflag:$0x9] =	stream.linear.gather [hbm4b:s7+s3], $0x2800, $0x38;
	[tilespmem:$0x1E080] =	vst v63  }
0x25: {  	_ =	swait.ge [sflag:s17], $0x2800  }
0x26: {  	[sflag:s17] =	ssyncset.done $0x0  }
0x27: {  	[sflag:s17] =	ssyncadd.s32 $0xFFFFD800  }
0x28: {  	[bflag:$0x0] =	sbarrier.arrive $0xFFFF  }
0x29: {  	[tilespmem:s19], [sflag:$0x1] =	stream.indirect.gather [spmem:s2], $0x80, s3, s18, $0xb8;
	[tilespmem:$0x1E080] =	vst v63  }
0x2a: {  	_ = 	snop  }
0x2b: {  	[tilespmem:s20], [sflag:$0x2] =	stream.indirect.gather [spmem:s2], $0x80, s18, s18, $0xb8;
	[tilespmem:$0x1E080] =	vst v63  }
0x2c: {  	s23 =	simm.s32 $0x80  }
0x2d: {  	[tilespmem:s22], [sflag:$0x3] =	stream.indirect.gather [spmem:s2], $0x80, s23, s18, $0xb8;
	[tilespmem:$0x1E080] =	vst v63  }
0x2e: {  	s5 =	simm.s32 $0xC0  }
0x2f: {  	[tilespmem:s24], [sflag:$0x4] =	stream.indirect.gather [spmem:s2], $0x80, s5, s18, $0xb8;
	[tilespmem:$0x1E080] =	vst v63  }
0x30: {  	_ =	swait.ge [sflag:s25], $0x2000  }
0x31: {  	[sflag:s25] =	ssyncset.done $0x0  }
0x32: {  	s6 =	sadd.s32 $0x0, s12;
	[sflag:s25] =	ssyncadd.s32 $0xFFFFE000  }
0x33: {  	[hbm4b:s6+s3] =	stream.linear.scatter [tilespmem:s19], [sflag:$0x5], $0x2000, $0x38;
	[tilespmem:$0x1E080] =	vst v63  }
0x34: {  	_ =	swait.ge [sflag:s26], $0x2000  }
0x35: {  	[sflag:s26] =	ssyncset.done $0x0  }
0x36: {  	s7 =	simm.s32 $0x100;
	[sflag:s26] =	ssyncadd.s32 $0xFFFFE000  }
0x37: {  	[tilespmem:s19], [sflag:$0x1] =	stream.indirect.gather [spmem:s2], $0x80, s7, s18, $0xb8;
	[tilespmem:$0x1E080] =	vst v63  }
0x38: {  	_ =	swait.ge [sflag:s28], $0x2000  }
0x39: {  	s4 =	sadd.s32 $0x0, s13;
	[sflag:s28] =	ssyncset.done $0x0  }
0x3a: {  	s23 =	sadd.s32 $0x400, s4;
	[sflag:s28] =	ssyncadd.s32 $0xFFFFE000  }
0x3b: {  	[hbm4b:s23+s3] =	stream.linear.scatter [tilespmem:s20], [sflag:$0x6], $0x2000, $0x38;
	[tilespmem:$0x1E080] =	vst v63  }
0x3c: {  	_ =	swait.ge [sflag:s29], $0x2000  }
0x3d: {  	[sflag:s29] =	ssyncset.done $0x0  }
0x3e: {  	s6 =	simm.s32 $0x140;
	[sflag:s29] =	ssyncadd.s32 $0xFFFFE000  }
0x3f: {  	[tilespmem:s20], [sflag:$0x2] =	stream.indirect.gather [spmem:s2], $0x80, s6, s18, $0xb8;
	[tilespmem:$0x1E080] =	vst v63  }
0x40: {  	_ =	swait.ge [sflag:s30], $0x2000  }
0x41: {  	[sflag:s30] =	ssyncset.done $0x0  }
0x42: {  	s7 =	sadd.s32 $0x800, s4;
	[sflag:s30] =	ssyncadd.s32 $0xFFFFE000  }
0x43: {  	[hbm4b:s7+s3] =	stream.linear.scatter [tilespmem:s22], [sflag:$0x7], $0x2000, $0x38;
	[tilespmem:$0x1E080] =	vst v63  }
0x44: {  	_ =	swait.ge [sflag:s31], $0x2000  }
0x45: {  	[sflag:s31] =	ssyncset.done $0x0  }
0x46: {  	s23 =	simm.s32 $0x180;
	[sflag:s31] =	ssyncadd.s32 $0xFFFFE000  }
0x47: {  	[tilespmem:s22], [sflag:$0x3] =	stream.indirect.gather [spmem:s2], $0x80, s23, s18, $0xb8;
	[tilespmem:$0x1E080] =	vst v63  }
0x48: {  	_ =	swait.ge [sflag:s0], $0x2000  }
0x49: {  	[sflag:s0] =	ssyncset.done $0x0  }
0x4a: {  	s4 =	sadd.s32 $0xC00, s4;
	[sflag:s0] =	ssyncadd.s32 $0xFFFFE000  }
0x4b: {  	[hbm4b:s4+s3] =	stream.linear.scatter [tilespmem:s24], [sflag:$0x8], $0x2000, $0x38;
	[tilespmem:$0x1E080] =	vst v63  }
0x4c: {  	_ =	swait.ge [sflag:s1], $0x2000  }
0x4d: {  	s5 =	simm.s32 $0x2C0;
	[sflag:s1] =	ssyncset.done $0x0  }
0x4e: {  	s23 =	simm.s32 $0x1C0;
	s4 =	simm.s32 $0x1000;
	[sflag:s1] =	ssyncadd.s32 $0xFFFFE000  }
.LBB2_2:
0x4f: {  	[tilespmem:s24], [sflag:$0x4] =	stream.indirect.gather [spmem:s2], $0x80, s23, s18, $0xb8;
	[tilespmem:$0x1E080] =	vst v63  }
0x50: {  	s6 =	smov.u32 s4;
	s23 =	smov.u32 s5  }
0x51: {  	p1 =	sne.s32 s4, $0x26000;
	s4 =	sadd.s32 $0x1000, s4;
	_ =	swait.ge [sflag:s25], $0x2000  }
0x52: {  	[sflag:s25] =	ssyncset.done $0x0  }
0x53: {  	s7 =	sadd.s32 s6, s12;
	[sflag:s25] =	ssyncadd.s32 $0xFFFFE000  }
0x54: {  	[hbm4b:s7+s3] =	stream.linear.scatter [tilespmem:s19], [sflag:$0x5], $0x2000, $0x38;
	[tilespmem:$0x1E080] =	vst v63  }
0x55: {  	_ =	swait.ge [sflag:s26], $0x2000  }
0x56: {  	[sflag:s26] =	ssyncset.done $0x0  }
0x57: {  	s7 =	sadd.s32 $0xFFFFFF40, s5;
	[sflag:s26] =	ssyncadd.s32 $0xFFFFE000  }
0x58: {  	[tilespmem:s19], [sflag:$0x1] =	stream.indirect.gather [spmem:s2], $0x80, s7, s18, $0xb8;
	[tilespmem:$0x1E080] =	vst v63  }
0x59: {  	_ =	swait.ge [sflag:s28], $0x2000  }
0x5a: {  	s6 =	sadd.s32 s6, s13;
	[sflag:s28] =	ssyncset.done $0x0  }
0x5b: {  	s7 =	sadd.s32 $0x400, s6;
	[sflag:s28] =	ssyncadd.s32 $0xFFFFE000  }
0x5c: {  	[hbm4b:s7+s3] =	stream.linear.scatter [tilespmem:s20], [sflag:$0x6], $0x2000, $0x38;
	[tilespmem:$0x1E080] =	vst v63  }
0x5d: {  	_ =	swait.ge [sflag:s29], $0x2000  }
0x5e: {  	[sflag:s29] =	ssyncset.done $0x0  }
0x5f: {  	s7 =	sadd.s32 $0xFFFFFF80, s5;
	[sflag:s29] =	ssyncadd.s32 $0xFFFFE000  }
0x60: {  	[tilespmem:s20], [sflag:$0x2] =	stream.indirect.gather [spmem:s2], $0x80, s7, s18, $0xb8;
	[tilespmem:$0x1E080] =	vst v63  }
0x61: {  	_ =	swait.ge [sflag:s30], $0x2000  }
0x62: {  	[sflag:s30] =	ssyncset.done $0x0  }
0x63: {  	s7 =	sadd.s32 $0x800, s6;
	[sflag:s30] =	ssyncadd.s32 $0xFFFFE000  }
0x64: {  	[hbm4b:s7+s3] =	stream.linear.scatter [tilespmem:s22], [sflag:$0x7], $0x2000, $0x38;
	[tilespmem:$0x1E080] =	vst v63  }
0x65: {  	_ =	swait.ge [sflag:s31], $0x2000  }
0x66: {  	[sflag:s31] =	ssyncset.done $0x0  }
0x67: {  	s7 =	sadd.s32 $0xFFFFFFC0, s5;
	[sflag:s31] =	ssyncadd.s32 $0xFFFFE000  }
0x68: {  	[tilespmem:s22], [sflag:$0x3] =	stream.indirect.gather [spmem:s2], $0x80, s7, s18, $0xb8;
	[tilespmem:$0x1E080] =	vst v63  }
0x69: {  	_ =	swait.ge [sflag:s0], $0x2000  }
0x6a: {  	[sflag:s0] =	ssyncset.done $0x0  }
.Ltmp0:
0x6b: {  	s6 =	sadd.s32 $0xC00, s6;
	[sflag:s0] =	ssyncadd.s32 $0xFFFFE000;
	(pc) =	sbr.rel @p1 .LBB2_2-.Ltmp0, $4  }
0x6c: {  	[hbm4b:s6+s3] =	stream.linear.scatter [tilespmem:s24], [sflag:$0x8], $0x2000, $0x38;
	[tilespmem:$0x1E080] =	vst v63  }
0x6d: {  	_ =	swait.ge [sflag:s1], $0x2000  }
0x6e: {  	[sflag:s1] =	ssyncset.done $0x0  }
0x6f: {  	s5 =	sadd.s32 $0x100, s5;
	[sflag:s1] =	ssyncadd.s32 $0xFFFFE000  }
0x70: {  	[tilespmem:s24], [sflag:$0x4] =	stream.indirect.gather [spmem:s2], $0x80, s23, s18, $0xb8;
	[tilespmem:$0x1E080] =	vst v63  }
0x71: {  	_ =	swait.ge [sflag:s25], $0x2000  }
0x72: {  	[sflag:s25] =	ssyncset.done $0x0  }
0x73: {  	[sflag:s25] =	ssyncadd.s32 $0xFFFFE000  }
0x74: {  	[hbm4b:s8+s3] =	stream.linear.scatter [tilespmem:s19], [sflag:$0x5], $0x2000, $0x38;
	[tilespmem:$0x1E080] =	vst v63  }
0x75: {  	_ =	swait.ge [sflag:s26], $0x2000  }
0x76: {  	[sflag:s26] =	ssyncset.done $0x0  }
0x77: {  	[sflag:s26] =	ssyncadd.s32 $0xFFFFE000  }
0x78: {  	_ =	swait.ge [sflag:s28], $0x2000  }
0x79: {  	[sflag:s28] =	ssyncset.done $0x0  }
0x7a: {  	[sflag:s28] =	ssyncadd.s32 $0xFFFFE000  }
0x7b: {  	[hbm4b:s9+s3] =	stream.linear.scatter [tilespmem:s20], [sflag:$0x6], $0x2000, $0x38;
	[tilespmem:$0x1E080] =	vst v63  }
0x7c: {  	_ =	swait.ge [sflag:s29], $0x2000  }
0x7d: {  	[sflag:s29] =	ssyncset.done $0x0  }
0x7e: {  	[sflag:s29] =	ssyncadd.s32 $0xFFFFE000  }
0x7f: {  	_ =	swait.ge [sflag:s30], $0x2000  }
0x80: {  	[sflag:s30] =	ssyncset.done $0x0  }
0x81: {  	[sflag:s30] =	ssyncadd.s32 $0xFFFFE000  }
0x82: {  	[hbm4b:s10+s3] =	stream.linear.scatter [tilespmem:s22], [sflag:$0x7], $0x2000, $0x38;
	[tilespmem:$0x1E080] =	vst v63  }
0x83: {  	_ =	swait.ge [sflag:s31], $0x2000  }
0x84: {  	[sflag:s31] =	ssyncset.done $0x0  }
0x85: {  	[sflag:s31] =	ssyncadd.s32 $0xFFFFE000  }
0x86: {  	_ =	swait.ge [sflag:s0], $0x2000  }
0x87: {  	[sflag:s0] =	ssyncset.done $0x0  }
0x88: {  	[sflag:s0] =	ssyncadd.s32 $0xFFFFE000  }
0x89: {  	[hbm4b:s11+s3] =	stream.linear.scatter [tilespmem:s24], [sflag:$0x8], $0x2000, $0x38;
	[tilespmem:$0x1E080] =	vst v63  }
0x8a: {  	_ =	swait.ge [sflag:s1], $0x2000  }
0x8b: {  	s21 =	sadd.s32 $0x1, s21;
	s4 =	rddreg [dreg:$0x6]  }
0x8c: {  	p1 =	sne.s32 s21, s4  }
.Ltmp1:
0x8d: {  	_ = 	snop;
	(pc) =	sbr.rel @p1 .LBB2_1-.Ltmp1, $3  }
0x8e: {  	_ =	sdelay $0x1  }
0x8f: {  	[sflag:s1] =	ssyncset.done $0x0  }
0x90: {  	[sflag:s1] =	ssyncadd.s32 $0xFFFFE000  }
0x91: {  	_ =	sfence.sel $0x180000  }
0x92: {  	[bflag:$0x0] =	sbarrier.arrive $0xFFFF  }
0x93: {  	_ =	strace $0x9000004D  }
0x94: {  	s0 =	stileid.u32;
	[bflag:$0x2] =	sbarrier.arrive $0xFFFF  }
0x95: {  	p0 =	sne.s32 s0, $0x0;
	s0 =	rddreg [dreg:$0x2]  }
0x96: {  	s0 =	sadd.s32 @!p0 $0x100000, s0  }
0x97: {  	[sflag:s0] =	ssyncadd.tile.s32 @!p0 $0x1;
	_ =	shalt  }
.Lfunc_end2:
_tile_overlayer_lowered:
.L_overlay_start_2:
0x98: {  	(tag) =	ssettag $0x2  }
0x99: {  	s0 =	rddreg [dreg:$0x0];
	s2 =	stileid.u32  }
0x9a: {  	s1 =	rddreg [dreg:$0x1];
	p0 =	sne.s32 s2, $0x0  }
0x9b: {  	s3 =	rddreg [dreg:$0x2];
	[bflag:$0x3] =	sbarrier.arrive $0xFFFF;
	s2 =	simm.s32 @!p0 $0x1C09  }
0x9c: {  	[timem:s3], [sflag:s2] =	dma.local @!p0 [hbm:s0], s1  }
0x9d: {  	s0 =	simm.s32 @!p0 $0x9  }
0x9e: {  	_ =	swait.ge @!p0 [sflag:s0], s1  }
0x9f: {  	s1 =	ssub.s32 @!p0 $0x0, s1;
	[sflag:s0] =	ssyncset.done @!p0 $0x0  }
0xa0: {  	[sflag:s0] =	ssyncadd.s32 @!p0 s1  }
0xa1: {  	[bflag:$0x3] =	sbarrier.arrive $0xFFFF  }
0xa2: {  	_ =	shalt  }

// kernel: kernel.27.cloned.1.call-start
scs
__scs_entry_jumppad:
0x0: {  	(pc) =	sbr.rel $0x88, $3  }
0x1: {  	(tag) =	ssettag $0x0;
	lr =	simm.s32 $0x1  }
0x2: {  	[smem:$0x3F8F] =	sst lr;
	_ =	strace $0xD0000000  }
0x3: {  	_ = 	snop  }
0x4: {  	_ = 	snop  }
0x5: {  	_ = 	snop  }
0x6: {  	_ = 	snop  }
0x7: {  	_ = 	snop  }
__scs_overlays_trampoline_lowered:
0x8: {  	[smem:$0x3F9E] =	sst s0  }
0x9: {  	[smem:$0x3F9F] =	sst s1  }
0xa: {  	[smem:$0x3FA0] =	sst s2  }
0xb: {  	[smem:$0x3FA1] =	sst s3  }
0xc: {  	[smem:$0x3FA2] =	sst s4  }
0xd: {  	[smem:$0x3FA3] =	sst s5  }
0xe: {  	[smem:$0x3FA4] =	sst s6  }
0xf: {  	[smem:$0x3FA5] =	sst s7  }
0x10: {  	[smem:$0x3FA6] =	sst s8  }
0x11: {  	[smem:$0x3FA7] =	sst s9;
	s0 =	simm.s32 @!p0 $0x0  }
0x12: {  	s1 =	sld [smem:$0x3F8D];
	s0 =	simm.s32 @p0 $0x1  }
0x13: {  	[smem:$0x3FA8] =	sst s0;
	s0 =	simm.s32 @!p1 $0x0  }
0x14: {  	s2 =	sld [smem:$0x3F8C];
	s0 =	simm.s32 @p1 $0x1  }
0x15: {  	[smem:$0x3FA9] =	sst s0;
	s0 =	simm.s32 @!p2 $0x0  }
0x16: {  	s3 =	sld [smem:$0x3FDB];
	s0 =	simm.s32 @p2 $0x1  }
0x17: {  	s4 =	simm.s32 $0x1BF5;
	[smem:$0x3FAB] =	sst s0  }
0x18: {  	s0 =	sld [smem:$0x3F8E];
	_ =	swait.ge [sflag:s4], $0x0  }
0x19: {  	s7 =	sld [smem:$0x3F8F]  }
0x1a: {  	s8 =	sadd.s32 $0xFFFFE003, lr  }
0x1b: {  	s9 =	sadd.s32 $0xFFFFFEF7, lr;
	s5 =	simm.s32 $0xFFFFFFFF;
	p2 =	slt.u32 s8, $0xFFFFF086  }
0x1c: {  	p1 =	slt.u32 s9, $0xF7A;
	s5 =	simm.s32 @!p2 $0x0  }
0x1d: {  	s5 =	simm.s32 @p1 $0x1;
	p0 =	seq.s32 s7, s2  }
0x1e: {  	s7 =	smul.u32 @!p0 $0xF7A, s2;
	p2 =	seq.s32 @!p0 s5, $0x0  }
0x1f: {  	s9 =	smul.u32 $0xF7A, s1;
	s8 =	simm.s32 @!p0 $0x1BF5;
	p2 =	por !p2, p0  }
0x20: {  	[sflag:s8] =	ssyncset.s32 @!p0 $0xFFFFF086;
	s6 =	sadd.s32 @!p0 s3, s7;
	s7 =	simm.s32 @!p0 $0x108  }
0x21: {  	s3 =	sadd.s32 s3, s9;
	s6 =	sadd.s32 @!p0 $0x88, s6;
	s7 =	simm.s32 @p2 $0x1082  }
0x22: {  	[simem:s7], [sflag:s8] =	dma.local @!p0 [hbm:s6], $0xF7A  }
0x23: {  	s9 =	sor.u32 $0xD0000000, s2;
	s6 =	simm.s32 $0x108;
	_ =	swait.ge @!p0 [sflag:s8], $0x0  }
0x24: {  	s3 =	sadd.s32 $0x88, s3;
	s6 =	simm.s32 @!p1 $0x1082;
	[sflag:s4] =	ssyncset.s32 $0xFFFFF086  }
0x25: {  	[simem:s6], [sflag:s4] =	dma.local [hbm:s3], $0xF7A  }
0x26: {  	[smem:$0x3F8F] =	sst s1;
	(tag) =	ssettag s2;
	_ =	strace s9  }
0x27: {  	s1 =	sld [smem:$0x3F9F]  }
0x28: {  	s2 =	sld [smem:$0x3FA0]  }
0x29: {  	s4 =	sld [smem:$0x3FA2]  }
0x2a: {  	p0 =	seq.s32 s5, $0x0;
	s5 =	sld [smem:$0x3FA3]  }
0x2b: {  	s6 =	sld [smem:$0x3FA4]  }
0x2c: {  	s7 =	sld [smem:$0x3FA5]  }
0x2d: {  	s3 =	simm.s32 $0x108;
	s8 =	sld [smem:$0x3FA6]  }
0x2e: {  	s3 =	simm.s32 @!p0 $0x1082;
	s9 =	sld [smem:$0x3FA7]  }
0x2f: {  	lr =	sadd.s32 s0, s3;
	s0 =	sld [smem:$0x3F9E]  }
0x30: {  	s3 =	sld [smem:$0x3FA1]  }
0x31: {  	[smem:$0x3FAA] =	sst s10  }
0x32: {  	s10 =	sld [smem:$0x3FA8];
	_ =	sdelay $0x3  }
0x33: {  	p0 =	seq.s32 s10, $0x1;
	s10 =	sld [smem:$0x3FAA];
	_ =	sdelay $0x3  }
0x34: {  	[smem:$0x3FAA] =	sst s10  }
0x35: {  	s10 =	sld [smem:$0x3FA9];
	_ =	sdelay $0x3  }
0x36: {  	p1 =	seq.s32 s10, $0x1;
	s10 =	sld [smem:$0x3FAA];
	_ =	sdelay $0x3  }
0x37: {  	[smem:$0x3FAA] =	sst s10  }
0x38: {  	s10 =	sld [smem:$0x3FAB]  }
0x39: {  	_ = 	snop;
	(pc) =	sbr.ind lr, $3  }
0x3a: {  	_ = 	snop  }
0x3b: {  	_ = 	snop  }
0x3c: {  	p2 =	seq.s32 s10, $0x1;
	s10 =	sld [smem:$0x3FAA]  }
0x3d: {  	_ =	shalt  }
0x3e: {  	_ =	shalt  }
0x3f: {  	_ =	shalt  }
0x40: {  	_ =	shalt  }
0x41: {  	_ =	shalt  }
0x42: {  	_ =	shalt  }
0x43: {  	_ =	shalt  }
0x44: {  	_ =	shalt  }
0x45: {  	_ =	shalt  }
0x46: {  	_ =	shalt  }
0x47: {  	_ =	shalt  }
0x48: {  	_ =	shalt  }
0x49: {  	_ =	shalt  }
0x4a: {  	_ =	shalt  }
0x4b: {  	_ =	shalt  }
0x4c: {  	_ =	shalt  }
0x4d: {  	_ =	shalt  }
0x4e: {  	_ =	shalt  }
0x4f: {  	_ =	shalt  }
0x50: {  	_ =	shalt  }
0x51: {  	_ =	shalt  }
0x52: {  	_ =	shalt  }
0x53: {  	_ =	shalt  }
0x54: {  	_ =	shalt  }
0x55: {  	_ =	shalt  }
0x56: {  	_ =	shalt  }
0x57: {  	_ =	shalt  }
0x58: {  	_ =	shalt  }
0x59: {  	_ =	shalt  }
0x5a: {  	_ =	shalt  }
0x5b: {  	_ =	shalt  }
0x5c: {  	_ =	shalt  }
0x5d: {  	_ =	shalt  }
0x5e: {  	_ =	shalt  }
0x5f: {  	_ =	shalt  }
0x60: {  	_ =	shalt  }
0x61: {  	_ =	shalt  }
0x62: {  	_ =	shalt  }
0x63: {  	_ =	shalt  }
0x64: {  	_ =	shalt  }
0x65: {  	_ =	shalt  }
0x66: {  	_ =	shalt  }
0x67: {  	_ =	shalt  }
0x68: {  	_ =	shalt  }
0x69: {  	_ =	shalt  }
0x6a: {  	_ =	shalt  }
0x6b: {  	_ =	shalt  }
0x6c: {  	_ =	shalt  }
0x6d: {  	_ =	shalt  }
0x6e: {  	_ =	shalt  }
0x6f: {  	_ =	shalt  }
0x70: {  	_ =	shalt  }
0x71: {  	_ =	shalt  }
0x72: {  	_ =	shalt  }
0x73: {  	_ =	shalt  }
0x74: {  	_ =	shalt  }
0x75: {  	_ =	shalt  }
0x76: {  	_ =	shalt  }
0x77: {  	_ =	shalt  }
0x78: {  	_ =	shalt  }
0x79: {  	_ =	shalt  }
0x7a: {  	_ =	shalt  }
0x7b: {  	_ =	shalt  }
0x7c: {  	_ =	shalt  }
0x7d: {  	_ =	shalt  }
0x7e: {  	_ =	shalt  }
0x7f: {  	_ =	shalt  }
0x80: {  	_ =	shalt  }
0x81: {  	_ =	shalt  }
0x82: {  	_ =	shalt  }
0x83: {  	_ =	shalt  }
0x84: {  	_ =	shalt  }
0x85: {  	_ =	shalt  }
0x86: {  	_ =	shalt  }
0x87: {  	_ =	shalt  }
.Lfunc_end0:
.L_simem_size_0:
called_computation.3_lowered:
.L_overlay_start_0:
0x88: {  	s2 =	sld [smem:$0x3FD9]  }
0x89: {  	s3 =	sld [smem:$0x3FFE];
	_ =	sdelay $0x1  }
0x8a: {  	s1 =	srdreg.scid  }
0x8b: {  	s0 =	sand.u32 $0x1, s1  }
0x8c: {  	s16 =	sshll.u32 s0, $0xA;
	s2 =	sadd.s32 s3, s2  }
0x8d: {  	s2 =	sadd.s32 s2, s16  }
0x8e: {  	[smem:$0x3FB6] =	sst s2  }
0x8f: {  	_ = 	snop  }
0x90: {  	(tm) =	ssettm $0x1  }
0x91: {  	s17 =	sld [smem:$0x3FFB];
	_ =	sdelay $0x3  }
0x92: {  	_ =	strace s17  }
0x93: {  	s2 =	sld [smem:$0x3FFC];
	_ =	sdelay $0x3  }
0x94: {  	_ =	strace s2  }
0x95: {  	s2 =	sld [smem:$0x3FFD];
	_ =	sdelay $0x3  }
0x96: {  	_ =	strace s2  }
0x97: {  	_ =	strace $0x8FFFFFFF  }
0x98: {  	s18 =	sld [smem:$0x3FDB];
	_ =	sdelay $0x1  }
0x99: {  	s19 =	simm.s32 $_scs_section_size  }
0x9a: {  	s4 =	simm.s32 $_size__tile_overlayer_lowered;
	s5 =	simm.s32 $_tile_overlayer_lowered  }
0x9b: {  	s22 =	simm.s32 $0x1BFF;
	s21 =	sshll.u32 s5, $0x1;
	s2 =	sadd.s32 s19, s18  }
0x9c: {  	s6 =	simm.s32 $0x0;
	s20 =	sshll.u32 s4, $0x1;
	s4 =	sadd.s32 s21, s2  }
0x9d: {  	[timem:s6], [sflag:s22] =	dma.local [hbm:s4], s20  }
0x9e: {  	_ =	swait.ge [sflag:s22], s20  }
0x9f: {  	s3 =	ssub.s32 $0x0, s20;
	[sflag:s22] =	ssyncset.done $0x0  }
0xa0: {  	[sflag:s22] =	ssyncadd.s32 s3;
	_ =	sdelay $0x1  }
0xa1: {  	s23 =	simm.s32 $0x1B8B  }
0xa2: {  	_ =	swait.ge [sflag:s23], $0x1  }
0xa3: {  	[sflag:s23] =	ssyncset.done $0x0  }
0xa4: {  	s25 =	simm.s32 $0x1B8E;
	s24 =	sld [smem:$0x3FFE];
	[sflag:s23] =	ssyncadd.s32 $0xFFFFFFFF  }
0xa5: {  	s26 =	simm.s32 $execute0_lowered;
	[smem:$0x3FD2] =	sst s25  }
0xa6: {  	s4 =	sshll.u32 s26, $0x1;
	_ =	strace $0x8000004F;
	[dreg:$0x1] =	wrdreg $0xFFFFFFFF  }
0xa7: {  	s28 =	simm.s32 $_size_execute0_lowered;
	s2 =	sadd.s32 s2, s4;
	[dreg:$0x0] =	wrdreg $0x0  }
0xa8: {  	s4 =	sshll.u32 s28, $0x1;
	[dreg:$0x2] =	wrdreg s2  }
0xa9: {  	[dreg:$0x3] =	wrdreg s4  }
0xaa: {  	[dreg:$0x4] =	wrdreg $0xC0  }
0xab: {  	_ =	task [dreg:s6], $0x5FFFF  }
0xac: {  	[dreg:$0x1] =	wrdreg $0xFFFFFFFF  }
0xad: {  	[dreg:$0x0] =	wrdreg $0x60  }
0xae: {  	[dreg:$0x2] =	wrdreg s24  }
0xaf: {  	[dreg:$0x3] =	wrdreg $0xA8000  }
0xb0: {  	[dreg:$0x4] =	wrdreg $0x9  }
0xb1: {  	_ =	task.clear_ibuf [dreg:s6], $0x5FFFF;
	_ =	strace $0x9000004F  }
0xb2: {  	s29 =	simm.s32 $0x9;
	_ =	strace $0x80000051  }
0xb3: {  	_ =	swait.ge [sflag:s29], $0x1  }
0xb4: {  	[sflag:s29] =	ssyncadd.s32 $0xFFFFFFFF  }
0xb5: {  	_ =	strace $0x90000051  }
0xb6: {  	_ =	sfence  }
0xb7: {  	s30 =	sld [smem:$0x0];
	_ =	sdelay $0x2  }
0xb8: {  	s31 =	sshll.u32 s1, $0xD;
	s1 =	sshrl.u32 s1, $0x2  }
0xb9: {  	s3 =	sand.u32 $0x4000, s31;
	s1 =	sadd.s32 s1, s30  }
0xba: {  	s0 =	sor.u32 s3, s0;
	s1 =	sshll.u32 s1, $0x11  }
0xbb: {  	s0 =	sor.u32 s1, s0  }
0xbc: {  	s0 =	sadd.s32 $0x8F2B, s0  }
0xbd: {  	[sflag:s0] =	ssyncadd.remote.s32 $0x1  }
0xbe: {  	_ =	sfence.sel $0xFFFF  }
0xbf: {  	[dreg:$0x0] =	wrdreg $0xFFFFFFFF;
	(pc) =	sbr.abs _section_cstart, $3  }
0xc0: {  	[dreg:$0x1] =	wrdreg $0xFFFFFFFF  }
0xc1: {  	_ =	task.clear_ibuf [dreg:s6], $0x2FFFF;
	_ =	strace $0x9FFFFFFF  }
0xc2: {  	(tm) =	ssettm $0x7FFFFFFF  }
0xc3: {  	_ =	shalt  }
tec
execute0_lowered:
.L_overlay_start_1:
0x0: {  	(tag) =	ssettag $0x1  }
0x1: {  	s0 =	srdreg.scid;
	s5 =	rddreg [dreg:$0x0]  }
0x2: {  	s2 =	rddreg [dreg:$0x1];
	s3 =	simm.s32 $0x0;
	s16 =	simm.s32 $0x6800  }
0x3: {  	s17 =	simm.s32 $0x1;
	s4 =	sand.u32 $0x1, s0;
	s0 =	stileid.u32  }
0x4: {  	s18 =	simm.s32 $0x80;
	s19 =	simm.s32 $0x3;
	s8 =	smul.u32 $0x2800, s0  }
0x5: {  	s20 =	simm.s32 $0x2;
	s21 =	simm.s32 $0x4;
	s9 =	smul.u32 $0x28000, s4  }
0x6: {  	[smem:$0x7FF] =	sst s3;
	s10 =	sadd.s32 $0xA82000, s5;
	s12 =	smul.u32 $0x50000, s0  }
0x7: {  	s1 =	sshll.u32 s4, $0x4;
	s22 =	ssub.s32 $0x2, s4;
	s24 =	smul.u32 $0x500, s4  }
0x8: {  	s26 =	smul.u32 $0x50, s0;
	s28 =	sshll.u32 s0, $0x6;
	s6 =	sor.u32 s0, s1  }
0x9: {  	s1 =	rddreg [dreg:$0x2];
	_ =	strace $0x80000050;
	s23 =	sshrl.u32 s22, $0x1  }
0xa: {  	s7 =	smul.u32 $0x500, s6;
	s11 =	sadd.s32 s8, s5;
	s8 =	sadd.s32 s8, s9  }
0xb: {  	s14 =	ssub.s32 s22, s23;
	s25 =	sshrl.u32 s12, $0x2;
	s29 =	smul.u32 $0x28000, s6  }
0xc: {  	s22 =	simm.s32 $0x2700;
	s23 =	simm.s32 $0x2780;
	s13 =	sadd.s32 s8, s5  }
0xd: {  	s15 =	sadd.s32 s25, s2;
	s4 =	sadd.s32 $0x59E00, s11;
	s8 =	sadd.s32 s26, s24  }
0xe: {  	s24 =	simm.s32 $0x0;
	s7 =	sadd.s32 s7, s5;
	s5 =	sor.u32 $0x1C05, s28  }
0xf: {  	s30 =	sshll.u32 s8, $0xB;
	s9 =	sadd.s32 $0x81E00, s13;
	s13 =	sshrl.u32 s15, $0x3  }
0x10: {  	s15 =	simm.s32 $0x2800;
	s6 =	sadd.s32 $0x44E00, s7;
	s7 =	sadd.s32 s10, s29  }
0x11: {  	s31 =	sadd.s32 s30, s10;
	s10 =	smax.u32 s14, $0x1;
	s14 =	simm.s32 $0x5  }
0x12: {  	s8 =	sadd.s32 $0x800, s7;
	s11 =	sadd.s32 $0x1800, s31;
	s12 =	sadd.s32 $0x1000, s31  }
.LBB2_1:
0x13: {  	[spmem:s13], [sflag:s5] =	dma.local [hbm:s4], $0x2800  }
0x14: {  	_ =	swait.ge [sflag:s14], $0x2800  }
0x15: {  	[sflag:s14] =	ssyncset.done $0x0  }
0x16: {  	[sflag:s14] =	ssyncadd.s32 $0xFFFFD800  }
0x17: {  	[tilespmem:s3], [sflag:$0x5] =	stream.linear.gather [hbm4b:s6+s3], $0x2800, $0x38;
	[tilespmem:$0x1E800] =	vst v63  }
0x18: {  	_ =	swait.ge [sflag:s14], $0x2800  }
0x19: {  	[sflag:s14] =	ssyncset.done $0x0  }
0x1a: {  	[sflag:s14] =	ssyncadd.s32 $0xFFFFD800  }
0x1b: {  	[bflag:$0x0] =	sbarrier.arrive $0xFFFF  }
0x1c: {  	[tilespmem:s15], [sflag:$0x1] =	stream.linear.gather [hbm4b:s7+s3], $0x4000, $0x38;
	[tilespmem:$0x1E800] =	vst v63  }
0x1d: {  	_ = 	snop  }
0x1e: {  	[tilespmem:s16], [sflag:$0x2] =	stream.linear.gather [hbm4b:s8+s3], $0x4000, $0x38;
	[tilespmem:$0x1E800] =	vst v63  }
0x1f: {  	_ =	swait.ge [sflag:s17], $0x4000  }
0x20: {  	[sflag:s17] =	ssyncset.done $0x0  }
0x21: {  	s25 =	simm.s32 $0x0;
	[sflag:s17] =	ssyncadd.s32 $0xFFFFC000  }
0x22: {  	[spmem:s2] =	stream.indirect.scatter.add.f32 [tilespmem:s15], [sflag:$0x3], $0x80, s25, s18, $0xb8;
	[tilespmem:$0x1E800] =	vst v63  }
0x23: {  	_ =	swait.ge [sflag:s19], $0x4000  }
0x24: {  	[sflag:s19] =	ssyncset.done $0x0  }
0x25: {  	s31 =	sadd.s32 $0x0, s12;
	[sflag:s19] =	ssyncadd.s32 $0xFFFFC000  }
0x26: {  	[tilespmem:s15], [sflag:$0x1] =	stream.linear.gather [hbm4b:s31+s3], $0x4000, $0x38;
	[tilespmem:$0x1E800] =	vst v63  }
0x27: {  	_ =	swait.ge [sflag:s20], $0x4000  }
0x28: {  	[sflag:s20] =	ssyncset.done $0x0  }
0x29: {  	[sflag:s20] =	ssyncadd.s32 $0xFFFFC000  }
0x2a: {  	[spmem:s2] =	stream.indirect.scatter.add.f32 [tilespmem:s16], [sflag:$0x4], $0x80, s18, s18, $0xb8;
	[tilespmem:$0x1E800] =	vst v63  }
0x2b: {  	_ =	swait.ge [sflag:s21], $0x4000  }
0x2c: {  	s28 =	sadd.s32 $0x0, s11;
	[sflag:s21] =	ssyncset.done $0x0  }
0x2d: {  	s26 =	simm.s32 $0x180;
	s25 =	simm.s32 $0x1000;
	[sflag:s21] =	ssyncadd.s32 $0xFFFFC000  }
.LBB2_2:
0x2e: {  	[tilespmem:s16], [sflag:$0x2] =	stream.linear.gather [hbm4b:s28+s3], $0x4000, $0x38;
	[tilespmem:$0x1E800] =	vst v63  }
0x2f: {  	s28 =	smov.u32 s25  }
0x30: {  	p0 =	sne.s32 s25, $0x26000;
	s25 =	sadd.s32 $0x1000, s25;
	_ =	swait.ge [sflag:s17], $0x4000  }
0x31: {  	[sflag:s17] =	ssyncset.done $0x0  }
0x32: {  	s29 =	sadd.s32 $0xFFFFFF80, s26;
	[sflag:s17] =	ssyncadd.s32 $0xFFFFC000  }
0x33: {  	[spmem:s2] =	stream.indirect.scatter.add.f32 [tilespmem:s15], [sflag:$0x3], $0x80, s29, s18, $0xb8;
	[tilespmem:$0x1E800] =	vst v63  }
0x34: {  	_ =	swait.ge [sflag:s19], $0x4000  }
0x35: {  	[sflag:s19] =	ssyncset.done $0x0  }
0x36: {  	s29 =	sadd.s32 s28, s12;
	[sflag:s19] =	ssyncadd.s32 $0xFFFFC000  }
0x37: {  	[tilespmem:s15], [sflag:$0x1] =	stream.linear.gather [hbm4b:s29+s3], $0x4000, $0x38;
	[tilespmem:$0x1E800] =	vst v63  }
0x38: {  	_ =	swait.ge [sflag:s20], $0x4000  }
0x39: {  	[sflag:s20] =	ssyncset.done $0x0  }
.Ltmp0:
0x3a: {  	[sflag:s20] =	ssyncadd.s32 $0xFFFFC000;
	(pc) =	sbr.rel @p0 .LBB2_2-.Ltmp0, $4  }
0x3b: {  	[spmem:s2] =	stream.indirect.scatter.add.f32 [tilespmem:s16], [sflag:$0x4], $0x80, s26, s18, $0xb8;
	[tilespmem:$0x1E800] =	vst v63  }
0x3c: {  	_ =	swait.ge [sflag:s21], $0x4000  }
0x3d: {  	[sflag:s21] =	ssyncset.done $0x0  }
0x3e: {  	s28 =	sadd.s32 s28, s11;
	s26 =	sadd.s32 $0x100, s26;
	[sflag:s21] =	ssyncadd.s32 $0xFFFFC000  }
0x3f: {  	[tilespmem:s16], [sflag:$0x2] =	stream.linear.gather [hbm4b:s28+s3], $0x4000, $0x38;
	[tilespmem:$0x1E800] =	vst v63  }
0x40: {  	_ =	swait.ge [sflag:s17], $0x4000  }
0x41: {  	[sflag:s17] =	ssyncset.done $0x0  }
0x42: {  	[sflag:s17] =	ssyncadd.s32 $0xFFFFC000  }
0x43: {  	[spmem:s2] =	stream.indirect.scatter.add.f32 [tilespmem:s15], [sflag:$0x3], $0x80, s22, s18, $0xb8;
	[tilespmem:$0x1E800] =	vst v63  }
0x44: {  	_ =	swait.ge [sflag:s19], $0x4000  }
0x45: {  	[sflag:s19] =	ssyncset.done $0x0  }
0x46: {  	[sflag:s19] =	ssyncadd.s32 $0xFFFFC000  }
0x47: {  	_ =	swait.ge [sflag:s20], $0x4000  }
0x48: {  	[sflag:s20] =	ssyncset.done $0x0  }
0x49: {  	[sflag:s20] =	ssyncadd.s32 $0xFFFFC000  }
0x4a: {  	[spmem:s2] =	stream.indirect.scatter.add.f32 [tilespmem:s16], [sflag:$0x4], $0x80, s23, s18, $0xb8;
	[tilespmem:$0x1E800] =	vst v63  }
0x4b: {  	_ =	swait.ge [sflag:s21], $0x4000  }
0x4c: {  	s24 =	sadd.s32 $0x1, s24;
	[sflag:s21] =	ssyncset.done $0x0  }
0x4d: {  	p0 =	sne.s32 s24, s10;
	[sflag:s21] =	ssyncadd.s32 $0xFFFFC000  }
.Ltmp1:
0x4e: {  	[bflag:$0x0] =	sbarrier.arrive $0xFFFF;
	(pc) =	sbr.rel @p0 .LBB2_1-.Ltmp1, $4  }
0x4f: {  	[hbm:s9], [sflag:s5] =	dma.local [spmem:s13], $0x2800  }
0x50: {  	_ =	swait.ge [sflag:s14], $0x2800  }
0x51: {  	[sflag:s14] =	ssyncset.done $0x0  }
0x52: {  	[sflag:s14] =	ssyncadd.s32 $0xFFFFD800  }
0x53: {  	_ =	sfence.sel $0x180000  }
0x54: {  	[bflag:$0x0] =	sbarrier.arrive $0xFFFF  }
0x55: {  	p0 =	sne.s32 s0, $0x0;
	_ =	strace $0x90000050  }
0x56: {  	s0 =	sadd.s32 @!p0 $0x100000, s1;
	[bflag:$0x2] =	sbarrier.arrive $0xFFFF  }
0x57: {  	[sflag:s0] =	ssyncadd.tile.s32 @!p0 $0x1;
	_ =	shalt  }
.Lfunc_end2:
_tile_overlayer_lowered:
.L_overlay_start_2:
0x58: {  	(tag) =	ssettag $0x2  }
0x59: {  	s0 =	rddreg [dreg:$0x0];
	s2 =	stileid.u32  }
0x5a: {  	s1 =	rddreg [dreg:$0x1];
	p0 =	sne.s32 s2, $0x0  }
0x5b: {  	s3 =	rddreg [dreg:$0x2];
	[bflag:$0x3] =	sbarrier.arrive $0xFFFF;
	s2 =	simm.s32 @!p0 $0x1C05  }
0x5c: {  	[timem:s3], [sflag:s2] =	dma.local @!p0 [hbm:s0], s1  }
0x5d: {  	s0 =	simm.s32 @!p0 $0x5  }
0x5e: {  	_ =	swait.ge @!p0 [sflag:s0], s1  }
0x5f: {  	s1 =	ssub.s32 @!p0 $0x0, s1;
	[sflag:s0] =	ssyncset.done @!p0 $0x0  }
0x60: {  	[sflag:s0] =	ssyncadd.s32 @!p0 s1  }
0x61: {  	[bflag:$0x3] =	sbarrier.arrive $0xFFFF  }
0x62: {  	_ =	shalt  }

// kernel: kernel.30.cloned.1.call-start
scs
__scs_entry_jumppad:
0x0: {  	(pc) =	sbr.rel $0x88, $3  }
0x1: {  	(tag) =	ssettag $0x0;
	lr =	simm.s32 $0x1  }
0x2: {  	[smem:$0x3F8F] =	sst lr;
	_ =	strace $0xD0000000  }
0x3: {  	_ = 	snop  }
0x4: {  	_ = 	snop  }
0x5: {  	_ = 	snop  }
0x6: {  	_ = 	snop  }
0x7: {  	_ = 	snop  }
__scs_overlays_trampoline_lowered:
0x8: {  	[smem:$0x3F9E] =	sst s0  }
0x9: {  	[smem:$0x3F9F] =	sst s1  }
0xa: {  	[smem:$0x3FA0] =	sst s2  }
0xb: {  	[smem:$0x3FA1] =	sst s3  }
0xc: {  	[smem:$0x3FA2] =	sst s4  }
0xd: {  	[smem:$0x3FA3] =	sst s5  }
0xe: {  	[smem:$0x3FA4] =	sst s6  }
0xf: {  	[smem:$0x3FA5] =	sst s7  }
0x10: {  	[smem:$0x3FA6] =	sst s8  }
0x11: {  	[smem:$0x3FA7] =	sst s9;
	s0 =	simm.s32 @!p0 $0x0  }
0x12: {  	s1 =	sld [smem:$0x3F8D];
	s0 =	simm.s32 @p0 $0x1  }
0x13: {  	[smem:$0x3FA8] =	sst s0;
	s0 =	simm.s32 @!p1 $0x0  }
0x14: {  	s2 =	sld [smem:$0x3F8C];
	s0 =	simm.s32 @p1 $0x1  }
0x15: {  	[smem:$0x3FA9] =	sst s0;
	s0 =	simm.s32 @!p2 $0x0  }
0x16: {  	s3 =	sld [smem:$0x3FDB];
	s0 =	simm.s32 @p2 $0x1  }
0x17: {  	s4 =	simm.s32 $0x1BF5;
	[smem:$0x3FAB] =	sst s0  }
0x18: {  	s0 =	sld [smem:$0x3F8E];
	_ =	swait.ge [sflag:s4], $0x0  }
0x19: {  	s7 =	sld [smem:$0x3F8F]  }
0x1a: {  	s8 =	sadd.s32 $0xFFFFE003, lr  }
0x1b: {  	s9 =	sadd.s32 $0xFFFFFEF7, lr;
	s5 =	simm.s32 $0xFFFFFFFF;
	p2 =	slt.u32 s8, $0xFFFFF086  }
0x1c: {  	p1 =	slt.u32 s9, $0xF7A;
	s5 =	simm.s32 @!p2 $0x0  }
0x1d: {  	s5 =	simm.s32 @p1 $0x1;
	p0 =	seq.s32 s7, s2  }
0x1e: {  	s7 =	smul.u32 @!p0 $0xF7A, s2;
	p2 =	seq.s32 @!p0 s5, $0x0  }
0x1f: {  	s9 =	smul.u32 $0xF7A, s1;
	s8 =	simm.s32 @!p0 $0x1BF5;
	p2 =	por !p2, p0  }
0x20: {  	[sflag:s8] =	ssyncset.s32 @!p0 $0xFFFFF086;
	s6 =	sadd.s32 @!p0 s3, s7;
	s7 =	simm.s32 @!p0 $0x108  }
0x21: {  	s3 =	sadd.s32 s3, s9;
	s6 =	sadd.s32 @!p0 $0x88, s6;
	s7 =	simm.s32 @p2 $0x1082  }
0x22: {  	[simem:s7], [sflag:s8] =	dma.local @!p0 [hbm:s6], $0xF7A  }
0x23: {  	s9 =	sor.u32 $0xD0000000, s2;
	s6 =	simm.s32 $0x108;
	_ =	swait.ge @!p0 [sflag:s8], $0x0  }
0x24: {  	s3 =	sadd.s32 $0x88, s3;
	s6 =	simm.s32 @!p1 $0x1082;
	[sflag:s4] =	ssyncset.s32 $0xFFFFF086  }
0x25: {  	[simem:s6], [sflag:s4] =	dma.local [hbm:s3], $0xF7A  }
0x26: {  	[smem:$0x3F8F] =	sst s1;
	(tag) =	ssettag s2;
	_ =	strace s9  }
0x27: {  	s1 =	sld [smem:$0x3F9F]  }
0x28: {  	s2 =	sld [smem:$0x3FA0]  }
0x29: {  	s4 =	sld [smem:$0x3FA2]  }
0x2a: {  	p0 =	seq.s32 s5, $0x0;
	s5 =	sld [smem:$0x3FA3]  }
0x2b: {  	s6 =	sld [smem:$0x3FA4]  }
0x2c: {  	s7 =	sld [smem:$0x3FA5]  }
0x2d: {  	s3 =	simm.s32 $0x108;
	s8 =	sld [smem:$0x3FA6]  }
0x2e: {  	s3 =	simm.s32 @!p0 $0x1082;
	s9 =	sld [smem:$0x3FA7]  }
0x2f: {  	lr =	sadd.s32 s0, s3;
	s0 =	sld [smem:$0x3F9E]  }
0x30: {  	s3 =	sld [smem:$0x3FA1]  }
0x31: {  	[smem:$0x3FAA] =	sst s10  }
0x32: {  	s10 =	sld [smem:$0x3FA8];
	_ =	sdelay $0x3  }
0x33: {  	p0 =	seq.s32 s10, $0x1;
	s10 =	sld [smem:$0x3FAA];
	_ =	sdelay $0x3  }
0x34: {  	[smem:$0x3FAA] =	sst s10  }
0x35: {  	s10 =	sld [smem:$0x3FA9];
	_ =	sdelay $0x3  }
0x36: {  	p1 =	seq.s32 s10, $0x1;
	s10 =	sld [smem:$0x3FAA];
	_ =	sdelay $0x3  }
0x37: {  	[smem:$0x3FAA] =	sst s10  }
0x38: {  	s10 =	sld [smem:$0x3FAB]  }
0x39: {  	_ = 	snop;
	(pc) =	sbr.ind lr, $3  }
0x3a: {  	_ = 	snop  }
0x3b: {  	_ = 	snop  }
0x3c: {  	p2 =	seq.s32 s10, $0x1;
	s10 =	sld [smem:$0x3FAA]  }
0x3d: {  	_ =	shalt  }
0x3e: {  	_ =	shalt  }
0x3f: {  	_ =	shalt  }
0x40: {  	_ =	shalt  }
0x41: {  	_ =	shalt  }
0x42: {  	_ =	shalt  }
0x43: {  	_ =	shalt  }
0x44: {  	_ =	shalt  }
0x45: {  	_ =	shalt  }
0x46: {  	_ =	shalt  }
0x47: {  	_ =	shalt  }
0x48: {  	_ =	shalt  }
0x49: {  	_ =	shalt  }
0x4a: {  	_ =	shalt  }
0x4b: {  	_ =	shalt  }
0x4c: {  	_ =	shalt  }
0x4d: {  	_ =	shalt  }
0x4e: {  	_ =	shalt  }
0x4f: {  	_ =	shalt  }
0x50: {  	_ =	shalt  }
0x51: {  	_ =	shalt  }
0x52: {  	_ =	shalt  }
0x53: {  	_ =	shalt  }
0x54: {  	_ =	shalt  }
0x55: {  	_ =	shalt  }
0x56: {  	_ =	shalt  }
0x57: {  	_ =	shalt  }
0x58: {  	_ =	shalt  }
0x59: {  	_ =	shalt  }
0x5a: {  	_ =	shalt  }
0x5b: {  	_ =	shalt  }
0x5c: {  	_ =	shalt  }
0x5d: {  	_ =	shalt  }
0x5e: {  	_ =	shalt  }
0x5f: {  	_ =	shalt  }
0x60: {  	_ =	shalt  }
0x61: {  	_ =	shalt  }
0x62: {  	_ =	shalt  }
0x63: {  	_ =	shalt  }
0x64: {  	_ =	shalt  }
0x65: {  	_ =	shalt  }
0x66: {  	_ =	shalt  }
0x67: {  	_ =	shalt  }
0x68: {  	_ =	shalt  }
0x69: {  	_ =	shalt  }
0x6a: {  	_ =	shalt  }
0x6b: {  	_ =	shalt  }
0x6c: {  	_ =	shalt  }
0x6d: {  	_ =	shalt  }
0x6e: {  	_ =	shalt  }
0x6f: {  	_ =	shalt  }
0x70: {  	_ =	shalt  }
0x71: {  	_ =	shalt  }
0x72: {  	_ =	shalt  }
0x73: {  	_ =	shalt  }
0x74: {  	_ =	shalt  }
0x75: {  	_ =	shalt  }
0x76: {  	_ =	shalt  }
0x77: {  	_ =	shalt  }
0x78: {  	_ =	shalt  }
0x79: {  	_ =	shalt  }
0x7a: {  	_ =	shalt  }
0x7b: {  	_ =	shalt  }
0x7c: {  	_ =	shalt  }
0x7d: {  	_ =	shalt  }
0x7e: {  	_ =	shalt  }
0x7f: {  	_ =	shalt  }
0x80: {  	_ =	shalt  }
0x81: {  	_ =	shalt  }
0x82: {  	_ =	shalt  }
0x83: {  	_ =	shalt  }
0x84: {  	_ =	shalt  }
0x85: {  	_ =	shalt  }
0x86: {  	_ =	shalt  }
0x87: {  	_ =	shalt  }
.Lfunc_end0:
.L_simem_size_0:
called_computation.4_lowered:
.L_overlay_start_0:
0x88: {  	s2 =	sld [smem:$0x3FD9]  }
0x89: {  	s3 =	sld [smem:$0x3FFE];
	_ =	sdelay $0x1  }
0x8a: {  	s1 =	srdreg.scid  }
0x8b: {  	s0 =	sand.u32 $0x1, s1  }
0x8c: {  	s16 =	sshll.u32 s0, $0xA;
	s2 =	sadd.s32 s3, s2  }
0x8d: {  	s2 =	sadd.s32 s2, s16  }
0x8e: {  	[smem:$0x3FB6] =	sst s2  }
0x8f: {  	_ = 	snop  }
0x90: {  	(tm) =	ssettm $0x1  }
0x91: {  	s17 =	sld [smem:$0x3FFB];
	_ =	sdelay $0x3  }
0x92: {  	_ =	strace s17  }
0x93: {  	s2 =	sld [smem:$0x3FFC];
	_ =	sdelay $0x3  }
0x94: {  	_ =	strace s2  }
0x95: {  	s2 =	sld [smem:$0x3FFD];
	_ =	sdelay $0x3  }
0x96: {  	_ =	strace s2  }
0x97: {  	_ =	strace $0x8FFFFFFF  }
0x98: {  	s18 =	sld [smem:$0x3FDB];
	_ =	sdelay $0x1  }
0x99: {  	s19 =	simm.s32 $_scs_section_size  }
0x9a: {  	s4 =	simm.s32 $_size__tile_overlayer_lowered;
	s5 =	simm.s32 $_tile_overlayer_lowered  }
0x9b: {  	s22 =	simm.s32 $0x1BFF;
	s21 =	sshll.u32 s5, $0x1;
	s2 =	sadd.s32 s19, s18  }
0x9c: {  	s6 =	simm.s32 $0x0;
	s20 =	sshll.u32 s4, $0x1;
	s4 =	sadd.s32 s21, s2  }
0x9d: {  	[timem:s6], [sflag:s22] =	dma.local [hbm:s4], s20  }
0x9e: {  	_ =	swait.ge [sflag:s22], s20  }
0x9f: {  	s3 =	ssub.s32 $0x0, s20;
	[sflag:s22] =	ssyncset.done $0x0  }
0xa0: {  	[sflag:s22] =	ssyncadd.s32 s3;
	_ =	sdelay $0x1  }
0xa1: {  	s23 =	simm.s32 $0x1B8B  }
0xa2: {  	_ =	swait.ge [sflag:s23], $0x1  }
0xa3: {  	[sflag:s23] =	ssyncset.done $0x0  }
0xa4: {  	s25 =	simm.s32 $0x1B8E;
	s24 =	sld [smem:$0x3FFE];
	[sflag:s23] =	ssyncadd.s32 $0xFFFFFFFF  }
0xa5: {  	s26 =	simm.s32 $execute0_lowered;
	[smem:$0x3FD2] =	sst s25  }
0xa6: {  	s4 =	sshll.u32 s26, $0x1;
	_ =	strace $0x80000052;
	[dreg:$0x1] =	wrdreg $0xFFFFFFFF  }
0xa7: {  	s28 =	simm.s32 $_size_execute0_lowered;
	s2 =	sadd.s32 s2, s4;
	[dreg:$0x0] =	wrdreg $0x0  }
0xa8: {  	s4 =	sshll.u32 s28, $0x1;
	[dreg:$0x2] =	wrdreg s2  }
0xa9: {  	[dreg:$0x3] =	wrdreg s4  }
0xaa: {  	[dreg:$0x4] =	wrdreg $0xC0  }
0xab: {  	_ =	task [dreg:s6], $0x5FFFF  }
0xac: {  	[dreg:$0x1] =	wrdreg $0xFFFFFFFF  }
0xad: {  	[dreg:$0x0] =	wrdreg $0x60  }
0xae: {  	[dreg:$0x2] =	wrdreg s24  }
0xaf: {  	[dreg:$0x3] =	wrdreg $0xA8000  }
0xb0: {  	[dreg:$0x4] =	wrdreg $0x9  }
0xb1: {  	_ =	task.clear_ibuf [dreg:s6], $0x5FFFF;
	_ =	strace $0x90000052  }
0xb2: {  	s29 =	simm.s32 $0x9;
	_ =	strace $0x80000054  }
0xb3: {  	_ =	swait.ge [sflag:s29], $0x1  }
0xb4: {  	[sflag:s29] =	ssyncadd.s32 $0xFFFFFFFF  }
0xb5: {  	_ =	strace $0x90000054  }
0xb6: {  	_ =	sfence  }
0xb7: {  	s30 =	sld [smem:$0x0];
	_ =	sdelay $0x2  }
0xb8: {  	s31 =	sshll.u32 s1, $0xD;
	s1 =	sshrl.u32 s1, $0x2  }
0xb9: {  	s3 =	sand.u32 $0x4000, s31;
	s1 =	sadd.s32 s1, s30  }
0xba: {  	s0 =	sor.u32 s3, s0;
	s1 =	sshll.u32 s1, $0x11  }
0xbb: {  	s0 =	sor.u32 s1, s0  }
0xbc: {  	s0 =	sadd.s32 $0x8F2B, s0  }
0xbd: {  	[sflag:s0] =	ssyncadd.remote.s32 $0x1  }
0xbe: {  	_ =	sfence.sel $0xFFFF  }
0xbf: {  	[dreg:$0x0] =	wrdreg $0xFFFFFFFF;
	(pc) =	sbr.abs _section_cstart, $3  }
0xc0: {  	[dreg:$0x1] =	wrdreg $0xFFFFFFFF  }
0xc1: {  	_ =	task.clear_ibuf [dreg:s6], $0x2FFFF;
	_ =	strace $0x9FFFFFFF  }
0xc2: {  	(tm) =	ssettm $0x7FFFFFFF  }
0xc3: {  	_ =	shalt  }
tec
execute0_lowered:
.L_overlay_start_1:
0x0: {  	(tag) =	ssettag $0x1  }
0x1: {  	s0 =	rddreg [dreg:$0x0]  }
0x2: {  	s1 =	srdreg.scid;
	s2 =	rddreg [dreg:$0x1]  }
0x3: {  	s15 =	stileid.u32;
	s3 =	simm.s32 $0x0;
	s17 =	simm.s32 $0x9  }
0x4: {  	s18 =	simm.s32 $0x40;
	s28 =	simm.s32 $0x2;
	s5 =	smul.u32 $0x2800, s15  }
0x5: {  	s29 =	simm.s32 $0x6;
	s30 =	simm.s32 $0x3;
	s7 =	smul.u32 $0x50000, s15  }
0x6: {  	s31 =	simm.s32 $0x7;
	s1 =	sand.u32 $0x1, s1;
	s14 =	smul.u32 $0x140000, s15  }
0x7: {  	[smem:$0x7FF] =	sst s3;
	s13 =	sadd.s32 $0xA82000, s0;
	s25 =	smul.u32 $0x28000, s15  }
0x8: {  	p0 =	seq.s32 s15, $0xF;
	s4 =	sshll.u32 s1, $0x4;
	s12 =	smul.u32 $0x1400000, s1  }
0x9: {  	_ =	strace $0x80000053;
	s8 =	ssub.s32 $0x2, s1;
	s1 =	smul.u32 $0x280000, s1  }
0xa: {  	s4 =	sor.u32 s15, s4;
	s5 =	sadd.s32 s5, s0;
	s9 =	sshrl.u32 s8, $0x1  }
0xb: {  	s7 =	sshrl.u32 s7, $0x2;
	s6 =	smul.u32 $0x2800, s4;
	s8 =	ssub.s32 s8, s9  }
0xc: {  	s16 =	sadd.s32 s7, s2;
	s5 =	sadd.s32 $0x7600, s5;
	s19 =	smul.u32 $0x140000, s4  }
0xd: {  	s21 =	smul.u32 $0x28000, s4;
	s24 =	sadd.s32 s14, s12;
	s26 =	sadd.s32 s1, s13  }
0xe: {  	s1 =	sshll.u32 @!p0 s15, $0x6;
	[dreg:$0x3] =	wrdreg s5;
	s5 =	sadd.s32 $0x12C000, s2  }
0xf: {  	s22 =	smax.u32 s8, $0x1;
	s15 =	sor.u32 @!p0 $0x1C09, s1;
	s16 =	sshrl.u32 @!p0 s16, $0x3  }
0x10: {  	s1 =	simm.s32 $0x8;
	s6 =	sshrl.u32 s6, $0x3;
	[dreg:$0x6] =	wrdreg s22  }
0x11: {  	s23 =	sshrl.u32 s19, $0x3;
	s14 =	sshrl.u32 @p0 s5, $0x3;
	s19 =	simm.s32 $0x2800  }
0x12: {  	s22 =	simm.s32 $0x6800;
	s6 =	sadd.s32 s6, s0;
	s0 =	sadd.s32 $0x2CE00, s0  }
0x13: {  	s4 =	sadd.s32 s13, s23;
	[dreg:$0x4] =	wrdreg s0;
	s20 =	sadd.s32 $0x2FC00, s6  }
0x14: {  	s0 =	sadd.s32 s13, s21;
	s8 =	sadd.s32 $0x27000, s4;
	s21 =	simm.s32 $0x0  }
0x15: {  	[dreg:$0x5] =	wrdreg s20;
	s9 =	sadd.s32 $0x27400, s0;
	s10 =	sadd.s32 $0x27800, s0  }
0x16: {  	s11 =	sadd.s32 $0x27C00, s0;
	s0 =	sshrl.u32 s24, $0x3;
	s20 =	simm.s32 $0x4800  }
0x17: {  	s24 =	simm.s32 $0x8800;
	s12 =	sadd.s32 s0, s13;
	s13 =	sadd.s32 s25, s26  }
0x18: {  	s25 =	simm.s32 $0x1;
	s26 =	simm.s32 $0x5;
	s0 =	simm.s32 $0x4  }
.LBB2_1:
0x19: {  	s4 =	simm.s32 @p0 $0x1FC9;
	s5 =	rddreg [dreg:$0x4]  }
0x1a: {  	[spmem:s14], [sflag:s4] =	dma.local @p0 [hbm:s5], $0x1900  }
0x1b: {  	s4 =	simm.s32 @p0 $0x9  }
0x1c: {  	_ =	swait.ge @p0 [sflag:s4], $0x1900  }
0x1d: {  	[sflag:s4] =	ssyncset.done @p0 $0x0  }
0x1e: {  	[sflag:s4] =	ssyncadd.s32 @p0 $0xFFFFE700;
	s4 =	rddreg [dreg:$0x3]  }
0x1f: {  	[spmem:s16], [sflag:s15] =	dma.local @!p0 [hbm:s4], $0x2800  }
0x20: {  	s4 =	simm.s32 @!p0 $0x9  }
0x21: {  	_ =	swait.ge @!p0 [sflag:s4], $0x2800  }
0x22: {  	[sflag:s4] =	ssyncset.done @!p0 $0x0  }
0x23: {  	s7 =	rddreg [dreg:$0x5];
	[sflag:s4] =	ssyncadd.s32 @!p0 $0xFFFFD800  }
0x24: {  	[tilespmem:s3], [sflag:$0x9] =	stream.linear.gather [hbm4b:s7+s3], $0x2800, $0x38;
	[tilespmem:$0x1E080] =	vst v63  }
0x25: {  	_ =	swait.ge [sflag:s17], $0x2800  }
0x26: {  	[sflag:s17] =	ssyncset.done $0x0  }
0x27: {  	[sflag:s17] =	ssyncadd.s32 $0xFFFFD800  }
0x28: {  	[bflag:$0x0] =	sbarrier.arrive $0xFFFF  }
0x29: {  	[tilespmem:s19], [sflag:$0x1] =	stream.indirect.gather [spmem:s2], $0x80, s3, s18, $0xb8;
	[tilespmem:$0x1E080] =	vst v63  }
0x2a: {  	_ = 	snop  }
0x2b: {  	[tilespmem:s20], [sflag:$0x2] =	stream.indirect.gather [spmem:s2], $0x80, s18, s18, $0xb8;
	[tilespmem:$0x1E080] =	vst v63  }
0x2c: {  	s23 =	simm.s32 $0x80  }
0x2d: {  	[tilespmem:s22], [sflag:$0x3] =	stream.indirect.gather [spmem:s2], $0x80, s23, s18, $0xb8;
	[tilespmem:$0x1E080] =	vst v63  }
0x2e: {  	s5 =	simm.s32 $0xC0  }
0x2f: {  	[tilespmem:s24], [sflag:$0x4] =	stream.indirect.gather [spmem:s2], $0x80, s5, s18, $0xb8;
	[tilespmem:$0x1E080] =	vst v63  }
0x30: {  	_ =	swait.ge [sflag:s25], $0x2000  }
0x31: {  	[sflag:s25] =	ssyncset.done $0x0  }
0x32: {  	s6 =	sadd.s32 $0x0, s12;
	[sflag:s25] =	ssyncadd.s32 $0xFFFFE000  }
0x33: {  	[hbm4b:s6+s3] =	stream.linear.scatter [tilespmem:s19], [sflag:$0x5], $0x2000, $0x38;
	[tilespmem:$0x1E080] =	vst v63  }
0x34: {  	_ =	swait.ge [sflag:s26], $0x2000  }
0x35: {  	[sflag:s26] =	ssyncset.done $0x0  }
0x36: {  	s7 =	simm.s32 $0x100;
	[sflag:s26] =	ssyncadd.s32 $0xFFFFE000  }
0x37: {  	[tilespmem:s19], [sflag:$0x1] =	stream.indirect.gather [spmem:s2], $0x80, s7, s18, $0xb8;
	[tilespmem:$0x1E080] =	vst v63  }
0x38: {  	_ =	swait.ge [sflag:s28], $0x2000  }
0x39: {  	s4 =	sadd.s32 $0x0, s13;
	[sflag:s28] =	ssyncset.done $0x0  }
0x3a: {  	s23 =	sadd.s32 $0x400, s4;
	[sflag:s28] =	ssyncadd.s32 $0xFFFFE000  }
0x3b: {  	[hbm4b:s23+s3] =	stream.linear.scatter [tilespmem:s20], [sflag:$0x6], $0x2000, $0x38;
	[tilespmem:$0x1E080] =	vst v63  }
0x3c: {  	_ =	swait.ge [sflag:s29], $0x2000  }
0x3d: {  	[sflag:s29] =	ssyncset.done $0x0  }
0x3e: {  	s6 =	simm.s32 $0x140;
	[sflag:s29] =	ssyncadd.s32 $0xFFFFE000  }
0x3f: {  	[tilespmem:s20], [sflag:$0x2] =	stream.indirect.gather [spmem:s2], $0x80, s6, s18, $0xb8;
	[tilespmem:$0x1E080] =	vst v63  }
0x40: {  	_ =	swait.ge [sflag:s30], $0x2000  }
0x41: {  	[sflag:s30] =	ssyncset.done $0x0  }
0x42: {  	s7 =	sadd.s32 $0x800, s4;
	[sflag:s30] =	ssyncadd.s32 $0xFFFFE000  }
0x43: {  	[hbm4b:s7+s3] =	stream.linear.scatter [tilespmem:s22], [sflag:$0x7], $0x2000, $0x38;
	[tilespmem:$0x1E080] =	vst v63  }
0x44: {  	_ =	swait.ge [sflag:s31], $0x2000  }
0x45: {  	[sflag:s31] =	ssyncset.done $0x0  }
0x46: {  	s23 =	simm.s32 $0x180;
	[sflag:s31] =	ssyncadd.s32 $0xFFFFE000  }
0x47: {  	[tilespmem:s22], [sflag:$0x3] =	stream.indirect.gather [spmem:s2], $0x80, s23, s18, $0xb8;
	[tilespmem:$0x1E080] =	vst v63  }
0x48: {  	_ =	swait.ge [sflag:s0], $0x2000  }
0x49: {  	[sflag:s0] =	ssyncset.done $0x0  }
0x4a: {  	s4 =	sadd.s32 $0xC00, s4;
	[sflag:s0] =	ssyncadd.s32 $0xFFFFE000  }
0x4b: {  	[hbm4b:s4+s3] =	stream.linear.scatter [tilespmem:s24], [sflag:$0x8], $0x2000, $0x38;
	[tilespmem:$0x1E080] =	vst v63  }
0x4c: {  	_ =	swait.ge [sflag:s1], $0x2000  }
0x4d: {  	s5 =	simm.s32 $0x2C0;
	[sflag:s1] =	ssyncset.done $0x0  }
0x4e: {  	s23 =	simm.s32 $0x1C0;
	s4 =	simm.s32 $0x1000;
	[sflag:s1] =	ssyncadd.s32 $0xFFFFE000  }
.LBB2_2:
0x4f: {  	[tilespmem:s24], [sflag:$0x4] =	stream.indirect.gather [spmem:s2], $0x80, s23, s18, $0xb8;
	[tilespmem:$0x1E080] =	vst v63  }
0x50: {  	s6 =	smov.u32 s4;
	s23 =	smov.u32 s5  }
0x51: {  	p1 =	sne.s32 s4, $0x26000;
	s4 =	sadd.s32 $0x1000, s4;
	_ =	swait.ge [sflag:s25], $0x2000  }
0x52: {  	[sflag:s25] =	ssyncset.done $0x0  }
0x53: {  	s7 =	sadd.s32 s6, s12;
	[sflag:s25] =	ssyncadd.s32 $0xFFFFE000  }
0x54: {  	[hbm4b:s7+s3] =	stream.linear.scatter [tilespmem:s19], [sflag:$0x5], $0x2000, $0x38;
	[tilespmem:$0x1E080] =	vst v63  }
0x55: {  	_ =	swait.ge [sflag:s26], $0x2000  }
0x56: {  	[sflag:s26] =	ssyncset.done $0x0  }
0x57: {  	s7 =	sadd.s32 $0xFFFFFF40, s5;
	[sflag:s26] =	ssyncadd.s32 $0xFFFFE000  }
0x58: {  	[tilespmem:s19], [sflag:$0x1] =	stream.indirect.gather [spmem:s2], $0x80, s7, s18, $0xb8;
	[tilespmem:$0x1E080] =	vst v63  }
0x59: {  	_ =	swait.ge [sflag:s28], $0x2000  }
0x5a: {  	s6 =	sadd.s32 s6, s13;
	[sflag:s28] =	ssyncset.done $0x0  }
0x5b: {  	s7 =	sadd.s32 $0x400, s6;
	[sflag:s28] =	ssyncadd.s32 $0xFFFFE000  }
0x5c: {  	[hbm4b:s7+s3] =	stream.linear.scatter [tilespmem:s20], [sflag:$0x6], $0x2000, $0x38;
	[tilespmem:$0x1E080] =	vst v63  }
0x5d: {  	_ =	swait.ge [sflag:s29], $0x2000  }
0x5e: {  	[sflag:s29] =	ssyncset.done $0x0  }
0x5f: {  	s7 =	sadd.s32 $0xFFFFFF80, s5;
	[sflag:s29] =	ssyncadd.s32 $0xFFFFE000  }
0x60: {  	[tilespmem:s20], [sflag:$0x2] =	stream.indirect.gather [spmem:s2], $0x80, s7, s18, $0xb8;
	[tilespmem:$0x1E080] =	vst v63  }
0x61: {  	_ =	swait.ge [sflag:s30], $0x2000  }
0x62: {  	[sflag:s30] =	ssyncset.done $0x0  }
0x63: {  	s7 =	sadd.s32 $0x800, s6;
	[sflag:s30] =	ssyncadd.s32 $0xFFFFE000  }
0x64: {  	[hbm4b:s7+s3] =	stream.linear.scatter [tilespmem:s22], [sflag:$0x7], $0x2000, $0x38;
	[tilespmem:$0x1E080] =	vst v63  }
0x65: {  	_ =	swait.ge [sflag:s31], $0x2000  }
0x66: {  	[sflag:s31] =	ssyncset.done $0x0  }
0x67: {  	s7 =	sadd.s32 $0xFFFFFFC0, s5;
	[sflag:s31] =	ssyncadd.s32 $0xFFFFE000  }
0x68: {  	[tilespmem:s22], [sflag:$0x3] =	stream.indirect.gather [spmem:s2], $0x80, s7, s18, $0xb8;
	[tilespmem:$0x1E080] =	vst v63  }
0x69: {  	_ =	swait.ge [sflag:s0], $0x2000  }
0x6a: {  	[sflag:s0] =	ssyncset.done $0x0  }
.Ltmp0:
0x6b: {  	s6 =	sadd.s32 $0xC00, s6;
	[sflag:s0] =	ssyncadd.s32 $0xFFFFE000;
	(pc) =	sbr.rel @p1 .LBB2_2-.Ltmp0, $4  }
0x6c: {  	[hbm4b:s6+s3] =	stream.linear.scatter [tilespmem:s24], [sflag:$0x8], $0x2000, $0x38;
	[tilespmem:$0x1E080] =	vst v63  }
0x6d: {  	_ =	swait.ge [sflag:s1], $0x2000  }
0x6e: {  	[sflag:s1] =	ssyncset.done $0x0  }
0x6f: {  	s5 =	sadd.s32 $0x100, s5;
	[sflag:s1] =	ssyncadd.s32 $0xFFFFE000  }
0x70: {  	[tilespmem:s24], [sflag:$0x4] =	stream.indirect.gather [spmem:s2], $0x80, s23, s18, $0xb8;
	[tilespmem:$0x1E080] =	vst v63  }
0x71: {  	_ =	swait.ge [sflag:s25], $0x2000  }
0x72: {  	[sflag:s25] =	ssyncset.done $0x0  }
0x73: {  	[sflag:s25] =	ssyncadd.s32 $0xFFFFE000  }
0x74: {  	[hbm4b:s8+s3] =	stream.linear.scatter [tilespmem:s19], [sflag:$0x5], $0x2000, $0x38;
	[tilespmem:$0x1E080] =	vst v63  }
0x75: {  	_ =	swait.ge [sflag:s26], $0x2000  }
0x76: {  	[sflag:s26] =	ssyncset.done $0x0  }
0x77: {  	[sflag:s26] =	ssyncadd.s32 $0xFFFFE000  }
0x78: {  	_ =	swait.ge [sflag:s28], $0x2000  }
0x79: {  	[sflag:s28] =	ssyncset.done $0x0  }
0x7a: {  	[sflag:s28] =	ssyncadd.s32 $0xFFFFE000  }
0x7b: {  	[hbm4b:s9+s3] =	stream.linear.scatter [tilespmem:s20], [sflag:$0x6], $0x2000, $0x38;
	[tilespmem:$0x1E080] =	vst v63  }
0x7c: {  	_ =	swait.ge [sflag:s29], $0x2000  }
0x7d: {  	[sflag:s29] =	ssyncset.done $0x0  }
0x7e: {  	[sflag:s29] =	ssyncadd.s32 $0xFFFFE000  }
0x7f: {  	_ =	swait.ge [sflag:s30], $0x2000  }
0x80: {  	[sflag:s30] =	ssyncset.done $0x0  }
0x81: {  	[sflag:s30] =	ssyncadd.s32 $0xFFFFE000  }
0x82: {  	[hbm4b:s10+s3] =	stream.linear.scatter [tilespmem:s22], [sflag:$0x7], $0x2000, $0x38;
	[tilespmem:$0x1E080] =	vst v63  }
0x83: {  	_ =	swait.ge [sflag:s31], $0x2000  }
0x84: {  	[sflag:s31] =	ssyncset.done $0x0  }
0x85: {  	[sflag:s31] =	ssyncadd.s32 $0xFFFFE000  }
0x86: {  	_ =	swait.ge [sflag:s0], $0x2000  }
0x87: {  	[sflag:s0] =	ssyncset.done $0x0  }
0x88: {  	[sflag:s0] =	ssyncadd.s32 $0xFFFFE000  }
0x89: {  	[hbm4b:s11+s3] =	stream.linear.scatter [tilespmem:s24], [sflag:$0x8], $0x2000, $0x38;
	[tilespmem:$0x1E080] =	vst v63  }
0x8a: {  	_ =	swait.ge [sflag:s1], $0x2000  }
0x8b: {  	s21 =	sadd.s32 $0x1, s21;
	s4 =	rddreg [dreg:$0x6]  }
0x8c: {  	p1 =	sne.s32 s21, s4  }
.Ltmp1:
0x8d: {  	_ = 	snop;
	(pc) =	sbr.rel @p1 .LBB2_1-.Ltmp1, $3  }
0x8e: {  	_ =	sdelay $0x1  }
0x8f: {  	[sflag:s1] =	ssyncset.done $0x0  }
0x90: {  	[sflag:s1] =	ssyncadd.s32 $0xFFFFE000  }
0x91: {  	_ =	sfence.sel $0x180000  }
0x92: {  	[bflag:$0x0] =	sbarrier.arrive $0xFFFF  }
0x93: {  	_ =	strace $0x90000053  }
0x94: {  	s0 =	stileid.u32;
	[bflag:$0x2] =	sbarrier.arrive $0xFFFF  }
0x95: {  	p0 =	sne.s32 s0, $0x0;
	s0 =	rddreg [dreg:$0x2]  }
0x96: {  	s0 =	sadd.s32 @!p0 $0x100000, s0  }
0x97: {  	[sflag:s0] =	ssyncadd.tile.s32 @!p0 $0x1;
	_ =	shalt  }
.Lfunc_end2:
_tile_overlayer_lowered:
.L_overlay_start_2:
0x98: {  	(tag) =	ssettag $0x2  }
0x99: {  	s0 =	rddreg [dreg:$0x0];
	s2 =	stileid.u32  }
0x9a: {  	s1 =	rddreg [dreg:$0x1];
	p0 =	sne.s32 s2, $0x0  }
0x9b: {  	s3 =	rddreg [dreg:$0x2];
	[bflag:$0x3] =	sbarrier.arrive $0xFFFF;
	s2 =	simm.s32 @!p0 $0x1C09  }
0x9c: {  	[timem:s3], [sflag:s2] =	dma.local @!p0 [hbm:s0], s1  }
0x9d: {  	s0 =	simm.s32 @!p0 $0x9  }
0x9e: {  	_ =	swait.ge @!p0 [sflag:s0], s1  }
0x9f: {  	s1 =	ssub.s32 @!p0 $0x0, s1;
	[sflag:s0] =	ssyncset.done @!p0 $0x0  }
0xa0: {  	[sflag:s0] =	ssyncadd.s32 @!p0 s1  }
0xa1: {  	[bflag:$0x3] =	sbarrier.arrive $0xFFFF  }
0xa2: {  	_ =	shalt  }

// kernel: kernel.33.cloned.1.call-start
scs
__scs_entry_jumppad:
0x0: {  	(pc) =	sbr.rel $0x88, $3  }
0x1: {  	(tag) =	ssettag $0x0;
	lr =	simm.s32 $0x1  }
0x2: {  	[smem:$0x3F8F] =	sst lr;
	_ =	strace $0xD0000000  }
0x3: {  	_ = 	snop  }
0x4: {  	_ = 	snop  }
0x5: {  	_ = 	snop  }
0x6: {  	_ = 	snop  }
0x7: {  	_ = 	snop  }
__scs_overlays_trampoline_lowered:
0x8: {  	[smem:$0x3F9E] =	sst s0  }
0x9: {  	[smem:$0x3F9F] =	sst s1  }
0xa: {  	[smem:$0x3FA0] =	sst s2  }
0xb: {  	[smem:$0x3FA1] =	sst s3  }
0xc: {  	[smem:$0x3FA2] =	sst s4  }
0xd: {  	[smem:$0x3FA3] =	sst s5  }
0xe: {  	[smem:$0x3FA4] =	sst s6  }
0xf: {  	[smem:$0x3FA5] =	sst s7  }
0x10: {  	[smem:$0x3FA6] =	sst s8  }
0x11: {  	[smem:$0x3FA7] =	sst s9;
	s0 =	simm.s32 @!p0 $0x0  }
0x12: {  	s1 =	sld [smem:$0x3F8D];
	s0 =	simm.s32 @p0 $0x1  }
0x13: {  	[smem:$0x3FA8] =	sst s0;
	s0 =	simm.s32 @!p1 $0x0  }
0x14: {  	s2 =	sld [smem:$0x3F8C];
	s0 =	simm.s32 @p1 $0x1  }
0x15: {  	[smem:$0x3FA9] =	sst s0;
	s0 =	simm.s32 @!p2 $0x0  }
0x16: {  	s3 =	sld [smem:$0x3FDB];
	s0 =	simm.s32 @p2 $0x1  }
0x17: {  	s4 =	simm.s32 $0x1BF5;
	[smem:$0x3FAB] =	sst s0  }
0x18: {  	s0 =	sld [smem:$0x3F8E];
	_ =	swait.ge [sflag:s4], $0x0  }
0x19: {  	s7 =	sld [smem:$0x3F8F]  }
0x1a: {  	s8 =	sadd.s32 $0xFFFFE003, lr  }
0x1b: {  	s9 =	sadd.s32 $0xFFFFFEF7, lr;
	s5 =	simm.s32 $0xFFFFFFFF;
	p2 =	slt.u32 s8, $0xFFFFF086  }
0x1c: {  	p1 =	slt.u32 s9, $0xF7A;
	s5 =	simm.s32 @!p2 $0x0  }
0x1d: {  	s5 =	simm.s32 @p1 $0x1;
	p0 =	seq.s32 s7, s2  }
0x1e: {  	s7 =	smul.u32 @!p0 $0xF7A, s2;
	p2 =	seq.s32 @!p0 s5, $0x0  }
0x1f: {  	s9 =	smul.u32 $0xF7A, s1;
	s8 =	simm.s32 @!p0 $0x1BF5;
	p2 =	por !p2, p0  }
0x20: {  	[sflag:s8] =	ssyncset.s32 @!p0 $0xFFFFF086;
	s6 =	sadd.s32 @!p0 s3, s7;
	s7 =	simm.s32 @!p0 $0x108  }
0x21: {  	s3 =	sadd.s32 s3, s9;
	s6 =	sadd.s32 @!p0 $0x88, s6;
	s7 =	simm.s32 @p2 $0x1082  }
0x22: {  	[simem:s7], [sflag:s8] =	dma.local @!p0 [hbm:s6], $0xF7A  }
0x23: {  	s9 =	sor.u32 $0xD0000000, s2;
	s6 =	simm.s32 $0x108;
	_ =	swait.ge @!p0 [sflag:s8], $0x0  }
0x24: {  	s3 =	sadd.s32 $0x88, s3;
	s6 =	simm.s32 @!p1 $0x1082;
	[sflag:s4] =	ssyncset.s32 $0xFFFFF086  }
0x25: {  	[simem:s6], [sflag:s4] =	dma.local [hbm:s3], $0xF7A  }
0x26: {  	[smem:$0x3F8F] =	sst s1;
	(tag) =	ssettag s2;
	_ =	strace s9  }
0x27: {  	s1 =	sld [smem:$0x3F9F]  }
0x28: {  	s2 =	sld [smem:$0x3FA0]  }
0x29: {  	s4 =	sld [smem:$0x3FA2]  }
0x2a: {  	p0 =	seq.s32 s5, $0x0;
	s5 =	sld [smem:$0x3FA3]  }
0x2b: {  	s6 =	sld [smem:$0x3FA4]  }
0x2c: {  	s7 =	sld [smem:$0x3FA5]  }
0x2d: {  	s3 =	simm.s32 $0x108;
	s8 =	sld [smem:$0x3FA6]  }
0x2e: {  	s3 =	simm.s32 @!p0 $0x1082;
	s9 =	sld [smem:$0x3FA7]  }
0x2f: {  	lr =	sadd.s32 s0, s3;
	s0 =	sld [smem:$0x3F9E]  }
0x30: {  	s3 =	sld [smem:$0x3FA1]  }
0x31: {  	[smem:$0x3FAA] =	sst s10  }
0x32: {  	s10 =	sld [smem:$0x3FA8];
	_ =	sdelay $0x3  }
0x33: {  	p0 =	seq.s32 s10, $0x1;
	s10 =	sld [smem:$0x3FAA];
	_ =	sdelay $0x3  }
0x34: {  	[smem:$0x3FAA] =	sst s10  }
0x35: {  	s10 =	sld [smem:$0x3FA9];
	_ =	sdelay $0x3  }
0x36: {  	p1 =	seq.s32 s10, $0x1;
	s10 =	sld [smem:$0x3FAA];
	_ =	sdelay $0x3  }
0x37: {  	[smem:$0x3FAA] =	sst s10  }
0x38: {  	s10 =	sld [smem:$0x3FAB]  }
0x39: {  	_ = 	snop;
	(pc) =	sbr.ind lr, $3  }
0x3a: {  	_ = 	snop  }
0x3b: {  	_ = 	snop  }
0x3c: {  	p2 =	seq.s32 s10, $0x1;
	s10 =	sld [smem:$0x3FAA]  }
0x3d: {  	_ =	shalt  }
0x3e: {  	_ =	shalt  }
0x3f: {  	_ =	shalt  }
0x40: {  	_ =	shalt  }
0x41: {  	_ =	shalt  }
0x42: {  	_ =	shalt  }
0x43: {  	_ =	shalt  }
0x44: {  	_ =	shalt  }
0x45: {  	_ =	shalt  }
0x46: {  	_ =	shalt  }
0x47: {  	_ =	shalt  }
0x48: {  	_ =	shalt  }
0x49: {  	_ =	shalt  }
0x4a: {  	_ =	shalt  }
0x4b: {  	_ =	shalt  }
0x4c: {  	_ =	shalt  }
0x4d: {  	_ =	shalt  }
0x4e: {  	_ =	shalt  }
0x4f: {  	_ =	shalt  }
0x50: {  	_ =	shalt  }
0x51: {  	_ =	shalt  }
0x52: {  	_ =	shalt  }
0x53: {  	_ =	shalt  }
0x54: {  	_ =	shalt  }
0x55: {  	_ =	shalt  }
0x56: {  	_ =	shalt  }
0x57: {  	_ =	shalt  }
0x58: {  	_ =	shalt  }
0x59: {  	_ =	shalt  }
0x5a: {  	_ =	shalt  }
0x5b: {  	_ =	shalt  }
0x5c: {  	_ =	shalt  }
0x5d: {  	_ =	shalt  }
0x5e: {  	_ =	shalt  }
0x5f: {  	_ =	shalt  }
0x60: {  	_ =	shalt  }
0x61: {  	_ =	shalt  }
0x62: {  	_ =	shalt  }
0x63: {  	_ =	shalt  }
0x64: {  	_ =	shalt  }
0x65: {  	_ =	shalt  }
0x66: {  	_ =	shalt  }
0x67: {  	_ =	shalt  }
0x68: {  	_ =	shalt  }
0x69: {  	_ =	shalt  }
0x6a: {  	_ =	shalt  }
0x6b: {  	_ =	shalt  }
0x6c: {  	_ =	shalt  }
0x6d: {  	_ =	shalt  }
0x6e: {  	_ =	shalt  }
0x6f: {  	_ =	shalt  }
0x70: {  	_ =	shalt  }
0x71: {  	_ =	shalt  }
0x72: {  	_ =	shalt  }
0x73: {  	_ =	shalt  }
0x74: {  	_ =	shalt  }
0x75: {  	_ =	shalt  }
0x76: {  	_ =	shalt  }
0x77: {  	_ =	shalt  }
0x78: {  	_ =	shalt  }
0x79: {  	_ =	shalt  }
0x7a: {  	_ =	shalt  }
0x7b: {  	_ =	shalt  }
0x7c: {  	_ =	shalt  }
0x7d: {  	_ =	shalt  }
0x7e: {  	_ =	shalt  }
0x7f: {  	_ =	shalt  }
0x80: {  	_ =	shalt  }
0x81: {  	_ =	shalt  }
0x82: {  	_ =	shalt  }
0x83: {  	_ =	shalt  }
0x84: {  	_ =	shalt  }
0x85: {  	_ =	shalt  }
0x86: {  	_ =	shalt  }
0x87: {  	_ =	shalt  }
.Lfunc_end0:
.L_simem_size_0:
called_computation.5_lowered:
.L_overlay_start_0:
0x88: {  	s2 =	sld [smem:$0x3FD9]  }
0x89: {  	s3 =	sld [smem:$0x3FFE];
	_ =	sdelay $0x1  }
0x8a: {  	s1 =	srdreg.scid  }
0x8b: {  	s0 =	sand.u32 $0x1, s1  }
0x8c: {  	s16 =	sshll.u32 s0, $0xA;
	s2 =	sadd.s32 s3, s2  }
0x8d: {  	s2 =	sadd.s32 s2, s16  }
0x8e: {  	[smem:$0x3FB6] =	sst s2  }
0x8f: {  	_ = 	snop  }
0x90: {  	(tm) =	ssettm $0x1  }
0x91: {  	s17 =	sld [smem:$0x3FFB];
	_ =	sdelay $0x3  }
0x92: {  	_ =	strace s17  }
0x93: {  	s2 =	sld [smem:$0x3FFC];
	_ =	sdelay $0x3  }
0x94: {  	_ =	strace s2  }
0x95: {  	s2 =	sld [smem:$0x3FFD];
	_ =	sdelay $0x3  }
0x96: {  	_ =	strace s2  }
0x97: {  	_ =	strace $0x8FFFFFFF  }
0x98: {  	s18 =	sld [smem:$0x3FDB];
	_ =	sdelay $0x1  }
0x99: {  	s19 =	simm.s32 $_scs_section_size  }
0x9a: {  	s4 =	simm.s32 $_size__tile_overlayer_lowered;
	s5 =	simm.s32 $_tile_overlayer_lowered  }
0x9b: {  	s22 =	simm.s32 $0x1BFF;
	s21 =	sshll.u32 s5, $0x1;
	s2 =	sadd.s32 s19, s18  }
0x9c: {  	s6 =	simm.s32 $0x0;
	s20 =	sshll.u32 s4, $0x1;
	s4 =	sadd.s32 s21, s2  }
0x9d: {  	[timem:s6], [sflag:s22] =	dma.local [hbm:s4], s20  }
0x9e: {  	_ =	swait.ge [sflag:s22], s20  }
0x9f: {  	s3 =	ssub.s32 $0x0, s20;
	[sflag:s22] =	ssyncset.done $0x0  }
0xa0: {  	[sflag:s22] =	ssyncadd.s32 s3;
	_ =	sdelay $0x1  }
0xa1: {  	s23 =	simm.s32 $0x1B8B  }
0xa2: {  	_ =	swait.ge [sflag:s23], $0x1  }
0xa3: {  	[sflag:s23] =	ssyncset.done $0x0  }
0xa4: {  	s25 =	simm.s32 $0x1B8E;
	s24 =	sld [smem:$0x3FFE];
	[sflag:s23] =	ssyncadd.s32 $0xFFFFFFFF  }
0xa5: {  	s26 =	simm.s32 $execute0_lowered;
	[smem:$0x3FD2] =	sst s25  }
0xa6: {  	s4 =	sshll.u32 s26, $0x1;
	_ =	strace $0x80000055;
	[dreg:$0x1] =	wrdreg $0xFFFFFFFF  }
0xa7: {  	s28 =	simm.s32 $_size_execute0_lowered;
	s2 =	sadd.s32 s2, s4;
	[dreg:$0x0] =	wrdreg $0x0  }
0xa8: {  	s4 =	sshll.u32 s28, $0x1;
	[dreg:$0x2] =	wrdreg s2  }
0xa9: {  	[dreg:$0x3] =	wrdreg s4  }
0xaa: {  	[dreg:$0x4] =	wrdreg $0xC0  }
0xab: {  	_ =	task [dreg:s6], $0x5FFFF  }
0xac: {  	[dreg:$0x1] =	wrdreg $0xFFFFFFFF  }
0xad: {  	[dreg:$0x0] =	wrdreg $0x60  }
0xae: {  	[dreg:$0x2] =	wrdreg s24  }
0xaf: {  	[dreg:$0x3] =	wrdreg $0xA8000  }
0xb0: {  	[dreg:$0x4] =	wrdreg $0x9  }
0xb1: {  	_ =	task.clear_ibuf [dreg:s6], $0x5FFFF;
	_ =	strace $0x90000055  }
0xb2: {  	s29 =	simm.s32 $0x9;
	_ =	strace $0x80000057  }
0xb3: {  	_ =	swait.ge [sflag:s29], $0x1  }
0xb4: {  	[sflag:s29] =	ssyncadd.s32 $0xFFFFFFFF  }
0xb5: {  	_ =	strace $0x90000057  }
0xb6: {  	_ =	sfence  }
0xb7: {  	s30 =	sld [smem:$0x0];
	_ =	sdelay $0x2  }
0xb8: {  	s31 =	sshll.u32 s1, $0xD;
	s1 =	sshrl.u32 s1, $0x2  }
0xb9: {  	s3 =	sand.u32 $0x4000, s31;
	s1 =	sadd.s32 s1, s30  }
0xba: {  	s0 =	sor.u32 s3, s0;
	s1 =	sshll.u32 s1, $0x11  }
0xbb: {  	s0 =	sor.u32 s1, s0  }
0xbc: {  	s0 =	sadd.s32 $0x8F2B, s0  }
0xbd: {  	[sflag:s0] =	ssyncadd.remote.s32 $0x1  }
0xbe: {  	_ =	sfence.sel $0xFFFF  }
0xbf: {  	[dreg:$0x0] =	wrdreg $0xFFFFFFFF;
	(pc) =	sbr.abs _section_cstart, $3  }
0xc0: {  	[dreg:$0x1] =	wrdreg $0xFFFFFFFF  }
0xc1: {  	_ =	task.clear_ibuf [dreg:s6], $0x2FFFF;
	_ =	strace $0x9FFFFFFF  }
0xc2: {  	(tm) =	ssettm $0x7FFFFFFF  }
0xc3: {  	_ =	shalt  }
tec
execute0_lowered:
.L_overlay_start_1:
0x0: {  	(tag) =	ssettag $0x1  }
0x1: {  	s0 =	srdreg.scid;
	s5 =	rddreg [dreg:$0x0]  }
0x2: {  	s2 =	rddreg [dreg:$0x1];
	s3 =	simm.s32 $0x0;
	s16 =	simm.s32 $0x6800  }
0x3: {  	s17 =	simm.s32 $0x1;
	s4 =	sand.u32 $0x1, s0;
	s0 =	stileid.u32  }
0x4: {  	s18 =	simm.s32 $0x80;
	s19 =	simm.s32 $0x3;
	s8 =	smul.u32 $0x2800, s0  }
0x5: {  	s20 =	simm.s32 $0x2;
	s21 =	simm.s32 $0x4;
	s9 =	smul.u32 $0x28000, s4  }
0x6: {  	[smem:$0x7FF] =	sst s3;
	s10 =	sadd.s32 $0xF82000, s5;
	s12 =	smul.u32 $0x50000, s0  }
0x7: {  	s1 =	sshll.u32 s4, $0x4;
	s22 =	ssub.s32 $0x2, s4;
	s24 =	smul.u32 $0x500, s4  }
0x8: {  	s26 =	smul.u32 $0x50, s0;
	s28 =	sshll.u32 s0, $0x6;
	s6 =	sor.u32 s0, s1  }
0x9: {  	s1 =	rddreg [dreg:$0x2];
	_ =	strace $0x80000056;
	s23 =	sshrl.u32 s22, $0x1  }
0xa: {  	s7 =	smul.u32 $0x500, s6;
	s11 =	sadd.s32 s8, s5;
	s8 =	sadd.s32 s8, s9  }
0xb: {  	s14 =	ssub.s32 s22, s23;
	s25 =	sshrl.u32 s12, $0x2;
	s29 =	smul.u32 $0x28000, s6  }
0xc: {  	s22 =	simm.s32 $0x2700;
	s23 =	simm.s32 $0x2780;
	s13 =	sadd.s32 s8, s5  }
0xd: {  	s15 =	sadd.s32 s25, s2;
	s4 =	sadd.s32 $0x59E00, s11;
	s8 =	sadd.s32 s26, s24  }
0xe: {  	s24 =	simm.s32 $0x0;
	s7 =	sadd.s32 s7, s5;
	s5 =	sor.u32 $0x1C05, s28  }
0xf: {  	s30 =	sshll.u32 s8, $0xB;
	s9 =	sadd.s32 $0xA9000, s13;
	s13 =	sshrl.u32 s15, $0x3  }
0x10: {  	s15 =	simm.s32 $0x2800;
	s6 =	sadd.s32 $0x44E00, s7;
	s7 =	sadd.s32 s10, s29  }
0x11: {  	s31 =	sadd.s32 s30, s10;
	s10 =	smax.u32 s14, $0x1;
	s14 =	simm.s32 $0x5  }
0x12: {  	s8 =	sadd.s32 $0x800, s7;
	s11 =	sadd.s32 $0x1800, s31;
	s12 =	sadd.s32 $0x1000, s31  }
.LBB2_1:
0x13: {  	[spmem:s13], [sflag:s5] =	dma.local [hbm:s4], $0x2800  }
0x14: {  	_ =	swait.ge [sflag:s14], $0x2800  }
0x15: {  	[sflag:s14] =	ssyncset.done $0x0  }
0x16: {  	[sflag:s14] =	ssyncadd.s32 $0xFFFFD800  }
0x17: {  	[tilespmem:s3], [sflag:$0x5] =	stream.linear.gather [hbm4b:s6+s3], $0x2800, $0x38;
	[tilespmem:$0x1E800] =	vst v63  }
0x18: {  	_ =	swait.ge [sflag:s14], $0x2800  }
0x19: {  	[sflag:s14] =	ssyncset.done $0x0  }
0x1a: {  	[sflag:s14] =	ssyncadd.s32 $0xFFFFD800  }
0x1b: {  	[bflag:$0x0] =	sbarrier.arrive $0xFFFF  }
0x1c: {  	[tilespmem:s15], [sflag:$0x1] =	stream.linear.gather [hbm4b:s7+s3], $0x4000, $0x38;
	[tilespmem:$0x1E800] =	vst v63  }
0x1d: {  	_ = 	snop  }
0x1e: {  	[tilespmem:s16], [sflag:$0x2] =	stream.linear.gather [hbm4b:s8+s3], $0x4000, $0x38;
	[tilespmem:$0x1E800] =	vst v63  }
0x1f: {  	_ =	swait.ge [sflag:s17], $0x4000  }
0x20: {  	[sflag:s17] =	ssyncset.done $0x0  }
0x21: {  	s25 =	simm.s32 $0x0;
	[sflag:s17] =	ssyncadd.s32 $0xFFFFC000  }
0x22: {  	[spmem:s2] =	stream.indirect.scatter.add.f32 [tilespmem:s15], [sflag:$0x3], $0x80, s25, s18, $0xb8;
	[tilespmem:$0x1E800] =	vst v63  }
0x23: {  	_ =	swait.ge [sflag:s19], $0x4000  }
0x24: {  	[sflag:s19] =	ssyncset.done $0x0  }
0x25: {  	s31 =	sadd.s32 $0x0, s12;
	[sflag:s19] =	ssyncadd.s32 $0xFFFFC000  }
0x26: {  	[tilespmem:s15], [sflag:$0x1] =	stream.linear.gather [hbm4b:s31+s3], $0x4000, $0x38;
	[tilespmem:$0x1E800] =	vst v63  }
0x27: {  	_ =	swait.ge [sflag:s20], $0x4000  }
0x28: {  	[sflag:s20] =	ssyncset.done $0x0  }
0x29: {  	[sflag:s20] =	ssyncadd.s32 $0xFFFFC000  }
0x2a: {  	[spmem:s2] =	stream.indirect.scatter.add.f32 [tilespmem:s16], [sflag:$0x4], $0x80, s18, s18, $0xb8;
	[tilespmem:$0x1E800] =	vst v63  }
0x2b: {  	_ =	swait.ge [sflag:s21], $0x4000  }
0x2c: {  	s28 =	sadd.s32 $0x0, s11;
	[sflag:s21] =	ssyncset.done $0x0  }
0x2d: {  	s26 =	simm.s32 $0x180;
	s25 =	simm.s32 $0x1000;
	[sflag:s21] =	ssyncadd.s32 $0xFFFFC000  }
.LBB2_2:
0x2e: {  	[tilespmem:s16], [sflag:$0x2] =	stream.linear.gather [hbm4b:s28+s3], $0x4000, $0x38;
	[tilespmem:$0x1E800] =	vst v63  }
0x2f: {  	s28 =	smov.u32 s25  }
0x30: {  	p0 =	sne.s32 s25, $0x26000;
	s25 =	sadd.s32 $0x1000, s25;
	_ =	swait.ge [sflag:s17], $0x4000  }
0x31: {  	[sflag:s17] =	ssyncset.done $0x0  }
0x32: {  	s29 =	sadd.s32 $0xFFFFFF80, s26;
	[sflag:s17] =	ssyncadd.s32 $0xFFFFC000  }
0x33: {  	[spmem:s2] =	stream.indirect.scatter.add.f32 [tilespmem:s15], [sflag:$0x3], $0x80, s29, s18, $0xb8;
	[tilespmem:$0x1E800] =	vst v63  }
0x34: {  	_ =	swait.ge [sflag:s19], $0x4000  }
0x35: {  	[sflag:s19] =	ssyncset.done $0x0  }
0x36: {  	s29 =	sadd.s32 s28, s12;
	[sflag:s19] =	ssyncadd.s32 $0xFFFFC000  }
0x37: {  	[tilespmem:s15], [sflag:$0x1] =	stream.linear.gather [hbm4b:s29+s3], $0x4000, $0x38;
	[tilespmem:$0x1E800] =	vst v63  }
0x38: {  	_ =	swait.ge [sflag:s20], $0x4000  }
0x39: {  	[sflag:s20] =	ssyncset.done $0x0  }
.Ltmp0:
0x3a: {  	[sflag:s20] =	ssyncadd.s32 $0xFFFFC000;
	(pc) =	sbr.rel @p0 .LBB2_2-.Ltmp0, $4  }
0x3b: {  	[spmem:s2] =	stream.indirect.scatter.add.f32 [tilespmem:s16], [sflag:$0x4], $0x80, s26, s18, $0xb8;
	[tilespmem:$0x1E800] =	vst v63  }
0x3c: {  	_ =	swait.ge [sflag:s21], $0x4000  }
0x3d: {  	[sflag:s21] =	ssyncset.done $0x0  }
0x3e: {  	s28 =	sadd.s32 s28, s11;
	s26 =	sadd.s32 $0x100, s26;
	[sflag:s21] =	ssyncadd.s32 $0xFFFFC000  }
0x3f: {  	[tilespmem:s16], [sflag:$0x2] =	stream.linear.gather [hbm4b:s28+s3], $0x4000, $0x38;
	[tilespmem:$0x1E800] =	vst v63  }
0x40: {  	_ =	swait.ge [sflag:s17], $0x4000  }
0x41: {  	[sflag:s17] =	ssyncset.done $0x0  }
0x42: {  	[sflag:s17] =	ssyncadd.s32 $0xFFFFC000  }
0x43: {  	[spmem:s2] =	stream.indirect.scatter.add.f32 [tilespmem:s15], [sflag:$0x3], $0x80, s22, s18, $0xb8;
	[tilespmem:$0x1E800] =	vst v63  }
0x44: {  	_ =	swait.ge [sflag:s19], $0x4000  }
0x45: {  	[sflag:s19] =	ssyncset.done $0x0  }
0x46: {  	[sflag:s19] =	ssyncadd.s32 $0xFFFFC000  }
0x47: {  	_ =	swait.ge [sflag:s20], $0x4000  }
0x48: {  	[sflag:s20] =	ssyncset.done $0x0  }
0x49: {  	[sflag:s20] =	ssyncadd.s32 $0xFFFFC000  }
0x4a: {  	[spmem:s2] =	stream.indirect.scatter.add.f32 [tilespmem:s16], [sflag:$0x4], $0x80, s23, s18, $0xb8;
	[tilespmem:$0x1E800] =	vst v63  }
0x4b: {  	_ =	swait.ge [sflag:s21], $0x4000  }
0x4c: {  	s24 =	sadd.s32 $0x1, s24;
	[sflag:s21] =	ssyncset.done $0x0  }
0x4d: {  	p0 =	sne.s32 s24, s10;
	[sflag:s21] =	ssyncadd.s32 $0xFFFFC000  }
.Ltmp1:
0x4e: {  	[bflag:$0x0] =	sbarrier.arrive $0xFFFF;
	(pc) =	sbr.rel @p0 .LBB2_1-.Ltmp1, $4  }
0x4f: {  	[hbm:s9], [sflag:s5] =	dma.local [spmem:s13], $0x2800  }
0x50: {  	_ =	swait.ge [sflag:s14], $0x2800  }
0x51: {  	[sflag:s14] =	ssyncset.done $0x0  }
0x52: {  	[sflag:s14] =	ssyncadd.s32 $0xFFFFD800  }
0x53: {  	_ =	sfence.sel $0x180000  }
0x54: {  	[bflag:$0x0] =	sbarrier.arrive $0xFFFF  }
0x55: {  	p0 =	sne.s32 s0, $0x0;
	_ =	strace $0x90000056  }
0x56: {  	s0 =	sadd.s32 @!p0 $0x100000, s1;
	[bflag:$0x2] =	sbarrier.arrive $0xFFFF  }
0x57: {  	[sflag:s0] =	ssyncadd.tile.s32 @!p0 $0x1;
	_ =	shalt  }
.Lfunc_end2:
_tile_overlayer_lowered:
.L_overlay_start_2:
0x58: {  	(tag) =	ssettag $0x2  }
0x59: {  	s0 =	rddreg [dreg:$0x0];
	s2 =	stileid.u32  }
0x5a: {  	s1 =	rddreg [dreg:$0x1];
	p0 =	sne.s32 s2, $0x0  }
0x5b: {  	s3 =	rddreg [dreg:$0x2];
	[bflag:$0x3] =	sbarrier.arrive $0xFFFF;
	s2 =	simm.s32 @!p0 $0x1C05  }
0x5c: {  	[timem:s3], [sflag:s2] =	dma.local @!p0 [hbm:s0], s1  }
0x5d: {  	s0 =	simm.s32 @!p0 $0x5  }
0x5e: {  	_ =	swait.ge @!p0 [sflag:s0], s1  }
0x5f: {  	s1 =	ssub.s32 @!p0 $0x0, s1;
	[sflag:s0] =	ssyncset.done @!p0 $0x0  }
0x60: {  	[sflag:s0] =	ssyncadd.s32 @!p0 s1  }
0x61: {  	[bflag:$0x3] =	sbarrier.arrive $0xFFFF  }
0x62: {  	_ =	shalt  }

// kernel: kernel.36.cloned.1.call-start
scs
__scs_entry_jumppad:
0x0: {  	(pc) =	sbr.rel $0x88, $3  }
0x1: {  	(tag) =	ssettag $0x0;
	lr =	simm.s32 $0x1  }
0x2: {  	[smem:$0x3F8F] =	sst lr;
	_ =	strace $0xD0000000  }
0x3: {  	_ = 	snop  }
0x4: {  	_ = 	snop  }
0x5: {  	_ = 	snop  }
0x6: {  	_ = 	snop  }
0x7: {  	_ = 	snop  }
__scs_overlays_trampoline_lowered:
0x8: {  	[smem:$0x3F9E] =	sst s0  }
0x9: {  	[smem:$0x3F9F] =	sst s1  }
0xa: {  	[smem:$0x3FA0] =	sst s2  }
0xb: {  	[smem:$0x3FA1] =	sst s3  }
0xc: {  	[smem:$0x3FA2] =	sst s4  }
0xd: {  	[smem:$0x3FA3] =	sst s5  }
0xe: {  	[smem:$0x3FA4] =	sst s6  }
0xf: {  	[smem:$0x3FA5] =	sst s7  }
0x10: {  	[smem:$0x3FA6] =	sst s8  }
0x11: {  	[smem:$0x3FA7] =	sst s9;
	s0 =	simm.s32 @!p0 $0x0  }
0x12: {  	s1 =	sld [smem:$0x3F8D];
	s0 =	simm.s32 @p0 $0x1  }
0x13: {  	[smem:$0x3FA8] =	sst s0;
	s0 =	simm.s32 @!p1 $0x0  }
0x14: {  	s2 =	sld [smem:$0x3F8C];
	s0 =	simm.s32 @p1 $0x1  }
0x15: {  	[smem:$0x3FA9] =	sst s0;
	s0 =	simm.s32 @!p2 $0x0  }
0x16: {  	s3 =	sld [smem:$0x3FDB];
	s0 =	simm.s32 @p2 $0x1  }
0x17: {  	s4 =	simm.s32 $0x1BF5;
	[smem:$0x3FAB] =	sst s0  }
0x18: {  	s0 =	sld [smem:$0x3F8E];
	_ =	swait.ge [sflag:s4], $0x0  }
0x19: {  	s7 =	sld [smem:$0x3F8F]  }
0x1a: {  	s8 =	sadd.s32 $0xFFFFE003, lr  }
0x1b: {  	s9 =	sadd.s32 $0xFFFFFEF7, lr;
	s5 =	simm.s32 $0xFFFFFFFF;
	p2 =	slt.u32 s8, $0xFFFFF086  }
0x1c: {  	p1 =	slt.u32 s9, $0xF7A;
	s5 =	simm.s32 @!p2 $0x0  }
0x1d: {  	s5 =	simm.s32 @p1 $0x1;
	p0 =	seq.s32 s7, s2  }
0x1e: {  	s7 =	smul.u32 @!p0 $0xF7A, s2;
	p2 =	seq.s32 @!p0 s5, $0x0  }
0x1f: {  	s9 =	smul.u32 $0xF7A, s1;
	s8 =	simm.s32 @!p0 $0x1BF5;
	p2 =	por !p2, p0  }
0x20: {  	[sflag:s8] =	ssyncset.s32 @!p0 $0xFFFFF086;
	s6 =	sadd.s32 @!p0 s3, s7;
	s7 =	simm.s32 @!p0 $0x108  }
0x21: {  	s3 =	sadd.s32 s3, s9;
	s6 =	sadd.s32 @!p0 $0x88, s6;
	s7 =	simm.s32 @p2 $0x1082  }
0x22: {  	[simem:s7], [sflag:s8] =	dma.local @!p0 [hbm:s6], $0xF7A  }
0x23: {  	s9 =	sor.u32 $0xD0000000, s2;
	s6 =	simm.s32 $0x108;
	_ =	swait.ge @!p0 [sflag:s8], $0x0  }
0x24: {  	s3 =	sadd.s32 $0x88, s3;
	s6 =	simm.s32 @!p1 $0x1082;
	[sflag:s4] =	ssyncset.s32 $0xFFFFF086  }
0x25: {  	[simem:s6], [sflag:s4] =	dma.local [hbm:s3], $0xF7A  }
0x26: {  	[smem:$0x3F8F] =	sst s1;
	(tag) =	ssettag s2;
	_ =	strace s9  }
0x27: {  	s1 =	sld [smem:$0x3F9F]  }
0x28: {  	s2 =	sld [smem:$0x3FA0]  }
0x29: {  	s4 =	sld [smem:$0x3FA2]  }
0x2a: {  	p0 =	seq.s32 s5, $0x0;
	s5 =	sld [smem:$0x3FA3]  }
0x2b: {  	s6 =	sld [smem:$0x3FA4]  }
0x2c: {  	s7 =	sld [smem:$0x3FA5]  }
0x2d: {  	s3 =	simm.s32 $0x108;
	s8 =	sld [smem:$0x3FA6]  }
0x2e: {  	s3 =	simm.s32 @!p0 $0x1082;
	s9 =	sld [smem:$0x3FA7]  }
0x2f: {  	lr =	sadd.s32 s0, s3;
	s0 =	sld [smem:$0x3F9E]  }
0x30: {  	s3 =	sld [smem:$0x3FA1]  }
0x31: {  	[smem:$0x3FAA] =	sst s10  }
0x32: {  	s10 =	sld [smem:$0x3FA8];
	_ =	sdelay $0x3  }
0x33: {  	p0 =	seq.s32 s10, $0x1;
	s10 =	sld [smem:$0x3FAA];
	_ =	sdelay $0x3  }
0x34: {  	[smem:$0x3FAA] =	sst s10  }
0x35: {  	s10 =	sld [smem:$0x3FA9];
	_ =	sdelay $0x3  }
0x36: {  	p1 =	seq.s32 s10, $0x1;
	s10 =	sld [smem:$0x3FAA];
	_ =	sdelay $0x3  }
0x37: {  	[smem:$0x3FAA] =	sst s10  }
0x38: {  	s10 =	sld [smem:$0x3FAB]  }
0x39: {  	_ = 	snop;
	(pc) =	sbr.ind lr, $3  }
0x3a: {  	_ = 	snop  }
0x3b: {  	_ = 	snop  }
0x3c: {  	p2 =	seq.s32 s10, $0x1;
	s10 =	sld [smem:$0x3FAA]  }
0x3d: {  	_ =	shalt  }
0x3e: {  	_ =	shalt  }
0x3f: {  	_ =	shalt  }
0x40: {  	_ =	shalt  }
0x41: {  	_ =	shalt  }
0x42: {  	_ =	shalt  }
0x43: {  	_ =	shalt  }
0x44: {  	_ =	shalt  }
0x45: {  	_ =	shalt  }
0x46: {  	_ =	shalt  }
0x47: {  	_ =	shalt  }
0x48: {  	_ =	shalt  }
0x49: {  	_ =	shalt  }
0x4a: {  	_ =	shalt  }
0x4b: {  	_ =	shalt  }
0x4c: {  	_ =	shalt  }
0x4d: {  	_ =	shalt  }
0x4e: {  	_ =	shalt  }
0x4f: {  	_ =	shalt  }
0x50: {  	_ =	shalt  }
0x51: {  	_ =	shalt  }
0x52: {  	_ =	shalt  }
0x53: {  	_ =	shalt  }
0x54: {  	_ =	shalt  }
0x55: {  	_ =	shalt  }
0x56: {  	_ =	shalt  }
0x57: {  	_ =	shalt  }
0x58: {  	_ =	shalt  }
0x59: {  	_ =	shalt  }
0x5a: {  	_ =	shalt  }
0x5b: {  	_ =	shalt  }
0x5c: {  	_ =	shalt  }
0x5d: {  	_ =	shalt  }
0x5e: {  	_ =	shalt  }
0x5f: {  	_ =	shalt  }
0x60: {  	_ =	shalt  }
0x61: {  	_ =	shalt  }
0x62: {  	_ =	shalt  }
0x63: {  	_ =	shalt  }
0x64: {  	_ =	shalt  }
0x65: {  	_ =	shalt  }
0x66: {  	_ =	shalt  }
0x67: {  	_ =	shalt  }
0x68: {  	_ =	shalt  }
0x69: {  	_ =	shalt  }
0x6a: {  	_ =	shalt  }
0x6b: {  	_ =	shalt  }
0x6c: {  	_ =	shalt  }
0x6d: {  	_ =	shalt  }
0x6e: {  	_ =	shalt  }
0x6f: {  	_ =	shalt  }
0x70: {  	_ =	shalt  }
0x71: {  	_ =	shalt  }
0x72: {  	_ =	shalt  }
0x73: {  	_ =	shalt  }
0x74: {  	_ =	shalt  }
0x75: {  	_ =	shalt  }
0x76: {  	_ =	shalt  }
0x77: {  	_ =	shalt  }
0x78: {  	_ =	shalt  }
0x79: {  	_ =	shalt  }
0x7a: {  	_ =	shalt  }
0x7b: {  	_ =	shalt  }
0x7c: {  	_ =	shalt  }
0x7d: {  	_ =	shalt  }
0x7e: {  	_ =	shalt  }
0x7f: {  	_ =	shalt  }
0x80: {  	_ =	shalt  }
0x81: {  	_ =	shalt  }
0x82: {  	_ =	shalt  }
0x83: {  	_ =	shalt  }
0x84: {  	_ =	shalt  }
0x85: {  	_ =	shalt  }
0x86: {  	_ =	shalt  }
0x87: {  	_ =	shalt  }
.Lfunc_end0:
.L_simem_size_0:
called_computation.6_lowered:
.L_overlay_start_0:
0x88: {  	s2 =	sld [smem:$0x3FD9]  }
0x89: {  	s3 =	sld [smem:$0x3FFE];
	_ =	sdelay $0x1  }
0x8a: {  	s1 =	srdreg.scid  }
0x8b: {  	s0 =	sand.u32 $0x1, s1  }
0x8c: {  	s16 =	sshll.u32 s0, $0xA;
	s2 =	sadd.s32 s3, s2  }
0x8d: {  	s2 =	sadd.s32 s2, s16  }
0x8e: {  	[smem:$0x3FB6] =	sst s2  }
0x8f: {  	_ = 	snop  }
0x90: {  	(tm) =	ssettm $0x1  }
0x91: {  	s17 =	sld [smem:$0x3FFB];
	_ =	sdelay $0x3  }
0x92: {  	_ =	strace s17  }
0x93: {  	s2 =	sld [smem:$0x3FFC];
	_ =	sdelay $0x3  }
0x94: {  	_ =	strace s2  }
0x95: {  	s2 =	sld [smem:$0x3FFD];
	_ =	sdelay $0x3  }
0x96: {  	_ =	strace s2  }
0x97: {  	_ =	strace $0x8FFFFFFF  }
0x98: {  	s18 =	sld [smem:$0x3FDB];
	_ =	sdelay $0x1  }
0x99: {  	s19 =	simm.s32 $_scs_section_size  }
0x9a: {  	s4 =	simm.s32 $_size__tile_overlayer_lowered;
	s5 =	simm.s32 $_tile_overlayer_lowered  }
0x9b: {  	s22 =	simm.s32 $0x1BFF;
	s21 =	sshll.u32 s5, $0x1;
	s2 =	sadd.s32 s19, s18  }
0x9c: {  	s6 =	simm.s32 $0x0;
	s20 =	sshll.u32 s4, $0x1;
	s4 =	sadd.s32 s21, s2  }
0x9d: {  	[timem:s6], [sflag:s22] =	dma.local [hbm:s4], s20  }
0x9e: {  	_ =	swait.ge [sflag:s22], s20  }
0x9f: {  	s3 =	ssub.s32 $0x0, s20;
	[sflag:s22] =	ssyncset.done $0x0  }
0xa0: {  	[sflag:s22] =	ssyncadd.s32 s3;
	_ =	sdelay $0x1  }
0xa1: {  	s23 =	simm.s32 $0x1B8B  }
0xa2: {  	_ =	swait.ge [sflag:s23], $0x1  }
0xa3: {  	[sflag:s23] =	ssyncset.done $0x0  }
0xa4: {  	s25 =	simm.s32 $0x1B8E;
	s24 =	sld [smem:$0x3FFE];
	[sflag:s23] =	ssyncadd.s32 $0xFFFFFFFF  }
0xa5: {  	s26 =	simm.s32 $execute0_lowered;
	[smem:$0x3FD2] =	sst s25  }
0xa6: {  	s4 =	sshll.u32 s26, $0x1;
	_ =	strace $0x80000058;
	[dreg:$0x1] =	wrdreg $0xFFFFFFFF  }
0xa7: {  	s28 =	simm.s32 $_size_execute0_lowered;
	s2 =	sadd.s32 s2, s4;
	[dreg:$0x0] =	wrdreg $0x0  }
0xa8: {  	s4 =	sshll.u32 s28, $0x1;
	[dreg:$0x2] =	wrdreg s2  }
0xa9: {  	[dreg:$0x3] =	wrdreg s4  }
0xaa: {  	[dreg:$0x4] =	wrdreg $0xC0  }
0xab: {  	_ =	task [dreg:s6], $0x5FFFF  }
0xac: {  	[dreg:$0x1] =	wrdreg $0xFFFFFFFF  }
0xad: {  	[dreg:$0x0] =	wrdreg $0x60  }
0xae: {  	[dreg:$0x2] =	wrdreg s24  }
0xaf: {  	[dreg:$0x3] =	wrdreg $0xA8000  }
0xb0: {  	[dreg:$0x4] =	wrdreg $0x9  }
0xb1: {  	_ =	task.clear_ibuf [dreg:s6], $0x5FFFF;
	_ =	strace $0x90000058  }
0xb2: {  	s29 =	simm.s32 $0x9;
	_ =	strace $0x8000005A  }
0xb3: {  	_ =	swait.ge [sflag:s29], $0x1  }
0xb4: {  	[sflag:s29] =	ssyncadd.s32 $0xFFFFFFFF  }
0xb5: {  	_ =	strace $0x9000005A  }
0xb6: {  	_ =	sfence  }
0xb7: {  	s30 =	sld [smem:$0x0];
	_ =	sdelay $0x2  }
0xb8: {  	s31 =	sshll.u32 s1, $0xD;
	s1 =	sshrl.u32 s1, $0x2  }
0xb9: {  	s3 =	sand.u32 $0x4000, s31;
	s1 =	sadd.s32 s1, s30  }
0xba: {  	s0 =	sor.u32 s3, s0;
	s1 =	sshll.u32 s1, $0x11  }
0xbb: {  	s0 =	sor.u32 s1, s0  }
0xbc: {  	s0 =	sadd.s32 $0x8F2B, s0  }
0xbd: {  	[sflag:s0] =	ssyncadd.remote.s32 $0x1  }
0xbe: {  	_ =	sfence.sel $0xFFFF  }
0xbf: {  	[dreg:$0x0] =	wrdreg $0xFFFFFFFF;
	(pc) =	sbr.abs _section_cstart, $3  }
0xc0: {  	[dreg:$0x1] =	wrdreg $0xFFFFFFFF  }
0xc1: {  	_ =	task.clear_ibuf [dreg:s6], $0x2FFFF;
	_ =	strace $0x9FFFFFFF  }
0xc2: {  	(tm) =	ssettm $0x7FFFFFFF  }
0xc3: {  	_ =	shalt  }
tec
execute0_lowered:
.L_overlay_start_1:
0x0: {  	(tag) =	ssettag $0x1  }
0x1: {  	s0 =	rddreg [dreg:$0x0]  }
0x2: {  	s1 =	srdreg.scid;
	s2 =	rddreg [dreg:$0x1]  }
0x3: {  	s15 =	stileid.u32;
	s3 =	simm.s32 $0x0;
	s17 =	simm.s32 $0x9  }
0x4: {  	s18 =	simm.s32 $0x40;
	s28 =	simm.s32 $0x2;
	s5 =	smul.u32 $0x2800, s15  }
0x5: {  	s29 =	simm.s32 $0x6;
	s30 =	simm.s32 $0x3;
	s7 =	smul.u32 $0x50000, s15  }
0x6: {  	s31 =	simm.s32 $0x7;
	s1 =	sand.u32 $0x1, s1;
	s14 =	smul.u32 $0x140000, s15  }
0x7: {  	[smem:$0x7FF] =	sst s3;
	s13 =	sadd.s32 $0xA82000, s0;
	s25 =	smul.u32 $0x28000, s15  }
0x8: {  	p0 =	seq.s32 s15, $0xF;
	s4 =	sshll.u32 s1, $0x4;
	s12 =	smul.u32 $0x1400000, s1  }
0x9: {  	_ =	strace $0x80000059;
	s8 =	ssub.s32 $0x2, s1;
	s1 =	smul.u32 $0x280000, s1  }
0xa: {  	s4 =	sor.u32 s15, s4;
	s5 =	sadd.s32 s5, s0;
	s9 =	sshrl.u32 s8, $0x1  }
0xb: {  	s7 =	sshrl.u32 s7, $0x2;
	s6 =	smul.u32 $0x2800, s4;
	s8 =	ssub.s32 s8, s9  }
0xc: {  	s16 =	sadd.s32 s7, s2;
	s5 =	sadd.s32 $0x7600, s5;
	s19 =	smul.u32 $0x140000, s4  }
0xd: {  	s21 =	smul.u32 $0x28000, s4;
	s24 =	sadd.s32 s14, s12;
	s26 =	sadd.s32 s1, s13  }
0xe: {  	s1 =	sshll.u32 @!p0 s15, $0x6;
	[dreg:$0x3] =	wrdreg s5;
	s5 =	sadd.s32 $0x12C000, s2  }
0xf: {  	s22 =	smax.u32 s8, $0x1;
	s15 =	sor.u32 @!p0 $0x1C09, s1;
	s16 =	sshrl.u32 @!p0 s16, $0x3  }
0x10: {  	s1 =	simm.s32 $0x8;
	s6 =	sshrl.u32 s6, $0x3;
	[dreg:$0x6] =	wrdreg s22  }
0x11: {  	s23 =	sshrl.u32 s19, $0x3;
	s14 =	sshrl.u32 @p0 s5, $0x3;
	s19 =	simm.s32 $0x2800  }
0x12: {  	s22 =	simm.s32 $0x6800;
	s6 =	sadd.s32 s6, s0;
	s0 =	sadd.s32 $0x2CE00, s0  }
0x13: {  	s4 =	sadd.s32 s13, s23;
	[dreg:$0x4] =	wrdreg s0;
	s20 =	sadd.s32 $0x2FC00, s6  }
0x14: {  	s0 =	sadd.s32 s13, s21;
	s8 =	sadd.s32 $0x27000, s4;
	s21 =	simm.s32 $0x0  }
0x15: {  	[dreg:$0x5] =	wrdreg s20;
	s9 =	sadd.s32 $0x27400, s0;
	s10 =	sadd.s32 $0x27800, s0  }
0x16: {  	s11 =	sadd.s32 $0x27C00, s0;
	s0 =	sshrl.u32 s24, $0x3;
	s20 =	simm.s32 $0x4800  }
0x17: {  	s24 =	simm.s32 $0x8800;
	s12 =	sadd.s32 s0, s13;
	s13 =	sadd.s32 s25, s26  }
0x18: {  	s25 =	simm.s32 $0x1;
	s26 =	simm.s32 $0x5;
	s0 =	simm.s32 $0x4  }
.LBB2_1:
0x19: {  	s4 =	simm.s32 @p0 $0x1FC9;
	s5 =	rddreg [dreg:$0x4]  }
0x1a: {  	[spmem:s14], [sflag:s4] =	dma.local @p0 [hbm:s5], $0x1900  }
0x1b: {  	s4 =	simm.s32 @p0 $0x9  }
0x1c: {  	_ =	swait.ge @p0 [sflag:s4], $0x1900  }
0x1d: {  	[sflag:s4] =	ssyncset.done @p0 $0x0  }
0x1e: {  	[sflag:s4] =	ssyncadd.s32 @p0 $0xFFFFE700;
	s4 =	rddreg [dreg:$0x3]  }
0x1f: {  	[spmem:s16], [sflag:s15] =	dma.local @!p0 [hbm:s4], $0x2800  }
0x20: {  	s4 =	simm.s32 @!p0 $0x9  }
0x21: {  	_ =	swait.ge @!p0 [sflag:s4], $0x2800  }
0x22: {  	[sflag:s4] =	ssyncset.done @!p0 $0x0  }
0x23: {  	s7 =	rddreg [dreg:$0x5];
	[sflag:s4] =	ssyncadd.s32 @!p0 $0xFFFFD800  }
0x24: {  	[tilespmem:s3], [sflag:$0x9] =	stream.linear.gather [hbm4b:s7+s3], $0x2800, $0x38;
	[tilespmem:$0x1E080] =	vst v63  }
0x25: {  	_ =	swait.ge [sflag:s17], $0x2800  }
0x26: {  	[sflag:s17] =	ssyncset.done $0x0  }
0x27: {  	[sflag:s17] =	ssyncadd.s32 $0xFFFFD800  }
0x28: {  	[bflag:$0x0] =	sbarrier.arrive $0xFFFF  }
0x29: {  	[tilespmem:s19], [sflag:$0x1] =	stream.indirect.gather [spmem:s2], $0x80, s3, s18, $0xb8;
	[tilespmem:$0x1E080] =	vst v63  }
0x2a: {  	_ = 	snop  }
0x2b: {  	[tilespmem:s20], [sflag:$0x2] =	stream.indirect.gather [spmem:s2], $0x80, s18, s18, $0xb8;
	[tilespmem:$0x1E080] =	vst v63  }
0x2c: {  	s23 =	simm.s32 $0x80  }
0x2d: {  	[tilespmem:s22], [sflag:$0x3] =	stream.indirect.gather [spmem:s2], $0x80, s23, s18, $0xb8;
	[tilespmem:$0x1E080] =	vst v63  }
0x2e: {  	s5 =	simm.s32 $0xC0  }
0x2f: {  	[tilespmem:s24], [sflag:$0x4] =	stream.indirect.gather [spmem:s2], $0x80, s5, s18, $0xb8;
	[tilespmem:$0x1E080] =	vst v63  }
0x30: {  	_ =	swait.ge [sflag:s25], $0x2000  }
0x31: {  	[sflag:s25] =	ssyncset.done $0x0  }
0x32: {  	s6 =	sadd.s32 $0x0, s12;
	[sflag:s25] =	ssyncadd.s32 $0xFFFFE000  }
0x33: {  	[hbm4b:s6+s3] =	stream.linear.scatter [tilespmem:s19], [sflag:$0x5], $0x2000, $0x38;
	[tilespmem:$0x1E080] =	vst v63  }
0x34: {  	_ =	swait.ge [sflag:s26], $0x2000  }
0x35: {  	[sflag:s26] =	ssyncset.done $0x0  }
0x36: {  	s7 =	simm.s32 $0x100;
	[sflag:s26] =	ssyncadd.s32 $0xFFFFE000  }
0x37: {  	[tilespmem:s19], [sflag:$0x1] =	stream.indirect.gather [spmem:s2], $0x80, s7, s18, $0xb8;
	[tilespmem:$0x1E080] =	vst v63  }
0x38: {  	_ =	swait.ge [sflag:s28], $0x2000  }
0x39: {  	s4 =	sadd.s32 $0x0, s13;
	[sflag:s28] =	ssyncset.done $0x0  }
0x3a: {  	s23 =	sadd.s32 $0x400, s4;
	[sflag:s28] =	ssyncadd.s32 $0xFFFFE000  }
0x3b: {  	[hbm4b:s23+s3] =	stream.linear.scatter [tilespmem:s20], [sflag:$0x6], $0x2000, $0x38;
	[tilespmem:$0x1E080] =	vst v63  }
0x3c: {  	_ =	swait.ge [sflag:s29], $0x2000  }
0x3d: {  	[sflag:s29] =	ssyncset.done $0x0  }
0x3e: {  	s6 =	simm.s32 $0x140;
	[sflag:s29] =	ssyncadd.s32 $0xFFFFE000  }
0x3f: {  	[tilespmem:s20], [sflag:$0x2] =	stream.indirect.gather [spmem:s2], $0x80, s6, s18, $0xb8;
	[tilespmem:$0x1E080] =	vst v63  }
0x40: {  	_ =	swait.ge [sflag:s30], $0x2000  }
0x41: {  	[sflag:s30] =	ssyncset.done $0x0  }
0x42: {  	s7 =	sadd.s32 $0x800, s4;
	[sflag:s30] =	ssyncadd.s32 $0xFFFFE000  }
0x43: {  	[hbm4b:s7+s3] =	stream.linear.scatter [tilespmem:s22], [sflag:$0x7], $0x2000, $0x38;
	[tilespmem:$0x1E080] =	vst v63  }
0x44: {  	_ =	swait.ge [sflag:s31], $0x2000  }
0x45: {  	[sflag:s31] =	ssyncset.done $0x0  }
0x46: {  	s23 =	simm.s32 $0x180;
	[sflag:s31] =	ssyncadd.s32 $0xFFFFE000  }
0x47: {  	[tilespmem:s22], [sflag:$0x3] =	stream.indirect.gather [spmem:s2], $0x80, s23, s18, $0xb8;
	[tilespmem:$0x1E080] =	vst v63  }
0x48: {  	_ =	swait.ge [sflag:s0], $0x2000  }
0x49: {  	[sflag:s0] =	ssyncset.done $0x0  }
0x4a: {  	s4 =	sadd.s32 $0xC00, s4;
	[sflag:s0] =	ssyncadd.s32 $0xFFFFE000  }
0x4b: {  	[hbm4b:s4+s3] =	stream.linear.scatter [tilespmem:s24], [sflag:$0x8], $0x2000, $0x38;
	[tilespmem:$0x1E080] =	vst v63  }
0x4c: {  	_ =	swait.ge [sflag:s1], $0x2000  }
0x4d: {  	s5 =	simm.s32 $0x2C0;
	[sflag:s1] =	ssyncset.done $0x0  }
0x4e: {  	s23 =	simm.s32 $0x1C0;
	s4 =	simm.s32 $0x1000;
	[sflag:s1] =	ssyncadd.s32 $0xFFFFE000  }
.LBB2_2:
0x4f: {  	[tilespmem:s24], [sflag:$0x4] =	stream.indirect.gather [spmem:s2], $0x80, s23, s18, $0xb8;
	[tilespmem:$0x1E080] =	vst v63  }
0x50: {  	s6 =	smov.u32 s4;
	s23 =	smov.u32 s5  }
0x51: {  	p1 =	sne.s32 s4, $0x26000;
	s4 =	sadd.s32 $0x1000, s4;
	_ =	swait.ge [sflag:s25], $0x2000  }
0x52: {  	[sflag:s25] =	ssyncset.done $0x0  }
0x53: {  	s7 =	sadd.s32 s6, s12;
	[sflag:s25] =	ssyncadd.s32 $0xFFFFE000  }
0x54: {  	[hbm4b:s7+s3] =	stream.linear.scatter [tilespmem:s19], [sflag:$0x5], $0x2000, $0x38;
	[tilespmem:$0x1E080] =	vst v63  }
0x55: {  	_ =	swait.ge [sflag:s26], $0x2000  }
0x56: {  	[sflag:s26] =	ssyncset.done $0x0  }
0x57: {  	s7 =	sadd.s32 $0xFFFFFF40, s5;
	[sflag:s26] =	ssyncadd.s32 $0xFFFFE000  }
0x58: {  	[tilespmem:s19], [sflag:$0x1] =	stream.indirect.gather [spmem:s2], $0x80, s7, s18, $0xb8;
	[tilespmem:$0x1E080] =	vst v63  }
0x59: {  	_ =	swait.ge [sflag:s28], $0x2000  }
0x5a: {  	s6 =	sadd.s32 s6, s13;
	[sflag:s28] =	ssyncset.done $0x0  }
0x5b: {  	s7 =	sadd.s32 $0x400, s6;
	[sflag:s28] =	ssyncadd.s32 $0xFFFFE000  }
0x5c: {  	[hbm4b:s7+s3] =	stream.linear.scatter [tilespmem:s20], [sflag:$0x6], $0x2000, $0x38;
	[tilespmem:$0x1E080] =	vst v63  }
0x5d: {  	_ =	swait.ge [sflag:s29], $0x2000  }
0x5e: {  	[sflag:s29] =	ssyncset.done $0x0  }
0x5f: {  	s7 =	sadd.s32 $0xFFFFFF80, s5;
	[sflag:s29] =	ssyncadd.s32 $0xFFFFE000  }
0x60: {  	[tilespmem:s20], [sflag:$0x2] =	stream.indirect.gather [spmem:s2], $0x80, s7, s18, $0xb8;
	[tilespmem:$0x1E080] =	vst v63  }
0x61: {  	_ =	swait.ge [sflag:s30], $0x2000  }
0x62: {  	[sflag:s30] =	ssyncset.done $0x0  }
0x63: {  	s7 =	sadd.s32 $0x800, s6;
	[sflag:s30] =	ssyncadd.s32 $0xFFFFE000  }
0x64: {  	[hbm4b:s7+s3] =	stream.linear.scatter [tilespmem:s22], [sflag:$0x7], $0x2000, $0x38;
	[tilespmem:$0x1E080] =	vst v63  }
0x65: {  	_ =	swait.ge [sflag:s31], $0x2000  }
0x66: {  	[sflag:s31] =	ssyncset.done $0x0  }
0x67: {  	s7 =	sadd.s32 $0xFFFFFFC0, s5;
	[sflag:s31] =	ssyncadd.s32 $0xFFFFE000  }
0x68: {  	[tilespmem:s22], [sflag:$0x3] =	stream.indirect.gather [spmem:s2], $0x80, s7, s18, $0xb8;
	[tilespmem:$0x1E080] =	vst v63  }
0x69: {  	_ =	swait.ge [sflag:s0], $0x2000  }
0x6a: {  	[sflag:s0] =	ssyncset.done $0x0  }
.Ltmp0:
0x6b: {  	s6 =	sadd.s32 $0xC00, s6;
	[sflag:s0] =	ssyncadd.s32 $0xFFFFE000;
	(pc) =	sbr.rel @p1 .LBB2_2-.Ltmp0, $4  }
0x6c: {  	[hbm4b:s6+s3] =	stream.linear.scatter [tilespmem:s24], [sflag:$0x8], $0x2000, $0x38;
	[tilespmem:$0x1E080] =	vst v63  }
0x6d: {  	_ =	swait.ge [sflag:s1], $0x2000  }
0x6e: {  	[sflag:s1] =	ssyncset.done $0x0  }
0x6f: {  	s5 =	sadd.s32 $0x100, s5;
	[sflag:s1] =	ssyncadd.s32 $0xFFFFE000  }
0x70: {  	[tilespmem:s24], [sflag:$0x4] =	stream.indirect.gather [spmem:s2], $0x80, s23, s18, $0xb8;
	[tilespmem:$0x1E080] =	vst v63  }
0x71: {  	_ =	swait.ge [sflag:s25], $0x2000  }
0x72: {  	[sflag:s25] =	ssyncset.done $0x0  }
0x73: {  	[sflag:s25] =	ssyncadd.s32 $0xFFFFE000  }
0x74: {  	[hbm4b:s8+s3] =	stream.linear.scatter [tilespmem:s19], [sflag:$0x5], $0x2000, $0x38;
	[tilespmem:$0x1E080] =	vst v63  }
0x75: {  	_ =	swait.ge [sflag:s26], $0x2000  }
0x76: {  	[sflag:s26] =	ssyncset.done $0x0  }
0x77: {  	[sflag:s26] =	ssyncadd.s32 $0xFFFFE000  }
0x78: {  	_ =	swait.ge [sflag:s28], $0x2000  }
0x79: {  	[sflag:s28] =	ssyncset.done $0x0  }
0x7a: {  	[sflag:s28] =	ssyncadd.s32 $0xFFFFE000  }
0x7b: {  	[hbm4b:s9+s3] =	stream.linear.scatter [tilespmem:s20], [sflag:$0x6], $0x2000, $0x38;
	[tilespmem:$0x1E080] =	vst v63  }
0x7c: {  	_ =	swait.ge [sflag:s29], $0x2000  }
0x7d: {  	[sflag:s29] =	ssyncset.done $0x0  }
0x7e: {  	[sflag:s29] =	ssyncadd.s32 $0xFFFFE000  }
0x7f: {  	_ =	swait.ge [sflag:s30], $0x2000  }
0x80: {  	[sflag:s30] =	ssyncset.done $0x0  }
0x81: {  	[sflag:s30] =	ssyncadd.s32 $0xFFFFE000  }
0x82: {  	[hbm4b:s10+s3] =	stream.linear.scatter [tilespmem:s22], [sflag:$0x7], $0x2000, $0x38;
	[tilespmem:$0x1E080] =	vst v63  }
0x83: {  	_ =	swait.ge [sflag:s31], $0x2000  }
0x84: {  	[sflag:s31] =	ssyncset.done $0x0  }
0x85: {  	[sflag:s31] =	ssyncadd.s32 $0xFFFFE000  }
0x86: {  	_ =	swait.ge [sflag:s0], $0x2000  }
0x87: {  	[sflag:s0] =	ssyncset.done $0x0  }
0x88: {  	[sflag:s0] =	ssyncadd.s32 $0xFFFFE000  }
0x89: {  	[hbm4b:s11+s3] =	stream.linear.scatter [tilespmem:s24], [sflag:$0x8], $0x2000, $0x38;
	[tilespmem:$0x1E080] =	vst v63  }
0x8a: {  	_ =	swait.ge [sflag:s1], $0x2000  }
0x8b: {  	s21 =	sadd.s32 $0x1, s21;
	s4 =	rddreg [dreg:$0x6]  }
0x8c: {  	p1 =	sne.s32 s21, s4  }
.Ltmp1:
0x8d: {  	_ = 	snop;
	(pc) =	sbr.rel @p1 .LBB2_1-.Ltmp1, $3  }
0x8e: {  	_ =	sdelay $0x1  }
0x8f: {  	[sflag:s1] =	ssyncset.done $0x0  }
0x90: {  	[sflag:s1] =	ssyncadd.s32 $0xFFFFE000  }
0x91: {  	_ =	sfence.sel $0x180000  }
0x92: {  	[bflag:$0x0] =	sbarrier.arrive $0xFFFF  }
0x93: {  	_ =	strace $0x90000059  }
0x94: {  	s0 =	stileid.u32;
	[bflag:$0x2] =	sbarrier.arrive $0xFFFF  }
0x95: {  	p0 =	sne.s32 s0, $0x0;
	s0 =	rddreg [dreg:$0x2]  }
0x96: {  	s0 =	sadd.s32 @!p0 $0x100000, s0  }
0x97: {  	[sflag:s0] =	ssyncadd.tile.s32 @!p0 $0x1;
	_ =	shalt  }
.Lfunc_end2:
_tile_overlayer_lowered:
.L_overlay_start_2:
0x98: {  	(tag) =	ssettag $0x2  }
0x99: {  	s0 =	rddreg [dreg:$0x0];
	s2 =	stileid.u32  }
0x9a: {  	s1 =	rddreg [dreg:$0x1];
	p0 =	sne.s32 s2, $0x0  }
0x9b: {  	s3 =	rddreg [dreg:$0x2];
	[bflag:$0x3] =	sbarrier.arrive $0xFFFF;
	s2 =	simm.s32 @!p0 $0x1C09  }
0x9c: {  	[timem:s3], [sflag:s2] =	dma.local @!p0 [hbm:s0], s1  }
0x9d: {  	s0 =	simm.s32 @!p0 $0x9  }
0x9e: {  	_ =	swait.ge @!p0 [sflag:s0], s1  }
0x9f: {  	s1 =	ssub.s32 @!p0 $0x0, s1;
	[sflag:s0] =	ssyncset.done @!p0 $0x0  }
0xa0: {  	[sflag:s0] =	ssyncadd.s32 @!p0 s1  }
0xa1: {  	[bflag:$0x3] =	sbarrier.arrive $0xFFFF  }
0xa2: {  	_ =	shalt  }

// kernel: kernel.39.cloned.1.call-start
scs
__scs_entry_jumppad:
0x0: {  	(pc) =	sbr.rel $0x88, $3  }
0x1: {  	(tag) =	ssettag $0x0;
	lr =	simm.s32 $0x1  }
0x2: {  	[smem:$0x3F8F] =	sst lr;
	_ =	strace $0xD0000000  }
0x3: {  	_ = 	snop  }
0x4: {  	_ = 	snop  }
0x5: {  	_ = 	snop  }
0x6: {  	_ = 	snop  }
0x7: {  	_ = 	snop  }
__scs_overlays_trampoline_lowered:
0x8: {  	[smem:$0x3F9E] =	sst s0  }
0x9: {  	[smem:$0x3F9F] =	sst s1  }
0xa: {  	[smem:$0x3FA0] =	sst s2  }
0xb: {  	[smem:$0x3FA1] =	sst s3  }
0xc: {  	[smem:$0x3FA2] =	sst s4  }
0xd: {  	[smem:$0x3FA3] =	sst s5  }
0xe: {  	[smem:$0x3FA4] =	sst s6  }
0xf: {  	[smem:$0x3FA5] =	sst s7  }
0x10: {  	[smem:$0x3FA6] =	sst s8  }
0x11: {  	[smem:$0x3FA7] =	sst s9;
	s0 =	simm.s32 @!p0 $0x0  }
0x12: {  	s1 =	sld [smem:$0x3F8D];
	s0 =	simm.s32 @p0 $0x1  }
0x13: {  	[smem:$0x3FA8] =	sst s0;
	s0 =	simm.s32 @!p1 $0x0  }
0x14: {  	s2 =	sld [smem:$0x3F8C];
	s0 =	simm.s32 @p1 $0x1  }
0x15: {  	[smem:$0x3FA9] =	sst s0;
	s0 =	simm.s32 @!p2 $0x0  }
0x16: {  	s3 =	sld [smem:$0x3FDB];
	s0 =	simm.s32 @p2 $0x1  }
0x17: {  	s4 =	simm.s32 $0x1BF5;
	[smem:$0x3FAB] =	sst s0  }
0x18: {  	s0 =	sld [smem:$0x3F8E];
	_ =	swait.ge [sflag:s4], $0x0  }
0x19: {  	s7 =	sld [smem:$0x3F8F]  }
0x1a: {  	s8 =	sadd.s32 $0xFFFFE003, lr  }
0x1b: {  	s9 =	sadd.s32 $0xFFFFFEF7, lr;
	s5 =	simm.s32 $0xFFFFFFFF;
	p2 =	slt.u32 s8, $0xFFFFF086  }
0x1c: {  	p1 =	slt.u32 s9, $0xF7A;
	s5 =	simm.s32 @!p2 $0x0  }
0x1d: {  	s5 =	simm.s32 @p1 $0x1;
	p0 =	seq.s32 s7, s2  }
0x1e: {  	s7 =	smul.u32 @!p0 $0xF7A, s2;
	p2 =	seq.s32 @!p0 s5, $0x0  }
0x1f: {  	s9 =	smul.u32 $0xF7A, s1;
	s8 =	simm.s32 @!p0 $0x1BF5;
	p2 =	por !p2, p0  }
0x20: {  	[sflag:s8] =	ssyncset.s32 @!p0 $0xFFFFF086;
	s6 =	sadd.s32 @!p0 s3, s7;
	s7 =	simm.s32 @!p0 $0x108  }
0x21: {  	s3 =	sadd.s32 s3, s9;
	s6 =	sadd.s32 @!p0 $0x88, s6;
	s7 =	simm.s32 @p2 $0x1082  }
0x22: {  	[simem:s7], [sflag:s8] =	dma.local @!p0 [hbm:s6], $0xF7A  }
0x23: {  	s9 =	sor.u32 $0xD0000000, s2;
	s6 =	simm.s32 $0x108;
	_ =	swait.ge @!p0 [sflag:s8], $0x0  }
0x24: {  	s3 =	sadd.s32 $0x88, s3;
	s6 =	simm.s32 @!p1 $0x1082;
	[sflag:s4] =	ssyncset.s32 $0xFFFFF086  }
0x25: {  	[simem:s6], [sflag:s4] =	dma.local [hbm:s3], $0xF7A  }
0x26: {  	[smem:$0x3F8F] =	sst s1;
	(tag) =	ssettag s2;
	_ =	strace s9  }
0x27: {  	s1 =	sld [smem:$0x3F9F]  }
0x28: {  	s2 =	sld [smem:$0x3FA0]  }
0x29: {  	s4 =	sld [smem:$0x3FA2]  }
0x2a: {  	p0 =	seq.s32 s5, $0x0;
	s5 =	sld [smem:$0x3FA3]  }
0x2b: {  	s6 =	sld [smem:$0x3FA4]  }
0x2c: {  	s7 =	sld [smem:$0x3FA5]  }
0x2d: {  	s3 =	simm.s32 $0x108;
	s8 =	sld [smem:$0x3FA6]  }
0x2e: {  	s3 =	simm.s32 @!p0 $0x1082;
	s9 =	sld [smem:$0x3FA7]  }
0x2f: {  	lr =	sadd.s32 s0, s3;
	s0 =	sld [smem:$0x3F9E]  }
0x30: {  	s3 =	sld [smem:$0x3FA1]  }
0x31: {  	[smem:$0x3FAA] =	sst s10  }
0x32: {  	s10 =	sld [smem:$0x3FA8];
	_ =	sdelay $0x3  }
0x33: {  	p0 =	seq.s32 s10, $0x1;
	s10 =	sld [smem:$0x3FAA];
	_ =	sdelay $0x3  }
0x34: {  	[smem:$0x3FAA] =	sst s10  }
0x35: {  	s10 =	sld [smem:$0x3FA9];
	_ =	sdelay $0x3  }
0x36: {  	p1 =	seq.s32 s10, $0x1;
	s10 =	sld [smem:$0x3FAA];
	_ =	sdelay $0x3  }
0x37: {  	[smem:$0x3FAA] =	sst s10  }
0x38: {  	s10 =	sld [smem:$0x3FAB]  }
0x39: {  	_ = 	snop;
	(pc) =	sbr.ind lr, $3  }
0x3a: {  	_ = 	snop  }
0x3b: {  	_ = 	snop  }
0x3c: {  	p2 =	seq.s32 s10, $0x1;
	s10 =	sld [smem:$0x3FAA]  }
0x3d: {  	_ =	shalt  }
0x3e: {  	_ =	shalt  }
0x3f: {  	_ =	shalt  }
0x40: {  	_ =	shalt  }
0x41: {  	_ =	shalt  }
0x42: {  	_ =	shalt  }
0x43: {  	_ =	shalt  }
0x44: {  	_ =	shalt  }
0x45: {  	_ =	shalt  }
0x46: {  	_ =	shalt  }
0x47: {  	_ =	shalt  }
0x48: {  	_ =	shalt  }
0x49: {  	_ =	shalt  }
0x4a: {  	_ =	shalt  }
0x4b: {  	_ =	shalt  }
0x4c: {  	_ =	shalt  }
0x4d: {  	_ =	shalt  }
0x4e: {  	_ =	shalt  }
0x4f: {  	_ =	shalt  }
0x50: {  	_ =	shalt  }
0x51: {  	_ =	shalt  }
0x52: {  	_ =	shalt  }
0x53: {  	_ =	shalt  }
0x54: {  	_ =	shalt  }
0x55: {  	_ =	shalt  }
0x56: {  	_ =	shalt  }
0x57: {  	_ =	shalt  }
0x58: {  	_ =	shalt  }
0x59: {  	_ =	shalt  }
0x5a: {  	_ =	shalt  }
0x5b: {  	_ =	shalt  }
0x5c: {  	_ =	shalt  }
0x5d: {  	_ =	shalt  }
0x5e: {  	_ =	shalt  }
0x5f: {  	_ =	shalt  }
0x60: {  	_ =	shalt  }
0x61: {  	_ =	shalt  }
0x62: {  	_ =	shalt  }
0x63: {  	_ =	shalt  }
0x64: {  	_ =	shalt  }
0x65: {  	_ =	shalt  }
0x66: {  	_ =	shalt  }
0x67: {  	_ =	shalt  }
0x68: {  	_ =	shalt  }
0x69: {  	_ =	shalt  }
0x6a: {  	_ =	shalt  }
0x6b: {  	_ =	shalt  }
0x6c: {  	_ =	shalt  }
0x6d: {  	_ =	shalt  }
0x6e: {  	_ =	shalt  }
0x6f: {  	_ =	shalt  }
0x70: {  	_ =	shalt  }
0x71: {  	_ =	shalt  }
0x72: {  	_ =	shalt  }
0x73: {  	_ =	shalt  }
0x74: {  	_ =	shalt  }
0x75: {  	_ =	shalt  }
0x76: {  	_ =	shalt  }
0x77: {  	_ =	shalt  }
0x78: {  	_ =	shalt  }
0x79: {  	_ =	shalt  }
0x7a: {  	_ =	shalt  }
0x7b: {  	_ =	shalt  }
0x7c: {  	_ =	shalt  }
0x7d: {  	_ =	shalt  }
0x7e: {  	_ =	shalt  }
0x7f: {  	_ =	shalt  }
0x80: {  	_ =	shalt  }
0x81: {  	_ =	shalt  }
0x82: {  	_ =	shalt  }
0x83: {  	_ =	shalt  }
0x84: {  	_ =	shalt  }
0x85: {  	_ =	shalt  }
0x86: {  	_ =	shalt  }
0x87: {  	_ =	shalt  }
.Lfunc_end0:
.L_simem_size_0:
called_computation.7_lowered:
.L_overlay_start_0:
0x88: {  	s2 =	sld [smem:$0x3FD9]  }
0x89: {  	s3 =	sld [smem:$0x3FFE];
	_ =	sdelay $0x1  }
0x8a: {  	s1 =	srdreg.scid  }
0x8b: {  	s0 =	sand.u32 $0x1, s1  }
0x8c: {  	s16 =	sshll.u32 s0, $0xA;
	s2 =	sadd.s32 s3, s2  }
0x8d: {  	s2 =	sadd.s32 s2, s16  }
0x8e: {  	[smem:$0x3FB6] =	sst s2  }
0x8f: {  	_ = 	snop  }
0x90: {  	(tm) =	ssettm $0x1  }
0x91: {  	s17 =	sld [smem:$0x3FFB];
	_ =	sdelay $0x3  }
0x92: {  	_ =	strace s17  }
0x93: {  	s2 =	sld [smem:$0x3FFC];
	_ =	sdelay $0x3  }
0x94: {  	_ =	strace s2  }
0x95: {  	s2 =	sld [smem:$0x3FFD];
	_ =	sdelay $0x3  }
0x96: {  	_ =	strace s2  }
0x97: {  	_ =	strace $0x8FFFFFFF  }
0x98: {  	s18 =	sld [smem:$0x3FDB];
	_ =	sdelay $0x1  }
0x99: {  	s19 =	simm.s32 $_scs_section_size  }
0x9a: {  	s4 =	simm.s32 $_size__tile_overlayer_lowered;
	s5 =	simm.s32 $_tile_overlayer_lowered  }
0x9b: {  	s22 =	simm.s32 $0x1BFF;
	s21 =	sshll.u32 s5, $0x1;
	s2 =	sadd.s32 s19, s18  }
0x9c: {  	s6 =	simm.s32 $0x0;
	s20 =	sshll.u32 s4, $0x1;
	s4 =	sadd.s32 s21, s2  }
0x9d: {  	[timem:s6], [sflag:s22] =	dma.local [hbm:s4], s20  }
0x9e: {  	_ =	swait.ge [sflag:s22], s20  }
0x9f: {  	s3 =	ssub.s32 $0x0, s20;
	[sflag:s22] =	ssyncset.done $0x0  }
0xa0: {  	[sflag:s22] =	ssyncadd.s32 s3;
	_ =	sdelay $0x1  }
0xa1: {  	s23 =	simm.s32 $0x1B8B  }
0xa2: {  	_ =	swait.ge [sflag:s23], $0x1  }
0xa3: {  	[sflag:s23] =	ssyncset.done $0x0  }
0xa4: {  	s25 =	simm.s32 $0x1B8E;
	s24 =	sld [smem:$0x3FFE];
	[sflag:s23] =	ssyncadd.s32 $0xFFFFFFFF  }
0xa5: {  	s26 =	simm.s32 $execute0_lowered;
	[smem:$0x3FD2] =	sst s25  }
0xa6: {  	s4 =	sshll.u32 s26, $0x1;
	_ =	strace $0x8000005B;
	[dreg:$0x1] =	wrdreg $0xFFFFFFFF  }
0xa7: {  	s28 =	simm.s32 $_size_execute0_lowered;
	s2 =	sadd.s32 s2, s4;
	[dreg:$0x0] =	wrdreg $0x0  }
0xa8: {  	s4 =	sshll.u32 s28, $0x1;
	[dreg:$0x2] =	wrdreg s2  }
0xa9: {  	[dreg:$0x3] =	wrdreg s4  }
0xaa: {  	[dreg:$0x4] =	wrdreg $0xC0  }
0xab: {  	_ =	task [dreg:s6], $0x5FFFF  }
0xac: {  	[dreg:$0x1] =	wrdreg $0xFFFFFFFF  }
0xad: {  	[dreg:$0x0] =	wrdreg $0x60  }
0xae: {  	[dreg:$0x2] =	wrdreg s24  }
0xaf: {  	[dreg:$0x3] =	wrdreg $0xA8000  }
0xb0: {  	[dreg:$0x4] =	wrdreg $0x9  }
0xb1: {  	_ =	task.clear_ibuf [dreg:s6], $0x5FFFF;
	_ =	strace $0x9000005B  }
0xb2: {  	s29 =	simm.s32 $0x9;
	_ =	strace $0x8000005D  }
0xb3: {  	_ =	swait.ge [sflag:s29], $0x1  }
0xb4: {  	[sflag:s29] =	ssyncadd.s32 $0xFFFFFFFF  }
0xb5: {  	_ =	strace $0x9000005D  }
0xb6: {  	_ =	sfence  }
0xb7: {  	s30 =	sld [smem:$0x0];
	_ =	sdelay $0x2  }
0xb8: {  	s31 =	sshll.u32 s1, $0xD;
	s1 =	sshrl.u32 s1, $0x2  }
0xb9: {  	s3 =	sand.u32 $0x4000, s31;
	s1 =	sadd.s32 s1, s30  }
0xba: {  	s0 =	sor.u32 s3, s0;
	s1 =	sshll.u32 s1, $0x11  }
0xbb: {  	s0 =	sor.u32 s1, s0  }
0xbc: {  	s0 =	sadd.s32 $0x8F2B, s0  }
0xbd: {  	[sflag:s0] =	ssyncadd.remote.s32 $0x1  }
0xbe: {  	_ =	sfence.sel $0xFFFF  }
0xbf: {  	[dreg:$0x0] =	wrdreg $0xFFFFFFFF;
	(pc) =	sbr.abs _section_cstart, $3  }
0xc0: {  	[dreg:$0x1] =	wrdreg $0xFFFFFFFF  }
0xc1: {  	_ =	task.clear_ibuf [dreg:s6], $0x2FFFF;
	_ =	strace $0x9FFFFFFF  }
0xc2: {  	(tm) =	ssettm $0x7FFFFFFF  }
0xc3: {  	_ =	shalt  }
tec
execute0_lowered:
.L_overlay_start_1:
0x0: {  	(tag) =	ssettag $0x1  }
0x1: {  	s0 =	srdreg.scid;
	s5 =	rddreg [dreg:$0x0]  }
0x2: {  	s2 =	rddreg [dreg:$0x1];
	s3 =	simm.s32 $0x0;
	s16 =	simm.s32 $0x6800  }
0x3: {  	s17 =	simm.s32 $0x1;
	s4 =	sand.u32 $0x1, s0;
	s0 =	stileid.u32  }
0x4: {  	s18 =	simm.s32 $0x80;
	s19 =	simm.s32 $0x3;
	s8 =	smul.u32 $0x2800, s0  }
0x5: {  	s20 =	simm.s32 $0x2;
	s21 =	simm.s32 $0x4;
	s9 =	smul.u32 $0x28000, s4  }
0x6: {  	[smem:$0x7FF] =	sst s3;
	s10 =	sadd.s32 $0xF82000, s5;
	s12 =	smul.u32 $0x50000, s0  }
0x7: {  	s1 =	sshll.u32 s4, $0x4;
	s22 =	ssub.s32 $0x2, s4;
	s24 =	smul.u32 $0x500, s4  }
0x8: {  	s26 =	smul.u32 $0x50, s0;
	s28 =	sshll.u32 s0, $0x6;
	s6 =	sor.u32 s0, s1  }
0x9: {  	s1 =	rddreg [dreg:$0x2];
	_ =	strace $0x8000005C;
	s23 =	sshrl.u32 s22, $0x1  }
0xa: {  	s7 =	smul.u32 $0x500, s6;
	s11 =	sadd.s32 s8, s5;
	s8 =	sadd.s32 s8, s9  }
0xb: {  	s14 =	ssub.s32 s22, s23;
	s25 =	sshrl.u32 s12, $0x2;
	s29 =	smul.u32 $0x28000, s6  }
0xc: {  	s22 =	simm.s32 $0x2700;
	s23 =	simm.s32 $0x2780;
	s13 =	sadd.s32 s8, s5  }
0xd: {  	s15 =	sadd.s32 s25, s2;
	s4 =	sadd.s32 $0x59E00, s11;
	s8 =	sadd.s32 s26, s24  }
0xe: {  	s24 =	simm.s32 $0x0;
	s7 =	sadd.s32 s7, s5;
	s5 =	sor.u32 $0x1C05, s28  }
0xf: {  	s30 =	sshll.u32 s8, $0xB;
	s9 =	sadd.s32 $0xA9000, s13;
	s13 =	sshrl.u32 s15, $0x3  }
0x10: {  	s15 =	simm.s32 $0x2800;
	s6 =	sadd.s32 $0x44E00, s7;
	s7 =	sadd.s32 s10, s29  }
0x11: {  	s31 =	sadd.s32 s30, s10;
	s10 =	smax.u32 s14, $0x1;
	s14 =	simm.s32 $0x5  }
0x12: {  	s8 =	sadd.s32 $0x800, s7;
	s11 =	sadd.s32 $0x1800, s31;
	s12 =	sadd.s32 $0x1000, s31  }
.LBB2_1:
0x13: {  	[spmem:s13], [sflag:s5] =	dma.local [hbm:s4], $0x2800  }
0x14: {  	_ =	swait.ge [sflag:s14], $0x2800  }
0x15: {  	[sflag:s14] =	ssyncset.done $0x0  }
0x16: {  	[sflag:s14] =	ssyncadd.s32 $0xFFFFD800  }
0x17: {  	[tilespmem:s3], [sflag:$0x5] =	stream.linear.gather [hbm4b:s6+s3], $0x2800, $0x38;
	[tilespmem:$0x1E800] =	vst v63  }
0x18: {  	_ =	swait.ge [sflag:s14], $0x2800  }
0x19: {  	[sflag:s14] =	ssyncset.done $0x0  }
0x1a: {  	[sflag:s14] =	ssyncadd.s32 $0xFFFFD800  }
0x1b: {  	[bflag:$0x0] =	sbarrier.arrive $0xFFFF  }
0x1c: {  	[tilespmem:s15], [sflag:$0x1] =	stream.linear.gather [hbm4b:s7+s3], $0x4000, $0x38;
	[tilespmem:$0x1E800] =	vst v63  }
0x1d: {  	_ = 	snop  }
0x1e: {  	[tilespmem:s16], [sflag:$0x2] =	stream.linear.gather [hbm4b:s8+s3], $0x4000, $0x38;
	[tilespmem:$0x1E800] =	vst v63  }
0x1f: {  	_ =	swait.ge [sflag:s17], $0x4000  }
0x20: {  	[sflag:s17] =	ssyncset.done $0x0  }
0x21: {  	s25 =	simm.s32 $0x0;
	[sflag:s17] =	ssyncadd.s32 $0xFFFFC000  }
0x22: {  	[spmem:s2] =	stream.indirect.scatter.add.f32 [tilespmem:s15], [sflag:$0x3], $0x80, s25, s18, $0xb8;
	[tilespmem:$0x1E800] =	vst v63  }
0x23: {  	_ =	swait.ge [sflag:s19], $0x4000  }
0x24: {  	[sflag:s19] =	ssyncset.done $0x0  }
0x25: {  	s31 =	sadd.s32 $0x0, s12;
	[sflag:s19] =	ssyncadd.s32 $0xFFFFC000  }
0x26: {  	[tilespmem:s15], [sflag:$0x1] =	stream.linear.gather [hbm4b:s31+s3], $0x4000, $0x38;
	[tilespmem:$0x1E800] =	vst v63  }
0x27: {  	_ =	swait.ge [sflag:s20], $0x4000  }
0x28: {  	[sflag:s20] =	ssyncset.done $0x0  }
0x29: {  	[sflag:s20] =	ssyncadd.s32 $0xFFFFC000  }
0x2a: {  	[spmem:s2] =	stream.indirect.scatter.add.f32 [tilespmem:s16], [sflag:$0x4], $0x80, s18, s18, $0xb8;
	[tilespmem:$0x1E800] =	vst v63  }
0x2b: {  	_ =	swait.ge [sflag:s21], $0x4000  }
0x2c: {  	s28 =	sadd.s32 $0x0, s11;
	[sflag:s21] =	ssyncset.done $0x0  }
0x2d: {  	s26 =	simm.s32 $0x180;
	s25 =	simm.s32 $0x1000;
	[sflag:s21] =	ssyncadd.s32 $0xFFFFC000  }
.LBB2_2:
0x2e: {  	[tilespmem:s16], [sflag:$0x2] =	stream.linear.gather [hbm4b:s28+s3], $0x4000, $0x38;
	[tilespmem:$0x1E800] =	vst v63  }
0x2f: {  	s28 =	smov.u32 s25  }
0x30: {  	p0 =	sne.s32 s25, $0x26000;
	s25 =	sadd.s32 $0x1000, s25;
	_ =	swait.ge [sflag:s17], $0x4000  }
0x31: {  	[sflag:s17] =	ssyncset.done $0x0  }
0x32: {  	s29 =	sadd.s32 $0xFFFFFF80, s26;
	[sflag:s17] =	ssyncadd.s32 $0xFFFFC000  }
0x33: {  	[spmem:s2] =	stream.indirect.scatter.add.f32 [tilespmem:s15], [sflag:$0x3], $0x80, s29, s18, $0xb8;
	[tilespmem:$0x1E800] =	vst v63  }
0x34: {  	_ =	swait.ge [sflag:s19], $0x4000  }
0x35: {  	[sflag:s19] =	ssyncset.done $0x0  }
0x36: {  	s29 =	sadd.s32 s28, s12;
	[sflag:s19] =	ssyncadd.s32 $0xFFFFC000  }
0x37: {  	[tilespmem:s15], [sflag:$0x1] =	stream.linear.gather [hbm4b:s29+s3], $0x4000, $0x38;
	[tilespmem:$0x1E800] =	vst v63  }
0x38: {  	_ =	swait.ge [sflag:s20], $0x4000  }
0x39: {  	[sflag:s20] =	ssyncset.done $0x0  }
.Ltmp0:
0x3a: {  	[sflag:s20] =	ssyncadd.s32 $0xFFFFC000;
	(pc) =	sbr.rel @p0 .LBB2_2-.Ltmp0, $4  }
0x3b: {  	[spmem:s2] =	stream.indirect.scatter.add.f32 [tilespmem:s16], [sflag:$0x4], $0x80, s26, s18, $0xb8;
	[tilespmem:$0x1E800] =	vst v63  }
0x3c: {  	_ =	swait.ge [sflag:s21], $0x4000  }
0x3d: {  	[sflag:s21] =	ssyncset.done $0x0  }
0x3e: {  	s28 =	sadd.s32 s28, s11;
	s26 =	sadd.s32 $0x100, s26;
	[sflag:s21] =	ssyncadd.s32 $0xFFFFC000  }
0x3f: {  	[tilespmem:s16], [sflag:$0x2] =	stream.linear.gather [hbm4b:s28+s3], $0x4000, $0x38;
	[tilespmem:$0x1E800] =	vst v63  }
0x40: {  	_ =	swait.ge [sflag:s17], $0x4000  }
0x41: {  	[sflag:s17] =	ssyncset.done $0x0  }
0x42: {  	[sflag:s17] =	ssyncadd.s32 $0xFFFFC000  }
0x43: {  	[spmem:s2] =	stream.indirect.scatter.add.f32 [tilespmem:s15], [sflag:$0x3], $0x80, s22, s18, $0xb8;
	[tilespmem:$0x1E800] =	vst v63  }
0x44: {  	_ =	swait.ge [sflag:s19], $0x4000  }
0x45: {  	[sflag:s19] =	ssyncset.done $0x0  }
0x46: {  	[sflag:s19] =	ssyncadd.s32 $0xFFFFC000  }
0x47: {  	_ =	swait.ge [sflag:s20], $0x4000  }
0x48: {  	[sflag:s20] =	ssyncset.done $0x0  }
0x49: {  	[sflag:s20] =	ssyncadd.s32 $0xFFFFC000  }
0x4a: {  	[spmem:s2] =	stream.indirect.scatter.add.f32 [tilespmem:s16], [sflag:$0x4], $0x80, s23, s18, $0xb8;
	[tilespmem:$0x1E800] =	vst v63  }
0x4b: {  	_ =	swait.ge [sflag:s21], $0x4000  }
0x4c: {  	s24 =	sadd.s32 $0x1, s24;
	[sflag:s21] =	ssyncset.done $0x0  }
0x4d: {  	p0 =	sne.s32 s24, s10;
	[sflag:s21] =	ssyncadd.s32 $0xFFFFC000  }
.Ltmp1:
0x4e: {  	[bflag:$0x0] =	sbarrier.arrive $0xFFFF;
	(pc) =	sbr.rel @p0 .LBB2_1-.Ltmp1, $4  }
0x4f: {  	[hbm:s9], [sflag:s5] =	dma.local [spmem:s13], $0x2800  }
0x50: {  	_ =	swait.ge [sflag:s14], $0x2800  }
0x51: {  	[sflag:s14] =	ssyncset.done $0x0  }
0x52: {  	[sflag:s14] =	ssyncadd.s32 $0xFFFFD800  }
0x53: {  	_ =	sfence.sel $0x180000  }
0x54: {  	[bflag:$0x0] =	sbarrier.arrive $0xFFFF  }
0x55: {  	p0 =	sne.s32 s0, $0x0;
	_ =	strace $0x9000005C  }
0x56: {  	s0 =	sadd.s32 @!p0 $0x100000, s1;
	[bflag:$0x2] =	sbarrier.arrive $0xFFFF  }
0x57: {  	[sflag:s0] =	ssyncadd.tile.s32 @!p0 $0x1;
	_ =	shalt  }
.Lfunc_end2:
_tile_overlayer_lowered:
.L_overlay_start_2:
0x58: {  	(tag) =	ssettag $0x2  }
0x59: {  	s0 =	rddreg [dreg:$0x0];
	s2 =	stileid.u32  }
0x5a: {  	s1 =	rddreg [dreg:$0x1];
	p0 =	sne.s32 s2, $0x0  }
0x5b: {  	s3 =	rddreg [dreg:$0x2];
	[bflag:$0x3] =	sbarrier.arrive $0xFFFF;
	s2 =	simm.s32 @!p0 $0x1C05  }
0x5c: {  	[timem:s3], [sflag:s2] =	dma.local @!p0 [hbm:s0], s1  }
0x5d: {  	s0 =	simm.s32 @!p0 $0x5  }
0x5e: {  	_ =	swait.ge @!p0 [sflag:s0], s1  }
0x5f: {  	s1 =	ssub.s32 @!p0 $0x0, s1;
	[sflag:s0] =	ssyncset.done @!p0 $0x0  }
0x60: {  	[sflag:s0] =	ssyncadd.s32 @!p0 s1  }
0x61: {  	[bflag:$0x3] =	sbarrier.arrive $0xFFFF  }
0x62: {  	_ =	shalt  }

</sc_bundles>
